<compile_context>
chip_gen: v7x
topology: tpu7x:2x2x1
jax: 0.10.2.dev20260603
libtpu: 0.0.44.dev20260713+nightly
codegen_flags: <defaults>
</compile_context>

<pallas_src>
import functools

import jax
import jax.numpy as jnp
from jax import lax
from jax.experimental import pallas as pl
from jax.experimental.pallas import tpu as pltpu
from jax.experimental.pallas import tpu_sc as plsc

D = 64
K = 20
CH = 16
HALF = D // 2
TBI = 512


def _tr_body(x_ref, o_ref):
  x = x_ref[...]
  h = TBI // 2
  o_ref[:, 0:D] = x[:, 0:h].T
  o_ref[:, D:2 * D] = x[:, h:TBI].T


def _pack_table(emb_t):
  v = emb_t.shape[1]
  grid = (v + TBI - 1) // TBI
  return pl.pallas_call(
      _tr_body,
      grid=(grid,),
      in_specs=[pl.BlockSpec((D, TBI), lambda j: (0, j))],
      out_specs=pl.BlockSpec((TBI // 2, 2 * D), lambda j: (j, 0)),
      out_shape=jax.ShapeDtypeStruct((grid * (TBI // 2), 2 * D),
                                     jnp.float32),
  )(emb_t)


def _sc_body(cw_hbm, tw_hbm, ow_hbm, pv_hbm, pu_hbm,
             scores_hbm, sumexp_hbm,
             idxc, idxt, idxo, idxc2, idxt2, idxo2,
             rows_c, rows_t, rows_o,
             nscr, scores_v, sumexp_v, semc, semt, semo,
             *, bpw, nchunk):
  nc = plsc.get_sparse_core_info().num_cores
  wid = lax.axis_index("s") * nc + lax.axis_index("c")
  rowids = lax.iota(jnp.int32, CH)

  base0 = wid * bpw
  pltpu.sync_copy(cw_hbm.at[pl.ds(base0, bpw)], idxc)
  pltpu.sync_copy(tw_hbm.at[pl.ds(base0, bpw)], idxt)
  pltpu.sync_copy(ow_hbm.at[pl.ds(base0 * K, bpw * K)], idxo)

  def make_halve(src, dst):
    def halve(j, carry):
      i = src[pl.ds(j * CH, CH)]
      dst[pl.ds(j * CH, CH)] = ((i & -TBI) >> 1) | (i & (TBI // 2 - 1))
      return carry
    return halve

  lax.fori_loop(0, bpw // CH, make_halve(idxc, idxc2), 0)
  lax.fori_loop(0, bpw // CH, make_halve(idxt, idxt2), 0)
  lax.fori_loop(0, bpw * K // CH, make_halve(idxo, idxo2), 0)

  def issue(chunk, p):
    pltpu.async_copy(pv_hbm.at[idxc2.at[pl.ds(chunk * CH, CH)]],
                     rows_c[p], semc[p])
    pltpu.async_copy(pu_hbm.at[idxt2.at[pl.ds(chunk * CH, CH)]],
                     rows_t[p], semt[p])
    pltpu.async_copy(pu_hbm.at[idxo2.at[pl.ds(chunk * CH * K, CH * K)]],
                     rows_o[p], semo[p])

  def drain(p):
    pltpu.make_async_copy(pv_hbm.at[pl.ds(0, CH)], rows_c[p], semc[p]).wait()
    pltpu.make_async_copy(pu_hbm.at[pl.ds(0, CH)], rows_t[p], semt[p]).wait()
    pltpu.make_async_copy(pu_hbm.at[pl.ds(0, CH * K)], rows_o[p],
                          semo[p]).wait()

  issue(0, 0)

  def pair_body(pair, carry):
    for p in (0, 1):
      c = 2 * pair + p
      drain(p)
      issue(jnp.minimum(c + 1, nchunk - 1), 1 - p)

      parc = (idxc[pl.ds(c * CH, CH)] & (TBI // 2)) >> 2
      part = (idxt[pl.ds(c * CH, CH)] & (TBI // 2)) >> 2

      score = jnp.zeros((CH,), jnp.float32)
      sumexp = jnp.zeros((CH,), jnp.float32)
      for half in (0, 1):
        base_d = half * HALF
        stag = [(rowids + base_d + d) & (D - 1) for d in range(HALF)]
        ccols = [plsc.load_gather(rows_c[p], [rowids, parc + stag[d]])
                 for d in range(HALF)]
        tacc = [jnp.zeros((CH,), jnp.float32) for _ in range(4)]
        for d in range(HALF):
          tv = plsc.load_gather(rows_t[p], [rowids, part + stag[d]])
          tacc[d % 4] = tacc[d % 4] + ccols[d] * tv
        score = score + (tacc[0] + tacc[1]) + (tacc[2] + tacc[3])

        def k_body(k, se, *, _p=p, _c=c, _ccols=ccols, _stag=stag,
                   _half=half):
          orow = rowids * K + k
          paro = (plsc.load_gather(idxo, [_c * CH * K + orow]) & (TBI // 2)) >> 2
          nacc = [jnp.zeros((CH,), jnp.float32) for _ in range(4)]
          for d in range(HALF):
            ov = plsc.load_gather(rows_o[_p], [orow, paro + _stag[d]])
            nacc[d % 4] = nacc[d % 4] + _ccols[d] * ov
          total = (nacc[0] + nacc[1]) + (nacc[2] + nacc[3])
          if _half == 0:
            nscr[pl.ds(k * CH, CH)] = total
            return se
          return se + jnp.exp(nscr[pl.ds(k * CH, CH)] + total)

        sumexp = lax.fori_loop(0, K, k_body, sumexp)

      scores_v[pl.ds(c * CH, CH)] = score
      sumexp_v[pl.ds(c * CH, CH)] = sumexp
    return carry

  lax.fori_loop(0, nchunk // 2, pair_body, 0)
  drain(0)
  pltpu.sync_copy(scores_v, scores_hbm.at[pl.ds(wid * bpw, bpw)])
  pltpu.sync_copy(sumexp_v, sumexp_hbm.at[pl.ds(wid * bpw, bpw)])


def _sc_gather_dots(cw, tw, ow, pv, pu):
  b = cw.shape[0]
  info = plsc.get_sparse_core_info()
  nw = info.num_cores * info.num_subcores
  bpw = b // nw
  nchunk = bpw // CH
  mesh = plsc.VectorSubcoreMesh(core_axis_name="c", subcore_axis_name="s")
  f32 = jnp.float32
  i32 = jnp.int32
  run = pl.kernel(
      functools.partial(_sc_body, bpw=bpw, nchunk=nchunk),
      out_type=(jax.ShapeDtypeStruct((b,), f32),
                jax.ShapeDtypeStruct((b,), f32)),
      mesh=mesh,
      compiler_params=pltpu.CompilerParams(needs_layout_passes=False,
                                           use_tc_tiling_on_sc=True),
      scratch_types=[
          pltpu.VMEM((bpw,), i32),
          pltpu.VMEM((bpw,), i32),
          pltpu.VMEM((bpw * K,), i32),
          pltpu.VMEM((bpw,), i32),
          pltpu.VMEM((bpw,), i32),
          pltpu.VMEM((bpw * K,), i32),
          [pltpu.VMEM((CH, 2 * D), f32)] * 2,
          [pltpu.VMEM((CH, 2 * D), f32)] * 2,
          [pltpu.VMEM((CH * K, 2 * D), f32)] * 2,
          pltpu.VMEM((CH * K,), f32),
          pltpu.VMEM((bpw,), f32),
          pltpu.VMEM((bpw,), f32),
          [pltpu.SemaphoreType.DMA] * 2,
          [pltpu.SemaphoreType.DMA] * 2,
          [pltpu.SemaphoreType.DMA] * 2,
      ],
  )
  return run(cw, tw, ow, pv, pu)


def _finish_body(s_ref, e_ref, o_ref):
  s = s_ref[...]
  e = e_ref[...]
  n = s.size
  o_ref[0, 0] = -(jnp.sum(s) - jnp.sum(jnp.log(e))) / n


def _tc_finish(scores, sumexp):
  b = scores.shape[0]
  rows = b // 128
  out = pl.pallas_call(
      _finish_body,
      out_shape=jax.ShapeDtypeStruct((1, 1), jnp.float32),
      out_specs=pl.BlockSpec(memory_space=pltpu.SMEM),
  )(scores.reshape(rows, 128), sumexp.reshape(rows, 128))
  return out[0, 0]


def kernel(center_words, target_words, outer_words, emb_v, emb_u):
  cw = center_words.reshape(-1).astype(jnp.int32)
  tw = target_words.reshape(-1).astype(jnp.int32)
  ow = outer_words.reshape(-1).astype(jnp.int32)
  pv = _pack_table(emb_v.T)
  pu = _pack_table(emb_u.T)
  scores, sumexp = _sc_gather_dots(cw, tw, ow, pv, pu)
  return _tc_finish(scores, sumexp)

# --- scband reference (transcript-rebuilt; emitter-appended) ---
"""Pipeline reference for scband-skip-gram-58076547777074 (READ-ONLY COPY).

The authoritative reference and input builder live on the scoring server;
editing this copy changes nothing except your own understanding.
"""

import jax, jax.numpy as jnp
import numpy as np

VOCAB = 1000000
DIM = 64
B = 16384
K = 20


def setup_inputs(seed: int = 0) -> dict:
    key = jax.random.key(seed)
    k1, k2, k3, k4, k5 = jax.random.split(key, 5)
    center_words = jax.random.randint(k1, (B, 1), 0, VOCAB, dtype=jnp.int64 if jax.config.jax_enable_x64 else jnp.int32)
    target_words = jax.random.randint(k2, (B, 1), 0, VOCAB, dtype=jnp.int64 if jax.config.jax_enable_x64 else jnp.int32)
    outer_words = jax.random.randint(k3, (B, K), 0, VOCAB, dtype=jnp.int64 if jax.config.jax_enable_x64 else jnp.int32)
    # learned parameters (embedding tables). Original torch inits v ~ U(-1,1) and u to 0;
    # we use a small random init for u so outputs/grads are numerically non-degenerate.
    emb_v = jax.random.uniform(k4, (VOCAB, DIM), dtype=jnp.float32, minval=-1.0, maxval=1.0)
    emb_u = jax.random.normal(k5, (VOCAB, DIM), dtype=jnp.float32) * 0.01
    return {"center_words": center_words, "target_words": target_words, "outer_words": outer_words, "emb_v": emb_v, "emb_u": emb_u}


def reference(center_words, target_words, outer_words, emb_v, emb_u):
    batch_size = center_words.shape[0]
    if outer_words.shape[0] != batch_size:
        outer_words = jnp.broadcast_to(outer_words, (batch_size, outer_words.shape[0]))
    center_embeds = jnp.take(emb_v, center_words, axis=0)   # [B, 1, D]
    target_embeds = jnp.take(emb_u, target_words, axis=0)   # [B, 1, D]
    outer_embeds = jnp.take(emb_u, outer_words, axis=0)     # [B, K, D]
    scores = jnp.squeeze(jnp.matmul(target_embeds, jnp.swapaxes(center_embeds, 1, 2)), 2)       # [B, 1]
    norm_scores = jnp.squeeze(jnp.matmul(outer_embeds, jnp.swapaxes(center_embeds, 1, 2)), 2)   # [B, K]
    nll = -jnp.mean(jnp.log(jnp.exp(scores) / jnp.sum(jnp.exp(norm_scores), axis=1, keepdims=True)))
    return nll

if __name__ == "__main__":
    import jax
    _d = setup_inputs()
    print(jax.jit(kernel)(*tuple(_d.values())))

</pallas_src>

<mosaic_0001>
#map = affine_map<(d0, d1) -> (0)>
#map1 = affine_map<(d0, d1) -> (0, 0)>
module attributes {stable_mosaic.version = 14 : i64} {
  func.func @_sc_body(%arg0: i32, %arg1: i32, %arg2: memref<16384xi32, #tpu.memory_space<hbm>>, %arg3: memref<16384xi32, #tpu.memory_space<hbm>>, %arg4: memref<327680xi32, #tpu.memory_space<hbm>>, %arg5: memref<500224x128xf32, #tpu.memory_space<hbm>>, %arg6: memref<500224x128xf32, #tpu.memory_space<hbm>>, %arg7: memref<16384xf32, #tpu.memory_space<hbm>>, %arg8: memref<16384xf32, #tpu.memory_space<hbm>>, %arg9: memref<512xi32, #tpu.memory_space<vmem>>, %arg10: memref<512xi32, #tpu.memory_space<vmem>>, %arg11: memref<10240xi32, #tpu.memory_space<vmem>>, %arg12: memref<512xi32, #tpu.memory_space<vmem>>, %arg13: memref<512xi32, #tpu.memory_space<vmem>>, %arg14: memref<10240xi32, #tpu.memory_space<vmem>>, %arg15: memref<16x128xf32, #tpu.memory_space<vmem>>, %arg16: memref<16x128xf32, #tpu.memory_space<vmem>>, %arg17: memref<16x128xf32, #tpu.memory_space<vmem>>, %arg18: memref<16x128xf32, #tpu.memory_space<vmem>>, %arg19: memref<320x128xf32, #tpu.memory_space<vmem>>, %arg20: memref<320x128xf32, #tpu.memory_space<vmem>>, %arg21: memref<320xf32, #tpu.memory_space<vmem>>, %arg22: memref<512xf32, #tpu.memory_space<vmem>>, %arg23: memref<512xf32, #tpu.memory_space<vmem>>, %arg24: memref<!tpu.dma_semaphore, #tpu.memory_space<semaphore_mem>>, %arg25: memref<!tpu.dma_semaphore, #tpu.memory_space<semaphore_mem>>, %arg26: memref<!tpu.dma_semaphore, #tpu.memory_space<semaphore_mem>>, %arg27: memref<!tpu.dma_semaphore, #tpu.memory_space<semaphore_mem>>, %arg28: memref<!tpu.dma_semaphore, #tpu.memory_space<semaphore_mem>>, %arg29: memref<!tpu.dma_semaphore, #tpu.memory_space<semaphore_mem>>) attributes {dimension_semantics = [#tpu.dimension_semantics<core_parallel>, #tpu.dimension_semantics<subcore_parallel>], iteration_bounds = array<i64: 2, 16>, scalar_prefetch = 0 : i64, scratch_operands = 21 : i64, tpu.core_type = #tpu.core_type<sc_vector_subcore>, window_params = [{transform_indices = #map}, {transform_indices = #map}, {transform_indices = #map}, {transform_indices = #map1}, {transform_indices = #map1}, {transform_indices = #map}, {transform_indices = #map}]} {
    %mul3A = arith.constant 2 : i32
    %mul3A_0 = arith.muli %arg1, %mul3A : i32
    %add3A = arith.addi %mul3A_0, %arg0 : i32
    %iota3A = tpu.iota {dimensions = array<i32: 0>} : vector<16xi32>
    %mul3A_1 = arith.constant 512 : i32
    %mul3A_2 = arith.muli %add3A, %mul3A_1 : i32
    "tpu.region"() ({
      %run_scoped3A = tpu.sem_alloc : memref<!tpu.dma_semaphore, #tpu.memory_space<semaphore_mem>>
      %dma_start3A_63 = tpu.memref_slice %arg2[%mul3A_2] : memref<16384xi32, #tpu.memory_space<hbm>> -> memref<512xi32, #tpu.memory_space<hbm>>
      %dma_start3A_64 = tpu.memref_slice %arg2[%mul3A_2] : memref<16384xi32, #tpu.memory_space<hbm>> -> memref<512xi32, #tpu.memory_space<hbm>>
      tpu.enqueue_dma source(%dma_start3A_64 : memref<512xi32, #tpu.memory_space<hbm>>) target(%arg9 : memref<512xi32, #tpu.memory_space<vmem>>) target_semaphore(%run_scoped3A : memref<!tpu.dma_semaphore, #tpu.memory_space<semaphore_mem>>)
      %dma_wait3A_65 = tpu.memref_slice %arg2[%mul3A_2] : memref<16384xi32, #tpu.memory_space<hbm>> -> memref<512xi32, #tpu.memory_space<hbm>>
      %dma_wait3A_66 = tpu.memref_slice %arg2[%mul3A_2] : memref<16384xi32, #tpu.memory_space<hbm>> -> memref<512xi32, #tpu.memory_space<hbm>>
      tpu.wait_dma2 semaphore(%run_scoped3A : memref<!tpu.dma_semaphore, #tpu.memory_space<semaphore_mem>>) src(%dma_wait3A_66 : memref<512xi32, #tpu.memory_space<hbm>>) dst(%arg9 : memref<512xi32, #tpu.memory_space<vmem>>)
      tpu.yield
    }) : () -> ()
    "tpu.region"() ({
      %run_scoped3A = tpu.sem_alloc : memref<!tpu.dma_semaphore, #tpu.memory_space<semaphore_mem>>
      %dma_start3A_63 = tpu.memref_slice %arg3[%mul3A_2] : memref<16384xi32, #tpu.memory_space<hbm>> -> memref<512xi32, #tpu.memory_space<hbm>>
      %dma_start3A_64 = tpu.memref_slice %arg3[%mul3A_2] : memref<16384xi32, #tpu.memory_space<hbm>> -> memref<512xi32, #tpu.memory_space<hbm>>
      tpu.enqueue_dma source(%dma_start3A_64 : memref<512xi32, #tpu.memory_space<hbm>>) target(%arg10 : memref<512xi32, #tpu.memory_space<vmem>>) target_semaphore(%run_scoped3A : memref<!tpu.dma_semaphore, #tpu.memory_space<semaphore_mem>>)
      %dma_wait3A_65 = tpu.memref_slice %arg3[%mul3A_2] : memref<16384xi32, #tpu.memory_space<hbm>> -> memref<512xi32, #tpu.memory_space<hbm>>
      %dma_wait3A_66 = tpu.memref_slice %arg3[%mul3A_2] : memref<16384xi32, #tpu.memory_space<hbm>> -> memref<512xi32, #tpu.memory_space<hbm>>
      tpu.wait_dma2 semaphore(%run_scoped3A : memref<!tpu.dma_semaphore, #tpu.memory_space<semaphore_mem>>) src(%dma_wait3A_66 : memref<512xi32, #tpu.memory_space<hbm>>) dst(%arg10 : memref<512xi32, #tpu.memory_space<vmem>>)
      tpu.yield
    }) : () -> ()
    %mul3A_3 = arith.constant 20 : i32
    %mul3A_4 = arith.muli %mul3A_2, %mul3A_3 : i32
    "tpu.region"() ({
      %run_scoped3A = tpu.sem_alloc : memref<!tpu.dma_semaphore, #tpu.memory_space<semaphore_mem>>
      %dma_start3A_63 = tpu.memref_slice %arg4[%mul3A_4] : memref<327680xi32, #tpu.memory_space<hbm>> -> memref<10240xi32, #tpu.memory_space<hbm>>
      %dma_start3A_64 = tpu.memref_slice %arg4[%mul3A_4] : memref<327680xi32, #tpu.memory_space<hbm>> -> memref<10240xi32, #tpu.memory_space<hbm>>
      tpu.enqueue_dma source(%dma_start3A_64 : memref<10240xi32, #tpu.memory_space<hbm>>) target(%arg11 : memref<10240xi32, #tpu.memory_space<vmem>>) target_semaphore(%run_scoped3A : memref<!tpu.dma_semaphore, #tpu.memory_space<semaphore_mem>>)
      %dma_wait3A_65 = tpu.memref_slice %arg4[%mul3A_4] : memref<327680xi32, #tpu.memory_space<hbm>> -> memref<10240xi32, #tpu.memory_space<hbm>>
      %dma_wait3A_66 = tpu.memref_slice %arg4[%mul3A_4] : memref<327680xi32, #tpu.memory_space<hbm>> -> memref<10240xi32, #tpu.memory_space<hbm>>
      tpu.wait_dma2 semaphore(%run_scoped3A : memref<!tpu.dma_semaphore, #tpu.memory_space<semaphore_mem>>) src(%dma_wait3A_66 : memref<10240xi32, #tpu.memory_space<hbm>>) dst(%arg11 : memref<10240xi32, #tpu.memory_space<vmem>>)
      tpu.yield
    }) : () -> ()
    %scan3A = arith.constant 0 : i32
    %scan3A_5 = arith.constant 0 : i32
    %scan3A_6 = arith.constant 32 : i32
    %scan3A_7 = arith.addi %scan3A_5, %scan3A_6 : i32
    %scan3A_8 = arith.constant 1 : i32
    scf.for %scan3A_63 = %scan3A_5 to %scan3A_7 step %scan3A_8  : i32 {
      %mul3A_64 = arith.constant 16 : i32
      %mul3A_65 = arith.muli %scan3A_63, %mul3A_64 : i32
      %get3A = arith.index_cast %mul3A_65 : i32 to index
      %get3A_66 = tpu.vector_load %arg9[%get3A] {strides = array<i32>} : memref<512xi32, #tpu.memory_space<vmem>>, vector<16xi32>,
      %and3A = arith.constant -512 : i32
      %and3A_67 = vector.broadcast %and3A : i32 to vector<16xi32>
      %and3A_68 = arith.andi %get3A_66, %and3A_67 : vector<16xi32>
      %shift_right_arithmetic3A = arith.constant 1 : i32
      %shift_right_arithmetic3A_69 = vector.broadcast %shift_right_arithmetic3A : i32 to vector<16xi32>
      %shift_right_arithmetic3A_70 = arith.shrsi %and3A_68, %shift_right_arithmetic3A_69 : vector<16xi32>
      %and3A_71 = arith.constant 255 : i32
      %and3A_72 = vector.broadcast %and3A_71 : i32 to vector<16xi32>
      %and3A_73 = arith.andi %get3A_66, %and3A_72 : vector<16xi32>
      %or3A = arith.ori %shift_right_arithmetic3A_70, %and3A_73 : vector<16xi32>
      %mul3A_74 = arith.constant 16 : i32
      %mul3A_75 = arith.muli %scan3A_63, %mul3A_74 : i32
      %swap3A = arith.index_cast %mul3A_75 : i32 to index
      %swap3A_76 = tpu.vector_load %arg12[%swap3A] {strides = array<i32>} : memref<512xi32, #tpu.memory_space<vmem>>, vector<16xi32>,
      tpu.vector_store %arg12[%swap3A], %or3A {strides = array<i32>} : memref<512xi32, #tpu.memory_space<vmem>>, vector<16xi32>,
    }
    %scan3A_9 = arith.constant 32 : i32
    %scan3A_10 = arith.constant 0 : i32
    %scan3A_11 = arith.constant 0 : i32
    %scan3A_12 = arith.constant 32 : i32
    %scan3A_13 = arith.addi %scan3A_11, %scan3A_12 : i32
    %scan3A_14 = arith.constant 1 : i32
    scf.for %scan3A_63 = %scan3A_11 to %scan3A_13 step %scan3A_14  : i32 {
      %mul3A_64 = arith.constant 16 : i32
      %mul3A_65 = arith.muli %scan3A_63, %mul3A_64 : i32
      %get3A = arith.index_cast %mul3A_65 : i32 to index
      %get3A_66 = tpu.vector_load %arg10[%get3A] {strides = array<i32>} : memref<512xi32, #tpu.memory_space<vmem>>, vector<16xi32>,
      %and3A = arith.constant -512 : i32
      %and3A_67 = vector.broadcast %and3A : i32 to vector<16xi32>
      %and3A_68 = arith.andi %get3A_66, %and3A_67 : vector<16xi32>
      %shift_right_arithmetic3A = arith.constant 1 : i32
      %shift_right_arithmetic3A_69 = vector.broadcast %shift_right_arithmetic3A : i32 to vector<16xi32>
      %shift_right_arithmetic3A_70 = arith.shrsi %and3A_68, %shift_right_arithmetic3A_69 : vector<16xi32>
      %and3A_71 = arith.constant 255 : i32
      %and3A_72 = vector.broadcast %and3A_71 : i32 to vector<16xi32>
      %and3A_73 = arith.andi %get3A_66, %and3A_72 : vector<16xi32>
      %or3A = arith.ori %shift_right_arithmetic3A_70, %and3A_73 : vector<16xi32>
      %mul3A_74 = arith.constant 16 : i32
      %mul3A_75 = arith.muli %scan3A_63, %mul3A_74 : i32
      %swap3A = arith.index_cast %mul3A_75 : i32 to index
      %swap3A_76 = tpu.vector_load %arg13[%swap3A] {strides = array<i32>} : memref<512xi32, #tpu.memory_space<vmem>>, vector<16xi32>,
      tpu.vector_store %arg13[%swap3A], %or3A {strides = array<i32>} : memref<512xi32, #tpu.memory_space<vmem>>, vector<16xi32>,
    }
    %scan3A_15 = arith.constant 32 : i32
    %scan3A_16 = arith.constant 0 : i32
    %scan3A_17 = arith.constant 0 : i32
    %scan3A_18 = arith.constant 640 : i32
    %scan3A_19 = arith.addi %scan3A_17, %scan3A_18 : i32
    %scan3A_20 = arith.constant 1 : i32
    scf.for %scan3A_63 = %scan3A_17 to %scan3A_19 step %scan3A_20  : i32 {
      %mul3A_64 = arith.constant 16 : i32
      %mul3A_65 = arith.muli %scan3A_63, %mul3A_64 : i32
      %get3A = arith.index_cast %mul3A_65 : i32 to index
      %get3A_66 = tpu.vector_load %arg11[%get3A] {strides = array<i32>} : memref<10240xi32, #tpu.memory_space<vmem>>, vector<16xi32>,
      %and3A = arith.constant -512 : i32
      %and3A_67 = vector.broadcast %and3A : i32 to vector<16xi32>
      %and3A_68 = arith.andi %get3A_66, %and3A_67 : vector<16xi32>
      %shift_right_arithmetic3A = arith.constant 1 : i32
      %shift_right_arithmetic3A_69 = vector.broadcast %shift_right_arithmetic3A : i32 to vector<16xi32>
      %shift_right_arithmetic3A_70 = arith.shrsi %and3A_68, %shift_right_arithmetic3A_69 : vector<16xi32>
      %and3A_71 = arith.constant 255 : i32
      %and3A_72 = vector.broadcast %and3A_71 : i32 to vector<16xi32>
      %and3A_73 = arith.andi %get3A_66, %and3A_72 : vector<16xi32>
      %or3A = arith.ori %shift_right_arithmetic3A_70, %and3A_73 : vector<16xi32>
      %mul3A_74 = arith.constant 16 : i32
      %mul3A_75 = arith.muli %scan3A_63, %mul3A_74 : i32
      %swap3A = arith.index_cast %mul3A_75 : i32 to index
      %swap3A_76 = tpu.vector_load %arg14[%swap3A] {strides = array<i32>} : memref<10240xi32, #tpu.memory_space<vmem>>, vector<16xi32>,
      tpu.vector_store %arg14[%swap3A], %or3A {strides = array<i32>} : memref<10240xi32, #tpu.memory_space<vmem>>, vector<16xi32>,
    }
    %scan3A_21 = arith.constant 640 : i32
    %dma_start3A = arith.constant 0 : i32
    %dma_start3A_22 = tpu.memref_slice %arg12[%dma_start3A] : memref<512xi32, #tpu.memory_space<vmem>> -> memref<16xi32, #tpu.memory_space<vmem>>
    %dma_start3A_23 = arith.constant 0 : i32
    %dma_start3A_24 = arith.constant 0 : i32
    %dma_start3A_25 = tpu.memref_slice %arg5[%dma_start3A_23, %dma_start3A_24] : memref<500224x128xf32, #tpu.memory_space<hbm>> -> memref<500224x128xf32, #tpu.memory_space<hbm>>
    tpu.enqueue_indirect_dma source(%dma_start3A_25 : memref<500224x128xf32, #tpu.memory_space<hbm>>) target(%arg15 : memref<16x128xf32, #tpu.memory_space<vmem>>) offsets(%dma_start3A_22 : memref<16xi32, #tpu.memory_space<vmem>>) semaphore(%arg24 : memref<!tpu.dma_semaphore, #tpu.memory_space<semaphore_mem>>)
    %dma_start3A_26 = arith.constant 0 : i32
    %dma_start3A_27 = tpu.memref_slice %arg13[%dma_start3A_26] : memref<512xi32, #tpu.memory_space<vmem>> -> memref<16xi32, #tpu.memory_space<vmem>>
    %dma_start3A_28 = arith.constant 0 : i32
    %dma_start3A_29 = arith.constant 0 : i32
    %dma_start3A_30 = tpu.memref_slice %arg6[%dma_start3A_28, %dma_start3A_29] : memref<500224x128xf32, #tpu.memory_space<hbm>> -> memref<500224x128xf32, #tpu.memory_space<hbm>>
    tpu.enqueue_indirect_dma source(%dma_start3A_30 : memref<500224x128xf32, #tpu.memory_space<hbm>>) target(%arg17 : memref<16x128xf32, #tpu.memory_space<vmem>>) offsets(%dma_start3A_27 : memref<16xi32, #tpu.memory_space<vmem>>) semaphore(%arg26 : memref<!tpu.dma_semaphore, #tpu.memory_space<semaphore_mem>>)
    %dma_start3A_31 = arith.constant 0 : i32
    %dma_start3A_32 = tpu.memref_slice %arg14[%dma_start3A_31] : memref<10240xi32, #tpu.memory_space<vmem>> -> memref<320xi32, #tpu.memory_space<vmem>>
    %dma_start3A_33 = arith.constant 0 : i32
    %dma_start3A_34 = arith.constant 0 : i32
    %dma_start3A_35 = tpu.memref_slice %arg6[%dma_start3A_33, %dma_start3A_34] : memref<500224x128xf32, #tpu.memory_space<hbm>> -> memref<500224x128xf32, #tpu.memory_space<hbm>>
    tpu.enqueue_indirect_dma source(%dma_start3A_35 : memref<500224x128xf32, #tpu.memory_space<hbm>>) target(%arg19 : memref<320x128xf32, #tpu.memory_space<vmem>>) offsets(%dma_start3A_32 : memref<320xi32, #tpu.memory_space<vmem>>) semaphore(%arg28 : memref<!tpu.dma_semaphore, #tpu.memory_space<semaphore_mem>>)
    %scan3A_36 = arith.constant 0 : i32
    %scan3A_37 = arith.constant 0 : i32
    %scan3A_38 = arith.constant 16 : i32
    %scan3A_39 = arith.addi %scan3A_37, %scan3A_38 : i32
    %scan3A_40 = arith.constant 1 : i32
    scf.for %scan3A_63 = %scan3A_37 to %scan3A_39 step %scan3A_40  : i32 {
      %mul3A_64 = arith.constant 2 : i32
      %mul3A_65 = arith.muli %mul3A_64, %scan3A_63 : i32
      %add3A_66 = arith.constant 0 : i32
      %add3A_67 = arith.addi %mul3A_65, %add3A_66 : i32
      %dma_wait3A_68 = arith.constant 0 : i32
      %dma_wait3A_69 = arith.constant 0 : i32
      %dma_wait3A_70 = tpu.memref_slice %arg5[%dma_wait3A_68, %dma_wait3A_69] : memref<500224x128xf32, #tpu.memory_space<hbm>> -> memref<16x128xf32, #tpu.memory_space<hbm>>
      %dma_wait3A_71 = arith.constant 0 : i32
      %dma_wait3A_72 = arith.constant 0 : i32
      %dma_wait3A_73 = tpu.memref_slice %arg5[%dma_wait3A_71, %dma_wait3A_72] : memref<500224x128xf32, #tpu.memory_space<hbm>> -> memref<16x128xf32, #tpu.memory_space<hbm>>
      tpu.wait_dma2 semaphore(%arg24 : memref<!tpu.dma_semaphore, #tpu.memory_space<semaphore_mem>>) src(%dma_wait3A_73 : memref<16x128xf32, #tpu.memory_space<hbm>>) dst(%arg15 : memref<16x128xf32, #tpu.memory_space<vmem>>)
      %dma_wait3A_74 = arith.constant 0 : i32
      %dma_wait3A_75 = arith.constant 0 : i32
      %dma_wait3A_76 = tpu.memref_slice %arg6[%dma_wait3A_74, %dma_wait3A_75] : memref<500224x128xf32, #tpu.memory_space<hbm>> -> memref<16x128xf32, #tpu.memory_space<hbm>>
      %dma_wait3A_77 = arith.constant 0 : i32
      %dma_wait3A_78 = arith.constant 0 : i32
      %dma_wait3A_79 = tpu.memref_slice %arg6[%dma_wait3A_77, %dma_wait3A_78] : memref<500224x128xf32, #tpu.memory_space<hbm>> -> memref<16x128xf32, #tpu.memory_space<hbm>>
      tpu.wait_dma2 semaphore(%arg26 : memref<!tpu.dma_semaphore, #tpu.memory_space<semaphore_mem>>) src(%dma_wait3A_79 : memref<16x128xf32, #tpu.memory_space<hbm>>) dst(%arg17 : memref<16x128xf32, #tpu.memory_space<vmem>>)
      %dma_wait3A_80 = arith.constant 0 : i32
      %dma_wait3A_81 = arith.constant 0 : i32
      %dma_wait3A_82 = tpu.memref_slice %arg6[%dma_wait3A_80, %dma_wait3A_81] : memref<500224x128xf32, #tpu.memory_space<hbm>> -> memref<320x128xf32, #tpu.memory_space<hbm>>
      %dma_wait3A_83 = arith.constant 0 : i32
      %dma_wait3A_84 = arith.constant 0 : i32
      %dma_wait3A_85 = tpu.memref_slice %arg6[%dma_wait3A_83, %dma_wait3A_84] : memref<500224x128xf32, #tpu.memory_space<hbm>> -> memref<320x128xf32, #tpu.memory_space<hbm>>
      tpu.wait_dma2 semaphore(%arg28 : memref<!tpu.dma_semaphore, #tpu.memory_space<semaphore_mem>>) src(%dma_wait3A_85 : memref<320x128xf32, #tpu.memory_space<hbm>>) dst(%arg19 : memref<320x128xf32, #tpu.memory_space<vmem>>)
      %add3A_86 = arith.constant 1 : i32
      %add3A_87 = arith.addi %add3A_67, %add3A_86 : i32
      %min3A = arith.constant 31 : i32
      %min3A_88 = arith.minsi %add3A_87, %min3A : i32
      %mul3A_89 = arith.constant 16 : i32
      %mul3A_90 = arith.muli %min3A_88, %mul3A_89 : i32
      %dma_start3A_91 = tpu.memref_slice %arg12[%mul3A_90] : memref<512xi32, #tpu.memory_space<vmem>> -> memref<16xi32, #tpu.memory_space<vmem>>
      %dma_start3A_92 = arith.constant 0 : i32
      %dma_start3A_93 = arith.constant 0 : i32
      %dma_start3A_94 = tpu.memref_slice %arg5[%dma_start3A_92, %dma_start3A_93] : memref<500224x128xf32, #tpu.memory_space<hbm>> -> memref<500224x128xf32, #tpu.memory_space<hbm>>
      tpu.enqueue_indirect_dma source(%dma_start3A_94 : memref<500224x128xf32, #tpu.memory_space<hbm>>) target(%arg16 : memref<16x128xf32, #tpu.memory_space<vmem>>) offsets(%dma_start3A_91 : memref<16xi32, #tpu.memory_space<vmem>>) semaphore(%arg25 : memref<!tpu.dma_semaphore, #tpu.memory_space<semaphore_mem>>)
      %mul3A_95 = arith.constant 16 : i32
      %mul3A_96 = arith.muli %min3A_88, %mul3A_95 : i32
      %dma_start3A_97 = tpu.memref_slice %arg13[%mul3A_96] : memref<512xi32, #tpu.memory_space<vmem>> -> memref<16xi32, #tpu.memory_space<vmem>>
      %dma_start3A_98 = arith.constant 0 : i32
      %dma_start3A_99 = arith.constant 0 : i32
      %dma_start3A_100 = tpu.memref_slice %arg6[%dma_start3A_98, %dma_start3A_99] : memref<500224x128xf32, #tpu.memory_space<hbm>> -> memref<500224x128xf32, #tpu.memory_space<hbm>>
      tpu.enqueue_indirect_dma source(%dma_start3A_100 : memref<500224x128xf32, #tpu.memory_space<hbm>>) target(%arg18 : memref<16x128xf32, #tpu.memory_space<vmem>>) offsets(%dma_start3A_97 : memref<16xi32, #tpu.memory_space<vmem>>) semaphore(%arg27 : memref<!tpu.dma_semaphore, #tpu.memory_space<semaphore_mem>>)
      %mul3A_101 = arith.constant 16 : i32
      %mul3A_102 = arith.muli %min3A_88, %mul3A_101 : i32
      %mul3A_103 = arith.constant 20 : i32
      %mul3A_104 = arith.muli %mul3A_102, %mul3A_103 : i32
      %dma_start3A_105 = tpu.memref_slice %arg14[%mul3A_104] : memref<10240xi32, #tpu.memory_space<vmem>> -> memref<320xi32, #tpu.memory_space<vmem>>
      %dma_start3A_106 = arith.constant 0 : i32
      %dma_start3A_107 = arith.constant 0 : i32
      %dma_start3A_108 = tpu.memref_slice %arg6[%dma_start3A_106, %dma_start3A_107] : memref<500224x128xf32, #tpu.memory_space<hbm>> -> memref<500224x128xf32, #tpu.memory_space<hbm>>
      tpu.enqueue_indirect_dma source(%dma_start3A_108 : memref<500224x128xf32, #tpu.memory_space<hbm>>) target(%arg20 : memref<320x128xf32, #tpu.memory_space<vmem>>) offsets(%dma_start3A_105 : memref<320xi32, #tpu.memory_space<vmem>>) semaphore(%arg29 : memref<!tpu.dma_semaphore, #tpu.memory_space<semaphore_mem>>)
      %mul3A_109 = arith.constant 16 : i32
      %mul3A_110 = arith.muli %add3A_67, %mul3A_109 : i32
      %get3A = arith.index_cast %mul3A_110 : i32 to index
      %get3A_111 = tpu.vector_load %arg9[%get3A] {strides = array<i32>} : memref<512xi32, #tpu.memory_space<vmem>>, vector<16xi32>,
      %and3A = arith.constant 256 : i32
      %and3A_112 = vector.broadcast %and3A : i32 to vector<16xi32>
      %and3A_113 = arith.andi %get3A_111, %and3A_112 : vector<16xi32>
      %shift_right_arithmetic3A = arith.constant 2 : i32
      %shift_right_arithmetic3A_114 = vector.broadcast %shift_right_arithmetic3A : i32 to vector<16xi32>
      %shift_right_arithmetic3A_115 = arith.shrsi %and3A_113, %shift_right_arithmetic3A_114 : vector<16xi32>
      %mul3A_116 = arith.constant 16 : i32
      %mul3A_117 = arith.muli %add3A_67, %mul3A_116 : i32
      %get3A_118 = arith.index_cast %mul3A_117 : i32 to index
      %get3A_119 = tpu.vector_load %arg10[%get3A_118] {strides = array<i32>} : memref<512xi32, #tpu.memory_space<vmem>>, vector<16xi32>,
      %and3A_120 = arith.constant 256 : i32
      %and3A_121 = vector.broadcast %and3A_120 : i32 to vector<16xi32>
      %and3A_122 = arith.andi %get3A_119, %and3A_121 : vector<16xi32>
      %shift_right_arithmetic3A_123 = arith.constant 2 : i32
      %shift_right_arithmetic3A_124 = vector.broadcast %shift_right_arithmetic3A_123 : i32 to vector<16xi32>
      %shift_right_arithmetic3A_125 = arith.shrsi %and3A_122, %shift_right_arithmetic3A_124 : vector<16xi32>
      %broadcast_in_dim3A = arith.constant 0.000000e+00 : f32
      %broadcast_in_dim3A_126 = vector.broadcast %broadcast_in_dim3A : f32 to vector<16xf32>
      %broadcast_in_dim3A_127 = arith.constant 0.000000e+00 : f32
      %broadcast_in_dim3A_128 = vector.broadcast %broadcast_in_dim3A_127 : f32 to vector<16xf32>
      %add3A_129 = arith.constant 0 : i32
      %add3A_130 = vector.broadcast %add3A_129 : i32 to vector<16xi32>
      %add3A_131 = arith.addi %iota3A, %add3A_130 : vector<16xi32>
      %add3A_132 = arith.constant 0 : i32
      %add3A_133 = vector.broadcast %add3A_132 : i32 to vector<16xi32>
      %add3A_134 = arith.addi %add3A_131, %add3A_133 : vector<16xi32>
      %and3A_135 = arith.constant 63 : i32
      %and3A_136 = vector.broadcast %and3A_135 : i32 to vector<16xi32>
      %and3A_137 = arith.andi %add3A_134, %and3A_136 : vector<16xi32>
      %add3A_138 = arith.constant 0 : i32
      %add3A_139 = vector.broadcast %add3A_138 : i32 to vector<16xi32>
      %add3A_140 = arith.addi %iota3A, %add3A_139 : vector<16xi32>
      %add3A_141 = arith.constant 1 : i32
      %add3A_142 = vector.broadcast %add3A_141 : i32 to vector<16xi32>
      %add3A_143 = arith.addi %add3A_140, %add3A_142 : vector<16xi32>
      %and3A_144 = arith.constant 63 : i32
      %and3A_145 = vector.broadcast %and3A_144 : i32 to vector<16xi32>
      %and3A_146 = arith.andi %add3A_143, %and3A_145 : vector<16xi32>
      %add3A_147 = arith.constant 0 : i32
      %add3A_148 = vector.broadcast %add3A_147 : i32 to vector<16xi32>
      %add3A_149 = arith.addi %iota3A, %add3A_148 : vector<16xi32>
      %add3A_150 = arith.constant 2 : i32
      %add3A_151 = vector.broadcast %add3A_150 : i32 to vector<16xi32>
      %add3A_152 = arith.addi %add3A_149, %add3A_151 : vector<16xi32>
      %and3A_153 = arith.constant 63 : i32
      %and3A_154 = vector.broadcast %and3A_153 : i32 to vector<16xi32>
      %and3A_155 = arith.andi %add3A_152, %and3A_154 : vector<16xi32>
      %add3A_156 = arith.constant 0 : i32
      %add3A_157 = vector.broadcast %add3A_156 : i32 to vector<16xi32>
      %add3A_158 = arith.addi %iota3A, %add3A_157 : vector<16xi32>
      %add3A_159 = arith.constant 3 : i32
      %add3A_160 = vector.broadcast %add3A_159 : i32 to vector<16xi32>
      %add3A_161 = arith.addi %add3A_158, %add3A_160 : vector<16xi32>
      %and3A_162 = arith.constant 63 : i32
      %and3A_163 = vector.broadcast %and3A_162 : i32 to vector<16xi32>
      %and3A_164 = arith.andi %add3A_161, %and3A_163 : vector<16xi32>
      %add3A_165 = arith.constant 0 : i32
      %add3A_166 = vector.broadcast %add3A_165 : i32 to vector<16xi32>
      %add3A_167 = arith.addi %iota3A, %add3A_166 : vector<16xi32>
      %add3A_168 = arith.constant 4 : i32
      %add3A_169 = vector.broadcast %add3A_168 : i32 to vector<16xi32>
      %add3A_170 = arith.addi %add3A_167, %add3A_169 : vector<16xi32>
      %and3A_171 = arith.constant 63 : i32
      %and3A_172 = vector.broadcast %and3A_171 : i32 to vector<16xi32>
      %and3A_173 = arith.andi %add3A_170, %and3A_172 : vector<16xi32>
      %add3A_174 = arith.constant 0 : i32
      %add3A_175 = vector.broadcast %add3A_174 : i32 to vector<16xi32>
      %add3A_176 = arith.addi %iota3A, %add3A_175 : vector<16xi32>
      %add3A_177 = arith.constant 5 : i32
      %add3A_178 = vector.broadcast %add3A_177 : i32 to vector<16xi32>
      %add3A_179 = arith.addi %add3A_176, %add3A_178 : vector<16xi32>
      %and3A_180 = arith.constant 63 : i32
      %and3A_181 = vector.broadcast %and3A_180 : i32 to vector<16xi32>
      %and3A_182 = arith.andi %add3A_179, %and3A_181 : vector<16xi32>
      %add3A_183 = arith.constant 0 : i32
      %add3A_184 = vector.broadcast %add3A_183 : i32 to vector<16xi32>
      %add3A_185 = arith.addi %iota3A, %add3A_184 : vector<16xi32>
      %add3A_186 = arith.constant 6 : i32
      %add3A_187 = vector.broadcast %add3A_186 : i32 to vector<16xi32>
      %add3A_188 = arith.addi %add3A_185, %add3A_187 : vector<16xi32>
      %and3A_189 = arith.constant 63 : i32
      %and3A_190 = vector.broadcast %and3A_189 : i32 to vector<16xi32>
      %and3A_191 = arith.andi %add3A_188, %and3A_190 : vector<16xi32>
      %add3A_192 = arith.constant 0 : i32
      %add3A_193 = vector.broadcast %add3A_192 : i32 to vector<16xi32>
      %add3A_194 = arith.addi %iota3A, %add3A_193 : vector<16xi32>
      %add3A_195 = arith.constant 7 : i32
      %add3A_196 = vector.broadcast %add3A_195 : i32 to vector<16xi32>
      %add3A_197 = arith.addi %add3A_194, %add3A_196 : vector<16xi32>
      %and3A_198 = arith.constant 63 : i32
      %and3A_199 = vector.broadcast %and3A_198 : i32 to vector<16xi32>
      %and3A_200 = arith.andi %add3A_197, %and3A_199 : vector<16xi32>
      %add3A_201 = arith.constant 0 : i32
      %add3A_202 = vector.broadcast %add3A_201 : i32 to vector<16xi32>
      %add3A_203 = arith.addi %iota3A, %add3A_202 : vector<16xi32>
      %add3A_204 = arith.constant 8 : i32
      %add3A_205 = vector.broadcast %add3A_204 : i32 to vector<16xi32>
      %add3A_206 = arith.addi %add3A_203, %add3A_205 : vector<16xi32>
      %and3A_207 = arith.constant 63 : i32
      %and3A_208 = vector.broadcast %and3A_207 : i32 to vector<16xi32>
      %and3A_209 = arith.andi %add3A_206, %and3A_208 : vector<16xi32>
      %add3A_210 = arith.constant 0 : i32
      %add3A_211 = vector.broadcast %add3A_210 : i32 to vector<16xi32>
      %add3A_212 = arith.addi %iota3A, %add3A_211 : vector<16xi32>
      %add3A_213 = arith.constant 9 : i32
      %add3A_214 = vector.broadcast %add3A_213 : i32 to vector<16xi32>
      %add3A_215 = arith.addi %add3A_212, %add3A_214 : vector<16xi32>
      %and3A_216 = arith.constant 63 : i32
      %and3A_217 = vector.broadcast %and3A_216 : i32 to vector<16xi32>
      %and3A_218 = arith.andi %add3A_215, %and3A_217 : vector<16xi32>
      %add3A_219 = arith.constant 0 : i32
      %add3A_220 = vector.broadcast %add3A_219 : i32 to vector<16xi32>
      %add3A_221 = arith.addi %iota3A, %add3A_220 : vector<16xi32>
      %add3A_222 = arith.constant 10 : i32
      %add3A_223 = vector.broadcast %add3A_222 : i32 to vector<16xi32>
      %add3A_224 = arith.addi %add3A_221, %add3A_223 : vector<16xi32>
      %and3A_225 = arith.constant 63 : i32
      %and3A_226 = vector.broadcast %and3A_225 : i32 to vector<16xi32>
      %and3A_227 = arith.andi %add3A_224, %and3A_226 : vector<16xi32>
      %add3A_228 = arith.constant 0 : i32
      %add3A_229 = vector.broadcast %add3A_228 : i32 to vector<16xi32>
      %add3A_230 = arith.addi %iota3A, %add3A_229 : vector<16xi32>
      %add3A_231 = arith.constant 11 : i32
      %add3A_232 = vector.broadcast %add3A_231 : i32 to vector<16xi32>
      %add3A_233 = arith.addi %add3A_230, %add3A_232 : vector<16xi32>
      %and3A_234 = arith.constant 63 : i32
      %and3A_235 = vector.broadcast %and3A_234 : i32 to vector<16xi32>
      %and3A_236 = arith.andi %add3A_233, %and3A_235 : vector<16xi32>
      %add3A_237 = arith.constant 0 : i32
      %add3A_238 = vector.broadcast %add3A_237 : i32 to vector<16xi32>
      %add3A_239 = arith.addi %iota3A, %add3A_238 : vector<16xi32>
      %add3A_240 = arith.constant 12 : i32
      %add3A_241 = vector.broadcast %add3A_240 : i32 to vector<16xi32>
      %add3A_242 = arith.addi %add3A_239, %add3A_241 : vector<16xi32>
      %and3A_243 = arith.constant 63 : i32
      %and3A_244 = vector.broadcast %and3A_243 : i32 to vector<16xi32>
      %and3A_245 = arith.andi %add3A_242, %and3A_244 : vector<16xi32>
      %add3A_246 = arith.constant 0 : i32
      %add3A_247 = vector.broadcast %add3A_246 : i32 to vector<16xi32>
      %add3A_248 = arith.addi %iota3A, %add3A_247 : vector<16xi32>
      %add3A_249 = arith.constant 13 : i32
      %add3A_250 = vector.broadcast %add3A_249 : i32 to vector<16xi32>
      %add3A_251 = arith.addi %add3A_248, %add3A_250 : vector<16xi32>
      %and3A_252 = arith.constant 63 : i32
      %and3A_253 = vector.broadcast %and3A_252 : i32 to vector<16xi32>
      %and3A_254 = arith.andi %add3A_251, %and3A_253 : vector<16xi32>
      %add3A_255 = arith.constant 0 : i32
      %add3A_256 = vector.broadcast %add3A_255 : i32 to vector<16xi32>
      %add3A_257 = arith.addi %iota3A, %add3A_256 : vector<16xi32>
      %add3A_258 = arith.constant 14 : i32
      %add3A_259 = vector.broadcast %add3A_258 : i32 to vector<16xi32>
      %add3A_260 = arith.addi %add3A_257, %add3A_259 : vector<16xi32>
      %and3A_261 = arith.constant 63 : i32
      %and3A_262 = vector.broadcast %and3A_261 : i32 to vector<16xi32>
      %and3A_263 = arith.andi %add3A_260, %and3A_262 : vector<16xi32>
      %add3A_264 = arith.constant 0 : i32
      %add3A_265 = vector.broadcast %add3A_264 : i32 to vector<16xi32>
      %add3A_266 = arith.addi %iota3A, %add3A_265 : vector<16xi32>
      %add3A_267 = arith.constant 15 : i32
      %add3A_268 = vector.broadcast %add3A_267 : i32 to vector<16xi32>
      %add3A_269 = arith.addi %add3A_266, %add3A_268 : vector<16xi32>
      %and3A_270 = arith.constant 63 : i32
      %and3A_271 = vector.broadcast %and3A_270 : i32 to vector<16xi32>
      %and3A_272 = arith.andi %add3A_269, %and3A_271 : vector<16xi32>
      %add3A_273 = arith.constant 0 : i32
      %add3A_274 = vector.broadcast %add3A_273 : i32 to vector<16xi32>
      %add3A_275 = arith.addi %iota3A, %add3A_274 : vector<16xi32>
      %add3A_276 = arith.constant 16 : i32
      %add3A_277 = vector.broadcast %add3A_276 : i32 to vector<16xi32>
      %add3A_278 = arith.addi %add3A_275, %add3A_277 : vector<16xi32>
      %and3A_279 = arith.constant 63 : i32
      %and3A_280 = vector.broadcast %and3A_279 : i32 to vector<16xi32>
      %and3A_281 = arith.andi %add3A_278, %and3A_280 : vector<16xi32>
      %add3A_282 = arith.constant 0 : i32
      %add3A_283 = vector.broadcast %add3A_282 : i32 to vector<16xi32>
      %add3A_284 = arith.addi %iota3A, %add3A_283 : vector<16xi32>
      %add3A_285 = arith.constant 17 : i32
      %add3A_286 = vector.broadcast %add3A_285 : i32 to vector<16xi32>
      %add3A_287 = arith.addi %add3A_284, %add3A_286 : vector<16xi32>
      %and3A_288 = arith.constant 63 : i32
      %and3A_289 = vector.broadcast %and3A_288 : i32 to vector<16xi32>
      %and3A_290 = arith.andi %add3A_287, %and3A_289 : vector<16xi32>
      %add3A_291 = arith.constant 0 : i32
      %add3A_292 = vector.broadcast %add3A_291 : i32 to vector<16xi32>
      %add3A_293 = arith.addi %iota3A, %add3A_292 : vector<16xi32>
      %add3A_294 = arith.constant 18 : i32
      %add3A_295 = vector.broadcast %add3A_294 : i32 to vector<16xi32>
      %add3A_296 = arith.addi %add3A_293, %add3A_295 : vector<16xi32>
      %and3A_297 = arith.constant 63 : i32
      %and3A_298 = vector.broadcast %and3A_297 : i32 to vector<16xi32>
      %and3A_299 = arith.andi %add3A_296, %and3A_298 : vector<16xi32>
      %add3A_300 = arith.constant 0 : i32
      %add3A_301 = vector.broadcast %add3A_300 : i32 to vector<16xi32>
      %add3A_302 = arith.addi %iota3A, %add3A_301 : vector<16xi32>
      %add3A_303 = arith.constant 19 : i32
      %add3A_304 = vector.broadcast %add3A_303 : i32 to vector<16xi32>
      %add3A_305 = arith.addi %add3A_302, %add3A_304 : vector<16xi32>
      %and3A_306 = arith.constant 63 : i32
      %and3A_307 = vector.broadcast %and3A_306 : i32 to vector<16xi32>
      %and3A_308 = arith.andi %add3A_305, %and3A_307 : vector<16xi32>
      %add3A_309 = arith.constant 0 : i32
      %add3A_310 = vector.broadcast %add3A_309 : i32 to vector<16xi32>
      %add3A_311 = arith.addi %iota3A, %add3A_310 : vector<16xi32>
      %add3A_312 = arith.constant 20 : i32
      %add3A_313 = vector.broadcast %add3A_312 : i32 to vector<16xi32>
      %add3A_314 = arith.addi %add3A_311, %add3A_313 : vector<16xi32>
      %and3A_315 = arith.constant 63 : i32
      %and3A_316 = vector.broadcast %and3A_315 : i32 to vector<16xi32>
      %and3A_317 = arith.andi %add3A_314, %and3A_316 : vector<16xi32>
      %add3A_318 = arith.constant 0 : i32
      %add3A_319 = vector.broadcast %add3A_318 : i32 to vector<16xi32>
      %add3A_320 = arith.addi %iota3A, %add3A_319 : vector<16xi32>
      %add3A_321 = arith.constant 21 : i32
      %add3A_322 = vector.broadcast %add3A_321 : i32 to vector<16xi32>
      %add3A_323 = arith.addi %add3A_320, %add3A_322 : vector<16xi32>
      %and3A_324 = arith.constant 63 : i32
      %and3A_325 = vector.broadcast %and3A_324 : i32 to vector<16xi32>
      %and3A_326 = arith.andi %add3A_323, %and3A_325 : vector<16xi32>
      %add3A_327 = arith.constant 0 : i32
      %add3A_328 = vector.broadcast %add3A_327 : i32 to vector<16xi32>
      %add3A_329 = arith.addi %iota3A, %add3A_328 : vector<16xi32>
      %add3A_330 = arith.constant 22 : i32
      %add3A_331 = vector.broadcast %add3A_330 : i32 to vector<16xi32>
      %add3A_332 = arith.addi %add3A_329, %add3A_331 : vector<16xi32>
      %and3A_333 = arith.constant 63 : i32
      %and3A_334 = vector.broadcast %and3A_333 : i32 to vector<16xi32>
      %and3A_335 = arith.andi %add3A_332, %and3A_334 : vector<16xi32>
      %add3A_336 = arith.constant 0 : i32
      %add3A_337 = vector.broadcast %add3A_336 : i32 to vector<16xi32>
      %add3A_338 = arith.addi %iota3A, %add3A_337 : vector<16xi32>
      %add3A_339 = arith.constant 23 : i32
      %add3A_340 = vector.broadcast %add3A_339 : i32 to vector<16xi32>
      %add3A_341 = arith.addi %add3A_338, %add3A_340 : vector<16xi32>
      %and3A_342 = arith.constant 63 : i32
      %and3A_343 = vector.broadcast %and3A_342 : i32 to vector<16xi32>
      %and3A_344 = arith.andi %add3A_341, %and3A_343 : vector<16xi32>
      %add3A_345 = arith.constant 0 : i32
      %add3A_346 = vector.broadcast %add3A_345 : i32 to vector<16xi32>
      %add3A_347 = arith.addi %iota3A, %add3A_346 : vector<16xi32>
      %add3A_348 = arith.constant 24 : i32
      %add3A_349 = vector.broadcast %add3A_348 : i32 to vector<16xi32>
      %add3A_350 = arith.addi %add3A_347, %add3A_349 : vector<16xi32>
      %and3A_351 = arith.constant 63 : i32
      %and3A_352 = vector.broadcast %and3A_351 : i32 to vector<16xi32>
      %and3A_353 = arith.andi %add3A_350, %and3A_352 : vector<16xi32>
      %add3A_354 = arith.constant 0 : i32
      %add3A_355 = vector.broadcast %add3A_354 : i32 to vector<16xi32>
      %add3A_356 = arith.addi %iota3A, %add3A_355 : vector<16xi32>
      %add3A_357 = arith.constant 25 : i32
      %add3A_358 = vector.broadcast %add3A_357 : i32 to vector<16xi32>
      %add3A_359 = arith.addi %add3A_356, %add3A_358 : vector<16xi32>
      %and3A_360 = arith.constant 63 : i32
      %and3A_361 = vector.broadcast %and3A_360 : i32 to vector<16xi32>
      %and3A_362 = arith.andi %add3A_359, %and3A_361 : vector<16xi32>
      %add3A_363 = arith.constant 0 : i32
      %add3A_364 = vector.broadcast %add3A_363 : i32 to vector<16xi32>
      %add3A_365 = arith.addi %iota3A, %add3A_364 : vector<16xi32>
      %add3A_366 = arith.constant 26 : i32
      %add3A_367 = vector.broadcast %add3A_366 : i32 to vector<16xi32>
      %add3A_368 = arith.addi %add3A_365, %add3A_367 : vector<16xi32>
      %and3A_369 = arith.constant 63 : i32
      %and3A_370 = vector.broadcast %and3A_369 : i32 to vector<16xi32>
      %and3A_371 = arith.andi %add3A_368, %and3A_370 : vector<16xi32>
      %add3A_372 = arith.constant 0 : i32
      %add3A_373 = vector.broadcast %add3A_372 : i32 to vector<16xi32>
      %add3A_374 = arith.addi %iota3A, %add3A_373 : vector<16xi32>
      %add3A_375 = arith.constant 27 : i32
      %add3A_376 = vector.broadcast %add3A_375 : i32 to vector<16xi32>
      %add3A_377 = arith.addi %add3A_374, %add3A_376 : vector<16xi32>
      %and3A_378 = arith.constant 63 : i32
      %and3A_379 = vector.broadcast %and3A_378 : i32 to vector<16xi32>
      %and3A_380 = arith.andi %add3A_377, %and3A_379 : vector<16xi32>
      %add3A_381 = arith.constant 0 : i32
      %add3A_382 = vector.broadcast %add3A_381 : i32 to vector<16xi32>
      %add3A_383 = arith.addi %iota3A, %add3A_382 : vector<16xi32>
      %add3A_384 = arith.constant 28 : i32
      %add3A_385 = vector.broadcast %add3A_384 : i32 to vector<16xi32>
      %add3A_386 = arith.addi %add3A_383, %add3A_385 : vector<16xi32>
      %and3A_387 = arith.constant 63 : i32
      %and3A_388 = vector.broadcast %and3A_387 : i32 to vector<16xi32>
      %and3A_389 = arith.andi %add3A_386, %and3A_388 : vector<16xi32>
      %add3A_390 = arith.constant 0 : i32
      %add3A_391 = vector.broadcast %add3A_390 : i32 to vector<16xi32>
      %add3A_392 = arith.addi %iota3A, %add3A_391 : vector<16xi32>
      %add3A_393 = arith.constant 29 : i32
      %add3A_394 = vector.broadcast %add3A_393 : i32 to vector<16xi32>
      %add3A_395 = arith.addi %add3A_392, %add3A_394 : vector<16xi32>
      %and3A_396 = arith.constant 63 : i32
      %and3A_397 = vector.broadcast %and3A_396 : i32 to vector<16xi32>
      %and3A_398 = arith.andi %add3A_395, %and3A_397 : vector<16xi32>
      %add3A_399 = arith.constant 0 : i32
      %add3A_400 = vector.broadcast %add3A_399 : i32 to vector<16xi32>
      %add3A_401 = arith.addi %iota3A, %add3A_400 : vector<16xi32>
      %add3A_402 = arith.constant 30 : i32
      %add3A_403 = vector.broadcast %add3A_402 : i32 to vector<16xi32>
      %add3A_404 = arith.addi %add3A_401, %add3A_403 : vector<16xi32>
      %and3A_405 = arith.constant 63 : i32
      %and3A_406 = vector.broadcast %and3A_405 : i32 to vector<16xi32>
      %and3A_407 = arith.andi %add3A_404, %and3A_406 : vector<16xi32>
      %add3A_408 = arith.constant 0 : i32
      %add3A_409 = vector.broadcast %add3A_408 : i32 to vector<16xi32>
      %add3A_410 = arith.addi %iota3A, %add3A_409 : vector<16xi32>
      %add3A_411 = arith.constant 31 : i32
      %add3A_412 = vector.broadcast %add3A_411 : i32 to vector<16xi32>
      %add3A_413 = arith.addi %add3A_410, %add3A_412 : vector<16xi32>
      %and3A_414 = arith.constant 63 : i32
      %and3A_415 = vector.broadcast %and3A_414 : i32 to vector<16xi32>
      %and3A_416 = arith.andi %add3A_413, %and3A_415 : vector<16xi32>
      %add3A_417 = arith.addi %shift_right_arithmetic3A_115, %and3A_137 : vector<16xi32>
      %gather3A = tpu.vector_load_idx %arg15[%iota3A, %add3A_417] : memref<16x128xf32, #tpu.memory_space<vmem>>[vector<16xi32>, vector<16xi32>], vector<16xf32>,
      %add3A_418 = arith.addi %shift_right_arithmetic3A_115, %and3A_146 : vector<16xi32>
      %gather3A_419 = tpu.vector_load_idx %arg15[%iota3A, %add3A_418] : memref<16x128xf32, #tpu.memory_space<vmem>>[vector<16xi32>, vector<16xi32>], vector<16xf32>,
      %add3A_420 = arith.addi %shift_right_arithmetic3A_115, %and3A_155 : vector<16xi32>
      %gather3A_421 = tpu.vector_load_idx %arg15[%iota3A, %add3A_420] : memref<16x128xf32, #tpu.memory_space<vmem>>[vector<16xi32>, vector<16xi32>], vector<16xf32>,
      %add3A_422 = arith.addi %shift_right_arithmetic3A_115, %and3A_164 : vector<16xi32>
      %gather3A_423 = tpu.vector_load_idx %arg15[%iota3A, %add3A_422] : memref<16x128xf32, #tpu.memory_space<vmem>>[vector<16xi32>, vector<16xi32>], vector<16xf32>,
      %add3A_424 = arith.addi %shift_right_arithmetic3A_115, %and3A_173 : vector<16xi32>
      %gather3A_425 = tpu.vector_load_idx %arg15[%iota3A, %add3A_424] : memref<16x128xf32, #tpu.memory_space<vmem>>[vector<16xi32>, vector<16xi32>], vector<16xf32>,
      %add3A_426 = arith.addi %shift_right_arithmetic3A_115, %and3A_182 : vector<16xi32>
      %gather3A_427 = tpu.vector_load_idx %arg15[%iota3A, %add3A_426] : memref<16x128xf32, #tpu.memory_space<vmem>>[vector<16xi32>, vector<16xi32>], vector<16xf32>,
      %add3A_428 = arith.addi %shift_right_arithmetic3A_115, %and3A_191 : vector<16xi32>
      %gather3A_429 = tpu.vector_load_idx %arg15[%iota3A, %add3A_428] : memref<16x128xf32, #tpu.memory_space<vmem>>[vector<16xi32>, vector<16xi32>], vector<16xf32>,
      %add3A_430 = arith.addi %shift_right_arithmetic3A_115, %and3A_200 : vector<16xi32>
      %gather3A_431 = tpu.vector_load_idx %arg15[%iota3A, %add3A_430] : memref<16x128xf32, #tpu.memory_space<vmem>>[vector<16xi32>, vector<16xi32>], vector<16xf32>,
      %add3A_432 = arith.addi %shift_right_arithmetic3A_115, %and3A_209 : vector<16xi32>
      %gather3A_433 = tpu.vector_load_idx %arg15[%iota3A, %add3A_432] : memref<16x128xf32, #tpu.memory_space<vmem>>[vector<16xi32>, vector<16xi32>], vector<16xf32>,
      %add3A_434 = arith.addi %shift_right_arithmetic3A_115, %and3A_218 : vector<16xi32>
      %gather3A_435 = tpu.vector_load_idx %arg15[%iota3A, %add3A_434] : memref<16x128xf32, #tpu.memory_space<vmem>>[vector<16xi32>, vector<16xi32>], vector<16xf32>,
      %add3A_436 = arith.addi %shift_right_arithmetic3A_115, %and3A_227 : vector<16xi32>
      %gather3A_437 = tpu.vector_load_idx %arg15[%iota3A, %add3A_436] : memref<16x128xf32, #tpu.memory_space<vmem>>[vector<16xi32>, vector<16xi32>], vector<16xf32>,
      %add3A_438 = arith.addi %shift_right_arithmetic3A_115, %and3A_236 : vector<16xi32>
      %gather3A_439 = tpu.vector_load_idx %arg15[%iota3A, %add3A_438] : memref<16x128xf32, #tpu.memory_space<vmem>>[vector<16xi32>, vector<16xi32>], vector<16xf32>,
      %add3A_440 = arith.addi %shift_right_arithmetic3A_115, %and3A_245 : vector<16xi32>
      %gather3A_441 = tpu.vector_load_idx %arg15[%iota3A, %add3A_440] : memref<16x128xf32, #tpu.memory_space<vmem>>[vector<16xi32>, vector<16xi32>], vector<16xf32>,
      %add3A_442 = arith.addi %shift_right_arithmetic3A_115, %and3A_254 : vector<16xi32>
      %gather3A_443 = tpu.vector_load_idx %arg15[%iota3A, %add3A_442] : memref<16x128xf32, #tpu.memory_space<vmem>>[vector<16xi32>, vector<16xi32>], vector<16xf32>,
      %add3A_444 = arith.addi %shift_right_arithmetic3A_115, %and3A_263 : vector<16xi32>
      %gather3A_445 = tpu.vector_load_idx %arg15[%iota3A, %add3A_444] : memref<16x128xf32, #tpu.memory_space<vmem>>[vector<16xi32>, vector<16xi32>], vector<16xf32>,
      %add3A_446 = arith.addi %shift_right_arithmetic3A_115, %and3A_272 : vector<16xi32>
      %gather3A_447 = tpu.vector_load_idx %arg15[%iota3A, %add3A_446] : memref<16x128xf32, #tpu.memory_space<vmem>>[vector<16xi32>, vector<16xi32>], vector<16xf32>,
      %add3A_448 = arith.addi %shift_right_arithmetic3A_115, %and3A_281 : vector<16xi32>
      %gather3A_449 = tpu.vector_load_idx %arg15[%iota3A, %add3A_448] : memref<16x128xf32, #tpu.memory_space<vmem>>[vector<16xi32>, vector<16xi32>], vector<16xf32>,
      %add3A_450 = arith.addi %shift_right_arithmetic3A_115, %and3A_290 : vector<16xi32>
      %gather3A_451 = tpu.vector_load_idx %arg15[%iota3A, %add3A_450] : memref<16x128xf32, #tpu.memory_space<vmem>>[vector<16xi32>, vector<16xi32>], vector<16xf32>,
      %add3A_452 = arith.addi %shift_right_arithmetic3A_115, %and3A_299 : vector<16xi32>
      %gather3A_453 = tpu.vector_load_idx %arg15[%iota3A, %add3A_452] : memref<16x128xf32, #tpu.memory_space<vmem>>[vector<16xi32>, vector<16xi32>], vector<16xf32>,
      %add3A_454 = arith.addi %shift_right_arithmetic3A_115, %and3A_308 : vector<16xi32>
      %gather3A_455 = tpu.vector_load_idx %arg15[%iota3A, %add3A_454] : memref<16x128xf32, #tpu.memory_space<vmem>>[vector<16xi32>, vector<16xi32>], vector<16xf32>,
      %add3A_456 = arith.addi %shift_right_arithmetic3A_115, %and3A_317 : vector<16xi32>
      %gather3A_457 = tpu.vector_load_idx %arg15[%iota3A, %add3A_456] : memref<16x128xf32, #tpu.memory_space<vmem>>[vector<16xi32>, vector<16xi32>], vector<16xf32>,
      %add3A_458 = arith.addi %shift_right_arithmetic3A_115, %and3A_326 : vector<16xi32>
      %gather3A_459 = tpu.vector_load_idx %arg15[%iota3A, %add3A_458] : memref<16x128xf32, #tpu.memory_space<vmem>>[vector<16xi32>, vector<16xi32>], vector<16xf32>,
      %add3A_460 = arith.addi %shift_right_arithmetic3A_115, %and3A_335 : vector<16xi32>
      %gather3A_461 = tpu.vector_load_idx %arg15[%iota3A, %add3A_460] : memref<16x128xf32, #tpu.memory_space<vmem>>[vector<16xi32>, vector<16xi32>], vector<16xf32>,
      %add3A_462 = arith.addi %shift_right_arithmetic3A_115, %and3A_344 : vector<16xi32>
      %gather3A_463 = tpu.vector_load_idx %arg15[%iota3A, %add3A_462] : memref<16x128xf32, #tpu.memory_space<vmem>>[vector<16xi32>, vector<16xi32>], vector<16xf32>,
      %add3A_464 = arith.addi %shift_right_arithmetic3A_115, %and3A_353 : vector<16xi32>
      %gather3A_465 = tpu.vector_load_idx %arg15[%iota3A, %add3A_464] : memref<16x128xf32, #tpu.memory_space<vmem>>[vector<16xi32>, vector<16xi32>], vector<16xf32>,
      %add3A_466 = arith.addi %shift_right_arithmetic3A_115, %and3A_362 : vector<16xi32>
      %gather3A_467 = tpu.vector_load_idx %arg15[%iota3A, %add3A_466] : memref<16x128xf32, #tpu.memory_space<vmem>>[vector<16xi32>, vector<16xi32>], vector<16xf32>,
      %add3A_468 = arith.addi %shift_right_arithmetic3A_115, %and3A_371 : vector<16xi32>
      %gather3A_469 = tpu.vector_load_idx %arg15[%iota3A, %add3A_468] : memref<16x128xf32, #tpu.memory_space<vmem>>[vector<16xi32>, vector<16xi32>], vector<16xf32>,
      %add3A_470 = arith.addi %shift_right_arithmetic3A_115, %and3A_380 : vector<16xi32>
      %gather3A_471 = tpu.vector_load_idx %arg15[%iota3A, %add3A_470] : memref<16x128xf32, #tpu.memory_space<vmem>>[vector<16xi32>, vector<16xi32>], vector<16xf32>,
      %add3A_472 = arith.addi %shift_right_arithmetic3A_115, %and3A_389 : vector<16xi32>
      %gather3A_473 = tpu.vector_load_idx %arg15[%iota3A, %add3A_472] : memref<16x128xf32, #tpu.memory_space<vmem>>[vector<16xi32>, vector<16xi32>], vector<16xf32>,
      %add3A_474 = arith.addi %shift_right_arithmetic3A_115, %and3A_398 : vector<16xi32>
      %gather3A_475 = tpu.vector_load_idx %arg15[%iota3A, %add3A_474] : memref<16x128xf32, #tpu.memory_space<vmem>>[vector<16xi32>, vector<16xi32>], vector<16xf32>,
      %add3A_476 = arith.addi %shift_right_arithmetic3A_115, %and3A_407 : vector<16xi32>
      %gather3A_477 = tpu.vector_load_idx %arg15[%iota3A, %add3A_476] : memref<16x128xf32, #tpu.memory_space<vmem>>[vector<16xi32>, vector<16xi32>], vector<16xf32>,
      %add3A_478 = arith.addi %shift_right_arithmetic3A_115, %and3A_416 : vector<16xi32>
      %gather3A_479 = tpu.vector_load_idx %arg15[%iota3A, %add3A_478] : memref<16x128xf32, #tpu.memory_space<vmem>>[vector<16xi32>, vector<16xi32>], vector<16xf32>,
      %broadcast_in_dim3A_480 = arith.constant 0.000000e+00 : f32
      %broadcast_in_dim3A_481 = vector.broadcast %broadcast_in_dim3A_480 : f32 to vector<16xf32>
      %broadcast_in_dim3A_482 = arith.constant 0.000000e+00 : f32
      %broadcast_in_dim3A_483 = vector.broadcast %broadcast_in_dim3A_482 : f32 to vector<16xf32>
      %broadcast_in_dim3A_484 = arith.constant 0.000000e+00 : f32
      %broadcast_in_dim3A_485 = vector.broadcast %broadcast_in_dim3A_484 : f32 to vector<16xf32>
      %broadcast_in_dim3A_486 = arith.constant 0.000000e+00 : f32
      %broadcast_in_dim3A_487 = vector.broadcast %broadcast_in_dim3A_486 : f32 to vector<16xf32>
      %add3A_488 = arith.addi %shift_right_arithmetic3A_125, %and3A_137 : vector<16xi32>
      %gather3A_489 = tpu.vector_load_idx %arg17[%iota3A, %add3A_488] : memref<16x128xf32, #tpu.memory_space<vmem>>[vector<16xi32>, vector<16xi32>], vector<16xf32>,
      %mul3A_490 = arith.mulf %gather3A, %gather3A_489 : vector<16xf32>
      %add3A_491 = arith.addf %broadcast_in_dim3A_481, %mul3A_490 : vector<16xf32>
      %add3A_492 = arith.addi %shift_right_arithmetic3A_125, %and3A_146 : vector<16xi32>
      %gather3A_493 = tpu.vector_load_idx %arg17[%iota3A, %add3A_492] : memref<16x128xf32, #tpu.memory_space<vmem>>[vector<16xi32>, vector<16xi32>], vector<16xf32>,
      %mul3A_494 = arith.mulf %gather3A_419, %gather3A_493 : vector<16xf32>
      %add3A_495 = arith.addf %broadcast_in_dim3A_483, %mul3A_494 : vector<16xf32>
      %add3A_496 = arith.addi %shift_right_arithmetic3A_125, %and3A_155 : vector<16xi32>
      %gather3A_497 = tpu.vector_load_idx %arg17[%iota3A, %add3A_496] : memref<16x128xf32, #tpu.memory_space<vmem>>[vector<16xi32>, vector<16xi32>], vector<16xf32>,
      %mul3A_498 = arith.mulf %gather3A_421, %gather3A_497 : vector<16xf32>
      %add3A_499 = arith.addf %broadcast_in_dim3A_485, %mul3A_498 : vector<16xf32>
      %add3A_500 = arith.addi %shift_right_arithmetic3A_125, %and3A_164 : vector<16xi32>
      %gather3A_501 = tpu.vector_load_idx %arg17[%iota3A, %add3A_500] : memref<16x128xf32, #tpu.memory_space<vmem>>[vector<16xi32>, vector<16xi32>], vector<16xf32>,
      %mul3A_502 = arith.mulf %gather3A_423, %gather3A_501 : vector<16xf32>
      %add3A_503 = arith.addf %broadcast_in_dim3A_487, %mul3A_502 : vector<16xf32>
      %add3A_504 = arith.addi %shift_right_arithmetic3A_125, %and3A_173 : vector<16xi32>
      %gather3A_505 = tpu.vector_load_idx %arg17[%iota3A, %add3A_504] : memref<16x128xf32, #tpu.memory_space<vmem>>[vector<16xi32>, vector<16xi32>], vector<16xf32>,
      %mul3A_506 = arith.mulf %gather3A_425, %gather3A_505 : vector<16xf32>
      %add3A_507 = arith.addf %add3A_491, %mul3A_506 : vector<16xf32>
      %add3A_508 = arith.addi %shift_right_arithmetic3A_125, %and3A_182 : vector<16xi32>
      %gather3A_509 = tpu.vector_load_idx %arg17[%iota3A, %add3A_508] : memref<16x128xf32, #tpu.memory_space<vmem>>[vector<16xi32>, vector<16xi32>], vector<16xf32>,
      %mul3A_510 = arith.mulf %gather3A_427, %gather3A_509 : vector<16xf32>
      %add3A_511 = arith.addf %add3A_495, %mul3A_510 : vector<16xf32>
      %add3A_512 = arith.addi %shift_right_arithmetic3A_125, %and3A_191 : vector<16xi32>
      %gather3A_513 = tpu.vector_load_idx %arg17[%iota3A, %add3A_512] : memref<16x128xf32, #tpu.memory_space<vmem>>[vector<16xi32>, vector<16xi32>], vector<16xf32>,
      %mul3A_514 = arith.mulf %gather3A_429, %gather3A_513 : vector<16xf32>
      %add3A_515 = arith.addf %add3A_499, %mul3A_514 : vector<16xf32>
      %add3A_516 = arith.addi %shift_right_arithmetic3A_125, %and3A_200 : vector<16xi32>
      %gather3A_517 = tpu.vector_load_idx %arg17[%iota3A, %add3A_516] : memref<16x128xf32, #tpu.memory_space<vmem>>[vector<16xi32>, vector<16xi32>], vector<16xf32>,
      %mul3A_518 = arith.mulf %gather3A_431, %gather3A_517 : vector<16xf32>
      %add3A_519 = arith.addf %add3A_503, %mul3A_518 : vector<16xf32>
      %add3A_520 = arith.addi %shift_right_arithmetic3A_125, %and3A_209 : vector<16xi32>
      %gather3A_521 = tpu.vector_load_idx %arg17[%iota3A, %add3A_520] : memref<16x128xf32, #tpu.memory_space<vmem>>[vector<16xi32>, vector<16xi32>], vector<16xf32>,
      %mul3A_522 = arith.mulf %gather3A_433, %gather3A_521 : vector<16xf32>
      %add3A_523 = arith.addf %add3A_507, %mul3A_522 : vector<16xf32>
      %add3A_524 = arith.addi %shift_right_arithmetic3A_125, %and3A_218 : vector<16xi32>
      %gather3A_525 = tpu.vector_load_idx %arg17[%iota3A, %add3A_524] : memref<16x128xf32, #tpu.memory_space<vmem>>[vector<16xi32>, vector<16xi32>], vector<16xf32>,
      %mul3A_526 = arith.mulf %gather3A_435, %gather3A_525 : vector<16xf32>
      %add3A_527 = arith.addf %add3A_511, %mul3A_526 : vector<16xf32>
      %add3A_528 = arith.addi %shift_right_arithmetic3A_125, %and3A_227 : vector<16xi32>
      %gather3A_529 = tpu.vector_load_idx %arg17[%iota3A, %add3A_528] : memref<16x128xf32, #tpu.memory_space<vmem>>[vector<16xi32>, vector<16xi32>], vector<16xf32>,
      %mul3A_530 = arith.mulf %gather3A_437, %gather3A_529 : vector<16xf32>
      %add3A_531 = arith.addf %add3A_515, %mul3A_530 : vector<16xf32>
      %add3A_532 = arith.addi %shift_right_arithmetic3A_125, %and3A_236 : vector<16xi32>
      %gather3A_533 = tpu.vector_load_idx %arg17[%iota3A, %add3A_532] : memref<16x128xf32, #tpu.memory_space<vmem>>[vector<16xi32>, vector<16xi32>], vector<16xf32>,
      %mul3A_534 = arith.mulf %gather3A_439, %gather3A_533 : vector<16xf32>
      %add3A_535 = arith.addf %add3A_519, %mul3A_534 : vector<16xf32>
      %add3A_536 = arith.addi %shift_right_arithmetic3A_125, %and3A_245 : vector<16xi32>
      %gather3A_537 = tpu.vector_load_idx %arg17[%iota3A, %add3A_536] : memref<16x128xf32, #tpu.memory_space<vmem>>[vector<16xi32>, vector<16xi32>], vector<16xf32>,
      %mul3A_538 = arith.mulf %gather3A_441, %gather3A_537 : vector<16xf32>
      %add3A_539 = arith.addf %add3A_523, %mul3A_538 : vector<16xf32>
      %add3A_540 = arith.addi %shift_right_arithmetic3A_125, %and3A_254 : vector<16xi32>
      %gather3A_541 = tpu.vector_load_idx %arg17[%iota3A, %add3A_540] : memref<16x128xf32, #tpu.memory_space<vmem>>[vector<16xi32>, vector<16xi32>], vector<16xf32>,
      %mul3A_542 = arith.mulf %gather3A_443, %gather3A_541 : vector<16xf32>
      %add3A_543 = arith.addf %add3A_527, %mul3A_542 : vector<16xf32>
      %add3A_544 = arith.addi %shift_right_arithmetic3A_125, %and3A_263 : vector<16xi32>
      %gather3A_545 = tpu.vector_load_idx %arg17[%iota3A, %add3A_544] : memref<16x128xf32, #tpu.memory_space<vmem>>[vector<16xi32>, vector<16xi32>], vector<16xf32>,
      %mul3A_546 = arith.mulf %gather3A_445, %gather3A_545 : vector<16xf32>
      %add3A_547 = arith.addf %add3A_531, %mul3A_546 : vector<16xf32>
      %add3A_548 = arith.addi %shift_right_arithmetic3A_125, %and3A_272 : vector<16xi32>
      %gather3A_549 = tpu.vector_load_idx %arg17[%iota3A, %add3A_548] : memref<16x128xf32, #tpu.memory_space<vmem>>[vector<16xi32>, vector<16xi32>], vector<16xf32>,
      %mul3A_550 = arith.mulf %gather3A_447, %gather3A_549 : vector<16xf32>
      %add3A_551 = arith.addf %add3A_535, %mul3A_550 : vector<16xf32>
      %add3A_552 = arith.addi %shift_right_arithmetic3A_125, %and3A_281 : vector<16xi32>
      %gather3A_553 = tpu.vector_load_idx %arg17[%iota3A, %add3A_552] : memref<16x128xf32, #tpu.memory_space<vmem>>[vector<16xi32>, vector<16xi32>], vector<16xf32>,
      %mul3A_554 = arith.mulf %gather3A_449, %gather3A_553 : vector<16xf32>
      %add3A_555 = arith.addf %add3A_539, %mul3A_554 : vector<16xf32>
      %add3A_556 = arith.addi %shift_right_arithmetic3A_125, %and3A_290 : vector<16xi32>
      %gather3A_557 = tpu.vector_load_idx %arg17[%iota3A, %add3A_556] : memref<16x128xf32, #tpu.memory_space<vmem>>[vector<16xi32>, vector<16xi32>], vector<16xf32>,
      %mul3A_558 = arith.mulf %gather3A_451, %gather3A_557 : vector<16xf32>
      %add3A_559 = arith.addf %add3A_543, %mul3A_558 : vector<16xf32>
      %add3A_560 = arith.addi %shift_right_arithmetic3A_125, %and3A_299 : vector<16xi32>
      %gather3A_561 = tpu.vector_load_idx %arg17[%iota3A, %add3A_560] : memref<16x128xf32, #tpu.memory_space<vmem>>[vector<16xi32>, vector<16xi32>], vector<16xf32>,
      %mul3A_562 = arith.mulf %gather3A_453, %gather3A_561 : vector<16xf32>
      %add3A_563 = arith.addf %add3A_547, %mul3A_562 : vector<16xf32>
      %add3A_564 = arith.addi %shift_right_arithmetic3A_125, %and3A_308 : vector<16xi32>
      %gather3A_565 = tpu.vector_load_idx %arg17[%iota3A, %add3A_564] : memref<16x128xf32, #tpu.memory_space<vmem>>[vector<16xi32>, vector<16xi32>], vector<16xf32>,
      %mul3A_566 = arith.mulf %gather3A_455, %gather3A_565 : vector<16xf32>
      %add3A_567 = arith.addf %add3A_551, %mul3A_566 : vector<16xf32>
      %add3A_568 = arith.addi %shift_right_arithmetic3A_125, %and3A_317 : vector<16xi32>
      %gather3A_569 = tpu.vector_load_idx %arg17[%iota3A, %add3A_568] : memref<16x128xf32, #tpu.memory_space<vmem>>[vector<16xi32>, vector<16xi32>], vector<16xf32>,
      %mul3A_570 = arith.mulf %gather3A_457, %gather3A_569 : vector<16xf32>
      %add3A_571 = arith.addf %add3A_555, %mul3A_570 : vector<16xf32>
      %add3A_572 = arith.addi %shift_right_arithmetic3A_125, %and3A_326 : vector<16xi32>
      %gather3A_573 = tpu.vector_load_idx %arg17[%iota3A, %add3A_572] : memref<16x128xf32, #tpu.memory_space<vmem>>[vector<16xi32>, vector<16xi32>], vector<16xf32>,
      %mul3A_574 = arith.mulf %gather3A_459, %gather3A_573 : vector<16xf32>
      %add3A_575 = arith.addf %add3A_559, %mul3A_574 : vector<16xf32>
      %add3A_576 = arith.addi %shift_right_arithmetic3A_125, %and3A_335 : vector<16xi32>
      %gather3A_577 = tpu.vector_load_idx %arg17[%iota3A, %add3A_576] : memref<16x128xf32, #tpu.memory_space<vmem>>[vector<16xi32>, vector<16xi32>], vector<16xf32>,
      %mul3A_578 = arith.mulf %gather3A_461, %gather3A_577 : vector<16xf32>
      %add3A_579 = arith.addf %add3A_563, %mul3A_578 : vector<16xf32>
      %add3A_580 = arith.addi %shift_right_arithmetic3A_125, %and3A_344 : vector<16xi32>
      %gather3A_581 = tpu.vector_load_idx %arg17[%iota3A, %add3A_580] : memref<16x128xf32, #tpu.memory_space<vmem>>[vector<16xi32>, vector<16xi32>], vector<16xf32>,
      %mul3A_582 = arith.mulf %gather3A_463, %gather3A_581 : vector<16xf32>
      %add3A_583 = arith.addf %add3A_567, %mul3A_582 : vector<16xf32>
      %add3A_584 = arith.addi %shift_right_arithmetic3A_125, %and3A_353 : vector<16xi32>
      %gather3A_585 = tpu.vector_load_idx %arg17[%iota3A, %add3A_584] : memref<16x128xf32, #tpu.memory_space<vmem>>[vector<16xi32>, vector<16xi32>], vector<16xf32>,
      %mul3A_586 = arith.mulf %gather3A_465, %gather3A_585 : vector<16xf32>
      %add3A_587 = arith.addf %add3A_571, %mul3A_586 : vector<16xf32>
      %add3A_588 = arith.addi %shift_right_arithmetic3A_125, %and3A_362 : vector<16xi32>
      %gather3A_589 = tpu.vector_load_idx %arg17[%iota3A, %add3A_588] : memref<16x128xf32, #tpu.memory_space<vmem>>[vector<16xi32>, vector<16xi32>], vector<16xf32>,
      %mul3A_590 = arith.mulf %gather3A_467, %gather3A_589 : vector<16xf32>
      %add3A_591 = arith.addf %add3A_575, %mul3A_590 : vector<16xf32>
      %add3A_592 = arith.addi %shift_right_arithmetic3A_125, %and3A_371 : vector<16xi32>
      %gather3A_593 = tpu.vector_load_idx %arg17[%iota3A, %add3A_592] : memref<16x128xf32, #tpu.memory_space<vmem>>[vector<16xi32>, vector<16xi32>], vector<16xf32>,
      %mul3A_594 = arith.mulf %gather3A_469, %gather3A_593 : vector<16xf32>
      %add3A_595 = arith.addf %add3A_579, %mul3A_594 : vector<16xf32>
      %add3A_596 = arith.addi %shift_right_arithmetic3A_125, %and3A_380 : vector<16xi32>
      %gather3A_597 = tpu.vector_load_idx %arg17[%iota3A, %add3A_596] : memref<16x128xf32, #tpu.memory_space<vmem>>[vector<16xi32>, vector<16xi32>], vector<16xf32>,
      %mul3A_598 = arith.mulf %gather3A_471, %gather3A_597 : vector<16xf32>
      %add3A_599 = arith.addf %add3A_583, %mul3A_598 : vector<16xf32>
      %add3A_600 = arith.addi %shift_right_arithmetic3A_125, %and3A_389 : vector<16xi32>
      %gather3A_601 = tpu.vector_load_idx %arg17[%iota3A, %add3A_600] : memref<16x128xf32, #tpu.memory_space<vmem>>[vector<16xi32>, vector<16xi32>], vector<16xf32>,
      %mul3A_602 = arith.mulf %gather3A_473, %gather3A_601 : vector<16xf32>
      %add3A_603 = arith.addf %add3A_587, %mul3A_602 : vector<16xf32>
      %add3A_604 = arith.addi %shift_right_arithmetic3A_125, %and3A_398 : vector<16xi32>
      %gather3A_605 = tpu.vector_load_idx %arg17[%iota3A, %add3A_604] : memref<16x128xf32, #tpu.memory_space<vmem>>[vector<16xi32>, vector<16xi32>], vector<16xf32>,
      %mul3A_606 = arith.mulf %gather3A_475, %gather3A_605 : vector<16xf32>
      %add3A_607 = arith.addf %add3A_591, %mul3A_606 : vector<16xf32>
      %add3A_608 = arith.addi %shift_right_arithmetic3A_125, %and3A_407 : vector<16xi32>
      %gather3A_609 = tpu.vector_load_idx %arg17[%iota3A, %add3A_608] : memref<16x128xf32, #tpu.memory_space<vmem>>[vector<16xi32>, vector<16xi32>], vector<16xf32>,
      %mul3A_610 = arith.mulf %gather3A_477, %gather3A_609 : vector<16xf32>
      %add3A_611 = arith.addf %add3A_595, %mul3A_610 : vector<16xf32>
      %add3A_612 = arith.addi %shift_right_arithmetic3A_125, %and3A_416 : vector<16xi32>
      %gather3A_613 = tpu.vector_load_idx %arg17[%iota3A, %add3A_612] : memref<16x128xf32, #tpu.memory_space<vmem>>[vector<16xi32>, vector<16xi32>], vector<16xf32>,
      %mul3A_614 = arith.mulf %gather3A_479, %gather3A_613 : vector<16xf32>
      %add3A_615 = arith.addf %add3A_599, %mul3A_614 : vector<16xf32>
      %add3A_616 = arith.addf %add3A_603, %add3A_607 : vector<16xf32>
      %add3A_617 = arith.addf %broadcast_in_dim3A_126, %add3A_616 : vector<16xf32>
      %add3A_618 = arith.addf %add3A_611, %add3A_615 : vector<16xf32>
      %add3A_619 = arith.addf %add3A_617, %add3A_618 : vector<16xf32>
      %scan3A_620 = arith.constant 0 : i32
      %scan3A_621 = arith.constant 20 : i32
      %scan3A_622 = arith.addi %scan3A_620, %scan3A_621 : i32
      %scan3A_623 = arith.constant 1 : i32
      scf.for %scan3A_2203 = %scan3A_620 to %scan3A_622 step %scan3A_623  : i32 {
        %mul3A_2204 = arith.constant 20 : i32
        %mul3A_2205 = vector.broadcast %mul3A_2204 : i32 to vector<16xi32>
        %mul3A_2206 = arith.muli %iota3A, %mul3A_2205 : vector<16xi32>
        %add3A_2207 = vector.broadcast %scan3A_2203 : i32 to vector<16xi32>
        %add3A_2208 = arith.addi %mul3A_2206, %add3A_2207 : vector<16xi32>
        %mul3A_2209 = arith.constant 16 : i32
        %mul3A_2210 = arith.muli %add3A_67, %mul3A_2209 : i32
        %mul3A_2211 = arith.constant 20 : i32
        %mul3A_2212 = arith.muli %mul3A_2210, %mul3A_2211 : i32
        %add3A_2213 = vector.broadcast %mul3A_2212 : i32 to vector<16xi32>
        %add3A_2214 = arith.addi %add3A_2213, %add3A_2208 : vector<16xi32>
        %gather3A_2215 = tpu.vector_load_idx %arg11[%add3A_2214] : memref<10240xi32, #tpu.memory_space<vmem>>[vector<16xi32>], vector<16xi32>,
        %and3A_2216 = arith.constant 256 : i32
        %and3A_2217 = vector.broadcast %and3A_2216 : i32 to vector<16xi32>
        %and3A_2218 = arith.andi %gather3A_2215, %and3A_2217 : vector<16xi32>
        %shift_right_arithmetic3A_2219 = arith.constant 2 : i32
        %shift_right_arithmetic3A_2220 = vector.broadcast %shift_right_arithmetic3A_2219 : i32 to vector<16xi32>
        %shift_right_arithmetic3A_2221 = arith.shrsi %and3A_2218, %shift_right_arithmetic3A_2220 : vector<16xi32>
        %broadcast_in_dim3A_2222 = arith.constant 0.000000e+00 : f32
        %broadcast_in_dim3A_2223 = vector.broadcast %broadcast_in_dim3A_2222 : f32 to vector<16xf32>
        %broadcast_in_dim3A_2224 = arith.constant 0.000000e+00 : f32
        %broadcast_in_dim3A_2225 = vector.broadcast %broadcast_in_dim3A_2224 : f32 to vector<16xf32>
        %broadcast_in_dim3A_2226 = arith.constant 0.000000e+00 : f32
        %broadcast_in_dim3A_2227 = vector.broadcast %broadcast_in_dim3A_2226 : f32 to vector<16xf32>
        %broadcast_in_dim3A_2228 = arith.constant 0.000000e+00 : f32
        %broadcast_in_dim3A_2229 = vector.broadcast %broadcast_in_dim3A_2228 : f32 to vector<16xf32>
        %add3A_2230 = arith.addi %shift_right_arithmetic3A_2221, %and3A_137 : vector<16xi32>
        %gather3A_2231 = tpu.vector_load_idx %arg19[%add3A_2208, %add3A_2230] : memref<320x128xf32, #tpu.memory_space<vmem>>[vector<16xi32>, vector<16xi32>], vector<16xf32>,
        %mul3A_2232 = arith.mulf %gather3A, %gather3A_2231 : vector<16xf32>
        %add3A_2233 = arith.addf %broadcast_in_dim3A_2223, %mul3A_2232 : vector<16xf32>
        %add3A_2234 = arith.addi %shift_right_arithmetic3A_2221, %and3A_146 : vector<16xi32>
        %gather3A_2235 = tpu.vector_load_idx %arg19[%add3A_2208, %add3A_2234] : memref<320x128xf32, #tpu.memory_space<vmem>>[vector<16xi32>, vector<16xi32>], vector<16xf32>,
        %mul3A_2236 = arith.mulf %gather3A_419, %gather3A_2235 : vector<16xf32>
        %add3A_2237 = arith.addf %broadcast_in_dim3A_2225, %mul3A_2236 : vector<16xf32>
        %add3A_2238 = arith.addi %shift_right_arithmetic3A_2221, %and3A_155 : vector<16xi32>
        %gather3A_2239 = tpu.vector_load_idx %arg19[%add3A_2208, %add3A_2238] : memref<320x128xf32, #tpu.memory_space<vmem>>[vector<16xi32>, vector<16xi32>], vector<16xf32>,
        %mul3A_2240 = arith.mulf %gather3A_421, %gather3A_2239 : vector<16xf32>
        %add3A_2241 = arith.addf %broadcast_in_dim3A_2227, %mul3A_2240 : vector<16xf32>
        %add3A_2242 = arith.addi %shift_right_arithmetic3A_2221, %and3A_164 : vector<16xi32>
        %gather3A_2243 = tpu.vector_load_idx %arg19[%add3A_2208, %add3A_2242] : memref<320x128xf32, #tpu.memory_space<vmem>>[vector<16xi32>, vector<16xi32>], vector<16xf32>,
        %mul3A_2244 = arith.mulf %gather3A_423, %gather3A_2243 : vector<16xf32>
        %add3A_2245 = arith.addf %broadcast_in_dim3A_2229, %mul3A_2244 : vector<16xf32>
        %add3A_2246 = arith.addi %shift_right_arithmetic3A_2221, %and3A_173 : vector<16xi32>
        %gather3A_2247 = tpu.vector_load_idx %arg19[%add3A_2208, %add3A_2246] : memref<320x128xf32, #tpu.memory_space<vmem>>[vector<16xi32>, vector<16xi32>], vector<16xf32>,
        %mul3A_2248 = arith.mulf %gather3A_425, %gather3A_2247 : vector<16xf32>
        %add3A_2249 = arith.addf %add3A_2233, %mul3A_2248 : vector<16xf32>
        %add3A_2250 = arith.addi %shift_right_arithmetic3A_2221, %and3A_182 : vector<16xi32>
        %gather3A_2251 = tpu.vector_load_idx %arg19[%add3A_2208, %add3A_2250] : memref<320x128xf32, #tpu.memory_space<vmem>>[vector<16xi32>, vector<16xi32>], vector<16xf32>,
        %mul3A_2252 = arith.mulf %gather3A_427, %gather3A_2251 : vector<16xf32>
        %add3A_2253 = arith.addf %add3A_2237, %mul3A_2252 : vector<16xf32>
        %add3A_2254 = arith.addi %shift_right_arithmetic3A_2221, %and3A_191 : vector<16xi32>
        %gather3A_2255 = tpu.vector_load_idx %arg19[%add3A_2208, %add3A_2254] : memref<320x128xf32, #tpu.memory_space<vmem>>[vector<16xi32>, vector<16xi32>], vector<16xf32>,
        %mul3A_2256 = arith.mulf %gather3A_429, %gather3A_2255 : vector<16xf32>
        %add3A_2257 = arith.addf %add3A_2241, %mul3A_2256 : vector<16xf32>
        %add3A_2258 = arith.addi %shift_right_arithmetic3A_2221, %and3A_200 : vector<16xi32>
        %gather3A_2259 = tpu.vector_load_idx %arg19[%add3A_2208, %add3A_2258] : memref<320x128xf32, #tpu.memory_space<vmem>>[vector<16xi32>, vector<16xi32>], vector<16xf32>,
        %mul3A_2260 = arith.mulf %gather3A_431, %gather3A_2259 : vector<16xf32>
        %add3A_2261 = arith.addf %add3A_2245, %mul3A_2260 : vector<16xf32>
        %add3A_2262 = arith.addi %shift_right_arithmetic3A_2221, %and3A_209 : vector<16xi32>
        %gather3A_2263 = tpu.vector_load_idx %arg19[%add3A_2208, %add3A_2262] : memref<320x128xf32, #tpu.memory_space<vmem>>[vector<16xi32>, vector<16xi32>], vector<16xf32>,
        %mul3A_2264 = arith.mulf %gather3A_433, %gather3A_2263 : vector<16xf32>
        %add3A_2265 = arith.addf %add3A_2249, %mul3A_2264 : vector<16xf32>
        %add3A_2266 = arith.addi %shift_right_arithmetic3A_2221, %and3A_218 : vector<16xi32>
        %gather3A_2267 = tpu.vector_load_idx %arg19[%add3A_2208, %add3A_2266] : memref<320x128xf32, #tpu.memory_space<vmem>>[vector<16xi32>, vector<16xi32>], vector<16xf32>,
        %mul3A_2268 = arith.mulf %gather3A_435, %gather3A_2267 : vector<16xf32>
        %add3A_2269 = arith.addf %add3A_2253, %mul3A_2268 : vector<16xf32>
        %add3A_2270 = arith.addi %shift_right_arithmetic3A_2221, %and3A_227 : vector<16xi32>
        %gather3A_2271 = tpu.vector_load_idx %arg19[%add3A_2208, %add3A_2270] : memref<320x128xf32, #tpu.memory_space<vmem>>[vector<16xi32>, vector<16xi32>], vector<16xf32>,
        %mul3A_2272 = arith.mulf %gather3A_437, %gather3A_2271 : vector<16xf32>
        %add3A_2273 = arith.addf %add3A_2257, %mul3A_2272 : vector<16xf32>
        %add3A_2274 = arith.addi %shift_right_arithmetic3A_2221, %and3A_236 : vector<16xi32>
        %gather3A_2275 = tpu.vector_load_idx %arg19[%add3A_2208, %add3A_2274] : memref<320x128xf32, #tpu.memory_space<vmem>>[vector<16xi32>, vector<16xi32>], vector<16xf32>,
        %mul3A_2276 = arith.mulf %gather3A_439, %gather3A_2275 : vector<16xf32>
        %add3A_2277 = arith.addf %add3A_2261, %mul3A_2276 : vector<16xf32>
        %add3A_2278 = arith.addi %shift_right_arithmetic3A_2221, %and3A_245 : vector<16xi32>
        %gather3A_2279 = tpu.vector_load_idx %arg19[%add3A_2208, %add3A_2278] : memref<320x128xf32, #tpu.memory_space<vmem>>[vector<16xi32>, vector<16xi32>], vector<16xf32>,
        %mul3A_2280 = arith.mulf %gather3A_441, %gather3A_2279 : vector<16xf32>
        %add3A_2281 = arith.addf %add3A_2265, %mul3A_2280 : vector<16xf32>
        %add3A_2282 = arith.addi %shift_right_arithmetic3A_2221, %and3A_254 : vector<16xi32>
        %gather3A_2283 = tpu.vector_load_idx %arg19[%add3A_2208, %add3A_2282] : memref<320x128xf32, #tpu.memory_space<vmem>>[vector<16xi32>, vector<16xi32>], vector<16xf32>,
        %mul3A_2284 = arith.mulf %gather3A_443, %gather3A_2283 : vector<16xf32>
        %add3A_2285 = arith.addf %add3A_2269, %mul3A_2284 : vector<16xf32>
        %add3A_2286 = arith.addi %shift_right_arithmetic3A_2221, %and3A_263 : vector<16xi32>
        %gather3A_2287 = tpu.vector_load_idx %arg19[%add3A_2208, %add3A_2286] : memref<320x128xf32, #tpu.memory_space<vmem>>[vector<16xi32>, vector<16xi32>], vector<16xf32>,
        %mul3A_2288 = arith.mulf %gather3A_445, %gather3A_2287 : vector<16xf32>
        %add3A_2289 = arith.addf %add3A_2273, %mul3A_2288 : vector<16xf32>
        %add3A_2290 = arith.addi %shift_right_arithmetic3A_2221, %and3A_272 : vector<16xi32>
        %gather3A_2291 = tpu.vector_load_idx %arg19[%add3A_2208, %add3A_2290] : memref<320x128xf32, #tpu.memory_space<vmem>>[vector<16xi32>, vector<16xi32>], vector<16xf32>,
        %mul3A_2292 = arith.mulf %gather3A_447, %gather3A_2291 : vector<16xf32>
        %add3A_2293 = arith.addf %add3A_2277, %mul3A_2292 : vector<16xf32>
        %add3A_2294 = arith.addi %shift_right_arithmetic3A_2221, %and3A_281 : vector<16xi32>
        %gather3A_2295 = tpu.vector_load_idx %arg19[%add3A_2208, %add3A_2294] : memref<320x128xf32, #tpu.memory_space<vmem>>[vector<16xi32>, vector<16xi32>], vector<16xf32>,
        %mul3A_2296 = arith.mulf %gather3A_449, %gather3A_2295 : vector<16xf32>
        %add3A_2297 = arith.addf %add3A_2281, %mul3A_2296 : vector<16xf32>
        %add3A_2298 = arith.addi %shift_right_arithmetic3A_2221, %and3A_290 : vector<16xi32>
        %gather3A_2299 = tpu.vector_load_idx %arg19[%add3A_2208, %add3A_2298] : memref<320x128xf32, #tpu.memory_space<vmem>>[vector<16xi32>, vector<16xi32>], vector<16xf32>,
        %mul3A_2300 = arith.mulf %gather3A_451, %gather3A_2299 : vector<16xf32>
        %add3A_2301 = arith.addf %add3A_2285, %mul3A_2300 : vector<16xf32>
        %add3A_2302 = arith.addi %shift_right_arithmetic3A_2221, %and3A_299 : vector<16xi32>
        %gather3A_2303 = tpu.vector_load_idx %arg19[%add3A_2208, %add3A_2302] : memref<320x128xf32, #tpu.memory_space<vmem>>[vector<16xi32>, vector<16xi32>], vector<16xf32>,
        %mul3A_2304 = arith.mulf %gather3A_453, %gather3A_2303 : vector<16xf32>
        %add3A_2305 = arith.addf %add3A_2289, %mul3A_2304 : vector<16xf32>
        %add3A_2306 = arith.addi %shift_right_arithmetic3A_2221, %and3A_308 : vector<16xi32>
        %gather3A_2307 = tpu.vector_load_idx %arg19[%add3A_2208, %add3A_2306] : memref<320x128xf32, #tpu.memory_space<vmem>>[vector<16xi32>, vector<16xi32>], vector<16xf32>,
        %mul3A_2308 = arith.mulf %gather3A_455, %gather3A_2307 : vector<16xf32>
        %add3A_2309 = arith.addf %add3A_2293, %mul3A_2308 : vector<16xf32>
        %add3A_2310 = arith.addi %shift_right_arithmetic3A_2221, %and3A_317 : vector<16xi32>
        %gather3A_2311 = tpu.vector_load_idx %arg19[%add3A_2208, %add3A_2310] : memref<320x128xf32, #tpu.memory_space<vmem>>[vector<16xi32>, vector<16xi32>], vector<16xf32>,
        %mul3A_2312 = arith.mulf %gather3A_457, %gather3A_2311 : vector<16xf32>
        %add3A_2313 = arith.addf %add3A_2297, %mul3A_2312 : vector<16xf32>
        %add3A_2314 = arith.addi %shift_right_arithmetic3A_2221, %and3A_326 : vector<16xi32>
        %gather3A_2315 = tpu.vector_load_idx %arg19[%add3A_2208, %add3A_2314] : memref<320x128xf32, #tpu.memory_space<vmem>>[vector<16xi32>, vector<16xi32>], vector<16xf32>,
        %mul3A_2316 = arith.mulf %gather3A_459, %gather3A_2315 : vector<16xf32>
        %add3A_2317 = arith.addf %add3A_2301, %mul3A_2316 : vector<16xf32>
        %add3A_2318 = arith.addi %shift_right_arithmetic3A_2221, %and3A_335 : vector<16xi32>
        %gather3A_2319 = tpu.vector_load_idx %arg19[%add3A_2208, %add3A_2318] : memref<320x128xf32, #tpu.memory_space<vmem>>[vector<16xi32>, vector<16xi32>], vector<16xf32>,
        %mul3A_2320 = arith.mulf %gather3A_461, %gather3A_2319 : vector<16xf32>
        %add3A_2321 = arith.addf %add3A_2305, %mul3A_2320 : vector<16xf32>
        %add3A_2322 = arith.addi %shift_right_arithmetic3A_2221, %and3A_344 : vector<16xi32>
        %gather3A_2323 = tpu.vector_load_idx %arg19[%add3A_2208, %add3A_2322] : memref<320x128xf32, #tpu.memory_space<vmem>>[vector<16xi32>, vector<16xi32>], vector<16xf32>,
        %mul3A_2324 = arith.mulf %gather3A_463, %gather3A_2323 : vector<16xf32>
        %add3A_2325 = arith.addf %add3A_2309, %mul3A_2324 : vector<16xf32>
        %add3A_2326 = arith.addi %shift_right_arithmetic3A_2221, %and3A_353 : vector<16xi32>
        %gather3A_2327 = tpu.vector_load_idx %arg19[%add3A_2208, %add3A_2326] : memref<320x128xf32, #tpu.memory_space<vmem>>[vector<16xi32>, vector<16xi32>], vector<16xf32>,
        %mul3A_2328 = arith.mulf %gather3A_465, %gather3A_2327 : vector<16xf32>
        %add3A_2329 = arith.addf %add3A_2313, %mul3A_2328 : vector<16xf32>
        %add3A_2330 = arith.addi %shift_right_arithmetic3A_2221, %and3A_362 : vector<16xi32>
        %gather3A_2331 = tpu.vector_load_idx %arg19[%add3A_2208, %add3A_2330] : memref<320x128xf32, #tpu.memory_space<vmem>>[vector<16xi32>, vector<16xi32>], vector<16xf32>,
        %mul3A_2332 = arith.mulf %gather3A_467, %gather3A_2331 : vector<16xf32>
        %add3A_2333 = arith.addf %add3A_2317, %mul3A_2332 : vector<16xf32>
        %add3A_2334 = arith.addi %shift_right_arithmetic3A_2221, %and3A_371 : vector<16xi32>
        %gather3A_2335 = tpu.vector_load_idx %arg19[%add3A_2208, %add3A_2334] : memref<320x128xf32, #tpu.memory_space<vmem>>[vector<16xi32>, vector<16xi32>], vector<16xf32>,
        %mul3A_2336 = arith.mulf %gather3A_469, %gather3A_2335 : vector<16xf32>
        %add3A_2337 = arith.addf %add3A_2321, %mul3A_2336 : vector<16xf32>
        %add3A_2338 = arith.addi %shift_right_arithmetic3A_2221, %and3A_380 : vector<16xi32>
        %gather3A_2339 = tpu.vector_load_idx %arg19[%add3A_2208, %add3A_2338] : memref<320x128xf32, #tpu.memory_space<vmem>>[vector<16xi32>, vector<16xi32>], vector<16xf32>,
        %mul3A_2340 = arith.mulf %gather3A_471, %gather3A_2339 : vector<16xf32>
        %add3A_2341 = arith.addf %add3A_2325, %mul3A_2340 : vector<16xf32>
        %add3A_2342 = arith.addi %shift_right_arithmetic3A_2221, %and3A_389 : vector<16xi32>
        %gather3A_2343 = tpu.vector_load_idx %arg19[%add3A_2208, %add3A_2342] : memref<320x128xf32, #tpu.memory_space<vmem>>[vector<16xi32>, vector<16xi32>], vector<16xf32>,
        %mul3A_2344 = arith.mulf %gather3A_473, %gather3A_2343 : vector<16xf32>
        %add3A_2345 = arith.addf %add3A_2329, %mul3A_2344 : vector<16xf32>
        %add3A_2346 = arith.addi %shift_right_arithmetic3A_2221, %and3A_398 : vector<16xi32>
        %gather3A_2347 = tpu.vector_load_idx %arg19[%add3A_2208, %add3A_2346] : memref<320x128xf32, #tpu.memory_space<vmem>>[vector<16xi32>, vector<16xi32>], vector<16xf32>,
        %mul3A_2348 = arith.mulf %gather3A_475, %gather3A_2347 : vector<16xf32>
        %add3A_2349 = arith.addf %add3A_2333, %mul3A_2348 : vector<16xf32>
        %add3A_2350 = arith.addi %shift_right_arithmetic3A_2221, %and3A_407 : vector<16xi32>
        %gather3A_2351 = tpu.vector_load_idx %arg19[%add3A_2208, %add3A_2350] : memref<320x128xf32, #tpu.memory_space<vmem>>[vector<16xi32>, vector<16xi32>], vector<16xf32>,
        %mul3A_2352 = arith.mulf %gather3A_477, %gather3A_2351 : vector<16xf32>
        %add3A_2353 = arith.addf %add3A_2337, %mul3A_2352 : vector<16xf32>
        %add3A_2354 = arith.addi %shift_right_arithmetic3A_2221, %and3A_416 : vector<16xi32>
        %gather3A_2355 = tpu.vector_load_idx %arg19[%add3A_2208, %add3A_2354] : memref<320x128xf32, #tpu.memory_space<vmem>>[vector<16xi32>, vector<16xi32>], vector<16xf32>,
        %mul3A_2356 = arith.mulf %gather3A_479, %gather3A_2355 : vector<16xf32>
        %add3A_2357 = arith.addf %add3A_2341, %mul3A_2356 : vector<16xf32>
        %add3A_2358 = arith.addf %add3A_2345, %add3A_2349 : vector<16xf32>
        %add3A_2359 = arith.addf %add3A_2353, %add3A_2357 : vector<16xf32>
        %add3A_2360 = arith.addf %add3A_2358, %add3A_2359 : vector<16xf32>
        %mul3A_2361 = arith.constant 16 : i32
        %mul3A_2362 = arith.muli %scan3A_2203, %mul3A_2361 : i32
        %swap3A_2363 = arith.index_cast %mul3A_2362 : i32 to index
        %swap3A_2364 = tpu.vector_load %arg21[%swap3A_2363] {strides = array<i32>} : memref<320xf32, #tpu.memory_space<vmem>>, vector<16xf32>,
        tpu.vector_store %arg21[%swap3A_2363], %add3A_2360 {strides = array<i32>} : memref<320xf32, #tpu.memory_space<vmem>>, vector<16xf32>,
      }
      %scan3A_624 = arith.constant 20 : i32
      %add3A_625 = arith.constant 32 : i32
      %add3A_626 = vector.broadcast %add3A_625 : i32 to vector<16xi32>
      %add3A_627 = arith.addi %iota3A, %add3A_626 : vector<16xi32>
      %add3A_628 = arith.constant 0 : i32
      %add3A_629 = vector.broadcast %add3A_628 : i32 to vector<16xi32>
      %add3A_630 = arith.addi %add3A_627, %add3A_629 : vector<16xi32>
      %and3A_631 = arith.constant 63 : i32
      %and3A_632 = vector.broadcast %and3A_631 : i32 to vector<16xi32>
      %and3A_633 = arith.andi %add3A_630, %and3A_632 : vector<16xi32>
      %add3A_634 = arith.constant 32 : i32
      %add3A_635 = vector.broadcast %add3A_634 : i32 to vector<16xi32>
      %add3A_636 = arith.addi %iota3A, %add3A_635 : vector<16xi32>
      %add3A_637 = arith.constant 1 : i32
      %add3A_638 = vector.broadcast %add3A_637 : i32 to vector<16xi32>
      %add3A_639 = arith.addi %add3A_636, %add3A_638 : vector<16xi32>
      %and3A_640 = arith.constant 63 : i32
      %and3A_641 = vector.broadcast %and3A_640 : i32 to vector<16xi32>
      %and3A_642 = arith.andi %add3A_639, %and3A_641 : vector<16xi32>
      %add3A_643 = arith.constant 32 : i32
      %add3A_644 = vector.broadcast %add3A_643 : i32 to vector<16xi32>
      %add3A_645 = arith.addi %iota3A, %add3A_644 : vector<16xi32>
      %add3A_646 = arith.constant 2 : i32
      %add3A_647 = vector.broadcast %add3A_646 : i32 to vector<16xi32>
      %add3A_648 = arith.addi %add3A_645, %add3A_647 : vector<16xi32>
      %and3A_649 = arith.constant 63 : i32
      %and3A_650 = vector.broadcast %and3A_649 : i32 to vector<16xi32>
      %and3A_651 = arith.andi %add3A_648, %and3A_650 : vector<16xi32>
      %add3A_652 = arith.constant 32 : i32
      %add3A_653 = vector.broadcast %add3A_652 : i32 to vector<16xi32>
      %add3A_654 = arith.addi %iota3A, %add3A_653 : vector<16xi32>
      %add3A_655 = arith.constant 3 : i32
      %add3A_656 = vector.broadcast %add3A_655 : i32 to vector<16xi32>
      %add3A_657 = arith.addi %add3A_654, %add3A_656 : vector<16xi32>
      %and3A_658 = arith.constant 63 : i32
      %and3A_659 = vector.broadcast %and3A_658 : i32 to vector<16xi32>
      %and3A_660 = arith.andi %add3A_657, %and3A_659 : vector<16xi32>
      %add3A_661 = arith.constant 32 : i32
      %add3A_662 = vector.broadcast %add3A_661 : i32 to vector<16xi32>
      %add3A_663 = arith.addi %iota3A, %add3A_662 : vector<16xi32>
      %add3A_664 = arith.constant 4 : i32
      %add3A_665 = vector.broadcast %add3A_664 : i32 to vector<16xi32>
      %add3A_666 = arith.addi %add3A_663, %add3A_665 : vector<16xi32>
      %and3A_667 = arith.constant 63 : i32
      %and3A_668 = vector.broadcast %and3A_667 : i32 to vector<16xi32>
      %and3A_669 = arith.andi %add3A_666, %and3A_668 : vector<16xi32>
      %add3A_670 = arith.constant 32 : i32
      %add3A_671 = vector.broadcast %add3A_670 : i32 to vector<16xi32>
      %add3A_672 = arith.addi %iota3A, %add3A_671 : vector<16xi32>
      %add3A_673 = arith.constant 5 : i32
      %add3A_674 = vector.broadcast %add3A_673 : i32 to vector<16xi32>
      %add3A_675 = arith.addi %add3A_672, %add3A_674 : vector<16xi32>
      %and3A_676 = arith.constant 63 : i32
      %and3A_677 = vector.broadcast %and3A_676 : i32 to vector<16xi32>
      %and3A_678 = arith.andi %add3A_675, %and3A_677 : vector<16xi32>
      %add3A_679 = arith.constant 32 : i32
      %add3A_680 = vector.broadcast %add3A_679 : i32 to vector<16xi32>
      %add3A_681 = arith.addi %iota3A, %add3A_680 : vector<16xi32>
      %add3A_682 = arith.constant 6 : i32
      %add3A_683 = vector.broadcast %add3A_682 : i32 to vector<16xi32>
      %add3A_684 = arith.addi %add3A_681, %add3A_683 : vector<16xi32>
      %and3A_685 = arith.constant 63 : i32
      %and3A_686 = vector.broadcast %and3A_685 : i32 to vector<16xi32>
      %and3A_687 = arith.andi %add3A_684, %and3A_686 : vector<16xi32>
      %add3A_688 = arith.constant 32 : i32
      %add3A_689 = vector.broadcast %add3A_688 : i32 to vector<16xi32>
      %add3A_690 = arith.addi %iota3A, %add3A_689 : vector<16xi32>
      %add3A_691 = arith.constant 7 : i32
      %add3A_692 = vector.broadcast %add3A_691 : i32 to vector<16xi32>
      %add3A_693 = arith.addi %add3A_690, %add3A_692 : vector<16xi32>
      %and3A_694 = arith.constant 63 : i32
      %and3A_695 = vector.broadcast %and3A_694 : i32 to vector<16xi32>
      %and3A_696 = arith.andi %add3A_693, %and3A_695 : vector<16xi32>
      %add3A_697 = arith.constant 32 : i32
      %add3A_698 = vector.broadcast %add3A_697 : i32 to vector<16xi32>
      %add3A_699 = arith.addi %iota3A, %add3A_698 : vector<16xi32>
      %add3A_700 = arith.constant 8 : i32
      %add3A_701 = vector.broadcast %add3A_700 : i32 to vector<16xi32>
      %add3A_702 = arith.addi %add3A_699, %add3A_701 : vector<16xi32>
      %and3A_703 = arith.constant 63 : i32
      %and3A_704 = vector.broadcast %and3A_703 : i32 to vector<16xi32>
      %and3A_705 = arith.andi %add3A_702, %and3A_704 : vector<16xi32>
      %add3A_706 = arith.constant 32 : i32
      %add3A_707 = vector.broadcast %add3A_706 : i32 to vector<16xi32>
      %add3A_708 = arith.addi %iota3A, %add3A_707 : vector<16xi32>
      %add3A_709 = arith.constant 9 : i32
      %add3A_710 = vector.broadcast %add3A_709 : i32 to vector<16xi32>
      %add3A_711 = arith.addi %add3A_708, %add3A_710 : vector<16xi32>
      %and3A_712 = arith.constant 63 : i32
      %and3A_713 = vector.broadcast %and3A_712 : i32 to vector<16xi32>
      %and3A_714 = arith.andi %add3A_711, %and3A_713 : vector<16xi32>
      %add3A_715 = arith.constant 32 : i32
      %add3A_716 = vector.broadcast %add3A_715 : i32 to vector<16xi32>
      %add3A_717 = arith.addi %iota3A, %add3A_716 : vector<16xi32>
      %add3A_718 = arith.constant 10 : i32
      %add3A_719 = vector.broadcast %add3A_718 : i32 to vector<16xi32>
      %add3A_720 = arith.addi %add3A_717, %add3A_719 : vector<16xi32>
      %and3A_721 = arith.constant 63 : i32
      %and3A_722 = vector.broadcast %and3A_721 : i32 to vector<16xi32>
      %and3A_723 = arith.andi %add3A_720, %and3A_722 : vector<16xi32>
      %add3A_724 = arith.constant 32 : i32
      %add3A_725 = vector.broadcast %add3A_724 : i32 to vector<16xi32>
      %add3A_726 = arith.addi %iota3A, %add3A_725 : vector<16xi32>
      %add3A_727 = arith.constant 11 : i32
      %add3A_728 = vector.broadcast %add3A_727 : i32 to vector<16xi32>
      %add3A_729 = arith.addi %add3A_726, %add3A_728 : vector<16xi32>
      %and3A_730 = arith.constant 63 : i32
      %and3A_731 = vector.broadcast %and3A_730 : i32 to vector<16xi32>
      %and3A_732 = arith.andi %add3A_729, %and3A_731 : vector<16xi32>
      %add3A_733 = arith.constant 32 : i32
      %add3A_734 = vector.broadcast %add3A_733 : i32 to vector<16xi32>
      %add3A_735 = arith.addi %iota3A, %add3A_734 : vector<16xi32>
      %add3A_736 = arith.constant 12 : i32
      %add3A_737 = vector.broadcast %add3A_736 : i32 to vector<16xi32>
      %add3A_738 = arith.addi %add3A_735, %add3A_737 : vector<16xi32>
      %and3A_739 = arith.constant 63 : i32
      %and3A_740 = vector.broadcast %and3A_739 : i32 to vector<16xi32>
      %and3A_741 = arith.andi %add3A_738, %and3A_740 : vector<16xi32>
      %add3A_742 = arith.constant 32 : i32
      %add3A_743 = vector.broadcast %add3A_742 : i32 to vector<16xi32>
      %add3A_744 = arith.addi %iota3A, %add3A_743 : vector<16xi32>
      %add3A_745 = arith.constant 13 : i32
      %add3A_746 = vector.broadcast %add3A_745 : i32 to vector<16xi32>
      %add3A_747 = arith.addi %add3A_744, %add3A_746 : vector<16xi32>
      %and3A_748 = arith.constant 63 : i32
      %and3A_749 = vector.broadcast %and3A_748 : i32 to vector<16xi32>
      %and3A_750 = arith.andi %add3A_747, %and3A_749 : vector<16xi32>
      %add3A_751 = arith.constant 32 : i32
      %add3A_752 = vector.broadcast %add3A_751 : i32 to vector<16xi32>
      %add3A_753 = arith.addi %iota3A, %add3A_752 : vector<16xi32>
      %add3A_754 = arith.constant 14 : i32
      %add3A_755 = vector.broadcast %add3A_754 : i32 to vector<16xi32>
      %add3A_756 = arith.addi %add3A_753, %add3A_755 : vector<16xi32>
      %and3A_757 = arith.constant 63 : i32
      %and3A_758 = vector.broadcast %and3A_757 : i32 to vector<16xi32>
      %and3A_759 = arith.andi %add3A_756, %and3A_758 : vector<16xi32>
      %add3A_760 = arith.constant 32 : i32
      %add3A_761 = vector.broadcast %add3A_760 : i32 to vector<16xi32>
      %add3A_762 = arith.addi %iota3A, %add3A_761 : vector<16xi32>
      %add3A_763 = arith.constant 15 : i32
      %add3A_764 = vector.broadcast %add3A_763 : i32 to vector<16xi32>
      %add3A_765 = arith.addi %add3A_762, %add3A_764 : vector<16xi32>
      %and3A_766 = arith.constant 63 : i32
      %and3A_767 = vector.broadcast %and3A_766 : i32 to vector<16xi32>
      %and3A_768 = arith.andi %add3A_765, %and3A_767 : vector<16xi32>
      %add3A_769 = arith.constant 32 : i32
      %add3A_770 = vector.broadcast %add3A_769 : i32 to vector<16xi32>
      %add3A_771 = arith.addi %iota3A, %add3A_770 : vector<16xi32>
      %add3A_772 = arith.constant 16 : i32
      %add3A_773 = vector.broadcast %add3A_772 : i32 to vector<16xi32>
      %add3A_774 = arith.addi %add3A_771, %add3A_773 : vector<16xi32>
      %and3A_775 = arith.constant 63 : i32
      %and3A_776 = vector.broadcast %and3A_775 : i32 to vector<16xi32>
      %and3A_777 = arith.andi %add3A_774, %and3A_776 : vector<16xi32>
      %add3A_778 = arith.constant 32 : i32
      %add3A_779 = vector.broadcast %add3A_778 : i32 to vector<16xi32>
      %add3A_780 = arith.addi %iota3A, %add3A_779 : vector<16xi32>
      %add3A_781 = arith.constant 17 : i32
      %add3A_782 = vector.broadcast %add3A_781 : i32 to vector<16xi32>
      %add3A_783 = arith.addi %add3A_780, %add3A_782 : vector<16xi32>
      %and3A_784 = arith.constant 63 : i32
      %and3A_785 = vector.broadcast %and3A_784 : i32 to vector<16xi32>
      %and3A_786 = arith.andi %add3A_783, %and3A_785 : vector<16xi32>
      %add3A_787 = arith.constant 32 : i32
      %add3A_788 = vector.broadcast %add3A_787 : i32 to vector<16xi32>
      %add3A_789 = arith.addi %iota3A, %add3A_788 : vector<16xi32>
      %add3A_790 = arith.constant 18 : i32
      %add3A_791 = vector.broadcast %add3A_790 : i32 to vector<16xi32>
      %add3A_792 = arith.addi %add3A_789, %add3A_791 : vector<16xi32>
      %and3A_793 = arith.constant 63 : i32
      %and3A_794 = vector.broadcast %and3A_793 : i32 to vector<16xi32>
      %and3A_795 = arith.andi %add3A_792, %and3A_794 : vector<16xi32>
      %add3A_796 = arith.constant 32 : i32
      %add3A_797 = vector.broadcast %add3A_796 : i32 to vector<16xi32>
      %add3A_798 = arith.addi %iota3A, %add3A_797 : vector<16xi32>
      %add3A_799 = arith.constant 19 : i32
      %add3A_800 = vector.broadcast %add3A_799 : i32 to vector<16xi32>
      %add3A_801 = arith.addi %add3A_798, %add3A_800 : vector<16xi32>
      %and3A_802 = arith.constant 63 : i32
      %and3A_803 = vector.broadcast %and3A_802 : i32 to vector<16xi32>
      %and3A_804 = arith.andi %add3A_801, %and3A_803 : vector<16xi32>
      %add3A_805 = arith.constant 32 : i32
      %add3A_806 = vector.broadcast %add3A_805 : i32 to vector<16xi32>
      %add3A_807 = arith.addi %iota3A, %add3A_806 : vector<16xi32>
      %add3A_808 = arith.constant 20 : i32
      %add3A_809 = vector.broadcast %add3A_808 : i32 to vector<16xi32>
      %add3A_810 = arith.addi %add3A_807, %add3A_809 : vector<16xi32>
      %and3A_811 = arith.constant 63 : i32
      %and3A_812 = vector.broadcast %and3A_811 : i32 to vector<16xi32>
      %and3A_813 = arith.andi %add3A_810, %and3A_812 : vector<16xi32>
      %add3A_814 = arith.constant 32 : i32
      %add3A_815 = vector.broadcast %add3A_814 : i32 to vector<16xi32>
      %add3A_816 = arith.addi %iota3A, %add3A_815 : vector<16xi32>
      %add3A_817 = arith.constant 21 : i32
      %add3A_818 = vector.broadcast %add3A_817 : i32 to vector<16xi32>
      %add3A_819 = arith.addi %add3A_816, %add3A_818 : vector<16xi32>
      %and3A_820 = arith.constant 63 : i32
      %and3A_821 = vector.broadcast %and3A_820 : i32 to vector<16xi32>
      %and3A_822 = arith.andi %add3A_819, %and3A_821 : vector<16xi32>
      %add3A_823 = arith.constant 32 : i32
      %add3A_824 = vector.broadcast %add3A_823 : i32 to vector<16xi32>
      %add3A_825 = arith.addi %iota3A, %add3A_824 : vector<16xi32>
      %add3A_826 = arith.constant 22 : i32
      %add3A_827 = vector.broadcast %add3A_826 : i32 to vector<16xi32>
      %add3A_828 = arith.addi %add3A_825, %add3A_827 : vector<16xi32>
      %and3A_829 = arith.constant 63 : i32
      %and3A_830 = vector.broadcast %and3A_829 : i32 to vector<16xi32>
      %and3A_831 = arith.andi %add3A_828, %and3A_830 : vector<16xi32>
      %add3A_832 = arith.constant 32 : i32
      %add3A_833 = vector.broadcast %add3A_832 : i32 to vector<16xi32>
      %add3A_834 = arith.addi %iota3A, %add3A_833 : vector<16xi32>
      %add3A_835 = arith.constant 23 : i32
      %add3A_836 = vector.broadcast %add3A_835 : i32 to vector<16xi32>
      %add3A_837 = arith.addi %add3A_834, %add3A_836 : vector<16xi32>
      %and3A_838 = arith.constant 63 : i32
      %and3A_839 = vector.broadcast %and3A_838 : i32 to vector<16xi32>
      %and3A_840 = arith.andi %add3A_837, %and3A_839 : vector<16xi32>
      %add3A_841 = arith.constant 32 : i32
      %add3A_842 = vector.broadcast %add3A_841 : i32 to vector<16xi32>
      %add3A_843 = arith.addi %iota3A, %add3A_842 : vector<16xi32>
      %add3A_844 = arith.constant 24 : i32
      %add3A_845 = vector.broadcast %add3A_844 : i32 to vector<16xi32>
      %add3A_846 = arith.addi %add3A_843, %add3A_845 : vector<16xi32>
      %and3A_847 = arith.constant 63 : i32
      %and3A_848 = vector.broadcast %and3A_847 : i32 to vector<16xi32>
      %and3A_849 = arith.andi %add3A_846, %and3A_848 : vector<16xi32>
      %add3A_850 = arith.constant 32 : i32
      %add3A_851 = vector.broadcast %add3A_850 : i32 to vector<16xi32>
      %add3A_852 = arith.addi %iota3A, %add3A_851 : vector<16xi32>
      %add3A_853 = arith.constant 25 : i32
      %add3A_854 = vector.broadcast %add3A_853 : i32 to vector<16xi32>
      %add3A_855 = arith.addi %add3A_852, %add3A_854 : vector<16xi32>
      %and3A_856 = arith.constant 63 : i32
      %and3A_857 = vector.broadcast %and3A_856 : i32 to vector<16xi32>
      %and3A_858 = arith.andi %add3A_855, %and3A_857 : vector<16xi32>
      %add3A_859 = arith.constant 32 : i32
      %add3A_860 = vector.broadcast %add3A_859 : i32 to vector<16xi32>
      %add3A_861 = arith.addi %iota3A, %add3A_860 : vector<16xi32>
      %add3A_862 = arith.constant 26 : i32
      %add3A_863 = vector.broadcast %add3A_862 : i32 to vector<16xi32>
      %add3A_864 = arith.addi %add3A_861, %add3A_863 : vector<16xi32>
      %and3A_865 = arith.constant 63 : i32
      %and3A_866 = vector.broadcast %and3A_865 : i32 to vector<16xi32>
      %and3A_867 = arith.andi %add3A_864, %and3A_866 : vector<16xi32>
      %add3A_868 = arith.constant 32 : i32
      %add3A_869 = vector.broadcast %add3A_868 : i32 to vector<16xi32>
      %add3A_870 = arith.addi %iota3A, %add3A_869 : vector<16xi32>
      %add3A_871 = arith.constant 27 : i32
      %add3A_872 = vector.broadcast %add3A_871 : i32 to vector<16xi32>
      %add3A_873 = arith.addi %add3A_870, %add3A_872 : vector<16xi32>
      %and3A_874 = arith.constant 63 : i32
      %and3A_875 = vector.broadcast %and3A_874 : i32 to vector<16xi32>
      %and3A_876 = arith.andi %add3A_873, %and3A_875 : vector<16xi32>
      %add3A_877 = arith.constant 32 : i32
      %add3A_878 = vector.broadcast %add3A_877 : i32 to vector<16xi32>
      %add3A_879 = arith.addi %iota3A, %add3A_878 : vector<16xi32>
      %add3A_880 = arith.constant 28 : i32
      %add3A_881 = vector.broadcast %add3A_880 : i32 to vector<16xi32>
      %add3A_882 = arith.addi %add3A_879, %add3A_881 : vector<16xi32>
      %and3A_883 = arith.constant 63 : i32
      %and3A_884 = vector.broadcast %and3A_883 : i32 to vector<16xi32>
      %and3A_885 = arith.andi %add3A_882, %and3A_884 : vector<16xi32>
      %add3A_886 = arith.constant 32 : i32
      %add3A_887 = vector.broadcast %add3A_886 : i32 to vector<16xi32>
      %add3A_888 = arith.addi %iota3A, %add3A_887 : vector<16xi32>
      %add3A_889 = arith.constant 29 : i32
      %add3A_890 = vector.broadcast %add3A_889 : i32 to vector<16xi32>
      %add3A_891 = arith.addi %add3A_888, %add3A_890 : vector<16xi32>
      %and3A_892 = arith.constant 63 : i32
      %and3A_893 = vector.broadcast %and3A_892 : i32 to vector<16xi32>
      %and3A_894 = arith.andi %add3A_891, %and3A_893 : vector<16xi32>
      %add3A_895 = arith.constant 32 : i32
      %add3A_896 = vector.broadcast %add3A_895 : i32 to vector<16xi32>
      %add3A_897 = arith.addi %iota3A, %add3A_896 : vector<16xi32>
      %add3A_898 = arith.constant 30 : i32
      %add3A_899 = vector.broadcast %add3A_898 : i32 to vector<16xi32>
      %add3A_900 = arith.addi %add3A_897, %add3A_899 : vector<16xi32>
      %and3A_901 = arith.constant 63 : i32
      %and3A_902 = vector.broadcast %and3A_901 : i32 to vector<16xi32>
      %and3A_903 = arith.andi %add3A_900, %and3A_902 : vector<16xi32>
      %add3A_904 = arith.constant 32 : i32
      %add3A_905 = vector.broadcast %add3A_904 : i32 to vector<16xi32>
      %add3A_906 = arith.addi %iota3A, %add3A_905 : vector<16xi32>
      %add3A_907 = arith.constant 31 : i32
      %add3A_908 = vector.broadcast %add3A_907 : i32 to vector<16xi32>
      %add3A_909 = arith.addi %add3A_906, %add3A_908 : vector<16xi32>
      %and3A_910 = arith.constant 63 : i32
      %and3A_911 = vector.broadcast %and3A_910 : i32 to vector<16xi32>
      %and3A_912 = arith.andi %add3A_909, %and3A_911 : vector<16xi32>
      %add3A_913 = arith.addi %shift_right_arithmetic3A_115, %and3A_633 : vector<16xi32>
      %gather3A_914 = tpu.vector_load_idx %arg15[%iota3A, %add3A_913] : memref<16x128xf32, #tpu.memory_space<vmem>>[vector<16xi32>, vector<16xi32>], vector<16xf32>,
      %add3A_915 = arith.addi %shift_right_arithmetic3A_115, %and3A_642 : vector<16xi32>
      %gather3A_916 = tpu.vector_load_idx %arg15[%iota3A, %add3A_915] : memref<16x128xf32, #tpu.memory_space<vmem>>[vector<16xi32>, vector<16xi32>], vector<16xf32>,
      %add3A_917 = arith.addi %shift_right_arithmetic3A_115, %and3A_651 : vector<16xi32>
      %gather3A_918 = tpu.vector_load_idx %arg15[%iota3A, %add3A_917] : memref<16x128xf32, #tpu.memory_space<vmem>>[vector<16xi32>, vector<16xi32>], vector<16xf32>,
      %add3A_919 = arith.addi %shift_right_arithmetic3A_115, %and3A_660 : vector<16xi32>
      %gather3A_920 = tpu.vector_load_idx %arg15[%iota3A, %add3A_919] : memref<16x128xf32, #tpu.memory_space<vmem>>[vector<16xi32>, vector<16xi32>], vector<16xf32>,
      %add3A_921 = arith.addi %shift_right_arithmetic3A_115, %and3A_669 : vector<16xi32>
      %gather3A_922 = tpu.vector_load_idx %arg15[%iota3A, %add3A_921] : memref<16x128xf32, #tpu.memory_space<vmem>>[vector<16xi32>, vector<16xi32>], vector<16xf32>,
      %add3A_923 = arith.addi %shift_right_arithmetic3A_115, %and3A_678 : vector<16xi32>
      %gather3A_924 = tpu.vector_load_idx %arg15[%iota3A, %add3A_923] : memref<16x128xf32, #tpu.memory_space<vmem>>[vector<16xi32>, vector<16xi32>], vector<16xf32>,
      %add3A_925 = arith.addi %shift_right_arithmetic3A_115, %and3A_687 : vector<16xi32>
      %gather3A_926 = tpu.vector_load_idx %arg15[%iota3A, %add3A_925] : memref<16x128xf32, #tpu.memory_space<vmem>>[vector<16xi32>, vector<16xi32>], vector<16xf32>,
      %add3A_927 = arith.addi %shift_right_arithmetic3A_115, %and3A_696 : vector<16xi32>
      %gather3A_928 = tpu.vector_load_idx %arg15[%iota3A, %add3A_927] : memref<16x128xf32, #tpu.memory_space<vmem>>[vector<16xi32>, vector<16xi32>], vector<16xf32>,
      %add3A_929 = arith.addi %shift_right_arithmetic3A_115, %and3A_705 : vector<16xi32>
      %gather3A_930 = tpu.vector_load_idx %arg15[%iota3A, %add3A_929] : memref<16x128xf32, #tpu.memory_space<vmem>>[vector<16xi32>, vector<16xi32>], vector<16xf32>,
      %add3A_931 = arith.addi %shift_right_arithmetic3A_115, %and3A_714 : vector<16xi32>
      %gather3A_932 = tpu.vector_load_idx %arg15[%iota3A, %add3A_931] : memref<16x128xf32, #tpu.memory_space<vmem>>[vector<16xi32>, vector<16xi32>], vector<16xf32>,
      %add3A_933 = arith.addi %shift_right_arithmetic3A_115, %and3A_723 : vector<16xi32>
      %gather3A_934 = tpu.vector_load_idx %arg15[%iota3A, %add3A_933] : memref<16x128xf32, #tpu.memory_space<vmem>>[vector<16xi32>, vector<16xi32>], vector<16xf32>,
      %add3A_935 = arith.addi %shift_right_arithmetic3A_115, %and3A_732 : vector<16xi32>
      %gather3A_936 = tpu.vector_load_idx %arg15[%iota3A, %add3A_935] : memref<16x128xf32, #tpu.memory_space<vmem>>[vector<16xi32>, vector<16xi32>], vector<16xf32>,
      %add3A_937 = arith.addi %shift_right_arithmetic3A_115, %and3A_741 : vector<16xi32>
      %gather3A_938 = tpu.vector_load_idx %arg15[%iota3A, %add3A_937] : memref<16x128xf32, #tpu.memory_space<vmem>>[vector<16xi32>, vector<16xi32>], vector<16xf32>,
      %add3A_939 = arith.addi %shift_right_arithmetic3A_115, %and3A_750 : vector<16xi32>
      %gather3A_940 = tpu.vector_load_idx %arg15[%iota3A, %add3A_939] : memref<16x128xf32, #tpu.memory_space<vmem>>[vector<16xi32>, vector<16xi32>], vector<16xf32>,
      %add3A_941 = arith.addi %shift_right_arithmetic3A_115, %and3A_759 : vector<16xi32>
      %gather3A_942 = tpu.vector_load_idx %arg15[%iota3A, %add3A_941] : memref<16x128xf32, #tpu.memory_space<vmem>>[vector<16xi32>, vector<16xi32>], vector<16xf32>,
      %add3A_943 = arith.addi %shift_right_arithmetic3A_115, %and3A_768 : vector<16xi32>
      %gather3A_944 = tpu.vector_load_idx %arg15[%iota3A, %add3A_943] : memref<16x128xf32, #tpu.memory_space<vmem>>[vector<16xi32>, vector<16xi32>], vector<16xf32>,
      %add3A_945 = arith.addi %shift_right_arithmetic3A_115, %and3A_777 : vector<16xi32>
      %gather3A_946 = tpu.vector_load_idx %arg15[%iota3A, %add3A_945] : memref<16x128xf32, #tpu.memory_space<vmem>>[vector<16xi32>, vector<16xi32>], vector<16xf32>,
      %add3A_947 = arith.addi %shift_right_arithmetic3A_115, %and3A_786 : vector<16xi32>
      %gather3A_948 = tpu.vector_load_idx %arg15[%iota3A, %add3A_947] : memref<16x128xf32, #tpu.memory_space<vmem>>[vector<16xi32>, vector<16xi32>], vector<16xf32>,
      %add3A_949 = arith.addi %shift_right_arithmetic3A_115, %and3A_795 : vector<16xi32>
      %gather3A_950 = tpu.vector_load_idx %arg15[%iota3A, %add3A_949] : memref<16x128xf32, #tpu.memory_space<vmem>>[vector<16xi32>, vector<16xi32>], vector<16xf32>,
      %add3A_951 = arith.addi %shift_right_arithmetic3A_115, %and3A_804 : vector<16xi32>
      %gather3A_952 = tpu.vector_load_idx %arg15[%iota3A, %add3A_951] : memref<16x128xf32, #tpu.memory_space<vmem>>[vector<16xi32>, vector<16xi32>], vector<16xf32>,
      %add3A_953 = arith.addi %shift_right_arithmetic3A_115, %and3A_813 : vector<16xi32>
      %gather3A_954 = tpu.vector_load_idx %arg15[%iota3A, %add3A_953] : memref<16x128xf32, #tpu.memory_space<vmem>>[vector<16xi32>, vector<16xi32>], vector<16xf32>,
      %add3A_955 = arith.addi %shift_right_arithmetic3A_115, %and3A_822 : vector<16xi32>
      %gather3A_956 = tpu.vector_load_idx %arg15[%iota3A, %add3A_955] : memref<16x128xf32, #tpu.memory_space<vmem>>[vector<16xi32>, vector<16xi32>], vector<16xf32>,
      %add3A_957 = arith.addi %shift_right_arithmetic3A_115, %and3A_831 : vector<16xi32>
      %gather3A_958 = tpu.vector_load_idx %arg15[%iota3A, %add3A_957] : memref<16x128xf32, #tpu.memory_space<vmem>>[vector<16xi32>, vector<16xi32>], vector<16xf32>,
      %add3A_959 = arith.addi %shift_right_arithmetic3A_115, %and3A_840 : vector<16xi32>
      %gather3A_960 = tpu.vector_load_idx %arg15[%iota3A, %add3A_959] : memref<16x128xf32, #tpu.memory_space<vmem>>[vector<16xi32>, vector<16xi32>], vector<16xf32>,
      %add3A_961 = arith.addi %shift_right_arithmetic3A_115, %and3A_849 : vector<16xi32>
      %gather3A_962 = tpu.vector_load_idx %arg15[%iota3A, %add3A_961] : memref<16x128xf32, #tpu.memory_space<vmem>>[vector<16xi32>, vector<16xi32>], vector<16xf32>,
      %add3A_963 = arith.addi %shift_right_arithmetic3A_115, %and3A_858 : vector<16xi32>
      %gather3A_964 = tpu.vector_load_idx %arg15[%iota3A, %add3A_963] : memref<16x128xf32, #tpu.memory_space<vmem>>[vector<16xi32>, vector<16xi32>], vector<16xf32>,
      %add3A_965 = arith.addi %shift_right_arithmetic3A_115, %and3A_867 : vector<16xi32>
      %gather3A_966 = tpu.vector_load_idx %arg15[%iota3A, %add3A_965] : memref<16x128xf32, #tpu.memory_space<vmem>>[vector<16xi32>, vector<16xi32>], vector<16xf32>,
      %add3A_967 = arith.addi %shift_right_arithmetic3A_115, %and3A_876 : vector<16xi32>
      %gather3A_968 = tpu.vector_load_idx %arg15[%iota3A, %add3A_967] : memref<16x128xf32, #tpu.memory_space<vmem>>[vector<16xi32>, vector<16xi32>], vector<16xf32>,
      %add3A_969 = arith.addi %shift_right_arithmetic3A_115, %and3A_885 : vector<16xi32>
      %gather3A_970 = tpu.vector_load_idx %arg15[%iota3A, %add3A_969] : memref<16x128xf32, #tpu.memory_space<vmem>>[vector<16xi32>, vector<16xi32>], vector<16xf32>,
      %add3A_971 = arith.addi %shift_right_arithmetic3A_115, %and3A_894 : vector<16xi32>
      %gather3A_972 = tpu.vector_load_idx %arg15[%iota3A, %add3A_971] : memref<16x128xf32, #tpu.memory_space<vmem>>[vector<16xi32>, vector<16xi32>], vector<16xf32>,
      %add3A_973 = arith.addi %shift_right_arithmetic3A_115, %and3A_903 : vector<16xi32>
      %gather3A_974 = tpu.vector_load_idx %arg15[%iota3A, %add3A_973] : memref<16x128xf32, #tpu.memory_space<vmem>>[vector<16xi32>, vector<16xi32>], vector<16xf32>,
      %add3A_975 = arith.addi %shift_right_arithmetic3A_115, %and3A_912 : vector<16xi32>
      %gather3A_976 = tpu.vector_load_idx %arg15[%iota3A, %add3A_975] : memref<16x128xf32, #tpu.memory_space<vmem>>[vector<16xi32>, vector<16xi32>], vector<16xf32>,
      %broadcast_in_dim3A_977 = arith.constant 0.000000e+00 : f32
      %broadcast_in_dim3A_978 = vector.broadcast %broadcast_in_dim3A_977 : f32 to vector<16xf32>
      %broadcast_in_dim3A_979 = arith.constant 0.000000e+00 : f32
      %broadcast_in_dim3A_980 = vector.broadcast %broadcast_in_dim3A_979 : f32 to vector<16xf32>
      %broadcast_in_dim3A_981 = arith.constant 0.000000e+00 : f32
      %broadcast_in_dim3A_982 = vector.broadcast %broadcast_in_dim3A_981 : f32 to vector<16xf32>
      %broadcast_in_dim3A_983 = arith.constant 0.000000e+00 : f32
      %broadcast_in_dim3A_984 = vector.broadcast %broadcast_in_dim3A_983 : f32 to vector<16xf32>
      %add3A_985 = arith.addi %shift_right_arithmetic3A_125, %and3A_633 : vector<16xi32>
      %gather3A_986 = tpu.vector_load_idx %arg17[%iota3A, %add3A_985] : memref<16x128xf32, #tpu.memory_space<vmem>>[vector<16xi32>, vector<16xi32>], vector<16xf32>,
      %mul3A_987 = arith.mulf %gather3A_914, %gather3A_986 : vector<16xf32>
      %add3A_988 = arith.addf %broadcast_in_dim3A_978, %mul3A_987 : vector<16xf32>
      %add3A_989 = arith.addi %shift_right_arithmetic3A_125, %and3A_642 : vector<16xi32>
      %gather3A_990 = tpu.vector_load_idx %arg17[%iota3A, %add3A_989] : memref<16x128xf32, #tpu.memory_space<vmem>>[vector<16xi32>, vector<16xi32>], vector<16xf32>,
      %mul3A_991 = arith.mulf %gather3A_916, %gather3A_990 : vector<16xf32>
      %add3A_992 = arith.addf %broadcast_in_dim3A_980, %mul3A_991 : vector<16xf32>
      %add3A_993 = arith.addi %shift_right_arithmetic3A_125, %and3A_651 : vector<16xi32>
      %gather3A_994 = tpu.vector_load_idx %arg17[%iota3A, %add3A_993] : memref<16x128xf32, #tpu.memory_space<vmem>>[vector<16xi32>, vector<16xi32>], vector<16xf32>,
      %mul3A_995 = arith.mulf %gather3A_918, %gather3A_994 : vector<16xf32>
      %add3A_996 = arith.addf %broadcast_in_dim3A_982, %mul3A_995 : vector<16xf32>
      %add3A_997 = arith.addi %shift_right_arithmetic3A_125, %and3A_660 : vector<16xi32>
      %gather3A_998 = tpu.vector_load_idx %arg17[%iota3A, %add3A_997] : memref<16x128xf32, #tpu.memory_space<vmem>>[vector<16xi32>, vector<16xi32>], vector<16xf32>,
      %mul3A_999 = arith.mulf %gather3A_920, %gather3A_998 : vector<16xf32>
      %add3A_1000 = arith.addf %broadcast_in_dim3A_984, %mul3A_999 : vector<16xf32>
      %add3A_1001 = arith.addi %shift_right_arithmetic3A_125, %and3A_669 : vector<16xi32>
      %gather3A_1002 = tpu.vector_load_idx %arg17[%iota3A, %add3A_1001] : memref<16x128xf32, #tpu.memory_space<vmem>>[vector<16xi32>, vector<16xi32>], vector<16xf32>,
      %mul3A_1003 = arith.mulf %gather3A_922, %gather3A_1002 : vector<16xf32>
      %add3A_1004 = arith.addf %add3A_988, %mul3A_1003 : vector<16xf32>
      %add3A_1005 = arith.addi %shift_right_arithmetic3A_125, %and3A_678 : vector<16xi32>
      %gather3A_1006 = tpu.vector_load_idx %arg17[%iota3A, %add3A_1005] : memref<16x128xf32, #tpu.memory_space<vmem>>[vector<16xi32>, vector<16xi32>], vector<16xf32>,
      %mul3A_1007 = arith.mulf %gather3A_924, %gather3A_1006 : vector<16xf32>
      %add3A_1008 = arith.addf %add3A_992, %mul3A_1007 : vector<16xf32>
      %add3A_1009 = arith.addi %shift_right_arithmetic3A_125, %and3A_687 : vector<16xi32>
      %gather3A_1010 = tpu.vector_load_idx %arg17[%iota3A, %add3A_1009] : memref<16x128xf32, #tpu.memory_space<vmem>>[vector<16xi32>, vector<16xi32>], vector<16xf32>,
      %mul3A_1011 = arith.mulf %gather3A_926, %gather3A_1010 : vector<16xf32>
      %add3A_1012 = arith.addf %add3A_996, %mul3A_1011 : vector<16xf32>
      %add3A_1013 = arith.addi %shift_right_arithmetic3A_125, %and3A_696 : vector<16xi32>
      %gather3A_1014 = tpu.vector_load_idx %arg17[%iota3A, %add3A_1013] : memref<16x128xf32, #tpu.memory_space<vmem>>[vector<16xi32>, vector<16xi32>], vector<16xf32>,
      %mul3A_1015 = arith.mulf %gather3A_928, %gather3A_1014 : vector<16xf32>
      %add3A_1016 = arith.addf %add3A_1000, %mul3A_1015 : vector<16xf32>
      %add3A_1017 = arith.addi %shift_right_arithmetic3A_125, %and3A_705 : vector<16xi32>
      %gather3A_1018 = tpu.vector_load_idx %arg17[%iota3A, %add3A_1017] : memref<16x128xf32, #tpu.memory_space<vmem>>[vector<16xi32>, vector<16xi32>], vector<16xf32>,
      %mul3A_1019 = arith.mulf %gather3A_930, %gather3A_1018 : vector<16xf32>
      %add3A_1020 = arith.addf %add3A_1004, %mul3A_1019 : vector<16xf32>
      %add3A_1021 = arith.addi %shift_right_arithmetic3A_125, %and3A_714 : vector<16xi32>
      %gather3A_1022 = tpu.vector_load_idx %arg17[%iota3A, %add3A_1021] : memref<16x128xf32, #tpu.memory_space<vmem>>[vector<16xi32>, vector<16xi32>], vector<16xf32>,
      %mul3A_1023 = arith.mulf %gather3A_932, %gather3A_1022 : vector<16xf32>
      %add3A_1024 = arith.addf %add3A_1008, %mul3A_1023 : vector<16xf32>
      %add3A_1025 = arith.addi %shift_right_arithmetic3A_125, %and3A_723 : vector<16xi32>
      %gather3A_1026 = tpu.vector_load_idx %arg17[%iota3A, %add3A_1025] : memref<16x128xf32, #tpu.memory_space<vmem>>[vector<16xi32>, vector<16xi32>], vector<16xf32>,
      %mul3A_1027 = arith.mulf %gather3A_934, %gather3A_1026 : vector<16xf32>
      %add3A_1028 = arith.addf %add3A_1012, %mul3A_1027 : vector<16xf32>
      %add3A_1029 = arith.addi %shift_right_arithmetic3A_125, %and3A_732 : vector<16xi32>
      %gather3A_1030 = tpu.vector_load_idx %arg17[%iota3A, %add3A_1029] : memref<16x128xf32, #tpu.memory_space<vmem>>[vector<16xi32>, vector<16xi32>], vector<16xf32>,
      %mul3A_1031 = arith.mulf %gather3A_936, %gather3A_1030 : vector<16xf32>
      %add3A_1032 = arith.addf %add3A_1016, %mul3A_1031 : vector<16xf32>
      %add3A_1033 = arith.addi %shift_right_arithmetic3A_125, %and3A_741 : vector<16xi32>
      %gather3A_1034 = tpu.vector_load_idx %arg17[%iota3A, %add3A_1033] : memref<16x128xf32, #tpu.memory_space<vmem>>[vector<16xi32>, vector<16xi32>], vector<16xf32>,
      %mul3A_1035 = arith.mulf %gather3A_938, %gather3A_1034 : vector<16xf32>
      %add3A_1036 = arith.addf %add3A_1020, %mul3A_1035 : vector<16xf32>
      %add3A_1037 = arith.addi %shift_right_arithmetic3A_125, %and3A_750 : vector<16xi32>
      %gather3A_1038 = tpu.vector_load_idx %arg17[%iota3A, %add3A_1037] : memref<16x128xf32, #tpu.memory_space<vmem>>[vector<16xi32>, vector<16xi32>], vector<16xf32>,
      %mul3A_1039 = arith.mulf %gather3A_940, %gather3A_1038 : vector<16xf32>
      %add3A_1040 = arith.addf %add3A_1024, %mul3A_1039 : vector<16xf32>
      %add3A_1041 = arith.addi %shift_right_arithmetic3A_125, %and3A_759 : vector<16xi32>
      %gather3A_1042 = tpu.vector_load_idx %arg17[%iota3A, %add3A_1041] : memref<16x128xf32, #tpu.memory_space<vmem>>[vector<16xi32>, vector<16xi32>], vector<16xf32>,
      %mul3A_1043 = arith.mulf %gather3A_942, %gather3A_1042 : vector<16xf32>
      %add3A_1044 = arith.addf %add3A_1028, %mul3A_1043 : vector<16xf32>
      %add3A_1045 = arith.addi %shift_right_arithmetic3A_125, %and3A_768 : vector<16xi32>
      %gather3A_1046 = tpu.vector_load_idx %arg17[%iota3A, %add3A_1045] : memref<16x128xf32, #tpu.memory_space<vmem>>[vector<16xi32>, vector<16xi32>], vector<16xf32>,
      %mul3A_1047 = arith.mulf %gather3A_944, %gather3A_1046 : vector<16xf32>
      %add3A_1048 = arith.addf %add3A_1032, %mul3A_1047 : vector<16xf32>
      %add3A_1049 = arith.addi %shift_right_arithmetic3A_125, %and3A_777 : vector<16xi32>
      %gather3A_1050 = tpu.vector_load_idx %arg17[%iota3A, %add3A_1049] : memref<16x128xf32, #tpu.memory_space<vmem>>[vector<16xi32>, vector<16xi32>], vector<16xf32>,
      %mul3A_1051 = arith.mulf %gather3A_946, %gather3A_1050 : vector<16xf32>
      %add3A_1052 = arith.addf %add3A_1036, %mul3A_1051 : vector<16xf32>
      %add3A_1053 = arith.addi %shift_right_arithmetic3A_125, %and3A_786 : vector<16xi32>
      %gather3A_1054 = tpu.vector_load_idx %arg17[%iota3A, %add3A_1053] : memref<16x128xf32, #tpu.memory_space<vmem>>[vector<16xi32>, vector<16xi32>], vector<16xf32>,
      %mul3A_1055 = arith.mulf %gather3A_948, %gather3A_1054 : vector<16xf32>
      %add3A_1056 = arith.addf %add3A_1040, %mul3A_1055 : vector<16xf32>
      %add3A_1057 = arith.addi %shift_right_arithmetic3A_125, %and3A_795 : vector<16xi32>
      %gather3A_1058 = tpu.vector_load_idx %arg17[%iota3A, %add3A_1057] : memref<16x128xf32, #tpu.memory_space<vmem>>[vector<16xi32>, vector<16xi32>], vector<16xf32>,
      %mul3A_1059 = arith.mulf %gather3A_950, %gather3A_1058 : vector<16xf32>
      %add3A_1060 = arith.addf %add3A_1044, %mul3A_1059 : vector<16xf32>
      %add3A_1061 = arith.addi %shift_right_arithmetic3A_125, %and3A_804 : vector<16xi32>
      %gather3A_1062 = tpu.vector_load_idx %arg17[%iota3A, %add3A_1061] : memref<16x128xf32, #tpu.memory_space<vmem>>[vector<16xi32>, vector<16xi32>], vector<16xf32>,
      %mul3A_1063 = arith.mulf %gather3A_952, %gather3A_1062 : vector<16xf32>
      %add3A_1064 = arith.addf %add3A_1048, %mul3A_1063 : vector<16xf32>
      %add3A_1065 = arith.addi %shift_right_arithmetic3A_125, %and3A_813 : vector<16xi32>
      %gather3A_1066 = tpu.vector_load_idx %arg17[%iota3A, %add3A_1065] : memref<16x128xf32, #tpu.memory_space<vmem>>[vector<16xi32>, vector<16xi32>], vector<16xf32>,
      %mul3A_1067 = arith.mulf %gather3A_954, %gather3A_1066 : vector<16xf32>
      %add3A_1068 = arith.addf %add3A_1052, %mul3A_1067 : vector<16xf32>
      %add3A_1069 = arith.addi %shift_right_arithmetic3A_125, %and3A_822 : vector<16xi32>
      %gather3A_1070 = tpu.vector_load_idx %arg17[%iota3A, %add3A_1069] : memref<16x128xf32, #tpu.memory_space<vmem>>[vector<16xi32>, vector<16xi32>], vector<16xf32>,
      %mul3A_1071 = arith.mulf %gather3A_956, %gather3A_1070 : vector<16xf32>
      %add3A_1072 = arith.addf %add3A_1056, %mul3A_1071 : vector<16xf32>
      %add3A_1073 = arith.addi %shift_right_arithmetic3A_125, %and3A_831 : vector<16xi32>
      %gather3A_1074 = tpu.vector_load_idx %arg17[%iota3A, %add3A_1073] : memref<16x128xf32, #tpu.memory_space<vmem>>[vector<16xi32>, vector<16xi32>], vector<16xf32>,
      %mul3A_1075 = arith.mulf %gather3A_958, %gather3A_1074 : vector<16xf32>
      %add3A_1076 = arith.addf %add3A_1060, %mul3A_1075 : vector<16xf32>
      %add3A_1077 = arith.addi %shift_right_arithmetic3A_125, %and3A_840 : vector<16xi32>
      %gather3A_1078 = tpu.vector_load_idx %arg17[%iota3A, %add3A_1077] : memref<16x128xf32, #tpu.memory_space<vmem>>[vector<16xi32>, vector<16xi32>], vector<16xf32>,
      %mul3A_1079 = arith.mulf %gather3A_960, %gather3A_1078 : vector<16xf32>
      %add3A_1080 = arith.addf %add3A_1064, %mul3A_1079 : vector<16xf32>
      %add3A_1081 = arith.addi %shift_right_arithmetic3A_125, %and3A_849 : vector<16xi32>
      %gather3A_1082 = tpu.vector_load_idx %arg17[%iota3A, %add3A_1081] : memref<16x128xf32, #tpu.memory_space<vmem>>[vector<16xi32>, vector<16xi32>], vector<16xf32>,
      %mul3A_1083 = arith.mulf %gather3A_962, %gather3A_1082 : vector<16xf32>
      %add3A_1084 = arith.addf %add3A_1068, %mul3A_1083 : vector<16xf32>
      %add3A_1085 = arith.addi %shift_right_arithmetic3A_125, %and3A_858 : vector<16xi32>
      %gather3A_1086 = tpu.vector_load_idx %arg17[%iota3A, %add3A_1085] : memref<16x128xf32, #tpu.memory_space<vmem>>[vector<16xi32>, vector<16xi32>], vector<16xf32>,
      %mul3A_1087 = arith.mulf %gather3A_964, %gather3A_1086 : vector<16xf32>
      %add3A_1088 = arith.addf %add3A_1072, %mul3A_1087 : vector<16xf32>
      %add3A_1089 = arith.addi %shift_right_arithmetic3A_125, %and3A_867 : vector<16xi32>
      %gather3A_1090 = tpu.vector_load_idx %arg17[%iota3A, %add3A_1089] : memref<16x128xf32, #tpu.memory_space<vmem>>[vector<16xi32>, vector<16xi32>], vector<16xf32>,
      %mul3A_1091 = arith.mulf %gather3A_966, %gather3A_1090 : vector<16xf32>
      %add3A_1092 = arith.addf %add3A_1076, %mul3A_1091 : vector<16xf32>
      %add3A_1093 = arith.addi %shift_right_arithmetic3A_125, %and3A_876 : vector<16xi32>
      %gather3A_1094 = tpu.vector_load_idx %arg17[%iota3A, %add3A_1093] : memref<16x128xf32, #tpu.memory_space<vmem>>[vector<16xi32>, vector<16xi32>], vector<16xf32>,
      %mul3A_1095 = arith.mulf %gather3A_968, %gather3A_1094 : vector<16xf32>
      %add3A_1096 = arith.addf %add3A_1080, %mul3A_1095 : vector<16xf32>
      %add3A_1097 = arith.addi %shift_right_arithmetic3A_125, %and3A_885 : vector<16xi32>
      %gather3A_1098 = tpu.vector_load_idx %arg17[%iota3A, %add3A_1097] : memref<16x128xf32, #tpu.memory_space<vmem>>[vector<16xi32>, vector<16xi32>], vector<16xf32>,
      %mul3A_1099 = arith.mulf %gather3A_970, %gather3A_1098 : vector<16xf32>
      %add3A_1100 = arith.addf %add3A_1084, %mul3A_1099 : vector<16xf32>
      %add3A_1101 = arith.addi %shift_right_arithmetic3A_125, %and3A_894 : vector<16xi32>
      %gather3A_1102 = tpu.vector_load_idx %arg17[%iota3A, %add3A_1101] : memref<16x128xf32, #tpu.memory_space<vmem>>[vector<16xi32>, vector<16xi32>], vector<16xf32>,
      %mul3A_1103 = arith.mulf %gather3A_972, %gather3A_1102 : vector<16xf32>
      %add3A_1104 = arith.addf %add3A_1088, %mul3A_1103 : vector<16xf32>
      %add3A_1105 = arith.addi %shift_right_arithmetic3A_125, %and3A_903 : vector<16xi32>
      %gather3A_1106 = tpu.vector_load_idx %arg17[%iota3A, %add3A_1105] : memref<16x128xf32, #tpu.memory_space<vmem>>[vector<16xi32>, vector<16xi32>], vector<16xf32>,
      %mul3A_1107 = arith.mulf %gather3A_974, %gather3A_1106 : vector<16xf32>
      %add3A_1108 = arith.addf %add3A_1092, %mul3A_1107 : vector<16xf32>
      %add3A_1109 = arith.addi %shift_right_arithmetic3A_125, %and3A_912 : vector<16xi32>
      %gather3A_1110 = tpu.vector_load_idx %arg17[%iota3A, %add3A_1109] : memref<16x128xf32, #tpu.memory_space<vmem>>[vector<16xi32>, vector<16xi32>], vector<16xf32>,
      %mul3A_1111 = arith.mulf %gather3A_976, %gather3A_1110 : vector<16xf32>
      %add3A_1112 = arith.addf %add3A_1096, %mul3A_1111 : vector<16xf32>
      %add3A_1113 = arith.addf %add3A_1100, %add3A_1104 : vector<16xf32>
      %add3A_1114 = arith.addf %add3A_619, %add3A_1113 : vector<16xf32>
      %add3A_1115 = arith.addf %add3A_1108, %add3A_1112 : vector<16xf32>
      %add3A_1116 = arith.addf %add3A_1114, %add3A_1115 : vector<16xf32>
      %scan3A_1117 = arith.constant 0 : i32
      %scan3A_1118 = arith.constant 20 : i32
      %scan3A_1119 = arith.addi %scan3A_1117, %scan3A_1118 : i32
      %scan3A_1120 = arith.constant 1 : i32
      %scan3A_1121 = scf.for %scan3A_2203 = %scan3A_1117 to %scan3A_1119 step %scan3A_1120 iter_args(%scan3A_2204 = %broadcast_in_dim3A_128) -> (vector<16xf32>)  : i32 {
        %mul3A_2205 = arith.constant 20 : i32
        %mul3A_2206 = vector.broadcast %mul3A_2205 : i32 to vector<16xi32>
        %mul3A_2207 = arith.muli %iota3A, %mul3A_2206 : vector<16xi32>
        %add3A_2208 = vector.broadcast %scan3A_2203 : i32 to vector<16xi32>
        %add3A_2209 = arith.addi %mul3A_2207, %add3A_2208 : vector<16xi32>
        %mul3A_2210 = arith.constant 16 : i32
        %mul3A_2211 = arith.muli %add3A_67, %mul3A_2210 : i32
        %mul3A_2212 = arith.constant 20 : i32
        %mul3A_2213 = arith.muli %mul3A_2211, %mul3A_2212 : i32
        %add3A_2214 = vector.broadcast %mul3A_2213 : i32 to vector<16xi32>
        %add3A_2215 = arith.addi %add3A_2214, %add3A_2209 : vector<16xi32>
        %gather3A_2216 = tpu.vector_load_idx %arg11[%add3A_2215] : memref<10240xi32, #tpu.memory_space<vmem>>[vector<16xi32>], vector<16xi32>,
        %and3A_2217 = arith.constant 256 : i32
        %and3A_2218 = vector.broadcast %and3A_2217 : i32 to vector<16xi32>
        %and3A_2219 = arith.andi %gather3A_2216, %and3A_2218 : vector<16xi32>
        %shift_right_arithmetic3A_2220 = arith.constant 2 : i32
        %shift_right_arithmetic3A_2221 = vector.broadcast %shift_right_arithmetic3A_2220 : i32 to vector<16xi32>
        %shift_right_arithmetic3A_2222 = arith.shrsi %and3A_2219, %shift_right_arithmetic3A_2221 : vector<16xi32>
        %broadcast_in_dim3A_2223 = arith.constant 0.000000e+00 : f32
        %broadcast_in_dim3A_2224 = vector.broadcast %broadcast_in_dim3A_2223 : f32 to vector<16xf32>
        %broadcast_in_dim3A_2225 = arith.constant 0.000000e+00 : f32
        %broadcast_in_dim3A_2226 = vector.broadcast %broadcast_in_dim3A_2225 : f32 to vector<16xf32>
        %broadcast_in_dim3A_2227 = arith.constant 0.000000e+00 : f32
        %broadcast_in_dim3A_2228 = vector.broadcast %broadcast_in_dim3A_2227 : f32 to vector<16xf32>
        %broadcast_in_dim3A_2229 = arith.constant 0.000000e+00 : f32
        %broadcast_in_dim3A_2230 = vector.broadcast %broadcast_in_dim3A_2229 : f32 to vector<16xf32>
        %add3A_2231 = arith.addi %shift_right_arithmetic3A_2222, %and3A_633 : vector<16xi32>
        %gather3A_2232 = tpu.vector_load_idx %arg19[%add3A_2209, %add3A_2231] : memref<320x128xf32, #tpu.memory_space<vmem>>[vector<16xi32>, vector<16xi32>], vector<16xf32>,
        %mul3A_2233 = arith.mulf %gather3A_914, %gather3A_2232 : vector<16xf32>
        %add3A_2234 = arith.addf %broadcast_in_dim3A_2224, %mul3A_2233 : vector<16xf32>
        %add3A_2235 = arith.addi %shift_right_arithmetic3A_2222, %and3A_642 : vector<16xi32>
        %gather3A_2236 = tpu.vector_load_idx %arg19[%add3A_2209, %add3A_2235] : memref<320x128xf32, #tpu.memory_space<vmem>>[vector<16xi32>, vector<16xi32>], vector<16xf32>,
        %mul3A_2237 = arith.mulf %gather3A_916, %gather3A_2236 : vector<16xf32>
        %add3A_2238 = arith.addf %broadcast_in_dim3A_2226, %mul3A_2237 : vector<16xf32>
        %add3A_2239 = arith.addi %shift_right_arithmetic3A_2222, %and3A_651 : vector<16xi32>
        %gather3A_2240 = tpu.vector_load_idx %arg19[%add3A_2209, %add3A_2239] : memref<320x128xf32, #tpu.memory_space<vmem>>[vector<16xi32>, vector<16xi32>], vector<16xf32>,
        %mul3A_2241 = arith.mulf %gather3A_918, %gather3A_2240 : vector<16xf32>
        %add3A_2242 = arith.addf %broadcast_in_dim3A_2228, %mul3A_2241 : vector<16xf32>
        %add3A_2243 = arith.addi %shift_right_arithmetic3A_2222, %and3A_660 : vector<16xi32>
        %gather3A_2244 = tpu.vector_load_idx %arg19[%add3A_2209, %add3A_2243] : memref<320x128xf32, #tpu.memory_space<vmem>>[vector<16xi32>, vector<16xi32>], vector<16xf32>,
        %mul3A_2245 = arith.mulf %gather3A_920, %gather3A_2244 : vector<16xf32>
        %add3A_2246 = arith.addf %broadcast_in_dim3A_2230, %mul3A_2245 : vector<16xf32>
        %add3A_2247 = arith.addi %shift_right_arithmetic3A_2222, %and3A_669 : vector<16xi32>
        %gather3A_2248 = tpu.vector_load_idx %arg19[%add3A_2209, %add3A_2247] : memref<320x128xf32, #tpu.memory_space<vmem>>[vector<16xi32>, vector<16xi32>], vector<16xf32>,
        %mul3A_2249 = arith.mulf %gather3A_922, %gather3A_2248 : vector<16xf32>
        %add3A_2250 = arith.addf %add3A_2234, %mul3A_2249 : vector<16xf32>
        %add3A_2251 = arith.addi %shift_right_arithmetic3A_2222, %and3A_678 : vector<16xi32>
        %gather3A_2252 = tpu.vector_load_idx %arg19[%add3A_2209, %add3A_2251] : memref<320x128xf32, #tpu.memory_space<vmem>>[vector<16xi32>, vector<16xi32>], vector<16xf32>,
        %mul3A_2253 = arith.mulf %gather3A_924, %gather3A_2252 : vector<16xf32>
        %add3A_2254 = arith.addf %add3A_2238, %mul3A_2253 : vector<16xf32>
        %add3A_2255 = arith.addi %shift_right_arithmetic3A_2222, %and3A_687 : vector<16xi32>
        %gather3A_2256 = tpu.vector_load_idx %arg19[%add3A_2209, %add3A_2255] : memref<320x128xf32, #tpu.memory_space<vmem>>[vector<16xi32>, vector<16xi32>], vector<16xf32>,
        %mul3A_2257 = arith.mulf %gather3A_926, %gather3A_2256 : vector<16xf32>
        %add3A_2258 = arith.addf %add3A_2242, %mul3A_2257 : vector<16xf32>
        %add3A_2259 = arith.addi %shift_right_arithmetic3A_2222, %and3A_696 : vector<16xi32>
        %gather3A_2260 = tpu.vector_load_idx %arg19[%add3A_2209, %add3A_2259] : memref<320x128xf32, #tpu.memory_space<vmem>>[vector<16xi32>, vector<16xi32>], vector<16xf32>,
        %mul3A_2261 = arith.mulf %gather3A_928, %gather3A_2260 : vector<16xf32>
        %add3A_2262 = arith.addf %add3A_2246, %mul3A_2261 : vector<16xf32>
        %add3A_2263 = arith.addi %shift_right_arithmetic3A_2222, %and3A_705 : vector<16xi32>
        %gather3A_2264 = tpu.vector_load_idx %arg19[%add3A_2209, %add3A_2263] : memref<320x128xf32, #tpu.memory_space<vmem>>[vector<16xi32>, vector<16xi32>], vector<16xf32>,
        %mul3A_2265 = arith.mulf %gather3A_930, %gather3A_2264 : vector<16xf32>
        %add3A_2266 = arith.addf %add3A_2250, %mul3A_2265 : vector<16xf32>
        %add3A_2267 = arith.addi %shift_right_arithmetic3A_2222, %and3A_714 : vector<16xi32>
        %gather3A_2268 = tpu.vector_load_idx %arg19[%add3A_2209, %add3A_2267] : memref<320x128xf32, #tpu.memory_space<vmem>>[vector<16xi32>, vector<16xi32>], vector<16xf32>,
        %mul3A_2269 = arith.mulf %gather3A_932, %gather3A_2268 : vector<16xf32>
        %add3A_2270 = arith.addf %add3A_2254, %mul3A_2269 : vector<16xf32>
        %add3A_2271 = arith.addi %shift_right_arithmetic3A_2222, %and3A_723 : vector<16xi32>
        %gather3A_2272 = tpu.vector_load_idx %arg19[%add3A_2209, %add3A_2271] : memref<320x128xf32, #tpu.memory_space<vmem>>[vector<16xi32>, vector<16xi32>], vector<16xf32>,
        %mul3A_2273 = arith.mulf %gather3A_934, %gather3A_2272 : vector<16xf32>
        %add3A_2274 = arith.addf %add3A_2258, %mul3A_2273 : vector<16xf32>
        %add3A_2275 = arith.addi %shift_right_arithmetic3A_2222, %and3A_732 : vector<16xi32>
        %gather3A_2276 = tpu.vector_load_idx %arg19[%add3A_2209, %add3A_2275] : memref<320x128xf32, #tpu.memory_space<vmem>>[vector<16xi32>, vector<16xi32>], vector<16xf32>,
        %mul3A_2277 = arith.mulf %gather3A_936, %gather3A_2276 : vector<16xf32>
        %add3A_2278 = arith.addf %add3A_2262, %mul3A_2277 : vector<16xf32>
        %add3A_2279 = arith.addi %shift_right_arithmetic3A_2222, %and3A_741 : vector<16xi32>
        %gather3A_2280 = tpu.vector_load_idx %arg19[%add3A_2209, %add3A_2279] : memref<320x128xf32, #tpu.memory_space<vmem>>[vector<16xi32>, vector<16xi32>], vector<16xf32>,
        %mul3A_2281 = arith.mulf %gather3A_938, %gather3A_2280 : vector<16xf32>
        %add3A_2282 = arith.addf %add3A_2266, %mul3A_2281 : vector<16xf32>
        %add3A_2283 = arith.addi %shift_right_arithmetic3A_2222, %and3A_750 : vector<16xi32>
        %gather3A_2284 = tpu.vector_load_idx %arg19[%add3A_2209, %add3A_2283] : memref<320x128xf32, #tpu.memory_space<vmem>>[vector<16xi32>, vector<16xi32>], vector<16xf32>,
        %mul3A_2285 = arith.mulf %gather3A_940, %gather3A_2284 : vector<16xf32>
        %add3A_2286 = arith.addf %add3A_2270, %mul3A_2285 : vector<16xf32>
        %add3A_2287 = arith.addi %shift_right_arithmetic3A_2222, %and3A_759 : vector<16xi32>
        %gather3A_2288 = tpu.vector_load_idx %arg19[%add3A_2209, %add3A_2287] : memref<320x128xf32, #tpu.memory_space<vmem>>[vector<16xi32>, vector<16xi32>], vector<16xf32>,
        %mul3A_2289 = arith.mulf %gather3A_942, %gather3A_2288 : vector<16xf32>
        %add3A_2290 = arith.addf %add3A_2274, %mul3A_2289 : vector<16xf32>
        %add3A_2291 = arith.addi %shift_right_arithmetic3A_2222, %and3A_768 : vector<16xi32>
        %gather3A_2292 = tpu.vector_load_idx %arg19[%add3A_2209, %add3A_2291] : memref<320x128xf32, #tpu.memory_space<vmem>>[vector<16xi32>, vector<16xi32>], vector<16xf32>,
        %mul3A_2293 = arith.mulf %gather3A_944, %gather3A_2292 : vector<16xf32>
        %add3A_2294 = arith.addf %add3A_2278, %mul3A_2293 : vector<16xf32>
        %add3A_2295 = arith.addi %shift_right_arithmetic3A_2222, %and3A_777 : vector<16xi32>
        %gather3A_2296 = tpu.vector_load_idx %arg19[%add3A_2209, %add3A_2295] : memref<320x128xf32, #tpu.memory_space<vmem>>[vector<16xi32>, vector<16xi32>], vector<16xf32>,
        %mul3A_2297 = arith.mulf %gather3A_946, %gather3A_2296 : vector<16xf32>
        %add3A_2298 = arith.addf %add3A_2282, %mul3A_2297 : vector<16xf32>
        %add3A_2299 = arith.addi %shift_right_arithmetic3A_2222, %and3A_786 : vector<16xi32>
        %gather3A_2300 = tpu.vector_load_idx %arg19[%add3A_2209, %add3A_2299] : memref<320x128xf32, #tpu.memory_space<vmem>>[vector<16xi32>, vector<16xi32>], vector<16xf32>,
        %mul3A_2301 = arith.mulf %gather3A_948, %gather3A_2300 : vector<16xf32>
        %add3A_2302 = arith.addf %add3A_2286, %mul3A_2301 : vector<16xf32>
        %add3A_2303 = arith.addi %shift_right_arithmetic3A_2222, %and3A_795 : vector<16xi32>
        %gather3A_2304 = tpu.vector_load_idx %arg19[%add3A_2209, %add3A_2303] : memref<320x128xf32, #tpu.memory_space<vmem>>[vector<16xi32>, vector<16xi32>], vector<16xf32>,
        %mul3A_2305 = arith.mulf %gather3A_950, %gather3A_2304 : vector<16xf32>
        %add3A_2306 = arith.addf %add3A_2290, %mul3A_2305 : vector<16xf32>
        %add3A_2307 = arith.addi %shift_right_arithmetic3A_2222, %and3A_804 : vector<16xi32>
        %gather3A_2308 = tpu.vector_load_idx %arg19[%add3A_2209, %add3A_2307] : memref<320x128xf32, #tpu.memory_space<vmem>>[vector<16xi32>, vector<16xi32>], vector<16xf32>,
        %mul3A_2309 = arith.mulf %gather3A_952, %gather3A_2308 : vector<16xf32>
        %add3A_2310 = arith.addf %add3A_2294, %mul3A_2309 : vector<16xf32>
        %add3A_2311 = arith.addi %shift_right_arithmetic3A_2222, %and3A_813 : vector<16xi32>
        %gather3A_2312 = tpu.vector_load_idx %arg19[%add3A_2209, %add3A_2311] : memref<320x128xf32, #tpu.memory_space<vmem>>[vector<16xi32>, vector<16xi32>], vector<16xf32>,
        %mul3A_2313 = arith.mulf %gather3A_954, %gather3A_2312 : vector<16xf32>
        %add3A_2314 = arith.addf %add3A_2298, %mul3A_2313 : vector<16xf32>
        %add3A_2315 = arith.addi %shift_right_arithmetic3A_2222, %and3A_822 : vector<16xi32>
        %gather3A_2316 = tpu.vector_load_idx %arg19[%add3A_2209, %add3A_2315] : memref<320x128xf32, #tpu.memory_space<vmem>>[vector<16xi32>, vector<16xi32>], vector<16xf32>,
        %mul3A_2317 = arith.mulf %gather3A_956, %gather3A_2316 : vector<16xf32>
        %add3A_2318 = arith.addf %add3A_2302, %mul3A_2317 : vector<16xf32>
        %add3A_2319 = arith.addi %shift_right_arithmetic3A_2222, %and3A_831 : vector<16xi32>
        %gather3A_2320 = tpu.vector_load_idx %arg19[%add3A_2209, %add3A_2319] : memref<320x128xf32, #tpu.memory_space<vmem>>[vector<16xi32>, vector<16xi32>], vector<16xf32>,
        %mul3A_2321 = arith.mulf %gather3A_958, %gather3A_2320 : vector<16xf32>
        %add3A_2322 = arith.addf %add3A_2306, %mul3A_2321 : vector<16xf32>
        %add3A_2323 = arith.addi %shift_right_arithmetic3A_2222, %and3A_840 : vector<16xi32>
        %gather3A_2324 = tpu.vector_load_idx %arg19[%add3A_2209, %add3A_2323] : memref<320x128xf32, #tpu.memory_space<vmem>>[vector<16xi32>, vector<16xi32>], vector<16xf32>,
        %mul3A_2325 = arith.mulf %gather3A_960, %gather3A_2324 : vector<16xf32>
        %add3A_2326 = arith.addf %add3A_2310, %mul3A_2325 : vector<16xf32>
        %add3A_2327 = arith.addi %shift_right_arithmetic3A_2222, %and3A_849 : vector<16xi32>
        %gather3A_2328 = tpu.vector_load_idx %arg19[%add3A_2209, %add3A_2327] : memref<320x128xf32, #tpu.memory_space<vmem>>[vector<16xi32>, vector<16xi32>], vector<16xf32>,
        %mul3A_2329 = arith.mulf %gather3A_962, %gather3A_2328 : vector<16xf32>
        %add3A_2330 = arith.addf %add3A_2314, %mul3A_2329 : vector<16xf32>
        %add3A_2331 = arith.addi %shift_right_arithmetic3A_2222, %and3A_858 : vector<16xi32>
        %gather3A_2332 = tpu.vector_load_idx %arg19[%add3A_2209, %add3A_2331] : memref<320x128xf32, #tpu.memory_space<vmem>>[vector<16xi32>, vector<16xi32>], vector<16xf32>,
        %mul3A_2333 = arith.mulf %gather3A_964, %gather3A_2332 : vector<16xf32>
        %add3A_2334 = arith.addf %add3A_2318, %mul3A_2333 : vector<16xf32>
        %add3A_2335 = arith.addi %shift_right_arithmetic3A_2222, %and3A_867 : vector<16xi32>
        %gather3A_2336 = tpu.vector_load_idx %arg19[%add3A_2209, %add3A_2335] : memref<320x128xf32, #tpu.memory_space<vmem>>[vector<16xi32>, vector<16xi32>], vector<16xf32>,
        %mul3A_2337 = arith.mulf %gather3A_966, %gather3A_2336 : vector<16xf32>
        %add3A_2338 = arith.addf %add3A_2322, %mul3A_2337 : vector<16xf32>
        %add3A_2339 = arith.addi %shift_right_arithmetic3A_2222, %and3A_876 : vector<16xi32>
        %gather3A_2340 = tpu.vector_load_idx %arg19[%add3A_2209, %add3A_2339] : memref<320x128xf32, #tpu.memory_space<vmem>>[vector<16xi32>, vector<16xi32>], vector<16xf32>,
        %mul3A_2341 = arith.mulf %gather3A_968, %gather3A_2340 : vector<16xf32>
        %add3A_2342 = arith.addf %add3A_2326, %mul3A_2341 : vector<16xf32>
        %add3A_2343 = arith.addi %shift_right_arithmetic3A_2222, %and3A_885 : vector<16xi32>
        %gather3A_2344 = tpu.vector_load_idx %arg19[%add3A_2209, %add3A_2343] : memref<320x128xf32, #tpu.memory_space<vmem>>[vector<16xi32>, vector<16xi32>], vector<16xf32>,
        %mul3A_2345 = arith.mulf %gather3A_970, %gather3A_2344 : vector<16xf32>
        %add3A_2346 = arith.addf %add3A_2330, %mul3A_2345 : vector<16xf32>
        %add3A_2347 = arith.addi %shift_right_arithmetic3A_2222, %and3A_894 : vector<16xi32>
        %gather3A_2348 = tpu.vector_load_idx %arg19[%add3A_2209, %add3A_2347] : memref<320x128xf32, #tpu.memory_space<vmem>>[vector<16xi32>, vector<16xi32>], vector<16xf32>,
        %mul3A_2349 = arith.mulf %gather3A_972, %gather3A_2348 : vector<16xf32>
        %add3A_2350 = arith.addf %add3A_2334, %mul3A_2349 : vector<16xf32>
        %add3A_2351 = arith.addi %shift_right_arithmetic3A_2222, %and3A_903 : vector<16xi32>
        %gather3A_2352 = tpu.vector_load_idx %arg19[%add3A_2209, %add3A_2351] : memref<320x128xf32, #tpu.memory_space<vmem>>[vector<16xi32>, vector<16xi32>], vector<16xf32>,
        %mul3A_2353 = arith.mulf %gather3A_974, %gather3A_2352 : vector<16xf32>
        %add3A_2354 = arith.addf %add3A_2338, %mul3A_2353 : vector<16xf32>
        %add3A_2355 = arith.addi %shift_right_arithmetic3A_2222, %and3A_912 : vector<16xi32>
        %gather3A_2356 = tpu.vector_load_idx %arg19[%add3A_2209, %add3A_2355] : memref<320x128xf32, #tpu.memory_space<vmem>>[vector<16xi32>, vector<16xi32>], vector<16xf32>,
        %mul3A_2357 = arith.mulf %gather3A_976, %gather3A_2356 : vector<16xf32>
        %add3A_2358 = arith.addf %add3A_2342, %mul3A_2357 : vector<16xf32>
        %add3A_2359 = arith.addf %add3A_2346, %add3A_2350 : vector<16xf32>
        %add3A_2360 = arith.addf %add3A_2354, %add3A_2358 : vector<16xf32>
        %add3A_2361 = arith.addf %add3A_2359, %add3A_2360 : vector<16xf32>
        %mul3A_2362 = arith.constant 16 : i32
        %mul3A_2363 = arith.muli %scan3A_2203, %mul3A_2362 : i32
        %get3A_2364 = arith.index_cast %mul3A_2363 : i32 to index
        %get3A_2365 = tpu.vector_load %arg21[%get3A_2364] {strides = array<i32>} : memref<320xf32, #tpu.memory_space<vmem>>, vector<16xf32>,
        %add3A_2366 = arith.addf %get3A_2365, %add3A_2361 : vector<16xf32>
        %exp3A = math.exp %add3A_2366 : vector<16xf32>
        %add3A_2367 = arith.addf %scan3A_2204, %exp3A : vector<16xf32>
        scf.yield %add3A_2367 : vector<16xf32>
      }
      %scan3A_1122 = arith.constant 20 : i32
      %mul3A_1123 = arith.constant 16 : i32
      %mul3A_1124 = arith.muli %add3A_67, %mul3A_1123 : i32
      %swap3A = arith.index_cast %mul3A_1124 : i32 to index
      %swap3A_1125 = tpu.vector_load %arg22[%swap3A] {strides = array<i32>} : memref<512xf32, #tpu.memory_space<vmem>>, vector<16xf32>,
      tpu.vector_store %arg22[%swap3A], %add3A_1116 {strides = array<i32>} : memref<512xf32, #tpu.memory_space<vmem>>, vector<16xf32>,
      %mul3A_1126 = arith.constant 16 : i32
      %mul3A_1127 = arith.muli %add3A_67, %mul3A_1126 : i32
      %swap3A_1128 = arith.index_cast %mul3A_1127 : i32 to index
      %swap3A_1129 = tpu.vector_load %arg23[%swap3A_1128] {strides = array<i32>} : memref<512xf32, #tpu.memory_space<vmem>>, vector<16xf32>,
      tpu.vector_store %arg23[%swap3A_1128], %scan3A_1121 {strides = array<i32>} : memref<512xf32, #tpu.memory_space<vmem>>, vector<16xf32>,
      %mul3A_1130 = arith.constant 2 : i32
      %mul3A_1131 = arith.muli %mul3A_1130, %scan3A_63 : i32
      %add3A_1132 = arith.constant 1 : i32
      %add3A_1133 = arith.addi %mul3A_1131, %add3A_1132 : i32
      %dma_wait3A_1134 = arith.constant 0 : i32
      %dma_wait3A_1135 = arith.constant 0 : i32
      %dma_wait3A_1136 = tpu.memref_slice %arg5[%dma_wait3A_1134, %dma_wait3A_1135] : memref<500224x128xf32, #tpu.memory_space<hbm>> -> memref<16x128xf32, #tpu.memory_space<hbm>>
      %dma_wait3A_1137 = arith.constant 0 : i32
      %dma_wait3A_1138 = arith.constant 0 : i32
      %dma_wait3A_1139 = tpu.memref_slice %arg5[%dma_wait3A_1137, %dma_wait3A_1138] : memref<500224x128xf32, #tpu.memory_space<hbm>> -> memref<16x128xf32, #tpu.memory_space<hbm>>
      tpu.wait_dma2 semaphore(%arg25 : memref<!tpu.dma_semaphore, #tpu.memory_space<semaphore_mem>>) src(%dma_wait3A_1139 : memref<16x128xf32, #tpu.memory_space<hbm>>) dst(%arg16 : memref<16x128xf32, #tpu.memory_space<vmem>>)
      %dma_wait3A_1140 = arith.constant 0 : i32
      %dma_wait3A_1141 = arith.constant 0 : i32
      %dma_wait3A_1142 = tpu.memref_slice %arg6[%dma_wait3A_1140, %dma_wait3A_1141] : memref<500224x128xf32, #tpu.memory_space<hbm>> -> memref<16x128xf32, #tpu.memory_space<hbm>>
      %dma_wait3A_1143 = arith.constant 0 : i32
      %dma_wait3A_1144 = arith.constant 0 : i32
      %dma_wait3A_1145 = tpu.memref_slice %arg6[%dma_wait3A_1143, %dma_wait3A_1144] : memref<500224x128xf32, #tpu.memory_space<hbm>> -> memref<16x128xf32, #tpu.memory_space<hbm>>
      tpu.wait_dma2 semaphore(%arg27 : memref<!tpu.dma_semaphore, #tpu.memory_space<semaphore_mem>>) src(%dma_wait3A_1145 : memref<16x128xf32, #tpu.memory_space<hbm>>) dst(%arg18 : memref<16x128xf32, #tpu.memory_space<vmem>>)
      %dma_wait3A_1146 = arith.constant 0 : i32
      %dma_wait3A_1147 = arith.constant 0 : i32
      %dma_wait3A_1148 = tpu.memref_slice %arg6[%dma_wait3A_1146, %dma_wait3A_1147] : memref<500224x128xf32, #tpu.memory_space<hbm>> -> memref<320x128xf32, #tpu.memory_space<hbm>>
      %dma_wait3A_1149 = arith.constant 0 : i32
      %dma_wait3A_1150 = arith.constant 0 : i32
      %dma_wait3A_1151 = tpu.memref_slice %arg6[%dma_wait3A_1149, %dma_wait3A_1150] : memref<500224x128xf32, #tpu.memory_space<hbm>> -> memref<320x128xf32, #tpu.memory_space<hbm>>
      tpu.wait_dma2 semaphore(%arg29 : memref<!tpu.dma_semaphore, #tpu.memory_space<semaphore_mem>>) src(%dma_wait3A_1151 : memref<320x128xf32, #tpu.memory_space<hbm>>) dst(%arg20 : memref<320x128xf32, #tpu.memory_space<vmem>>)
      %add3A_1152 = arith.constant 1 : i32
      %add3A_1153 = arith.addi %add3A_1133, %add3A_1152 : i32
      %min3A_1154 = arith.constant 31 : i32
      %min3A_1155 = arith.minsi %add3A_1153, %min3A_1154 : i32
      %mul3A_1156 = arith.constant 16 : i32
      %mul3A_1157 = arith.muli %min3A_1155, %mul3A_1156 : i32
      %dma_start3A_1158 = tpu.memref_slice %arg12[%mul3A_1157] : memref<512xi32, #tpu.memory_space<vmem>> -> memref<16xi32, #tpu.memory_space<vmem>>
      %dma_start3A_1159 = arith.constant 0 : i32
      %dma_start3A_1160 = arith.constant 0 : i32
      %dma_start3A_1161 = tpu.memref_slice %arg5[%dma_start3A_1159, %dma_start3A_1160] : memref<500224x128xf32, #tpu.memory_space<hbm>> -> memref<500224x128xf32, #tpu.memory_space<hbm>>
      tpu.enqueue_indirect_dma source(%dma_start3A_1161 : memref<500224x128xf32, #tpu.memory_space<hbm>>) target(%arg15 : memref<16x128xf32, #tpu.memory_space<vmem>>) offsets(%dma_start3A_1158 : memref<16xi32, #tpu.memory_space<vmem>>) semaphore(%arg24 : memref<!tpu.dma_semaphore, #tpu.memory_space<semaphore_mem>>)
      %mul3A_1162 = arith.constant 16 : i32
      %mul3A_1163 = arith.muli %min3A_1155, %mul3A_1162 : i32
      %dma_start3A_1164 = tpu.memref_slice %arg13[%mul3A_1163] : memref<512xi32, #tpu.memory_space<vmem>> -> memref<16xi32, #tpu.memory_space<vmem>>
      %dma_start3A_1165 = arith.constant 0 : i32
      %dma_start3A_1166 = arith.constant 0 : i32
      %dma_start3A_1167 = tpu.memref_slice %arg6[%dma_start3A_1165, %dma_start3A_1166] : memref<500224x128xf32, #tpu.memory_space<hbm>> -> memref<500224x128xf32, #tpu.memory_space<hbm>>
      tpu.enqueue_indirect_dma source(%dma_start3A_1167 : memref<500224x128xf32, #tpu.memory_space<hbm>>) target(%arg17 : memref<16x128xf32, #tpu.memory_space<vmem>>) offsets(%dma_start3A_1164 : memref<16xi32, #tpu.memory_space<vmem>>) semaphore(%arg26 : memref<!tpu.dma_semaphore, #tpu.memory_space<semaphore_mem>>)
      %mul3A_1168 = arith.constant 16 : i32
      %mul3A_1169 = arith.muli %min3A_1155, %mul3A_1168 : i32
      %mul3A_1170 = arith.constant 20 : i32
      %mul3A_1171 = arith.muli %mul3A_1169, %mul3A_1170 : i32
      %dma_start3A_1172 = tpu.memref_slice %arg14[%mul3A_1171] : memref<10240xi32, #tpu.memory_space<vmem>> -> memref<320xi32, #tpu.memory_space<vmem>>
      %dma_start3A_1173 = arith.constant 0 : i32
      %dma_start3A_1174 = arith.constant 0 : i32
      %dma_start3A_1175 = tpu.memref_slice %arg6[%dma_start3A_1173, %dma_start3A_1174] : memref<500224x128xf32, #tpu.memory_space<hbm>> -> memref<500224x128xf32, #tpu.memory_space<hbm>>
      tpu.enqueue_indirect_dma source(%dma_start3A_1175 : memref<500224x128xf32, #tpu.memory_space<hbm>>) target(%arg19 : memref<320x128xf32, #tpu.memory_space<vmem>>) offsets(%dma_start3A_1172 : memref<320xi32, #tpu.memory_space<vmem>>) semaphore(%arg28 : memref<!tpu.dma_semaphore, #tpu.memory_space<semaphore_mem>>)
      %mul3A_1176 = arith.constant 16 : i32
      %mul3A_1177 = arith.muli %add3A_1133, %mul3A_1176 : i32
      %get3A_1178 = arith.index_cast %mul3A_1177 : i32 to index
      %get3A_1179 = tpu.vector_load %arg9[%get3A_1178] {strides = array<i32>} : memref<512xi32, #tpu.memory_space<vmem>>, vector<16xi32>,
      %and3A_1180 = arith.constant 256 : i32
      %and3A_1181 = vector.broadcast %and3A_1180 : i32 to vector<16xi32>
      %and3A_1182 = arith.andi %get3A_1179, %and3A_1181 : vector<16xi32>
      %shift_right_arithmetic3A_1183 = arith.constant 2 : i32
      %shift_right_arithmetic3A_1184 = vector.broadcast %shift_right_arithmetic3A_1183 : i32 to vector<16xi32>
      %shift_right_arithmetic3A_1185 = arith.shrsi %and3A_1182, %shift_right_arithmetic3A_1184 : vector<16xi32>
      %mul3A_1186 = arith.constant 16 : i32
      %mul3A_1187 = arith.muli %add3A_1133, %mul3A_1186 : i32
      %get3A_1188 = arith.index_cast %mul3A_1187 : i32 to index
      %get3A_1189 = tpu.vector_load %arg10[%get3A_1188] {strides = array<i32>} : memref<512xi32, #tpu.memory_space<vmem>>, vector<16xi32>,
      %and3A_1190 = arith.constant 256 : i32
      %and3A_1191 = vector.broadcast %and3A_1190 : i32 to vector<16xi32>
      %and3A_1192 = arith.andi %get3A_1189, %and3A_1191 : vector<16xi32>
      %shift_right_arithmetic3A_1193 = arith.constant 2 : i32
      %shift_right_arithmetic3A_1194 = vector.broadcast %shift_right_arithmetic3A_1193 : i32 to vector<16xi32>
      %shift_right_arithmetic3A_1195 = arith.shrsi %and3A_1192, %shift_right_arithmetic3A_1194 : vector<16xi32>
      %broadcast_in_dim3A_1196 = arith.constant 0.000000e+00 : f32
      %broadcast_in_dim3A_1197 = vector.broadcast %broadcast_in_dim3A_1196 : f32 to vector<16xf32>
      %broadcast_in_dim3A_1198 = arith.constant 0.000000e+00 : f32
      %broadcast_in_dim3A_1199 = vector.broadcast %broadcast_in_dim3A_1198 : f32 to vector<16xf32>
      %add3A_1200 = arith.constant 0 : i32
      %add3A_1201 = vector.broadcast %add3A_1200 : i32 to vector<16xi32>
      %add3A_1202 = arith.addi %iota3A, %add3A_1201 : vector<16xi32>
      %add3A_1203 = arith.constant 0 : i32
      %add3A_1204 = vector.broadcast %add3A_1203 : i32 to vector<16xi32>
      %add3A_1205 = arith.addi %add3A_1202, %add3A_1204 : vector<16xi32>
      %and3A_1206 = arith.constant 63 : i32
      %and3A_1207 = vector.broadcast %and3A_1206 : i32 to vector<16xi32>
      %and3A_1208 = arith.andi %add3A_1205, %and3A_1207 : vector<16xi32>
      %add3A_1209 = arith.constant 0 : i32
      %add3A_1210 = vector.broadcast %add3A_1209 : i32 to vector<16xi32>
      %add3A_1211 = arith.addi %iota3A, %add3A_1210 : vector<16xi32>
      %add3A_1212 = arith.constant 1 : i32
      %add3A_1213 = vector.broadcast %add3A_1212 : i32 to vector<16xi32>
      %add3A_1214 = arith.addi %add3A_1211, %add3A_1213 : vector<16xi32>
      %and3A_1215 = arith.constant 63 : i32
      %and3A_1216 = vector.broadcast %and3A_1215 : i32 to vector<16xi32>
      %and3A_1217 = arith.andi %add3A_1214, %and3A_1216 : vector<16xi32>
      %add3A_1218 = arith.constant 0 : i32
      %add3A_1219 = vector.broadcast %add3A_1218 : i32 to vector<16xi32>
      %add3A_1220 = arith.addi %iota3A, %add3A_1219 : vector<16xi32>
      %add3A_1221 = arith.constant 2 : i32
      %add3A_1222 = vector.broadcast %add3A_1221 : i32 to vector<16xi32>
      %add3A_1223 = arith.addi %add3A_1220, %add3A_1222 : vector<16xi32>
      %and3A_1224 = arith.constant 63 : i32
      %and3A_1225 = vector.broadcast %and3A_1224 : i32 to vector<16xi32>
      %and3A_1226 = arith.andi %add3A_1223, %and3A_1225 : vector<16xi32>
      %add3A_1227 = arith.constant 0 : i32
      %add3A_1228 = vector.broadcast %add3A_1227 : i32 to vector<16xi32>
      %add3A_1229 = arith.addi %iota3A, %add3A_1228 : vector<16xi32>
      %add3A_1230 = arith.constant 3 : i32
      %add3A_1231 = vector.broadcast %add3A_1230 : i32 to vector<16xi32>
      %add3A_1232 = arith.addi %add3A_1229, %add3A_1231 : vector<16xi32>
      %and3A_1233 = arith.constant 63 : i32
      %and3A_1234 = vector.broadcast %and3A_1233 : i32 to vector<16xi32>
      %and3A_1235 = arith.andi %add3A_1232, %and3A_1234 : vector<16xi32>
      %add3A_1236 = arith.constant 0 : i32
      %add3A_1237 = vector.broadcast %add3A_1236 : i32 to vector<16xi32>
      %add3A_1238 = arith.addi %iota3A, %add3A_1237 : vector<16xi32>
      %add3A_1239 = arith.constant 4 : i32
      %add3A_1240 = vector.broadcast %add3A_1239 : i32 to vector<16xi32>
      %add3A_1241 = arith.addi %add3A_1238, %add3A_1240 : vector<16xi32>
      %and3A_1242 = arith.constant 63 : i32
      %and3A_1243 = vector.broadcast %and3A_1242 : i32 to vector<16xi32>
      %and3A_1244 = arith.andi %add3A_1241, %and3A_1243 : vector<16xi32>
      %add3A_1245 = arith.constant 0 : i32
      %add3A_1246 = vector.broadcast %add3A_1245 : i32 to vector<16xi32>
      %add3A_1247 = arith.addi %iota3A, %add3A_1246 : vector<16xi32>
      %add3A_1248 = arith.constant 5 : i32
      %add3A_1249 = vector.broadcast %add3A_1248 : i32 to vector<16xi32>
      %add3A_1250 = arith.addi %add3A_1247, %add3A_1249 : vector<16xi32>
      %and3A_1251 = arith.constant 63 : i32
      %and3A_1252 = vector.broadcast %and3A_1251 : i32 to vector<16xi32>
      %and3A_1253 = arith.andi %add3A_1250, %and3A_1252 : vector<16xi32>
      %add3A_1254 = arith.constant 0 : i32
      %add3A_1255 = vector.broadcast %add3A_1254 : i32 to vector<16xi32>
      %add3A_1256 = arith.addi %iota3A, %add3A_1255 : vector<16xi32>
      %add3A_1257 = arith.constant 6 : i32
      %add3A_1258 = vector.broadcast %add3A_1257 : i32 to vector<16xi32>
      %add3A_1259 = arith.addi %add3A_1256, %add3A_1258 : vector<16xi32>
      %and3A_1260 = arith.constant 63 : i32
      %and3A_1261 = vector.broadcast %and3A_1260 : i32 to vector<16xi32>
      %and3A_1262 = arith.andi %add3A_1259, %and3A_1261 : vector<16xi32>
      %add3A_1263 = arith.constant 0 : i32
      %add3A_1264 = vector.broadcast %add3A_1263 : i32 to vector<16xi32>
      %add3A_1265 = arith.addi %iota3A, %add3A_1264 : vector<16xi32>
      %add3A_1266 = arith.constant 7 : i32
      %add3A_1267 = vector.broadcast %add3A_1266 : i32 to vector<16xi32>
      %add3A_1268 = arith.addi %add3A_1265, %add3A_1267 : vector<16xi32>
      %and3A_1269 = arith.constant 63 : i32
      %and3A_1270 = vector.broadcast %and3A_1269 : i32 to vector<16xi32>
      %and3A_1271 = arith.andi %add3A_1268, %and3A_1270 : vector<16xi32>
      %add3A_1272 = arith.constant 0 : i32
      %add3A_1273 = vector.broadcast %add3A_1272 : i32 to vector<16xi32>
      %add3A_1274 = arith.addi %iota3A, %add3A_1273 : vector<16xi32>
      %add3A_1275 = arith.constant 8 : i32
      %add3A_1276 = vector.broadcast %add3A_1275 : i32 to vector<16xi32>
      %add3A_1277 = arith.addi %add3A_1274, %add3A_1276 : vector<16xi32>
      %and3A_1278 = arith.constant 63 : i32
      %and3A_1279 = vector.broadcast %and3A_1278 : i32 to vector<16xi32>
      %and3A_1280 = arith.andi %add3A_1277, %and3A_1279 : vector<16xi32>
      %add3A_1281 = arith.constant 0 : i32
      %add3A_1282 = vector.broadcast %add3A_1281 : i32 to vector<16xi32>
      %add3A_1283 = arith.addi %iota3A, %add3A_1282 : vector<16xi32>
      %add3A_1284 = arith.constant 9 : i32
      %add3A_1285 = vector.broadcast %add3A_1284 : i32 to vector<16xi32>
      %add3A_1286 = arith.addi %add3A_1283, %add3A_1285 : vector<16xi32>
      %and3A_1287 = arith.constant 63 : i32
      %and3A_1288 = vector.broadcast %and3A_1287 : i32 to vector<16xi32>
      %and3A_1289 = arith.andi %add3A_1286, %and3A_1288 : vector<16xi32>
      %add3A_1290 = arith.constant 0 : i32
      %add3A_1291 = vector.broadcast %add3A_1290 : i32 to vector<16xi32>
      %add3A_1292 = arith.addi %iota3A, %add3A_1291 : vector<16xi32>
      %add3A_1293 = arith.constant 10 : i32
      %add3A_1294 = vector.broadcast %add3A_1293 : i32 to vector<16xi32>
      %add3A_1295 = arith.addi %add3A_1292, %add3A_1294 : vector<16xi32>
      %and3A_1296 = arith.constant 63 : i32
      %and3A_1297 = vector.broadcast %and3A_1296 : i32 to vector<16xi32>
      %and3A_1298 = arith.andi %add3A_1295, %and3A_1297 : vector<16xi32>
      %add3A_1299 = arith.constant 0 : i32
      %add3A_1300 = vector.broadcast %add3A_1299 : i32 to vector<16xi32>
      %add3A_1301 = arith.addi %iota3A, %add3A_1300 : vector<16xi32>
      %add3A_1302 = arith.constant 11 : i32
      %add3A_1303 = vector.broadcast %add3A_1302 : i32 to vector<16xi32>
      %add3A_1304 = arith.addi %add3A_1301, %add3A_1303 : vector<16xi32>
      %and3A_1305 = arith.constant 63 : i32
      %and3A_1306 = vector.broadcast %and3A_1305 : i32 to vector<16xi32>
      %and3A_1307 = arith.andi %add3A_1304, %and3A_1306 : vector<16xi32>
      %add3A_1308 = arith.constant 0 : i32
      %add3A_1309 = vector.broadcast %add3A_1308 : i32 to vector<16xi32>
      %add3A_1310 = arith.addi %iota3A, %add3A_1309 : vector<16xi32>
      %add3A_1311 = arith.constant 12 : i32
      %add3A_1312 = vector.broadcast %add3A_1311 : i32 to vector<16xi32>
      %add3A_1313 = arith.addi %add3A_1310, %add3A_1312 : vector<16xi32>
      %and3A_1314 = arith.constant 63 : i32
      %and3A_1315 = vector.broadcast %and3A_1314 : i32 to vector<16xi32>
      %and3A_1316 = arith.andi %add3A_1313, %and3A_1315 : vector<16xi32>
      %add3A_1317 = arith.constant 0 : i32
      %add3A_1318 = vector.broadcast %add3A_1317 : i32 to vector<16xi32>
      %add3A_1319 = arith.addi %iota3A, %add3A_1318 : vector<16xi32>
      %add3A_1320 = arith.constant 13 : i32
      %add3A_1321 = vector.broadcast %add3A_1320 : i32 to vector<16xi32>
      %add3A_1322 = arith.addi %add3A_1319, %add3A_1321 : vector<16xi32>
      %and3A_1323 = arith.constant 63 : i32
      %and3A_1324 = vector.broadcast %and3A_1323 : i32 to vector<16xi32>
      %and3A_1325 = arith.andi %add3A_1322, %and3A_1324 : vector<16xi32>
      %add3A_1326 = arith.constant 0 : i32
      %add3A_1327 = vector.broadcast %add3A_1326 : i32 to vector<16xi32>
      %add3A_1328 = arith.addi %iota3A, %add3A_1327 : vector<16xi32>
      %add3A_1329 = arith.constant 14 : i32
      %add3A_1330 = vector.broadcast %add3A_1329 : i32 to vector<16xi32>
      %add3A_1331 = arith.addi %add3A_1328, %add3A_1330 : vector<16xi32>
      %and3A_1332 = arith.constant 63 : i32
      %and3A_1333 = vector.broadcast %and3A_1332 : i32 to vector<16xi32>
      %and3A_1334 = arith.andi %add3A_1331, %and3A_1333 : vector<16xi32>
      %add3A_1335 = arith.constant 0 : i32
      %add3A_1336 = vector.broadcast %add3A_1335 : i32 to vector<16xi32>
      %add3A_1337 = arith.addi %iota3A, %add3A_1336 : vector<16xi32>
      %add3A_1338 = arith.constant 15 : i32
      %add3A_1339 = vector.broadcast %add3A_1338 : i32 to vector<16xi32>
      %add3A_1340 = arith.addi %add3A_1337, %add3A_1339 : vector<16xi32>
      %and3A_1341 = arith.constant 63 : i32
      %and3A_1342 = vector.broadcast %and3A_1341 : i32 to vector<16xi32>
      %and3A_1343 = arith.andi %add3A_1340, %and3A_1342 : vector<16xi32>
      %add3A_1344 = arith.constant 0 : i32
      %add3A_1345 = vector.broadcast %add3A_1344 : i32 to vector<16xi32>
      %add3A_1346 = arith.addi %iota3A, %add3A_1345 : vector<16xi32>
      %add3A_1347 = arith.constant 16 : i32
      %add3A_1348 = vector.broadcast %add3A_1347 : i32 to vector<16xi32>
      %add3A_1349 = arith.addi %add3A_1346, %add3A_1348 : vector<16xi32>
      %and3A_1350 = arith.constant 63 : i32
      %and3A_1351 = vector.broadcast %and3A_1350 : i32 to vector<16xi32>
      %and3A_1352 = arith.andi %add3A_1349, %and3A_1351 : vector<16xi32>
      %add3A_1353 = arith.constant 0 : i32
      %add3A_1354 = vector.broadcast %add3A_1353 : i32 to vector<16xi32>
      %add3A_1355 = arith.addi %iota3A, %add3A_1354 : vector<16xi32>
      %add3A_1356 = arith.constant 17 : i32
      %add3A_1357 = vector.broadcast %add3A_1356 : i32 to vector<16xi32>
      %add3A_1358 = arith.addi %add3A_1355, %add3A_1357 : vector<16xi32>
      %and3A_1359 = arith.constant 63 : i32
      %and3A_1360 = vector.broadcast %and3A_1359 : i32 to vector<16xi32>
      %and3A_1361 = arith.andi %add3A_1358, %and3A_1360 : vector<16xi32>
      %add3A_1362 = arith.constant 0 : i32
      %add3A_1363 = vector.broadcast %add3A_1362 : i32 to vector<16xi32>
      %add3A_1364 = arith.addi %iota3A, %add3A_1363 : vector<16xi32>
      %add3A_1365 = arith.constant 18 : i32
      %add3A_1366 = vector.broadcast %add3A_1365 : i32 to vector<16xi32>
      %add3A_1367 = arith.addi %add3A_1364, %add3A_1366 : vector<16xi32>
      %and3A_1368 = arith.constant 63 : i32
      %and3A_1369 = vector.broadcast %and3A_1368 : i32 to vector<16xi32>
      %and3A_1370 = arith.andi %add3A_1367, %and3A_1369 : vector<16xi32>
      %add3A_1371 = arith.constant 0 : i32
      %add3A_1372 = vector.broadcast %add3A_1371 : i32 to vector<16xi32>
      %add3A_1373 = arith.addi %iota3A, %add3A_1372 : vector<16xi32>
      %add3A_1374 = arith.constant 19 : i32
      %add3A_1375 = vector.broadcast %add3A_1374 : i32 to vector<16xi32>
      %add3A_1376 = arith.addi %add3A_1373, %add3A_1375 : vector<16xi32>
      %and3A_1377 = arith.constant 63 : i32
      %and3A_1378 = vector.broadcast %and3A_1377 : i32 to vector<16xi32>
      %and3A_1379 = arith.andi %add3A_1376, %and3A_1378 : vector<16xi32>
      %add3A_1380 = arith.constant 0 : i32
      %add3A_1381 = vector.broadcast %add3A_1380 : i32 to vector<16xi32>
      %add3A_1382 = arith.addi %iota3A, %add3A_1381 : vector<16xi32>
      %add3A_1383 = arith.constant 20 : i32
      %add3A_1384 = vector.broadcast %add3A_1383 : i32 to vector<16xi32>
      %add3A_1385 = arith.addi %add3A_1382, %add3A_1384 : vector<16xi32>
      %and3A_1386 = arith.constant 63 : i32
      %and3A_1387 = vector.broadcast %and3A_1386 : i32 to vector<16xi32>
      %and3A_1388 = arith.andi %add3A_1385, %and3A_1387 : vector<16xi32>
      %add3A_1389 = arith.constant 0 : i32
      %add3A_1390 = vector.broadcast %add3A_1389 : i32 to vector<16xi32>
      %add3A_1391 = arith.addi %iota3A, %add3A_1390 : vector<16xi32>
      %add3A_1392 = arith.constant 21 : i32
      %add3A_1393 = vector.broadcast %add3A_1392 : i32 to vector<16xi32>
      %add3A_1394 = arith.addi %add3A_1391, %add3A_1393 : vector<16xi32>
      %and3A_1395 = arith.constant 63 : i32
      %and3A_1396 = vector.broadcast %and3A_1395 : i32 to vector<16xi32>
      %and3A_1397 = arith.andi %add3A_1394, %and3A_1396 : vector<16xi32>
      %add3A_1398 = arith.constant 0 : i32
      %add3A_1399 = vector.broadcast %add3A_1398 : i32 to vector<16xi32>
      %add3A_1400 = arith.addi %iota3A, %add3A_1399 : vector<16xi32>
      %add3A_1401 = arith.constant 22 : i32
      %add3A_1402 = vector.broadcast %add3A_1401 : i32 to vector<16xi32>
      %add3A_1403 = arith.addi %add3A_1400, %add3A_1402 : vector<16xi32>
      %and3A_1404 = arith.constant 63 : i32
      %and3A_1405 = vector.broadcast %and3A_1404 : i32 to vector<16xi32>
      %and3A_1406 = arith.andi %add3A_1403, %and3A_1405 : vector<16xi32>
      %add3A_1407 = arith.constant 0 : i32
      %add3A_1408 = vector.broadcast %add3A_1407 : i32 to vector<16xi32>
      %add3A_1409 = arith.addi %iota3A, %add3A_1408 : vector<16xi32>
      %add3A_1410 = arith.constant 23 : i32
      %add3A_1411 = vector.broadcast %add3A_1410 : i32 to vector<16xi32>
      %add3A_1412 = arith.addi %add3A_1409, %add3A_1411 : vector<16xi32>
      %and3A_1413 = arith.constant 63 : i32
      %and3A_1414 = vector.broadcast %and3A_1413 : i32 to vector<16xi32>
      %and3A_1415 = arith.andi %add3A_1412, %and3A_1414 : vector<16xi32>
      %add3A_1416 = arith.constant 0 : i32
      %add3A_1417 = vector.broadcast %add3A_1416 : i32 to vector<16xi32>
      %add3A_1418 = arith.addi %iota3A, %add3A_1417 : vector<16xi32>
      %add3A_1419 = arith.constant 24 : i32
      %add3A_1420 = vector.broadcast %add3A_1419 : i32 to vector<16xi32>
      %add3A_1421 = arith.addi %add3A_1418, %add3A_1420 : vector<16xi32>
      %and3A_1422 = arith.constant 63 : i32
      %and3A_1423 = vector.broadcast %and3A_1422 : i32 to vector<16xi32>
      %and3A_1424 = arith.andi %add3A_1421, %and3A_1423 : vector<16xi32>
      %add3A_1425 = arith.constant 0 : i32
      %add3A_1426 = vector.broadcast %add3A_1425 : i32 to vector<16xi32>
      %add3A_1427 = arith.addi %iota3A, %add3A_1426 : vector<16xi32>
      %add3A_1428 = arith.constant 25 : i32
      %add3A_1429 = vector.broadcast %add3A_1428 : i32 to vector<16xi32>
      %add3A_1430 = arith.addi %add3A_1427, %add3A_1429 : vector<16xi32>
      %and3A_1431 = arith.constant 63 : i32
      %and3A_1432 = vector.broadcast %and3A_1431 : i32 to vector<16xi32>
      %and3A_1433 = arith.andi %add3A_1430, %and3A_1432 : vector<16xi32>
      %add3A_1434 = arith.constant 0 : i32
      %add3A_1435 = vector.broadcast %add3A_1434 : i32 to vector<16xi32>
      %add3A_1436 = arith.addi %iota3A, %add3A_1435 : vector<16xi32>
      %add3A_1437 = arith.constant 26 : i32
      %add3A_1438 = vector.broadcast %add3A_1437 : i32 to vector<16xi32>
      %add3A_1439 = arith.addi %add3A_1436, %add3A_1438 : vector<16xi32>
      %and3A_1440 = arith.constant 63 : i32
      %and3A_1441 = vector.broadcast %and3A_1440 : i32 to vector<16xi32>
      %and3A_1442 = arith.andi %add3A_1439, %and3A_1441 : vector<16xi32>
      %add3A_1443 = arith.constant 0 : i32
      %add3A_1444 = vector.broadcast %add3A_1443 : i32 to vector<16xi32>
      %add3A_1445 = arith.addi %iota3A, %add3A_1444 : vector<16xi32>
      %add3A_1446 = arith.constant 27 : i32
      %add3A_1447 = vector.broadcast %add3A_1446 : i32 to vector<16xi32>
      %add3A_1448 = arith.addi %add3A_1445, %add3A_1447 : vector<16xi32>
      %and3A_1449 = arith.constant 63 : i32
      %and3A_1450 = vector.broadcast %and3A_1449 : i32 to vector<16xi32>
      %and3A_1451 = arith.andi %add3A_1448, %and3A_1450 : vector<16xi32>
      %add3A_1452 = arith.constant 0 : i32
      %add3A_1453 = vector.broadcast %add3A_1452 : i32 to vector<16xi32>
      %add3A_1454 = arith.addi %iota3A, %add3A_1453 : vector<16xi32>
      %add3A_1455 = arith.constant 28 : i32
      %add3A_1456 = vector.broadcast %add3A_1455 : i32 to vector<16xi32>
      %add3A_1457 = arith.addi %add3A_1454, %add3A_1456 : vector<16xi32>
      %and3A_1458 = arith.constant 63 : i32
      %and3A_1459 = vector.broadcast %and3A_1458 : i32 to vector<16xi32>
      %and3A_1460 = arith.andi %add3A_1457, %and3A_1459 : vector<16xi32>
      %add3A_1461 = arith.constant 0 : i32
      %add3A_1462 = vector.broadcast %add3A_1461 : i32 to vector<16xi32>
      %add3A_1463 = arith.addi %iota3A, %add3A_1462 : vector<16xi32>
      %add3A_1464 = arith.constant 29 : i32
      %add3A_1465 = vector.broadcast %add3A_1464 : i32 to vector<16xi32>
      %add3A_1466 = arith.addi %add3A_1463, %add3A_1465 : vector<16xi32>
      %and3A_1467 = arith.constant 63 : i32
      %and3A_1468 = vector.broadcast %and3A_1467 : i32 to vector<16xi32>
      %and3A_1469 = arith.andi %add3A_1466, %and3A_1468 : vector<16xi32>
      %add3A_1470 = arith.constant 0 : i32
      %add3A_1471 = vector.broadcast %add3A_1470 : i32 to vector<16xi32>
      %add3A_1472 = arith.addi %iota3A, %add3A_1471 : vector<16xi32>
      %add3A_1473 = arith.constant 30 : i32
      %add3A_1474 = vector.broadcast %add3A_1473 : i32 to vector<16xi32>
      %add3A_1475 = arith.addi %add3A_1472, %add3A_1474 : vector<16xi32>
      %and3A_1476 = arith.constant 63 : i32
      %and3A_1477 = vector.broadcast %and3A_1476 : i32 to vector<16xi32>
      %and3A_1478 = arith.andi %add3A_1475, %and3A_1477 : vector<16xi32>
      %add3A_1479 = arith.constant 0 : i32
      %add3A_1480 = vector.broadcast %add3A_1479 : i32 to vector<16xi32>
      %add3A_1481 = arith.addi %iota3A, %add3A_1480 : vector<16xi32>
      %add3A_1482 = arith.constant 31 : i32
      %add3A_1483 = vector.broadcast %add3A_1482 : i32 to vector<16xi32>
      %add3A_1484 = arith.addi %add3A_1481, %add3A_1483 : vector<16xi32>
      %and3A_1485 = arith.constant 63 : i32
      %and3A_1486 = vector.broadcast %and3A_1485 : i32 to vector<16xi32>
      %and3A_1487 = arith.andi %add3A_1484, %and3A_1486 : vector<16xi32>
      %add3A_1488 = arith.addi %shift_right_arithmetic3A_1185, %and3A_1208 : vector<16xi32>
      %gather3A_1489 = tpu.vector_load_idx %arg16[%iota3A, %add3A_1488] : memref<16x128xf32, #tpu.memory_space<vmem>>[vector<16xi32>, vector<16xi32>], vector<16xf32>,
      %add3A_1490 = arith.addi %shift_right_arithmetic3A_1185, %and3A_1217 : vector<16xi32>
      %gather3A_1491 = tpu.vector_load_idx %arg16[%iota3A, %add3A_1490] : memref<16x128xf32, #tpu.memory_space<vmem>>[vector<16xi32>, vector<16xi32>], vector<16xf32>,
      %add3A_1492 = arith.addi %shift_right_arithmetic3A_1185, %and3A_1226 : vector<16xi32>
      %gather3A_1493 = tpu.vector_load_idx %arg16[%iota3A, %add3A_1492] : memref<16x128xf32, #tpu.memory_space<vmem>>[vector<16xi32>, vector<16xi32>], vector<16xf32>,
      %add3A_1494 = arith.addi %shift_right_arithmetic3A_1185, %and3A_1235 : vector<16xi32>
      %gather3A_1495 = tpu.vector_load_idx %arg16[%iota3A, %add3A_1494] : memref<16x128xf32, #tpu.memory_space<vmem>>[vector<16xi32>, vector<16xi32>], vector<16xf32>,
      %add3A_1496 = arith.addi %shift_right_arithmetic3A_1185, %and3A_1244 : vector<16xi32>
      %gather3A_1497 = tpu.vector_load_idx %arg16[%iota3A, %add3A_1496] : memref<16x128xf32, #tpu.memory_space<vmem>>[vector<16xi32>, vector<16xi32>], vector<16xf32>,
      %add3A_1498 = arith.addi %shift_right_arithmetic3A_1185, %and3A_1253 : vector<16xi32>
      %gather3A_1499 = tpu.vector_load_idx %arg16[%iota3A, %add3A_1498] : memref<16x128xf32, #tpu.memory_space<vmem>>[vector<16xi32>, vector<16xi32>], vector<16xf32>,
      %add3A_1500 = arith.addi %shift_right_arithmetic3A_1185, %and3A_1262 : vector<16xi32>
      %gather3A_1501 = tpu.vector_load_idx %arg16[%iota3A, %add3A_1500] : memref<16x128xf32, #tpu.memory_space<vmem>>[vector<16xi32>, vector<16xi32>], vector<16xf32>,
      %add3A_1502 = arith.addi %shift_right_arithmetic3A_1185, %and3A_1271 : vector<16xi32>
      %gather3A_1503 = tpu.vector_load_idx %arg16[%iota3A, %add3A_1502] : memref<16x128xf32, #tpu.memory_space<vmem>>[vector<16xi32>, vector<16xi32>], vector<16xf32>,
      %add3A_1504 = arith.addi %shift_right_arithmetic3A_1185, %and3A_1280 : vector<16xi32>
      %gather3A_1505 = tpu.vector_load_idx %arg16[%iota3A, %add3A_1504] : memref<16x128xf32, #tpu.memory_space<vmem>>[vector<16xi32>, vector<16xi32>], vector<16xf32>,
      %add3A_1506 = arith.addi %shift_right_arithmetic3A_1185, %and3A_1289 : vector<16xi32>
      %gather3A_1507 = tpu.vector_load_idx %arg16[%iota3A, %add3A_1506] : memref<16x128xf32, #tpu.memory_space<vmem>>[vector<16xi32>, vector<16xi32>], vector<16xf32>,
      %add3A_1508 = arith.addi %shift_right_arithmetic3A_1185, %and3A_1298 : vector<16xi32>
      %gather3A_1509 = tpu.vector_load_idx %arg16[%iota3A, %add3A_1508] : memref<16x128xf32, #tpu.memory_space<vmem>>[vector<16xi32>, vector<16xi32>], vector<16xf32>,
      %add3A_1510 = arith.addi %shift_right_arithmetic3A_1185, %and3A_1307 : vector<16xi32>
      %gather3A_1511 = tpu.vector_load_idx %arg16[%iota3A, %add3A_1510] : memref<16x128xf32, #tpu.memory_space<vmem>>[vector<16xi32>, vector<16xi32>], vector<16xf32>,
      %add3A_1512 = arith.addi %shift_right_arithmetic3A_1185, %and3A_1316 : vector<16xi32>
      %gather3A_1513 = tpu.vector_load_idx %arg16[%iota3A, %add3A_1512] : memref<16x128xf32, #tpu.memory_space<vmem>>[vector<16xi32>, vector<16xi32>], vector<16xf32>,
      %add3A_1514 = arith.addi %shift_right_arithmetic3A_1185, %and3A_1325 : vector<16xi32>
      %gather3A_1515 = tpu.vector_load_idx %arg16[%iota3A, %add3A_1514] : memref<16x128xf32, #tpu.memory_space<vmem>>[vector<16xi32>, vector<16xi32>], vector<16xf32>,
      %add3A_1516 = arith.addi %shift_right_arithmetic3A_1185, %and3A_1334 : vector<16xi32>
      %gather3A_1517 = tpu.vector_load_idx %arg16[%iota3A, %add3A_1516] : memref<16x128xf32, #tpu.memory_space<vmem>>[vector<16xi32>, vector<16xi32>], vector<16xf32>,
      %add3A_1518 = arith.addi %shift_right_arithmetic3A_1185, %and3A_1343 : vector<16xi32>
      %gather3A_1519 = tpu.vector_load_idx %arg16[%iota3A, %add3A_1518] : memref<16x128xf32, #tpu.memory_space<vmem>>[vector<16xi32>, vector<16xi32>], vector<16xf32>,
      %add3A_1520 = arith.addi %shift_right_arithmetic3A_1185, %and3A_1352 : vector<16xi32>
      %gather3A_1521 = tpu.vector_load_idx %arg16[%iota3A, %add3A_1520] : memref<16x128xf32, #tpu.memory_space<vmem>>[vector<16xi32>, vector<16xi32>], vector<16xf32>,
      %add3A_1522 = arith.addi %shift_right_arithmetic3A_1185, %and3A_1361 : vector<16xi32>
      %gather3A_1523 = tpu.vector_load_idx %arg16[%iota3A, %add3A_1522] : memref<16x128xf32, #tpu.memory_space<vmem>>[vector<16xi32>, vector<16xi32>], vector<16xf32>,
      %add3A_1524 = arith.addi %shift_right_arithmetic3A_1185, %and3A_1370 : vector<16xi32>
      %gather3A_1525 = tpu.vector_load_idx %arg16[%iota3A, %add3A_1524] : memref<16x128xf32, #tpu.memory_space<vmem>>[vector<16xi32>, vector<16xi32>], vector<16xf32>,
      %add3A_1526 = arith.addi %shift_right_arithmetic3A_1185, %and3A_1379 : vector<16xi32>
      %gather3A_1527 = tpu.vector_load_idx %arg16[%iota3A, %add3A_1526] : memref<16x128xf32, #tpu.memory_space<vmem>>[vector<16xi32>, vector<16xi32>], vector<16xf32>,
      %add3A_1528 = arith.addi %shift_right_arithmetic3A_1185, %and3A_1388 : vector<16xi32>
      %gather3A_1529 = tpu.vector_load_idx %arg16[%iota3A, %add3A_1528] : memref<16x128xf32, #tpu.memory_space<vmem>>[vector<16xi32>, vector<16xi32>], vector<16xf32>,
      %add3A_1530 = arith.addi %shift_right_arithmetic3A_1185, %and3A_1397 : vector<16xi32>
      %gather3A_1531 = tpu.vector_load_idx %arg16[%iota3A, %add3A_1530] : memref<16x128xf32, #tpu.memory_space<vmem>>[vector<16xi32>, vector<16xi32>], vector<16xf32>,
      %add3A_1532 = arith.addi %shift_right_arithmetic3A_1185, %and3A_1406 : vector<16xi32>
      %gather3A_1533 = tpu.vector_load_idx %arg16[%iota3A, %add3A_1532] : memref<16x128xf32, #tpu.memory_space<vmem>>[vector<16xi32>, vector<16xi32>], vector<16xf32>,
      %add3A_1534 = arith.addi %shift_right_arithmetic3A_1185, %and3A_1415 : vector<16xi32>
      %gather3A_1535 = tpu.vector_load_idx %arg16[%iota3A, %add3A_1534] : memref<16x128xf32, #tpu.memory_space<vmem>>[vector<16xi32>, vector<16xi32>], vector<16xf32>,
      %add3A_1536 = arith.addi %shift_right_arithmetic3A_1185, %and3A_1424 : vector<16xi32>
      %gather3A_1537 = tpu.vector_load_idx %arg16[%iota3A, %add3A_1536] : memref<16x128xf32, #tpu.memory_space<vmem>>[vector<16xi32>, vector<16xi32>], vector<16xf32>,
      %add3A_1538 = arith.addi %shift_right_arithmetic3A_1185, %and3A_1433 : vector<16xi32>
      %gather3A_1539 = tpu.vector_load_idx %arg16[%iota3A, %add3A_1538] : memref<16x128xf32, #tpu.memory_space<vmem>>[vector<16xi32>, vector<16xi32>], vector<16xf32>,
      %add3A_1540 = arith.addi %shift_right_arithmetic3A_1185, %and3A_1442 : vector<16xi32>
      %gather3A_1541 = tpu.vector_load_idx %arg16[%iota3A, %add3A_1540] : memref<16x128xf32, #tpu.memory_space<vmem>>[vector<16xi32>, vector<16xi32>], vector<16xf32>,
      %add3A_1542 = arith.addi %shift_right_arithmetic3A_1185, %and3A_1451 : vector<16xi32>
      %gather3A_1543 = tpu.vector_load_idx %arg16[%iota3A, %add3A_1542] : memref<16x128xf32, #tpu.memory_space<vmem>>[vector<16xi32>, vector<16xi32>], vector<16xf32>,
      %add3A_1544 = arith.addi %shift_right_arithmetic3A_1185, %and3A_1460 : vector<16xi32>
      %gather3A_1545 = tpu.vector_load_idx %arg16[%iota3A, %add3A_1544] : memref<16x128xf32, #tpu.memory_space<vmem>>[vector<16xi32>, vector<16xi32>], vector<16xf32>,
      %add3A_1546 = arith.addi %shift_right_arithmetic3A_1185, %and3A_1469 : vector<16xi32>
      %gather3A_1547 = tpu.vector_load_idx %arg16[%iota3A, %add3A_1546] : memref<16x128xf32, #tpu.memory_space<vmem>>[vector<16xi32>, vector<16xi32>], vector<16xf32>,
      %add3A_1548 = arith.addi %shift_right_arithmetic3A_1185, %and3A_1478 : vector<16xi32>
      %gather3A_1549 = tpu.vector_load_idx %arg16[%iota3A, %add3A_1548] : memref<16x128xf32, #tpu.memory_space<vmem>>[vector<16xi32>, vector<16xi32>], vector<16xf32>,
      %add3A_1550 = arith.addi %shift_right_arithmetic3A_1185, %and3A_1487 : vector<16xi32>
      %gather3A_1551 = tpu.vector_load_idx %arg16[%iota3A, %add3A_1550] : memref<16x128xf32, #tpu.memory_space<vmem>>[vector<16xi32>, vector<16xi32>], vector<16xf32>,
      %broadcast_in_dim3A_1552 = arith.constant 0.000000e+00 : f32
      %broadcast_in_dim3A_1553 = vector.broadcast %broadcast_in_dim3A_1552 : f32 to vector<16xf32>
      %broadcast_in_dim3A_1554 = arith.constant 0.000000e+00 : f32
      %broadcast_in_dim3A_1555 = vector.broadcast %broadcast_in_dim3A_1554 : f32 to vector<16xf32>
      %broadcast_in_dim3A_1556 = arith.constant 0.000000e+00 : f32
      %broadcast_in_dim3A_1557 = vector.broadcast %broadcast_in_dim3A_1556 : f32 to vector<16xf32>
      %broadcast_in_dim3A_1558 = arith.constant 0.000000e+00 : f32
      %broadcast_in_dim3A_1559 = vector.broadcast %broadcast_in_dim3A_1558 : f32 to vector<16xf32>
      %add3A_1560 = arith.addi %shift_right_arithmetic3A_1195, %and3A_1208 : vector<16xi32>
      %gather3A_1561 = tpu.vector_load_idx %arg18[%iota3A, %add3A_1560] : memref<16x128xf32, #tpu.memory_space<vmem>>[vector<16xi32>, vector<16xi32>], vector<16xf32>,
      %mul3A_1562 = arith.mulf %gather3A_1489, %gather3A_1561 : vector<16xf32>
      %add3A_1563 = arith.addf %broadcast_in_dim3A_1553, %mul3A_1562 : vector<16xf32>
      %add3A_1564 = arith.addi %shift_right_arithmetic3A_1195, %and3A_1217 : vector<16xi32>
      %gather3A_1565 = tpu.vector_load_idx %arg18[%iota3A, %add3A_1564] : memref<16x128xf32, #tpu.memory_space<vmem>>[vector<16xi32>, vector<16xi32>], vector<16xf32>,
      %mul3A_1566 = arith.mulf %gather3A_1491, %gather3A_1565 : vector<16xf32>
      %add3A_1567 = arith.addf %broadcast_in_dim3A_1555, %mul3A_1566 : vector<16xf32>
      %add3A_1568 = arith.addi %shift_right_arithmetic3A_1195, %and3A_1226 : vector<16xi32>
      %gather3A_1569 = tpu.vector_load_idx %arg18[%iota3A, %add3A_1568] : memref<16x128xf32, #tpu.memory_space<vmem>>[vector<16xi32>, vector<16xi32>], vector<16xf32>,
      %mul3A_1570 = arith.mulf %gather3A_1493, %gather3A_1569 : vector<16xf32>
      %add3A_1571 = arith.addf %broadcast_in_dim3A_1557, %mul3A_1570 : vector<16xf32>
      %add3A_1572 = arith.addi %shift_right_arithmetic3A_1195, %and3A_1235 : vector<16xi32>
      %gather3A_1573 = tpu.vector_load_idx %arg18[%iota3A, %add3A_1572] : memref<16x128xf32, #tpu.memory_space<vmem>>[vector<16xi32>, vector<16xi32>], vector<16xf32>,
      %mul3A_1574 = arith.mulf %gather3A_1495, %gather3A_1573 : vector<16xf32>
      %add3A_1575 = arith.addf %broadcast_in_dim3A_1559, %mul3A_1574 : vector<16xf32>
      %add3A_1576 = arith.addi %shift_right_arithmetic3A_1195, %and3A_1244 : vector<16xi32>
      %gather3A_1577 = tpu.vector_load_idx %arg18[%iota3A, %add3A_1576] : memref<16x128xf32, #tpu.memory_space<vmem>>[vector<16xi32>, vector<16xi32>], vector<16xf32>,
      %mul3A_1578 = arith.mulf %gather3A_1497, %gather3A_1577 : vector<16xf32>
      %add3A_1579 = arith.addf %add3A_1563, %mul3A_1578 : vector<16xf32>
      %add3A_1580 = arith.addi %shift_right_arithmetic3A_1195, %and3A_1253 : vector<16xi32>
      %gather3A_1581 = tpu.vector_load_idx %arg18[%iota3A, %add3A_1580] : memref<16x128xf32, #tpu.memory_space<vmem>>[vector<16xi32>, vector<16xi32>], vector<16xf32>,
      %mul3A_1582 = arith.mulf %gather3A_1499, %gather3A_1581 : vector<16xf32>
      %add3A_1583 = arith.addf %add3A_1567, %mul3A_1582 : vector<16xf32>
      %add3A_1584 = arith.addi %shift_right_arithmetic3A_1195, %and3A_1262 : vector<16xi32>
      %gather3A_1585 = tpu.vector_load_idx %arg18[%iota3A, %add3A_1584] : memref<16x128xf32, #tpu.memory_space<vmem>>[vector<16xi32>, vector<16xi32>], vector<16xf32>,
      %mul3A_1586 = arith.mulf %gather3A_1501, %gather3A_1585 : vector<16xf32>
      %add3A_1587 = arith.addf %add3A_1571, %mul3A_1586 : vector<16xf32>
      %add3A_1588 = arith.addi %shift_right_arithmetic3A_1195, %and3A_1271 : vector<16xi32>
      %gather3A_1589 = tpu.vector_load_idx %arg18[%iota3A, %add3A_1588] : memref<16x128xf32, #tpu.memory_space<vmem>>[vector<16xi32>, vector<16xi32>], vector<16xf32>,
      %mul3A_1590 = arith.mulf %gather3A_1503, %gather3A_1589 : vector<16xf32>
      %add3A_1591 = arith.addf %add3A_1575, %mul3A_1590 : vector<16xf32>
      %add3A_1592 = arith.addi %shift_right_arithmetic3A_1195, %and3A_1280 : vector<16xi32>
      %gather3A_1593 = tpu.vector_load_idx %arg18[%iota3A, %add3A_1592] : memref<16x128xf32, #tpu.memory_space<vmem>>[vector<16xi32>, vector<16xi32>], vector<16xf32>,
      %mul3A_1594 = arith.mulf %gather3A_1505, %gather3A_1593 : vector<16xf32>
      %add3A_1595 = arith.addf %add3A_1579, %mul3A_1594 : vector<16xf32>
      %add3A_1596 = arith.addi %shift_right_arithmetic3A_1195, %and3A_1289 : vector<16xi32>
      %gather3A_1597 = tpu.vector_load_idx %arg18[%iota3A, %add3A_1596] : memref<16x128xf32, #tpu.memory_space<vmem>>[vector<16xi32>, vector<16xi32>], vector<16xf32>,
      %mul3A_1598 = arith.mulf %gather3A_1507, %gather3A_1597 : vector<16xf32>
      %add3A_1599 = arith.addf %add3A_1583, %mul3A_1598 : vector<16xf32>
      %add3A_1600 = arith.addi %shift_right_arithmetic3A_1195, %and3A_1298 : vector<16xi32>
      %gather3A_1601 = tpu.vector_load_idx %arg18[%iota3A, %add3A_1600] : memref<16x128xf32, #tpu.memory_space<vmem>>[vector<16xi32>, vector<16xi32>], vector<16xf32>,
      %mul3A_1602 = arith.mulf %gather3A_1509, %gather3A_1601 : vector<16xf32>
      %add3A_1603 = arith.addf %add3A_1587, %mul3A_1602 : vector<16xf32>
      %add3A_1604 = arith.addi %shift_right_arithmetic3A_1195, %and3A_1307 : vector<16xi32>
      %gather3A_1605 = tpu.vector_load_idx %arg18[%iota3A, %add3A_1604] : memref<16x128xf32, #tpu.memory_space<vmem>>[vector<16xi32>, vector<16xi32>], vector<16xf32>,
      %mul3A_1606 = arith.mulf %gather3A_1511, %gather3A_1605 : vector<16xf32>
      %add3A_1607 = arith.addf %add3A_1591, %mul3A_1606 : vector<16xf32>
      %add3A_1608 = arith.addi %shift_right_arithmetic3A_1195, %and3A_1316 : vector<16xi32>
      %gather3A_1609 = tpu.vector_load_idx %arg18[%iota3A, %add3A_1608] : memref<16x128xf32, #tpu.memory_space<vmem>>[vector<16xi32>, vector<16xi32>], vector<16xf32>,
      %mul3A_1610 = arith.mulf %gather3A_1513, %gather3A_1609 : vector<16xf32>
      %add3A_1611 = arith.addf %add3A_1595, %mul3A_1610 : vector<16xf32>
      %add3A_1612 = arith.addi %shift_right_arithmetic3A_1195, %and3A_1325 : vector<16xi32>
      %gather3A_1613 = tpu.vector_load_idx %arg18[%iota3A, %add3A_1612] : memref<16x128xf32, #tpu.memory_space<vmem>>[vector<16xi32>, vector<16xi32>], vector<16xf32>,
      %mul3A_1614 = arith.mulf %gather3A_1515, %gather3A_1613 : vector<16xf32>
      %add3A_1615 = arith.addf %add3A_1599, %mul3A_1614 : vector<16xf32>
      %add3A_1616 = arith.addi %shift_right_arithmetic3A_1195, %and3A_1334 : vector<16xi32>
      %gather3A_1617 = tpu.vector_load_idx %arg18[%iota3A, %add3A_1616] : memref<16x128xf32, #tpu.memory_space<vmem>>[vector<16xi32>, vector<16xi32>], vector<16xf32>,
      %mul3A_1618 = arith.mulf %gather3A_1517, %gather3A_1617 : vector<16xf32>
      %add3A_1619 = arith.addf %add3A_1603, %mul3A_1618 : vector<16xf32>
      %add3A_1620 = arith.addi %shift_right_arithmetic3A_1195, %and3A_1343 : vector<16xi32>
      %gather3A_1621 = tpu.vector_load_idx %arg18[%iota3A, %add3A_1620] : memref<16x128xf32, #tpu.memory_space<vmem>>[vector<16xi32>, vector<16xi32>], vector<16xf32>,
      %mul3A_1622 = arith.mulf %gather3A_1519, %gather3A_1621 : vector<16xf32>
      %add3A_1623 = arith.addf %add3A_1607, %mul3A_1622 : vector<16xf32>
      %add3A_1624 = arith.addi %shift_right_arithmetic3A_1195, %and3A_1352 : vector<16xi32>
      %gather3A_1625 = tpu.vector_load_idx %arg18[%iota3A, %add3A_1624] : memref<16x128xf32, #tpu.memory_space<vmem>>[vector<16xi32>, vector<16xi32>], vector<16xf32>,
      %mul3A_1626 = arith.mulf %gather3A_1521, %gather3A_1625 : vector<16xf32>
      %add3A_1627 = arith.addf %add3A_1611, %mul3A_1626 : vector<16xf32>
      %add3A_1628 = arith.addi %shift_right_arithmetic3A_1195, %and3A_1361 : vector<16xi32>
      %gather3A_1629 = tpu.vector_load_idx %arg18[%iota3A, %add3A_1628] : memref<16x128xf32, #tpu.memory_space<vmem>>[vector<16xi32>, vector<16xi32>], vector<16xf32>,
      %mul3A_1630 = arith.mulf %gather3A_1523, %gather3A_1629 : vector<16xf32>
      %add3A_1631 = arith.addf %add3A_1615, %mul3A_1630 : vector<16xf32>
      %add3A_1632 = arith.addi %shift_right_arithmetic3A_1195, %and3A_1370 : vector<16xi32>
      %gather3A_1633 = tpu.vector_load_idx %arg18[%iota3A, %add3A_1632] : memref<16x128xf32, #tpu.memory_space<vmem>>[vector<16xi32>, vector<16xi32>], vector<16xf32>,
      %mul3A_1634 = arith.mulf %gather3A_1525, %gather3A_1633 : vector<16xf32>
      %add3A_1635 = arith.addf %add3A_1619, %mul3A_1634 : vector<16xf32>
      %add3A_1636 = arith.addi %shift_right_arithmetic3A_1195, %and3A_1379 : vector<16xi32>
      %gather3A_1637 = tpu.vector_load_idx %arg18[%iota3A, %add3A_1636] : memref<16x128xf32, #tpu.memory_space<vmem>>[vector<16xi32>, vector<16xi32>], vector<16xf32>,
      %mul3A_1638 = arith.mulf %gather3A_1527, %gather3A_1637 : vector<16xf32>
      %add3A_1639 = arith.addf %add3A_1623, %mul3A_1638 : vector<16xf32>
      %add3A_1640 = arith.addi %shift_right_arithmetic3A_1195, %and3A_1388 : vector<16xi32>
      %gather3A_1641 = tpu.vector_load_idx %arg18[%iota3A, %add3A_1640] : memref<16x128xf32, #tpu.memory_space<vmem>>[vector<16xi32>, vector<16xi32>], vector<16xf32>,
      %mul3A_1642 = arith.mulf %gather3A_1529, %gather3A_1641 : vector<16xf32>
      %add3A_1643 = arith.addf %add3A_1627, %mul3A_1642 : vector<16xf32>
      %add3A_1644 = arith.addi %shift_right_arithmetic3A_1195, %and3A_1397 : vector<16xi32>
      %gather3A_1645 = tpu.vector_load_idx %arg18[%iota3A, %add3A_1644] : memref<16x128xf32, #tpu.memory_space<vmem>>[vector<16xi32>, vector<16xi32>], vector<16xf32>,
      %mul3A_1646 = arith.mulf %gather3A_1531, %gather3A_1645 : vector<16xf32>
      %add3A_1647 = arith.addf %add3A_1631, %mul3A_1646 : vector<16xf32>
      %add3A_1648 = arith.addi %shift_right_arithmetic3A_1195, %and3A_1406 : vector<16xi32>
      %gather3A_1649 = tpu.vector_load_idx %arg18[%iota3A, %add3A_1648] : memref<16x128xf32, #tpu.memory_space<vmem>>[vector<16xi32>, vector<16xi32>], vector<16xf32>,
      %mul3A_1650 = arith.mulf %gather3A_1533, %gather3A_1649 : vector<16xf32>
      %add3A_1651 = arith.addf %add3A_1635, %mul3A_1650 : vector<16xf32>
      %add3A_1652 = arith.addi %shift_right_arithmetic3A_1195, %and3A_1415 : vector<16xi32>
      %gather3A_1653 = tpu.vector_load_idx %arg18[%iota3A, %add3A_1652] : memref<16x128xf32, #tpu.memory_space<vmem>>[vector<16xi32>, vector<16xi32>], vector<16xf32>,
      %mul3A_1654 = arith.mulf %gather3A_1535, %gather3A_1653 : vector<16xf32>
      %add3A_1655 = arith.addf %add3A_1639, %mul3A_1654 : vector<16xf32>
      %add3A_1656 = arith.addi %shift_right_arithmetic3A_1195, %and3A_1424 : vector<16xi32>
      %gather3A_1657 = tpu.vector_load_idx %arg18[%iota3A, %add3A_1656] : memref<16x128xf32, #tpu.memory_space<vmem>>[vector<16xi32>, vector<16xi32>], vector<16xf32>,
      %mul3A_1658 = arith.mulf %gather3A_1537, %gather3A_1657 : vector<16xf32>
      %add3A_1659 = arith.addf %add3A_1643, %mul3A_1658 : vector<16xf32>
      %add3A_1660 = arith.addi %shift_right_arithmetic3A_1195, %and3A_1433 : vector<16xi32>
      %gather3A_1661 = tpu.vector_load_idx %arg18[%iota3A, %add3A_1660] : memref<16x128xf32, #tpu.memory_space<vmem>>[vector<16xi32>, vector<16xi32>], vector<16xf32>,
      %mul3A_1662 = arith.mulf %gather3A_1539, %gather3A_1661 : vector<16xf32>
      %add3A_1663 = arith.addf %add3A_1647, %mul3A_1662 : vector<16xf32>
      %add3A_1664 = arith.addi %shift_right_arithmetic3A_1195, %and3A_1442 : vector<16xi32>
      %gather3A_1665 = tpu.vector_load_idx %arg18[%iota3A, %add3A_1664] : memref<16x128xf32, #tpu.memory_space<vmem>>[vector<16xi32>, vector<16xi32>], vector<16xf32>,
      %mul3A_1666 = arith.mulf %gather3A_1541, %gather3A_1665 : vector<16xf32>
      %add3A_1667 = arith.addf %add3A_1651, %mul3A_1666 : vector<16xf32>
      %add3A_1668 = arith.addi %shift_right_arithmetic3A_1195, %and3A_1451 : vector<16xi32>
      %gather3A_1669 = tpu.vector_load_idx %arg18[%iota3A, %add3A_1668] : memref<16x128xf32, #tpu.memory_space<vmem>>[vector<16xi32>, vector<16xi32>], vector<16xf32>,
      %mul3A_1670 = arith.mulf %gather3A_1543, %gather3A_1669 : vector<16xf32>
      %add3A_1671 = arith.addf %add3A_1655, %mul3A_1670 : vector<16xf32>
      %add3A_1672 = arith.addi %shift_right_arithmetic3A_1195, %and3A_1460 : vector<16xi32>
      %gather3A_1673 = tpu.vector_load_idx %arg18[%iota3A, %add3A_1672] : memref<16x128xf32, #tpu.memory_space<vmem>>[vector<16xi32>, vector<16xi32>], vector<16xf32>,
      %mul3A_1674 = arith.mulf %gather3A_1545, %gather3A_1673 : vector<16xf32>
      %add3A_1675 = arith.addf %add3A_1659, %mul3A_1674 : vector<16xf32>
      %add3A_1676 = arith.addi %shift_right_arithmetic3A_1195, %and3A_1469 : vector<16xi32>
      %gather3A_1677 = tpu.vector_load_idx %arg18[%iota3A, %add3A_1676] : memref<16x128xf32, #tpu.memory_space<vmem>>[vector<16xi32>, vector<16xi32>], vector<16xf32>,
      %mul3A_1678 = arith.mulf %gather3A_1547, %gather3A_1677 : vector<16xf32>
      %add3A_1679 = arith.addf %add3A_1663, %mul3A_1678 : vector<16xf32>
      %add3A_1680 = arith.addi %shift_right_arithmetic3A_1195, %and3A_1478 : vector<16xi32>
      %gather3A_1681 = tpu.vector_load_idx %arg18[%iota3A, %add3A_1680] : memref<16x128xf32, #tpu.memory_space<vmem>>[vector<16xi32>, vector<16xi32>], vector<16xf32>,
      %mul3A_1682 = arith.mulf %gather3A_1549, %gather3A_1681 : vector<16xf32>
      %add3A_1683 = arith.addf %add3A_1667, %mul3A_1682 : vector<16xf32>
      %add3A_1684 = arith.addi %shift_right_arithmetic3A_1195, %and3A_1487 : vector<16xi32>
      %gather3A_1685 = tpu.vector_load_idx %arg18[%iota3A, %add3A_1684] : memref<16x128xf32, #tpu.memory_space<vmem>>[vector<16xi32>, vector<16xi32>], vector<16xf32>,
      %mul3A_1686 = arith.mulf %gather3A_1551, %gather3A_1685 : vector<16xf32>
      %add3A_1687 = arith.addf %add3A_1671, %mul3A_1686 : vector<16xf32>
      %add3A_1688 = arith.addf %add3A_1675, %add3A_1679 : vector<16xf32>
      %add3A_1689 = arith.addf %broadcast_in_dim3A_1197, %add3A_1688 : vector<16xf32>
      %add3A_1690 = arith.addf %add3A_1683, %add3A_1687 : vector<16xf32>
      %add3A_1691 = arith.addf %add3A_1689, %add3A_1690 : vector<16xf32>
      %scan3A_1692 = arith.constant 0 : i32
      %scan3A_1693 = arith.constant 20 : i32
      %scan3A_1694 = arith.addi %scan3A_1692, %scan3A_1693 : i32
      %scan3A_1695 = arith.constant 1 : i32
      scf.for %scan3A_2203 = %scan3A_1692 to %scan3A_1694 step %scan3A_1695  : i32 {
        %mul3A_2204 = arith.constant 20 : i32
        %mul3A_2205 = vector.broadcast %mul3A_2204 : i32 to vector<16xi32>
        %mul3A_2206 = arith.muli %iota3A, %mul3A_2205 : vector<16xi32>
        %add3A_2207 = vector.broadcast %scan3A_2203 : i32 to vector<16xi32>
        %add3A_2208 = arith.addi %mul3A_2206, %add3A_2207 : vector<16xi32>
        %mul3A_2209 = arith.constant 16 : i32
        %mul3A_2210 = arith.muli %add3A_1133, %mul3A_2209 : i32
        %mul3A_2211 = arith.constant 20 : i32
        %mul3A_2212 = arith.muli %mul3A_2210, %mul3A_2211 : i32
        %add3A_2213 = vector.broadcast %mul3A_2212 : i32 to vector<16xi32>
        %add3A_2214 = arith.addi %add3A_2213, %add3A_2208 : vector<16xi32>
        %gather3A_2215 = tpu.vector_load_idx %arg11[%add3A_2214] : memref<10240xi32, #tpu.memory_space<vmem>>[vector<16xi32>], vector<16xi32>,
        %and3A_2216 = arith.constant 256 : i32
        %and3A_2217 = vector.broadcast %and3A_2216 : i32 to vector<16xi32>
        %and3A_2218 = arith.andi %gather3A_2215, %and3A_2217 : vector<16xi32>
        %shift_right_arithmetic3A_2219 = arith.constant 2 : i32
        %shift_right_arithmetic3A_2220 = vector.broadcast %shift_right_arithmetic3A_2219 : i32 to vector<16xi32>
        %shift_right_arithmetic3A_2221 = arith.shrsi %and3A_2218, %shift_right_arithmetic3A_2220 : vector<16xi32>
        %broadcast_in_dim3A_2222 = arith.constant 0.000000e+00 : f32
        %broadcast_in_dim3A_2223 = vector.broadcast %broadcast_in_dim3A_2222 : f32 to vector<16xf32>
        %broadcast_in_dim3A_2224 = arith.constant 0.000000e+00 : f32
        %broadcast_in_dim3A_2225 = vector.broadcast %broadcast_in_dim3A_2224 : f32 to vector<16xf32>
        %broadcast_in_dim3A_2226 = arith.constant 0.000000e+00 : f32
        %broadcast_in_dim3A_2227 = vector.broadcast %broadcast_in_dim3A_2226 : f32 to vector<16xf32>
        %broadcast_in_dim3A_2228 = arith.constant 0.000000e+00 : f32
        %broadcast_in_dim3A_2229 = vector.broadcast %broadcast_in_dim3A_2228 : f32 to vector<16xf32>
        %add3A_2230 = arith.addi %shift_right_arithmetic3A_2221, %and3A_1208 : vector<16xi32>
        %gather3A_2231 = tpu.vector_load_idx %arg20[%add3A_2208, %add3A_2230] : memref<320x128xf32, #tpu.memory_space<vmem>>[vector<16xi32>, vector<16xi32>], vector<16xf32>,
        %mul3A_2232 = arith.mulf %gather3A_1489, %gather3A_2231 : vector<16xf32>
        %add3A_2233 = arith.addf %broadcast_in_dim3A_2223, %mul3A_2232 : vector<16xf32>
        %add3A_2234 = arith.addi %shift_right_arithmetic3A_2221, %and3A_1217 : vector<16xi32>
        %gather3A_2235 = tpu.vector_load_idx %arg20[%add3A_2208, %add3A_2234] : memref<320x128xf32, #tpu.memory_space<vmem>>[vector<16xi32>, vector<16xi32>], vector<16xf32>,
        %mul3A_2236 = arith.mulf %gather3A_1491, %gather3A_2235 : vector<16xf32>
        %add3A_2237 = arith.addf %broadcast_in_dim3A_2225, %mul3A_2236 : vector<16xf32>
        %add3A_2238 = arith.addi %shift_right_arithmetic3A_2221, %and3A_1226 : vector<16xi32>
        %gather3A_2239 = tpu.vector_load_idx %arg20[%add3A_2208, %add3A_2238] : memref<320x128xf32, #tpu.memory_space<vmem>>[vector<16xi32>, vector<16xi32>], vector<16xf32>,
        %mul3A_2240 = arith.mulf %gather3A_1493, %gather3A_2239 : vector<16xf32>
        %add3A_2241 = arith.addf %broadcast_in_dim3A_2227, %mul3A_2240 : vector<16xf32>
        %add3A_2242 = arith.addi %shift_right_arithmetic3A_2221, %and3A_1235 : vector<16xi32>
        %gather3A_2243 = tpu.vector_load_idx %arg20[%add3A_2208, %add3A_2242] : memref<320x128xf32, #tpu.memory_space<vmem>>[vector<16xi32>, vector<16xi32>], vector<16xf32>,
        %mul3A_2244 = arith.mulf %gather3A_1495, %gather3A_2243 : vector<16xf32>
        %add3A_2245 = arith.addf %broadcast_in_dim3A_2229, %mul3A_2244 : vector<16xf32>
        %add3A_2246 = arith.addi %shift_right_arithmetic3A_2221, %and3A_1244 : vector<16xi32>
        %gather3A_2247 = tpu.vector_load_idx %arg20[%add3A_2208, %add3A_2246] : memref<320x128xf32, #tpu.memory_space<vmem>>[vector<16xi32>, vector<16xi32>], vector<16xf32>,
        %mul3A_2248 = arith.mulf %gather3A_1497, %gather3A_2247 : vector<16xf32>
        %add3A_2249 = arith.addf %add3A_2233, %mul3A_2248 : vector<16xf32>
        %add3A_2250 = arith.addi %shift_right_arithmetic3A_2221, %and3A_1253 : vector<16xi32>
        %gather3A_2251 = tpu.vector_load_idx %arg20[%add3A_2208, %add3A_2250] : memref<320x128xf32, #tpu.memory_space<vmem>>[vector<16xi32>, vector<16xi32>], vector<16xf32>,
        %mul3A_2252 = arith.mulf %gather3A_1499, %gather3A_2251 : vector<16xf32>
        %add3A_2253 = arith.addf %add3A_2237, %mul3A_2252 : vector<16xf32>
        %add3A_2254 = arith.addi %shift_right_arithmetic3A_2221, %and3A_1262 : vector<16xi32>
        %gather3A_2255 = tpu.vector_load_idx %arg20[%add3A_2208, %add3A_2254] : memref<320x128xf32, #tpu.memory_space<vmem>>[vector<16xi32>, vector<16xi32>], vector<16xf32>,
        %mul3A_2256 = arith.mulf %gather3A_1501, %gather3A_2255 : vector<16xf32>
        %add3A_2257 = arith.addf %add3A_2241, %mul3A_2256 : vector<16xf32>
        %add3A_2258 = arith.addi %shift_right_arithmetic3A_2221, %and3A_1271 : vector<16xi32>
        %gather3A_2259 = tpu.vector_load_idx %arg20[%add3A_2208, %add3A_2258] : memref<320x128xf32, #tpu.memory_space<vmem>>[vector<16xi32>, vector<16xi32>], vector<16xf32>,
        %mul3A_2260 = arith.mulf %gather3A_1503, %gather3A_2259 : vector<16xf32>
        %add3A_2261 = arith.addf %add3A_2245, %mul3A_2260 : vector<16xf32>
        %add3A_2262 = arith.addi %shift_right_arithmetic3A_2221, %and3A_1280 : vector<16xi32>
        %gather3A_2263 = tpu.vector_load_idx %arg20[%add3A_2208, %add3A_2262] : memref<320x128xf32, #tpu.memory_space<vmem>>[vector<16xi32>, vector<16xi32>], vector<16xf32>,
        %mul3A_2264 = arith.mulf %gather3A_1505, %gather3A_2263 : vector<16xf32>
        %add3A_2265 = arith.addf %add3A_2249, %mul3A_2264 : vector<16xf32>
        %add3A_2266 = arith.addi %shift_right_arithmetic3A_2221, %and3A_1289 : vector<16xi32>
        %gather3A_2267 = tpu.vector_load_idx %arg20[%add3A_2208, %add3A_2266] : memref<320x128xf32, #tpu.memory_space<vmem>>[vector<16xi32>, vector<16xi32>], vector<16xf32>,
        %mul3A_2268 = arith.mulf %gather3A_1507, %gather3A_2267 : vector<16xf32>
        %add3A_2269 = arith.addf %add3A_2253, %mul3A_2268 : vector<16xf32>
        %add3A_2270 = arith.addi %shift_right_arithmetic3A_2221, %and3A_1298 : vector<16xi32>
        %gather3A_2271 = tpu.vector_load_idx %arg20[%add3A_2208, %add3A_2270] : memref<320x128xf32, #tpu.memory_space<vmem>>[vector<16xi32>, vector<16xi32>], vector<16xf32>,
        %mul3A_2272 = arith.mulf %gather3A_1509, %gather3A_2271 : vector<16xf32>
        %add3A_2273 = arith.addf %add3A_2257, %mul3A_2272 : vector<16xf32>
        %add3A_2274 = arith.addi %shift_right_arithmetic3A_2221, %and3A_1307 : vector<16xi32>
        %gather3A_2275 = tpu.vector_load_idx %arg20[%add3A_2208, %add3A_2274] : memref<320x128xf32, #tpu.memory_space<vmem>>[vector<16xi32>, vector<16xi32>], vector<16xf32>,
        %mul3A_2276 = arith.mulf %gather3A_1511, %gather3A_2275 : vector<16xf32>
        %add3A_2277 = arith.addf %add3A_2261, %mul3A_2276 : vector<16xf32>
        %add3A_2278 = arith.addi %shift_right_arithmetic3A_2221, %and3A_1316 : vector<16xi32>
        %gather3A_2279 = tpu.vector_load_idx %arg20[%add3A_2208, %add3A_2278] : memref<320x128xf32, #tpu.memory_space<vmem>>[vector<16xi32>, vector<16xi32>], vector<16xf32>,
        %mul3A_2280 = arith.mulf %gather3A_1513, %gather3A_2279 : vector<16xf32>
        %add3A_2281 = arith.addf %add3A_2265, %mul3A_2280 : vector<16xf32>
        %add3A_2282 = arith.addi %shift_right_arithmetic3A_2221, %and3A_1325 : vector<16xi32>
        %gather3A_2283 = tpu.vector_load_idx %arg20[%add3A_2208, %add3A_2282] : memref<320x128xf32, #tpu.memory_space<vmem>>[vector<16xi32>, vector<16xi32>], vector<16xf32>,
        %mul3A_2284 = arith.mulf %gather3A_1515, %gather3A_2283 : vector<16xf32>
        %add3A_2285 = arith.addf %add3A_2269, %mul3A_2284 : vector<16xf32>
        %add3A_2286 = arith.addi %shift_right_arithmetic3A_2221, %and3A_1334 : vector<16xi32>
        %gather3A_2287 = tpu.vector_load_idx %arg20[%add3A_2208, %add3A_2286] : memref<320x128xf32, #tpu.memory_space<vmem>>[vector<16xi32>, vector<16xi32>], vector<16xf32>,
        %mul3A_2288 = arith.mulf %gather3A_1517, %gather3A_2287 : vector<16xf32>
        %add3A_2289 = arith.addf %add3A_2273, %mul3A_2288 : vector<16xf32>
        %add3A_2290 = arith.addi %shift_right_arithmetic3A_2221, %and3A_1343 : vector<16xi32>
        %gather3A_2291 = tpu.vector_load_idx %arg20[%add3A_2208, %add3A_2290] : memref<320x128xf32, #tpu.memory_space<vmem>>[vector<16xi32>, vector<16xi32>], vector<16xf32>,
        %mul3A_2292 = arith.mulf %gather3A_1519, %gather3A_2291 : vector<16xf32>
        %add3A_2293 = arith.addf %add3A_2277, %mul3A_2292 : vector<16xf32>
        %add3A_2294 = arith.addi %shift_right_arithmetic3A_2221, %and3A_1352 : vector<16xi32>
        %gather3A_2295 = tpu.vector_load_idx %arg20[%add3A_2208, %add3A_2294] : memref<320x128xf32, #tpu.memory_space<vmem>>[vector<16xi32>, vector<16xi32>], vector<16xf32>,
        %mul3A_2296 = arith.mulf %gather3A_1521, %gather3A_2295 : vector<16xf32>
        %add3A_2297 = arith.addf %add3A_2281, %mul3A_2296 : vector<16xf32>
        %add3A_2298 = arith.addi %shift_right_arithmetic3A_2221, %and3A_1361 : vector<16xi32>
        %gather3A_2299 = tpu.vector_load_idx %arg20[%add3A_2208, %add3A_2298] : memref<320x128xf32, #tpu.memory_space<vmem>>[vector<16xi32>, vector<16xi32>], vector<16xf32>,
        %mul3A_2300 = arith.mulf %gather3A_1523, %gather3A_2299 : vector<16xf32>
        %add3A_2301 = arith.addf %add3A_2285, %mul3A_2300 : vector<16xf32>
        %add3A_2302 = arith.addi %shift_right_arithmetic3A_2221, %and3A_1370 : vector<16xi32>
        %gather3A_2303 = tpu.vector_load_idx %arg20[%add3A_2208, %add3A_2302] : memref<320x128xf32, #tpu.memory_space<vmem>>[vector<16xi32>, vector<16xi32>], vector<16xf32>,
        %mul3A_2304 = arith.mulf %gather3A_1525, %gather3A_2303 : vector<16xf32>
        %add3A_2305 = arith.addf %add3A_2289, %mul3A_2304 : vector<16xf32>
        %add3A_2306 = arith.addi %shift_right_arithmetic3A_2221, %and3A_1379 : vector<16xi32>
        %gather3A_2307 = tpu.vector_load_idx %arg20[%add3A_2208, %add3A_2306] : memref<320x128xf32, #tpu.memory_space<vmem>>[vector<16xi32>, vector<16xi32>], vector<16xf32>,
        %mul3A_2308 = arith.mulf %gather3A_1527, %gather3A_2307 : vector<16xf32>
        %add3A_2309 = arith.addf %add3A_2293, %mul3A_2308 : vector<16xf32>
        %add3A_2310 = arith.addi %shift_right_arithmetic3A_2221, %and3A_1388 : vector<16xi32>
        %gather3A_2311 = tpu.vector_load_idx %arg20[%add3A_2208, %add3A_2310] : memref<320x128xf32, #tpu.memory_space<vmem>>[vector<16xi32>, vector<16xi32>], vector<16xf32>,
        %mul3A_2312 = arith.mulf %gather3A_1529, %gather3A_2311 : vector<16xf32>
        %add3A_2313 = arith.addf %add3A_2297, %mul3A_2312 : vector<16xf32>
        %add3A_2314 = arith.addi %shift_right_arithmetic3A_2221, %and3A_1397 : vector<16xi32>
        %gather3A_2315 = tpu.vector_load_idx %arg20[%add3A_2208, %add3A_2314] : memref<320x128xf32, #tpu.memory_space<vmem>>[vector<16xi32>, vector<16xi32>], vector<16xf32>,
        %mul3A_2316 = arith.mulf %gather3A_1531, %gather3A_2315 : vector<16xf32>
        %add3A_2317 = arith.addf %add3A_2301, %mul3A_2316 : vector<16xf32>
        %add3A_2318 = arith.addi %shift_right_arithmetic3A_2221, %and3A_1406 : vector<16xi32>
        %gather3A_2319 = tpu.vector_load_idx %arg20[%add3A_2208, %add3A_2318] : memref<320x128xf32, #tpu.memory_space<vmem>>[vector<16xi32>, vector<16xi32>], vector<16xf32>,
        %mul3A_2320 = arith.mulf %gather3A_1533, %gather3A_2319 : vector<16xf32>
        %add3A_2321 = arith.addf %add3A_2305, %mul3A_2320 : vector<16xf32>
        %add3A_2322 = arith.addi %shift_right_arithmetic3A_2221, %and3A_1415 : vector<16xi32>
        %gather3A_2323 = tpu.vector_load_idx %arg20[%add3A_2208, %add3A_2322] : memref<320x128xf32, #tpu.memory_space<vmem>>[vector<16xi32>, vector<16xi32>], vector<16xf32>,
        %mul3A_2324 = arith.mulf %gather3A_1535, %gather3A_2323 : vector<16xf32>
        %add3A_2325 = arith.addf %add3A_2309, %mul3A_2324 : vector<16xf32>
        %add3A_2326 = arith.addi %shift_right_arithmetic3A_2221, %and3A_1424 : vector<16xi32>
        %gather3A_2327 = tpu.vector_load_idx %arg20[%add3A_2208, %add3A_2326] : memref<320x128xf32, #tpu.memory_space<vmem>>[vector<16xi32>, vector<16xi32>], vector<16xf32>,
        %mul3A_2328 = arith.mulf %gather3A_1537, %gather3A_2327 : vector<16xf32>
        %add3A_2329 = arith.addf %add3A_2313, %mul3A_2328 : vector<16xf32>
        %add3A_2330 = arith.addi %shift_right_arithmetic3A_2221, %and3A_1433 : vector<16xi32>
        %gather3A_2331 = tpu.vector_load_idx %arg20[%add3A_2208, %add3A_2330] : memref<320x128xf32, #tpu.memory_space<vmem>>[vector<16xi32>, vector<16xi32>], vector<16xf32>,
        %mul3A_2332 = arith.mulf %gather3A_1539, %gather3A_2331 : vector<16xf32>
        %add3A_2333 = arith.addf %add3A_2317, %mul3A_2332 : vector<16xf32>
        %add3A_2334 = arith.addi %shift_right_arithmetic3A_2221, %and3A_1442 : vector<16xi32>
        %gather3A_2335 = tpu.vector_load_idx %arg20[%add3A_2208, %add3A_2334] : memref<320x128xf32, #tpu.memory_space<vmem>>[vector<16xi32>, vector<16xi32>], vector<16xf32>,
        %mul3A_2336 = arith.mulf %gather3A_1541, %gather3A_2335 : vector<16xf32>
        %add3A_2337 = arith.addf %add3A_2321, %mul3A_2336 : vector<16xf32>
        %add3A_2338 = arith.addi %shift_right_arithmetic3A_2221, %and3A_1451 : vector<16xi32>
        %gather3A_2339 = tpu.vector_load_idx %arg20[%add3A_2208, %add3A_2338] : memref<320x128xf32, #tpu.memory_space<vmem>>[vector<16xi32>, vector<16xi32>], vector<16xf32>,
        %mul3A_2340 = arith.mulf %gather3A_1543, %gather3A_2339 : vector<16xf32>
        %add3A_2341 = arith.addf %add3A_2325, %mul3A_2340 : vector<16xf32>
        %add3A_2342 = arith.addi %shift_right_arithmetic3A_2221, %and3A_1460 : vector<16xi32>
        %gather3A_2343 = tpu.vector_load_idx %arg20[%add3A_2208, %add3A_2342] : memref<320x128xf32, #tpu.memory_space<vmem>>[vector<16xi32>, vector<16xi32>], vector<16xf32>,
        %mul3A_2344 = arith.mulf %gather3A_1545, %gather3A_2343 : vector<16xf32>
        %add3A_2345 = arith.addf %add3A_2329, %mul3A_2344 : vector<16xf32>
        %add3A_2346 = arith.addi %shift_right_arithmetic3A_2221, %and3A_1469 : vector<16xi32>
        %gather3A_2347 = tpu.vector_load_idx %arg20[%add3A_2208, %add3A_2346] : memref<320x128xf32, #tpu.memory_space<vmem>>[vector<16xi32>, vector<16xi32>], vector<16xf32>,
        %mul3A_2348 = arith.mulf %gather3A_1547, %gather3A_2347 : vector<16xf32>
        %add3A_2349 = arith.addf %add3A_2333, %mul3A_2348 : vector<16xf32>
        %add3A_2350 = arith.addi %shift_right_arithmetic3A_2221, %and3A_1478 : vector<16xi32>
        %gather3A_2351 = tpu.vector_load_idx %arg20[%add3A_2208, %add3A_2350] : memref<320x128xf32, #tpu.memory_space<vmem>>[vector<16xi32>, vector<16xi32>], vector<16xf32>,
        %mul3A_2352 = arith.mulf %gather3A_1549, %gather3A_2351 : vector<16xf32>
        %add3A_2353 = arith.addf %add3A_2337, %mul3A_2352 : vector<16xf32>
        %add3A_2354 = arith.addi %shift_right_arithmetic3A_2221, %and3A_1487 : vector<16xi32>
        %gather3A_2355 = tpu.vector_load_idx %arg20[%add3A_2208, %add3A_2354] : memref<320x128xf32, #tpu.memory_space<vmem>>[vector<16xi32>, vector<16xi32>], vector<16xf32>,
        %mul3A_2356 = arith.mulf %gather3A_1551, %gather3A_2355 : vector<16xf32>
        %add3A_2357 = arith.addf %add3A_2341, %mul3A_2356 : vector<16xf32>
        %add3A_2358 = arith.addf %add3A_2345, %add3A_2349 : vector<16xf32>
        %add3A_2359 = arith.addf %add3A_2353, %add3A_2357 : vector<16xf32>
        %add3A_2360 = arith.addf %add3A_2358, %add3A_2359 : vector<16xf32>
        %mul3A_2361 = arith.constant 16 : i32
        %mul3A_2362 = arith.muli %scan3A_2203, %mul3A_2361 : i32
        %swap3A_2363 = arith.index_cast %mul3A_2362 : i32 to index
        %swap3A_2364 = tpu.vector_load %arg21[%swap3A_2363] {strides = array<i32>} : memref<320xf32, #tpu.memory_space<vmem>>, vector<16xf32>,
        tpu.vector_store %arg21[%swap3A_2363], %add3A_2360 {strides = array<i32>} : memref<320xf32, #tpu.memory_space<vmem>>, vector<16xf32>,
      }
      %scan3A_1696 = arith.constant 20 : i32
      %add3A_1697 = arith.constant 32 : i32
      %add3A_1698 = vector.broadcast %add3A_1697 : i32 to vector<16xi32>
      %add3A_1699 = arith.addi %iota3A, %add3A_1698 : vector<16xi32>
      %add3A_1700 = arith.constant 0 : i32
      %add3A_1701 = vector.broadcast %add3A_1700 : i32 to vector<16xi32>
      %add3A_1702 = arith.addi %add3A_1699, %add3A_1701 : vector<16xi32>
      %and3A_1703 = arith.constant 63 : i32
      %and3A_1704 = vector.broadcast %and3A_1703 : i32 to vector<16xi32>
      %and3A_1705 = arith.andi %add3A_1702, %and3A_1704 : vector<16xi32>
      %add3A_1706 = arith.constant 32 : i32
      %add3A_1707 = vector.broadcast %add3A_1706 : i32 to vector<16xi32>
      %add3A_1708 = arith.addi %iota3A, %add3A_1707 : vector<16xi32>
      %add3A_1709 = arith.constant 1 : i32
      %add3A_1710 = vector.broadcast %add3A_1709 : i32 to vector<16xi32>
      %add3A_1711 = arith.addi %add3A_1708, %add3A_1710 : vector<16xi32>
      %and3A_1712 = arith.constant 63 : i32
      %and3A_1713 = vector.broadcast %and3A_1712 : i32 to vector<16xi32>
      %and3A_1714 = arith.andi %add3A_1711, %and3A_1713 : vector<16xi32>
      %add3A_1715 = arith.constant 32 : i32
      %add3A_1716 = vector.broadcast %add3A_1715 : i32 to vector<16xi32>
      %add3A_1717 = arith.addi %iota3A, %add3A_1716 : vector<16xi32>
      %add3A_1718 = arith.constant 2 : i32
      %add3A_1719 = vector.broadcast %add3A_1718 : i32 to vector<16xi32>
      %add3A_1720 = arith.addi %add3A_1717, %add3A_1719 : vector<16xi32>
      %and3A_1721 = arith.constant 63 : i32
      %and3A_1722 = vector.broadcast %and3A_1721 : i32 to vector<16xi32>
      %and3A_1723 = arith.andi %add3A_1720, %and3A_1722 : vector<16xi32>
      %add3A_1724 = arith.constant 32 : i32
      %add3A_1725 = vector.broadcast %add3A_1724 : i32 to vector<16xi32>
      %add3A_1726 = arith.addi %iota3A, %add3A_1725 : vector<16xi32>
      %add3A_1727 = arith.constant 3 : i32
      %add3A_1728 = vector.broadcast %add3A_1727 : i32 to vector<16xi32>
      %add3A_1729 = arith.addi %add3A_1726, %add3A_1728 : vector<16xi32>
      %and3A_1730 = arith.constant 63 : i32
      %and3A_1731 = vector.broadcast %and3A_1730 : i32 to vector<16xi32>
      %and3A_1732 = arith.andi %add3A_1729, %and3A_1731 : vector<16xi32>
      %add3A_1733 = arith.constant 32 : i32
      %add3A_1734 = vector.broadcast %add3A_1733 : i32 to vector<16xi32>
      %add3A_1735 = arith.addi %iota3A, %add3A_1734 : vector<16xi32>
      %add3A_1736 = arith.constant 4 : i32
      %add3A_1737 = vector.broadcast %add3A_1736 : i32 to vector<16xi32>
      %add3A_1738 = arith.addi %add3A_1735, %add3A_1737 : vector<16xi32>
      %and3A_1739 = arith.constant 63 : i32
      %and3A_1740 = vector.broadcast %and3A_1739 : i32 to vector<16xi32>
      %and3A_1741 = arith.andi %add3A_1738, %and3A_1740 : vector<16xi32>
      %add3A_1742 = arith.constant 32 : i32
      %add3A_1743 = vector.broadcast %add3A_1742 : i32 to vector<16xi32>
      %add3A_1744 = arith.addi %iota3A, %add3A_1743 : vector<16xi32>
      %add3A_1745 = arith.constant 5 : i32
      %add3A_1746 = vector.broadcast %add3A_1745 : i32 to vector<16xi32>
      %add3A_1747 = arith.addi %add3A_1744, %add3A_1746 : vector<16xi32>
      %and3A_1748 = arith.constant 63 : i32
      %and3A_1749 = vector.broadcast %and3A_1748 : i32 to vector<16xi32>
      %and3A_1750 = arith.andi %add3A_1747, %and3A_1749 : vector<16xi32>
      %add3A_1751 = arith.constant 32 : i32
      %add3A_1752 = vector.broadcast %add3A_1751 : i32 to vector<16xi32>
      %add3A_1753 = arith.addi %iota3A, %add3A_1752 : vector<16xi32>
      %add3A_1754 = arith.constant 6 : i32
      %add3A_1755 = vector.broadcast %add3A_1754 : i32 to vector<16xi32>
      %add3A_1756 = arith.addi %add3A_1753, %add3A_1755 : vector<16xi32>
      %and3A_1757 = arith.constant 63 : i32
      %and3A_1758 = vector.broadcast %and3A_1757 : i32 to vector<16xi32>
      %and3A_1759 = arith.andi %add3A_1756, %and3A_1758 : vector<16xi32>
      %add3A_1760 = arith.constant 32 : i32
      %add3A_1761 = vector.broadcast %add3A_1760 : i32 to vector<16xi32>
      %add3A_1762 = arith.addi %iota3A, %add3A_1761 : vector<16xi32>
      %add3A_1763 = arith.constant 7 : i32
      %add3A_1764 = vector.broadcast %add3A_1763 : i32 to vector<16xi32>
      %add3A_1765 = arith.addi %add3A_1762, %add3A_1764 : vector<16xi32>
      %and3A_1766 = arith.constant 63 : i32
      %and3A_1767 = vector.broadcast %and3A_1766 : i32 to vector<16xi32>
      %and3A_1768 = arith.andi %add3A_1765, %and3A_1767 : vector<16xi32>
      %add3A_1769 = arith.constant 32 : i32
      %add3A_1770 = vector.broadcast %add3A_1769 : i32 to vector<16xi32>
      %add3A_1771 = arith.addi %iota3A, %add3A_1770 : vector<16xi32>
      %add3A_1772 = arith.constant 8 : i32
      %add3A_1773 = vector.broadcast %add3A_1772 : i32 to vector<16xi32>
      %add3A_1774 = arith.addi %add3A_1771, %add3A_1773 : vector<16xi32>
      %and3A_1775 = arith.constant 63 : i32
      %and3A_1776 = vector.broadcast %and3A_1775 : i32 to vector<16xi32>
      %and3A_1777 = arith.andi %add3A_1774, %and3A_1776 : vector<16xi32>
      %add3A_1778 = arith.constant 32 : i32
      %add3A_1779 = vector.broadcast %add3A_1778 : i32 to vector<16xi32>
      %add3A_1780 = arith.addi %iota3A, %add3A_1779 : vector<16xi32>
      %add3A_1781 = arith.constant 9 : i32
      %add3A_1782 = vector.broadcast %add3A_1781 : i32 to vector<16xi32>
      %add3A_1783 = arith.addi %add3A_1780, %add3A_1782 : vector<16xi32>
      %and3A_1784 = arith.constant 63 : i32
      %and3A_1785 = vector.broadcast %and3A_1784 : i32 to vector<16xi32>
      %and3A_1786 = arith.andi %add3A_1783, %and3A_1785 : vector<16xi32>
      %add3A_1787 = arith.constant 32 : i32
      %add3A_1788 = vector.broadcast %add3A_1787 : i32 to vector<16xi32>
      %add3A_1789 = arith.addi %iota3A, %add3A_1788 : vector<16xi32>
      %add3A_1790 = arith.constant 10 : i32
      %add3A_1791 = vector.broadcast %add3A_1790 : i32 to vector<16xi32>
      %add3A_1792 = arith.addi %add3A_1789, %add3A_1791 : vector<16xi32>
      %and3A_1793 = arith.constant 63 : i32
      %and3A_1794 = vector.broadcast %and3A_1793 : i32 to vector<16xi32>
      %and3A_1795 = arith.andi %add3A_1792, %and3A_1794 : vector<16xi32>
      %add3A_1796 = arith.constant 32 : i32
      %add3A_1797 = vector.broadcast %add3A_1796 : i32 to vector<16xi32>
      %add3A_1798 = arith.addi %iota3A, %add3A_1797 : vector<16xi32>
      %add3A_1799 = arith.constant 11 : i32
      %add3A_1800 = vector.broadcast %add3A_1799 : i32 to vector<16xi32>
      %add3A_1801 = arith.addi %add3A_1798, %add3A_1800 : vector<16xi32>
      %and3A_1802 = arith.constant 63 : i32
      %and3A_1803 = vector.broadcast %and3A_1802 : i32 to vector<16xi32>
      %and3A_1804 = arith.andi %add3A_1801, %and3A_1803 : vector<16xi32>
      %add3A_1805 = arith.constant 32 : i32
      %add3A_1806 = vector.broadcast %add3A_1805 : i32 to vector<16xi32>
      %add3A_1807 = arith.addi %iota3A, %add3A_1806 : vector<16xi32>
      %add3A_1808 = arith.constant 12 : i32
      %add3A_1809 = vector.broadcast %add3A_1808 : i32 to vector<16xi32>
      %add3A_1810 = arith.addi %add3A_1807, %add3A_1809 : vector<16xi32>
      %and3A_1811 = arith.constant 63 : i32
      %and3A_1812 = vector.broadcast %and3A_1811 : i32 to vector<16xi32>
      %and3A_1813 = arith.andi %add3A_1810, %and3A_1812 : vector<16xi32>
      %add3A_1814 = arith.constant 32 : i32
      %add3A_1815 = vector.broadcast %add3A_1814 : i32 to vector<16xi32>
      %add3A_1816 = arith.addi %iota3A, %add3A_1815 : vector<16xi32>
      %add3A_1817 = arith.constant 13 : i32
      %add3A_1818 = vector.broadcast %add3A_1817 : i32 to vector<16xi32>
      %add3A_1819 = arith.addi %add3A_1816, %add3A_1818 : vector<16xi32>
      %and3A_1820 = arith.constant 63 : i32
      %and3A_1821 = vector.broadcast %and3A_1820 : i32 to vector<16xi32>
      %and3A_1822 = arith.andi %add3A_1819, %and3A_1821 : vector<16xi32>
      %add3A_1823 = arith.constant 32 : i32
      %add3A_1824 = vector.broadcast %add3A_1823 : i32 to vector<16xi32>
      %add3A_1825 = arith.addi %iota3A, %add3A_1824 : vector<16xi32>
      %add3A_1826 = arith.constant 14 : i32
      %add3A_1827 = vector.broadcast %add3A_1826 : i32 to vector<16xi32>
      %add3A_1828 = arith.addi %add3A_1825, %add3A_1827 : vector<16xi32>
      %and3A_1829 = arith.constant 63 : i32
      %and3A_1830 = vector.broadcast %and3A_1829 : i32 to vector<16xi32>
      %and3A_1831 = arith.andi %add3A_1828, %and3A_1830 : vector<16xi32>
      %add3A_1832 = arith.constant 32 : i32
      %add3A_1833 = vector.broadcast %add3A_1832 : i32 to vector<16xi32>
      %add3A_1834 = arith.addi %iota3A, %add3A_1833 : vector<16xi32>
      %add3A_1835 = arith.constant 15 : i32
      %add3A_1836 = vector.broadcast %add3A_1835 : i32 to vector<16xi32>
      %add3A_1837 = arith.addi %add3A_1834, %add3A_1836 : vector<16xi32>
      %and3A_1838 = arith.constant 63 : i32
      %and3A_1839 = vector.broadcast %and3A_1838 : i32 to vector<16xi32>
      %and3A_1840 = arith.andi %add3A_1837, %and3A_1839 : vector<16xi32>
      %add3A_1841 = arith.constant 32 : i32
      %add3A_1842 = vector.broadcast %add3A_1841 : i32 to vector<16xi32>
      %add3A_1843 = arith.addi %iota3A, %add3A_1842 : vector<16xi32>
      %add3A_1844 = arith.constant 16 : i32
      %add3A_1845 = vector.broadcast %add3A_1844 : i32 to vector<16xi32>
      %add3A_1846 = arith.addi %add3A_1843, %add3A_1845 : vector<16xi32>
      %and3A_1847 = arith.constant 63 : i32
      %and3A_1848 = vector.broadcast %and3A_1847 : i32 to vector<16xi32>
      %and3A_1849 = arith.andi %add3A_1846, %and3A_1848 : vector<16xi32>
      %add3A_1850 = arith.constant 32 : i32
      %add3A_1851 = vector.broadcast %add3A_1850 : i32 to vector<16xi32>
      %add3A_1852 = arith.addi %iota3A, %add3A_1851 : vector<16xi32>
      %add3A_1853 = arith.constant 17 : i32
      %add3A_1854 = vector.broadcast %add3A_1853 : i32 to vector<16xi32>
      %add3A_1855 = arith.addi %add3A_1852, %add3A_1854 : vector<16xi32>
      %and3A_1856 = arith.constant 63 : i32
      %and3A_1857 = vector.broadcast %and3A_1856 : i32 to vector<16xi32>
      %and3A_1858 = arith.andi %add3A_1855, %and3A_1857 : vector<16xi32>
      %add3A_1859 = arith.constant 32 : i32
      %add3A_1860 = vector.broadcast %add3A_1859 : i32 to vector<16xi32>
      %add3A_1861 = arith.addi %iota3A, %add3A_1860 : vector<16xi32>
      %add3A_1862 = arith.constant 18 : i32
      %add3A_1863 = vector.broadcast %add3A_1862 : i32 to vector<16xi32>
      %add3A_1864 = arith.addi %add3A_1861, %add3A_1863 : vector<16xi32>
      %and3A_1865 = arith.constant 63 : i32
      %and3A_1866 = vector.broadcast %and3A_1865 : i32 to vector<16xi32>
      %and3A_1867 = arith.andi %add3A_1864, %and3A_1866 : vector<16xi32>
      %add3A_1868 = arith.constant 32 : i32
      %add3A_1869 = vector.broadcast %add3A_1868 : i32 to vector<16xi32>
      %add3A_1870 = arith.addi %iota3A, %add3A_1869 : vector<16xi32>
      %add3A_1871 = arith.constant 19 : i32
      %add3A_1872 = vector.broadcast %add3A_1871 : i32 to vector<16xi32>
      %add3A_1873 = arith.addi %add3A_1870, %add3A_1872 : vector<16xi32>
      %and3A_1874 = arith.constant 63 : i32
      %and3A_1875 = vector.broadcast %and3A_1874 : i32 to vector<16xi32>
      %and3A_1876 = arith.andi %add3A_1873, %and3A_1875 : vector<16xi32>
      %add3A_1877 = arith.constant 32 : i32
      %add3A_1878 = vector.broadcast %add3A_1877 : i32 to vector<16xi32>
      %add3A_1879 = arith.addi %iota3A, %add3A_1878 : vector<16xi32>
      %add3A_1880 = arith.constant 20 : i32
      %add3A_1881 = vector.broadcast %add3A_1880 : i32 to vector<16xi32>
      %add3A_1882 = arith.addi %add3A_1879, %add3A_1881 : vector<16xi32>
      %and3A_1883 = arith.constant 63 : i32
      %and3A_1884 = vector.broadcast %and3A_1883 : i32 to vector<16xi32>
      %and3A_1885 = arith.andi %add3A_1882, %and3A_1884 : vector<16xi32>
      %add3A_1886 = arith.constant 32 : i32
      %add3A_1887 = vector.broadcast %add3A_1886 : i32 to vector<16xi32>
      %add3A_1888 = arith.addi %iota3A, %add3A_1887 : vector<16xi32>
      %add3A_1889 = arith.constant 21 : i32
      %add3A_1890 = vector.broadcast %add3A_1889 : i32 to vector<16xi32>
      %add3A_1891 = arith.addi %add3A_1888, %add3A_1890 : vector<16xi32>
      %and3A_1892 = arith.constant 63 : i32
      %and3A_1893 = vector.broadcast %and3A_1892 : i32 to vector<16xi32>
      %and3A_1894 = arith.andi %add3A_1891, %and3A_1893 : vector<16xi32>
      %add3A_1895 = arith.constant 32 : i32
      %add3A_1896 = vector.broadcast %add3A_1895 : i32 to vector<16xi32>
      %add3A_1897 = arith.addi %iota3A, %add3A_1896 : vector<16xi32>
      %add3A_1898 = arith.constant 22 : i32
      %add3A_1899 = vector.broadcast %add3A_1898 : i32 to vector<16xi32>
      %add3A_1900 = arith.addi %add3A_1897, %add3A_1899 : vector<16xi32>
      %and3A_1901 = arith.constant 63 : i32
      %and3A_1902 = vector.broadcast %and3A_1901 : i32 to vector<16xi32>
      %and3A_1903 = arith.andi %add3A_1900, %and3A_1902 : vector<16xi32>
      %add3A_1904 = arith.constant 32 : i32
      %add3A_1905 = vector.broadcast %add3A_1904 : i32 to vector<16xi32>
      %add3A_1906 = arith.addi %iota3A, %add3A_1905 : vector<16xi32>
      %add3A_1907 = arith.constant 23 : i32
      %add3A_1908 = vector.broadcast %add3A_1907 : i32 to vector<16xi32>
      %add3A_1909 = arith.addi %add3A_1906, %add3A_1908 : vector<16xi32>
      %and3A_1910 = arith.constant 63 : i32
      %and3A_1911 = vector.broadcast %and3A_1910 : i32 to vector<16xi32>
      %and3A_1912 = arith.andi %add3A_1909, %and3A_1911 : vector<16xi32>
      %add3A_1913 = arith.constant 32 : i32
      %add3A_1914 = vector.broadcast %add3A_1913 : i32 to vector<16xi32>
      %add3A_1915 = arith.addi %iota3A, %add3A_1914 : vector<16xi32>
      %add3A_1916 = arith.constant 24 : i32
      %add3A_1917 = vector.broadcast %add3A_1916 : i32 to vector<16xi32>
      %add3A_1918 = arith.addi %add3A_1915, %add3A_1917 : vector<16xi32>
      %and3A_1919 = arith.constant 63 : i32
      %and3A_1920 = vector.broadcast %and3A_1919 : i32 to vector<16xi32>
      %and3A_1921 = arith.andi %add3A_1918, %and3A_1920 : vector<16xi32>
      %add3A_1922 = arith.constant 32 : i32
      %add3A_1923 = vector.broadcast %add3A_1922 : i32 to vector<16xi32>
      %add3A_1924 = arith.addi %iota3A, %add3A_1923 : vector<16xi32>
      %add3A_1925 = arith.constant 25 : i32
      %add3A_1926 = vector.broadcast %add3A_1925 : i32 to vector<16xi32>
      %add3A_1927 = arith.addi %add3A_1924, %add3A_1926 : vector<16xi32>
      %and3A_1928 = arith.constant 63 : i32
      %and3A_1929 = vector.broadcast %and3A_1928 : i32 to vector<16xi32>
      %and3A_1930 = arith.andi %add3A_1927, %and3A_1929 : vector<16xi32>
      %add3A_1931 = arith.constant 32 : i32
      %add3A_1932 = vector.broadcast %add3A_1931 : i32 to vector<16xi32>
      %add3A_1933 = arith.addi %iota3A, %add3A_1932 : vector<16xi32>
      %add3A_1934 = arith.constant 26 : i32
      %add3A_1935 = vector.broadcast %add3A_1934 : i32 to vector<16xi32>
      %add3A_1936 = arith.addi %add3A_1933, %add3A_1935 : vector<16xi32>
      %and3A_1937 = arith.constant 63 : i32
      %and3A_1938 = vector.broadcast %and3A_1937 : i32 to vector<16xi32>
      %and3A_1939 = arith.andi %add3A_1936, %and3A_1938 : vector<16xi32>
      %add3A_1940 = arith.constant 32 : i32
      %add3A_1941 = vector.broadcast %add3A_1940 : i32 to vector<16xi32>
      %add3A_1942 = arith.addi %iota3A, %add3A_1941 : vector<16xi32>
      %add3A_1943 = arith.constant 27 : i32
      %add3A_1944 = vector.broadcast %add3A_1943 : i32 to vector<16xi32>
      %add3A_1945 = arith.addi %add3A_1942, %add3A_1944 : vector<16xi32>
      %and3A_1946 = arith.constant 63 : i32
      %and3A_1947 = vector.broadcast %and3A_1946 : i32 to vector<16xi32>
      %and3A_1948 = arith.andi %add3A_1945, %and3A_1947 : vector<16xi32>
      %add3A_1949 = arith.constant 32 : i32
      %add3A_1950 = vector.broadcast %add3A_1949 : i32 to vector<16xi32>
      %add3A_1951 = arith.addi %iota3A, %add3A_1950 : vector<16xi32>
      %add3A_1952 = arith.constant 28 : i32
      %add3A_1953 = vector.broadcast %add3A_1952 : i32 to vector<16xi32>
      %add3A_1954 = arith.addi %add3A_1951, %add3A_1953 : vector<16xi32>
      %and3A_1955 = arith.constant 63 : i32
      %and3A_1956 = vector.broadcast %and3A_1955 : i32 to vector<16xi32>
      %and3A_1957 = arith.andi %add3A_1954, %and3A_1956 : vector<16xi32>
      %add3A_1958 = arith.constant 32 : i32
      %add3A_1959 = vector.broadcast %add3A_1958 : i32 to vector<16xi32>
      %add3A_1960 = arith.addi %iota3A, %add3A_1959 : vector<16xi32>
      %add3A_1961 = arith.constant 29 : i32
      %add3A_1962 = vector.broadcast %add3A_1961 : i32 to vector<16xi32>
      %add3A_1963 = arith.addi %add3A_1960, %add3A_1962 : vector<16xi32>
      %and3A_1964 = arith.constant 63 : i32
      %and3A_1965 = vector.broadcast %and3A_1964 : i32 to vector<16xi32>
      %and3A_1966 = arith.andi %add3A_1963, %and3A_1965 : vector<16xi32>
      %add3A_1967 = arith.constant 32 : i32
      %add3A_1968 = vector.broadcast %add3A_1967 : i32 to vector<16xi32>
      %add3A_1969 = arith.addi %iota3A, %add3A_1968 : vector<16xi32>
      %add3A_1970 = arith.constant 30 : i32
      %add3A_1971 = vector.broadcast %add3A_1970 : i32 to vector<16xi32>
      %add3A_1972 = arith.addi %add3A_1969, %add3A_1971 : vector<16xi32>
      %and3A_1973 = arith.constant 63 : i32
      %and3A_1974 = vector.broadcast %and3A_1973 : i32 to vector<16xi32>
      %and3A_1975 = arith.andi %add3A_1972, %and3A_1974 : vector<16xi32>
      %add3A_1976 = arith.constant 32 : i32
      %add3A_1977 = vector.broadcast %add3A_1976 : i32 to vector<16xi32>
      %add3A_1978 = arith.addi %iota3A, %add3A_1977 : vector<16xi32>
      %add3A_1979 = arith.constant 31 : i32
      %add3A_1980 = vector.broadcast %add3A_1979 : i32 to vector<16xi32>
      %add3A_1981 = arith.addi %add3A_1978, %add3A_1980 : vector<16xi32>
      %and3A_1982 = arith.constant 63 : i32
      %and3A_1983 = vector.broadcast %and3A_1982 : i32 to vector<16xi32>
      %and3A_1984 = arith.andi %add3A_1981, %and3A_1983 : vector<16xi32>
      %add3A_1985 = arith.addi %shift_right_arithmetic3A_1185, %and3A_1705 : vector<16xi32>
      %gather3A_1986 = tpu.vector_load_idx %arg16[%iota3A, %add3A_1985] : memref<16x128xf32, #tpu.memory_space<vmem>>[vector<16xi32>, vector<16xi32>], vector<16xf32>,
      %add3A_1987 = arith.addi %shift_right_arithmetic3A_1185, %and3A_1714 : vector<16xi32>
      %gather3A_1988 = tpu.vector_load_idx %arg16[%iota3A, %add3A_1987] : memref<16x128xf32, #tpu.memory_space<vmem>>[vector<16xi32>, vector<16xi32>], vector<16xf32>,
      %add3A_1989 = arith.addi %shift_right_arithmetic3A_1185, %and3A_1723 : vector<16xi32>
      %gather3A_1990 = tpu.vector_load_idx %arg16[%iota3A, %add3A_1989] : memref<16x128xf32, #tpu.memory_space<vmem>>[vector<16xi32>, vector<16xi32>], vector<16xf32>,
      %add3A_1991 = arith.addi %shift_right_arithmetic3A_1185, %and3A_1732 : vector<16xi32>
      %gather3A_1992 = tpu.vector_load_idx %arg16[%iota3A, %add3A_1991] : memref<16x128xf32, #tpu.memory_space<vmem>>[vector<16xi32>, vector<16xi32>], vector<16xf32>,
      %add3A_1993 = arith.addi %shift_right_arithmetic3A_1185, %and3A_1741 : vector<16xi32>
      %gather3A_1994 = tpu.vector_load_idx %arg16[%iota3A, %add3A_1993] : memref<16x128xf32, #tpu.memory_space<vmem>>[vector<16xi32>, vector<16xi32>], vector<16xf32>,
      %add3A_1995 = arith.addi %shift_right_arithmetic3A_1185, %and3A_1750 : vector<16xi32>
      %gather3A_1996 = tpu.vector_load_idx %arg16[%iota3A, %add3A_1995] : memref<16x128xf32, #tpu.memory_space<vmem>>[vector<16xi32>, vector<16xi32>], vector<16xf32>,
      %add3A_1997 = arith.addi %shift_right_arithmetic3A_1185, %and3A_1759 : vector<16xi32>
      %gather3A_1998 = tpu.vector_load_idx %arg16[%iota3A, %add3A_1997] : memref<16x128xf32, #tpu.memory_space<vmem>>[vector<16xi32>, vector<16xi32>], vector<16xf32>,
      %add3A_1999 = arith.addi %shift_right_arithmetic3A_1185, %and3A_1768 : vector<16xi32>
      %gather3A_2000 = tpu.vector_load_idx %arg16[%iota3A, %add3A_1999] : memref<16x128xf32, #tpu.memory_space<vmem>>[vector<16xi32>, vector<16xi32>], vector<16xf32>,
      %add3A_2001 = arith.addi %shift_right_arithmetic3A_1185, %and3A_1777 : vector<16xi32>
      %gather3A_2002 = tpu.vector_load_idx %arg16[%iota3A, %add3A_2001] : memref<16x128xf32, #tpu.memory_space<vmem>>[vector<16xi32>, vector<16xi32>], vector<16xf32>,
      %add3A_2003 = arith.addi %shift_right_arithmetic3A_1185, %and3A_1786 : vector<16xi32>
      %gather3A_2004 = tpu.vector_load_idx %arg16[%iota3A, %add3A_2003] : memref<16x128xf32, #tpu.memory_space<vmem>>[vector<16xi32>, vector<16xi32>], vector<16xf32>,
      %add3A_2005 = arith.addi %shift_right_arithmetic3A_1185, %and3A_1795 : vector<16xi32>
      %gather3A_2006 = tpu.vector_load_idx %arg16[%iota3A, %add3A_2005] : memref<16x128xf32, #tpu.memory_space<vmem>>[vector<16xi32>, vector<16xi32>], vector<16xf32>,
      %add3A_2007 = arith.addi %shift_right_arithmetic3A_1185, %and3A_1804 : vector<16xi32>
      %gather3A_2008 = tpu.vector_load_idx %arg16[%iota3A, %add3A_2007] : memref<16x128xf32, #tpu.memory_space<vmem>>[vector<16xi32>, vector<16xi32>], vector<16xf32>,
      %add3A_2009 = arith.addi %shift_right_arithmetic3A_1185, %and3A_1813 : vector<16xi32>
      %gather3A_2010 = tpu.vector_load_idx %arg16[%iota3A, %add3A_2009] : memref<16x128xf32, #tpu.memory_space<vmem>>[vector<16xi32>, vector<16xi32>], vector<16xf32>,
      %add3A_2011 = arith.addi %shift_right_arithmetic3A_1185, %and3A_1822 : vector<16xi32>
      %gather3A_2012 = tpu.vector_load_idx %arg16[%iota3A, %add3A_2011] : memref<16x128xf32, #tpu.memory_space<vmem>>[vector<16xi32>, vector<16xi32>], vector<16xf32>,
      %add3A_2013 = arith.addi %shift_right_arithmetic3A_1185, %and3A_1831 : vector<16xi32>
      %gather3A_2014 = tpu.vector_load_idx %arg16[%iota3A, %add3A_2013] : memref<16x128xf32, #tpu.memory_space<vmem>>[vector<16xi32>, vector<16xi32>], vector<16xf32>,
      %add3A_2015 = arith.addi %shift_right_arithmetic3A_1185, %and3A_1840 : vector<16xi32>
      %gather3A_2016 = tpu.vector_load_idx %arg16[%iota3A, %add3A_2015] : memref<16x128xf32, #tpu.memory_space<vmem>>[vector<16xi32>, vector<16xi32>], vector<16xf32>,
      %add3A_2017 = arith.addi %shift_right_arithmetic3A_1185, %and3A_1849 : vector<16xi32>
      %gather3A_2018 = tpu.vector_load_idx %arg16[%iota3A, %add3A_2017] : memref<16x128xf32, #tpu.memory_space<vmem>>[vector<16xi32>, vector<16xi32>], vector<16xf32>,
      %add3A_2019 = arith.addi %shift_right_arithmetic3A_1185, %and3A_1858 : vector<16xi32>
      %gather3A_2020 = tpu.vector_load_idx %arg16[%iota3A, %add3A_2019] : memref<16x128xf32, #tpu.memory_space<vmem>>[vector<16xi32>, vector<16xi32>], vector<16xf32>,
      %add3A_2021 = arith.addi %shift_right_arithmetic3A_1185, %and3A_1867 : vector<16xi32>
      %gather3A_2022 = tpu.vector_load_idx %arg16[%iota3A, %add3A_2021] : memref<16x128xf32, #tpu.memory_space<vmem>>[vector<16xi32>, vector<16xi32>], vector<16xf32>,
      %add3A_2023 = arith.addi %shift_right_arithmetic3A_1185, %and3A_1876 : vector<16xi32>
      %gather3A_2024 = tpu.vector_load_idx %arg16[%iota3A, %add3A_2023] : memref<16x128xf32, #tpu.memory_space<vmem>>[vector<16xi32>, vector<16xi32>], vector<16xf32>,
      %add3A_2025 = arith.addi %shift_right_arithmetic3A_1185, %and3A_1885 : vector<16xi32>
      %gather3A_2026 = tpu.vector_load_idx %arg16[%iota3A, %add3A_2025] : memref<16x128xf32, #tpu.memory_space<vmem>>[vector<16xi32>, vector<16xi32>], vector<16xf32>,
      %add3A_2027 = arith.addi %shift_right_arithmetic3A_1185, %and3A_1894 : vector<16xi32>
      %gather3A_2028 = tpu.vector_load_idx %arg16[%iota3A, %add3A_2027] : memref<16x128xf32, #tpu.memory_space<vmem>>[vector<16xi32>, vector<16xi32>], vector<16xf32>,
      %add3A_2029 = arith.addi %shift_right_arithmetic3A_1185, %and3A_1903 : vector<16xi32>
      %gather3A_2030 = tpu.vector_load_idx %arg16[%iota3A, %add3A_2029] : memref<16x128xf32, #tpu.memory_space<vmem>>[vector<16xi32>, vector<16xi32>], vector<16xf32>,
      %add3A_2031 = arith.addi %shift_right_arithmetic3A_1185, %and3A_1912 : vector<16xi32>
      %gather3A_2032 = tpu.vector_load_idx %arg16[%iota3A, %add3A_2031] : memref<16x128xf32, #tpu.memory_space<vmem>>[vector<16xi32>, vector<16xi32>], vector<16xf32>,
      %add3A_2033 = arith.addi %shift_right_arithmetic3A_1185, %and3A_1921 : vector<16xi32>
      %gather3A_2034 = tpu.vector_load_idx %arg16[%iota3A, %add3A_2033] : memref<16x128xf32, #tpu.memory_space<vmem>>[vector<16xi32>, vector<16xi32>], vector<16xf32>,
      %add3A_2035 = arith.addi %shift_right_arithmetic3A_1185, %and3A_1930 : vector<16xi32>
      %gather3A_2036 = tpu.vector_load_idx %arg16[%iota3A, %add3A_2035] : memref<16x128xf32, #tpu.memory_space<vmem>>[vector<16xi32>, vector<16xi32>], vector<16xf32>,
      %add3A_2037 = arith.addi %shift_right_arithmetic3A_1185, %and3A_1939 : vector<16xi32>
      %gather3A_2038 = tpu.vector_load_idx %arg16[%iota3A, %add3A_2037] : memref<16x128xf32, #tpu.memory_space<vmem>>[vector<16xi32>, vector<16xi32>], vector<16xf32>,
      %add3A_2039 = arith.addi %shift_right_arithmetic3A_1185, %and3A_1948 : vector<16xi32>
      %gather3A_2040 = tpu.vector_load_idx %arg16[%iota3A, %add3A_2039] : memref<16x128xf32, #tpu.memory_space<vmem>>[vector<16xi32>, vector<16xi32>], vector<16xf32>,
      %add3A_2041 = arith.addi %shift_right_arithmetic3A_1185, %and3A_1957 : vector<16xi32>
      %gather3A_2042 = tpu.vector_load_idx %arg16[%iota3A, %add3A_2041] : memref<16x128xf32, #tpu.memory_space<vmem>>[vector<16xi32>, vector<16xi32>], vector<16xf32>,
      %add3A_2043 = arith.addi %shift_right_arithmetic3A_1185, %and3A_1966 : vector<16xi32>
      %gather3A_2044 = tpu.vector_load_idx %arg16[%iota3A, %add3A_2043] : memref<16x128xf32, #tpu.memory_space<vmem>>[vector<16xi32>, vector<16xi32>], vector<16xf32>,
      %add3A_2045 = arith.addi %shift_right_arithmetic3A_1185, %and3A_1975 : vector<16xi32>
      %gather3A_2046 = tpu.vector_load_idx %arg16[%iota3A, %add3A_2045] : memref<16x128xf32, #tpu.memory_space<vmem>>[vector<16xi32>, vector<16xi32>], vector<16xf32>,
      %add3A_2047 = arith.addi %shift_right_arithmetic3A_1185, %and3A_1984 : vector<16xi32>
      %gather3A_2048 = tpu.vector_load_idx %arg16[%iota3A, %add3A_2047] : memref<16x128xf32, #tpu.memory_space<vmem>>[vector<16xi32>, vector<16xi32>], vector<16xf32>,
      %broadcast_in_dim3A_2049 = arith.constant 0.000000e+00 : f32
      %broadcast_in_dim3A_2050 = vector.broadcast %broadcast_in_dim3A_2049 : f32 to vector<16xf32>
      %broadcast_in_dim3A_2051 = arith.constant 0.000000e+00 : f32
      %broadcast_in_dim3A_2052 = vector.broadcast %broadcast_in_dim3A_2051 : f32 to vector<16xf32>
      %broadcast_in_dim3A_2053 = arith.constant 0.000000e+00 : f32
      %broadcast_in_dim3A_2054 = vector.broadcast %broadcast_in_dim3A_2053 : f32 to vector<16xf32>
      %broadcast_in_dim3A_2055 = arith.constant 0.000000e+00 : f32
      %broadcast_in_dim3A_2056 = vector.broadcast %broadcast_in_dim3A_2055 : f32 to vector<16xf32>
      %add3A_2057 = arith.addi %shift_right_arithmetic3A_1195, %and3A_1705 : vector<16xi32>
      %gather3A_2058 = tpu.vector_load_idx %arg18[%iota3A, %add3A_2057] : memref<16x128xf32, #tpu.memory_space<vmem>>[vector<16xi32>, vector<16xi32>], vector<16xf32>,
      %mul3A_2059 = arith.mulf %gather3A_1986, %gather3A_2058 : vector<16xf32>
      %add3A_2060 = arith.addf %broadcast_in_dim3A_2050, %mul3A_2059 : vector<16xf32>
      %add3A_2061 = arith.addi %shift_right_arithmetic3A_1195, %and3A_1714 : vector<16xi32>
      %gather3A_2062 = tpu.vector_load_idx %arg18[%iota3A, %add3A_2061] : memref<16x128xf32, #tpu.memory_space<vmem>>[vector<16xi32>, vector<16xi32>], vector<16xf32>,
      %mul3A_2063 = arith.mulf %gather3A_1988, %gather3A_2062 : vector<16xf32>
      %add3A_2064 = arith.addf %broadcast_in_dim3A_2052, %mul3A_2063 : vector<16xf32>
      %add3A_2065 = arith.addi %shift_right_arithmetic3A_1195, %and3A_1723 : vector<16xi32>
      %gather3A_2066 = tpu.vector_load_idx %arg18[%iota3A, %add3A_2065] : memref<16x128xf32, #tpu.memory_space<vmem>>[vector<16xi32>, vector<16xi32>], vector<16xf32>,
      %mul3A_2067 = arith.mulf %gather3A_1990, %gather3A_2066 : vector<16xf32>
      %add3A_2068 = arith.addf %broadcast_in_dim3A_2054, %mul3A_2067 : vector<16xf32>
      %add3A_2069 = arith.addi %shift_right_arithmetic3A_1195, %and3A_1732 : vector<16xi32>
      %gather3A_2070 = tpu.vector_load_idx %arg18[%iota3A, %add3A_2069] : memref<16x128xf32, #tpu.memory_space<vmem>>[vector<16xi32>, vector<16xi32>], vector<16xf32>,
      %mul3A_2071 = arith.mulf %gather3A_1992, %gather3A_2070 : vector<16xf32>
      %add3A_2072 = arith.addf %broadcast_in_dim3A_2056, %mul3A_2071 : vector<16xf32>
      %add3A_2073 = arith.addi %shift_right_arithmetic3A_1195, %and3A_1741 : vector<16xi32>
      %gather3A_2074 = tpu.vector_load_idx %arg18[%iota3A, %add3A_2073] : memref<16x128xf32, #tpu.memory_space<vmem>>[vector<16xi32>, vector<16xi32>], vector<16xf32>,
      %mul3A_2075 = arith.mulf %gather3A_1994, %gather3A_2074 : vector<16xf32>
      %add3A_2076 = arith.addf %add3A_2060, %mul3A_2075 : vector<16xf32>
      %add3A_2077 = arith.addi %shift_right_arithmetic3A_1195, %and3A_1750 : vector<16xi32>
      %gather3A_2078 = tpu.vector_load_idx %arg18[%iota3A, %add3A_2077] : memref<16x128xf32, #tpu.memory_space<vmem>>[vector<16xi32>, vector<16xi32>], vector<16xf32>,
      %mul3A_2079 = arith.mulf %gather3A_1996, %gather3A_2078 : vector<16xf32>
      %add3A_2080 = arith.addf %add3A_2064, %mul3A_2079 : vector<16xf32>
      %add3A_2081 = arith.addi %shift_right_arithmetic3A_1195, %and3A_1759 : vector<16xi32>
      %gather3A_2082 = tpu.vector_load_idx %arg18[%iota3A, %add3A_2081] : memref<16x128xf32, #tpu.memory_space<vmem>>[vector<16xi32>, vector<16xi32>], vector<16xf32>,
      %mul3A_2083 = arith.mulf %gather3A_1998, %gather3A_2082 : vector<16xf32>
      %add3A_2084 = arith.addf %add3A_2068, %mul3A_2083 : vector<16xf32>
      %add3A_2085 = arith.addi %shift_right_arithmetic3A_1195, %and3A_1768 : vector<16xi32>
      %gather3A_2086 = tpu.vector_load_idx %arg18[%iota3A, %add3A_2085] : memref<16x128xf32, #tpu.memory_space<vmem>>[vector<16xi32>, vector<16xi32>], vector<16xf32>,
      %mul3A_2087 = arith.mulf %gather3A_2000, %gather3A_2086 : vector<16xf32>
      %add3A_2088 = arith.addf %add3A_2072, %mul3A_2087 : vector<16xf32>
      %add3A_2089 = arith.addi %shift_right_arithmetic3A_1195, %and3A_1777 : vector<16xi32>
      %gather3A_2090 = tpu.vector_load_idx %arg18[%iota3A, %add3A_2089] : memref<16x128xf32, #tpu.memory_space<vmem>>[vector<16xi32>, vector<16xi32>], vector<16xf32>,
      %mul3A_2091 = arith.mulf %gather3A_2002, %gather3A_2090 : vector<16xf32>
      %add3A_2092 = arith.addf %add3A_2076, %mul3A_2091 : vector<16xf32>
      %add3A_2093 = arith.addi %shift_right_arithmetic3A_1195, %and3A_1786 : vector<16xi32>
      %gather3A_2094 = tpu.vector_load_idx %arg18[%iota3A, %add3A_2093] : memref<16x128xf32, #tpu.memory_space<vmem>>[vector<16xi32>, vector<16xi32>], vector<16xf32>,
      %mul3A_2095 = arith.mulf %gather3A_2004, %gather3A_2094 : vector<16xf32>
      %add3A_2096 = arith.addf %add3A_2080, %mul3A_2095 : vector<16xf32>
      %add3A_2097 = arith.addi %shift_right_arithmetic3A_1195, %and3A_1795 : vector<16xi32>
      %gather3A_2098 = tpu.vector_load_idx %arg18[%iota3A, %add3A_2097] : memref<16x128xf32, #tpu.memory_space<vmem>>[vector<16xi32>, vector<16xi32>], vector<16xf32>,
      %mul3A_2099 = arith.mulf %gather3A_2006, %gather3A_2098 : vector<16xf32>
      %add3A_2100 = arith.addf %add3A_2084, %mul3A_2099 : vector<16xf32>
      %add3A_2101 = arith.addi %shift_right_arithmetic3A_1195, %and3A_1804 : vector<16xi32>
      %gather3A_2102 = tpu.vector_load_idx %arg18[%iota3A, %add3A_2101] : memref<16x128xf32, #tpu.memory_space<vmem>>[vector<16xi32>, vector<16xi32>], vector<16xf32>,
      %mul3A_2103 = arith.mulf %gather3A_2008, %gather3A_2102 : vector<16xf32>
      %add3A_2104 = arith.addf %add3A_2088, %mul3A_2103 : vector<16xf32>
      %add3A_2105 = arith.addi %shift_right_arithmetic3A_1195, %and3A_1813 : vector<16xi32>
      %gather3A_2106 = tpu.vector_load_idx %arg18[%iota3A, %add3A_2105] : memref<16x128xf32, #tpu.memory_space<vmem>>[vector<16xi32>, vector<16xi32>], vector<16xf32>,
      %mul3A_2107 = arith.mulf %gather3A_2010, %gather3A_2106 : vector<16xf32>
      %add3A_2108 = arith.addf %add3A_2092, %mul3A_2107 : vector<16xf32>
      %add3A_2109 = arith.addi %shift_right_arithmetic3A_1195, %and3A_1822 : vector<16xi32>
      %gather3A_2110 = tpu.vector_load_idx %arg18[%iota3A, %add3A_2109] : memref<16x128xf32, #tpu.memory_space<vmem>>[vector<16xi32>, vector<16xi32>], vector<16xf32>,
      %mul3A_2111 = arith.mulf %gather3A_2012, %gather3A_2110 : vector<16xf32>
      %add3A_2112 = arith.addf %add3A_2096, %mul3A_2111 : vector<16xf32>
      %add3A_2113 = arith.addi %shift_right_arithmetic3A_1195, %and3A_1831 : vector<16xi32>
      %gather3A_2114 = tpu.vector_load_idx %arg18[%iota3A, %add3A_2113] : memref<16x128xf32, #tpu.memory_space<vmem>>[vector<16xi32>, vector<16xi32>], vector<16xf32>,
      %mul3A_2115 = arith.mulf %gather3A_2014, %gather3A_2114 : vector<16xf32>
      %add3A_2116 = arith.addf %add3A_2100, %mul3A_2115 : vector<16xf32>
      %add3A_2117 = arith.addi %shift_right_arithmetic3A_1195, %and3A_1840 : vector<16xi32>
      %gather3A_2118 = tpu.vector_load_idx %arg18[%iota3A, %add3A_2117] : memref<16x128xf32, #tpu.memory_space<vmem>>[vector<16xi32>, vector<16xi32>], vector<16xf32>,
      %mul3A_2119 = arith.mulf %gather3A_2016, %gather3A_2118 : vector<16xf32>
      %add3A_2120 = arith.addf %add3A_2104, %mul3A_2119 : vector<16xf32>
      %add3A_2121 = arith.addi %shift_right_arithmetic3A_1195, %and3A_1849 : vector<16xi32>
      %gather3A_2122 = tpu.vector_load_idx %arg18[%iota3A, %add3A_2121] : memref<16x128xf32, #tpu.memory_space<vmem>>[vector<16xi32>, vector<16xi32>], vector<16xf32>,
      %mul3A_2123 = arith.mulf %gather3A_2018, %gather3A_2122 : vector<16xf32>
      %add3A_2124 = arith.addf %add3A_2108, %mul3A_2123 : vector<16xf32>
      %add3A_2125 = arith.addi %shift_right_arithmetic3A_1195, %and3A_1858 : vector<16xi32>
      %gather3A_2126 = tpu.vector_load_idx %arg18[%iota3A, %add3A_2125] : memref<16x128xf32, #tpu.memory_space<vmem>>[vector<16xi32>, vector<16xi32>], vector<16xf32>,
      %mul3A_2127 = arith.mulf %gather3A_2020, %gather3A_2126 : vector<16xf32>
      %add3A_2128 = arith.addf %add3A_2112, %mul3A_2127 : vector<16xf32>
      %add3A_2129 = arith.addi %shift_right_arithmetic3A_1195, %and3A_1867 : vector<16xi32>
      %gather3A_2130 = tpu.vector_load_idx %arg18[%iota3A, %add3A_2129] : memref<16x128xf32, #tpu.memory_space<vmem>>[vector<16xi32>, vector<16xi32>], vector<16xf32>,
      %mul3A_2131 = arith.mulf %gather3A_2022, %gather3A_2130 : vector<16xf32>
      %add3A_2132 = arith.addf %add3A_2116, %mul3A_2131 : vector<16xf32>
      %add3A_2133 = arith.addi %shift_right_arithmetic3A_1195, %and3A_1876 : vector<16xi32>
      %gather3A_2134 = tpu.vector_load_idx %arg18[%iota3A, %add3A_2133] : memref<16x128xf32, #tpu.memory_space<vmem>>[vector<16xi32>, vector<16xi32>], vector<16xf32>,
      %mul3A_2135 = arith.mulf %gather3A_2024, %gather3A_2134 : vector<16xf32>
      %add3A_2136 = arith.addf %add3A_2120, %mul3A_2135 : vector<16xf32>
      %add3A_2137 = arith.addi %shift_right_arithmetic3A_1195, %and3A_1885 : vector<16xi32>
      %gather3A_2138 = tpu.vector_load_idx %arg18[%iota3A, %add3A_2137] : memref<16x128xf32, #tpu.memory_space<vmem>>[vector<16xi32>, vector<16xi32>], vector<16xf32>,
      %mul3A_2139 = arith.mulf %gather3A_2026, %gather3A_2138 : vector<16xf32>
      %add3A_2140 = arith.addf %add3A_2124, %mul3A_2139 : vector<16xf32>
      %add3A_2141 = arith.addi %shift_right_arithmetic3A_1195, %and3A_1894 : vector<16xi32>
      %gather3A_2142 = tpu.vector_load_idx %arg18[%iota3A, %add3A_2141] : memref<16x128xf32, #tpu.memory_space<vmem>>[vector<16xi32>, vector<16xi32>], vector<16xf32>,
      %mul3A_2143 = arith.mulf %gather3A_2028, %gather3A_2142 : vector<16xf32>
      %add3A_2144 = arith.addf %add3A_2128, %mul3A_2143 : vector<16xf32>
      %add3A_2145 = arith.addi %shift_right_arithmetic3A_1195, %and3A_1903 : vector<16xi32>
      %gather3A_2146 = tpu.vector_load_idx %arg18[%iota3A, %add3A_2145] : memref<16x128xf32, #tpu.memory_space<vmem>>[vector<16xi32>, vector<16xi32>], vector<16xf32>,
      %mul3A_2147 = arith.mulf %gather3A_2030, %gather3A_2146 : vector<16xf32>
      %add3A_2148 = arith.addf %add3A_2132, %mul3A_2147 : vector<16xf32>
      %add3A_2149 = arith.addi %shift_right_arithmetic3A_1195, %and3A_1912 : vector<16xi32>
      %gather3A_2150 = tpu.vector_load_idx %arg18[%iota3A, %add3A_2149] : memref<16x128xf32, #tpu.memory_space<vmem>>[vector<16xi32>, vector<16xi32>], vector<16xf32>,
      %mul3A_2151 = arith.mulf %gather3A_2032, %gather3A_2150 : vector<16xf32>
      %add3A_2152 = arith.addf %add3A_2136, %mul3A_2151 : vector<16xf32>
      %add3A_2153 = arith.addi %shift_right_arithmetic3A_1195, %and3A_1921 : vector<16xi32>
      %gather3A_2154 = tpu.vector_load_idx %arg18[%iota3A, %add3A_2153] : memref<16x128xf32, #tpu.memory_space<vmem>>[vector<16xi32>, vector<16xi32>], vector<16xf32>,
      %mul3A_2155 = arith.mulf %gather3A_2034, %gather3A_2154 : vector<16xf32>
      %add3A_2156 = arith.addf %add3A_2140, %mul3A_2155 : vector<16xf32>
      %add3A_2157 = arith.addi %shift_right_arithmetic3A_1195, %and3A_1930 : vector<16xi32>
      %gather3A_2158 = tpu.vector_load_idx %arg18[%iota3A, %add3A_2157] : memref<16x128xf32, #tpu.memory_space<vmem>>[vector<16xi32>, vector<16xi32>], vector<16xf32>,
      %mul3A_2159 = arith.mulf %gather3A_2036, %gather3A_2158 : vector<16xf32>
      %add3A_2160 = arith.addf %add3A_2144, %mul3A_2159 : vector<16xf32>
      %add3A_2161 = arith.addi %shift_right_arithmetic3A_1195, %and3A_1939 : vector<16xi32>
      %gather3A_2162 = tpu.vector_load_idx %arg18[%iota3A, %add3A_2161] : memref<16x128xf32, #tpu.memory_space<vmem>>[vector<16xi32>, vector<16xi32>], vector<16xf32>,
      %mul3A_2163 = arith.mulf %gather3A_2038, %gather3A_2162 : vector<16xf32>
      %add3A_2164 = arith.addf %add3A_2148, %mul3A_2163 : vector<16xf32>
      %add3A_2165 = arith.addi %shift_right_arithmetic3A_1195, %and3A_1948 : vector<16xi32>
      %gather3A_2166 = tpu.vector_load_idx %arg18[%iota3A, %add3A_2165] : memref<16x128xf32, #tpu.memory_space<vmem>>[vector<16xi32>, vector<16xi32>], vector<16xf32>,
      %mul3A_2167 = arith.mulf %gather3A_2040, %gather3A_2166 : vector<16xf32>
      %add3A_2168 = arith.addf %add3A_2152, %mul3A_2167 : vector<16xf32>
      %add3A_2169 = arith.addi %shift_right_arithmetic3A_1195, %and3A_1957 : vector<16xi32>
      %gather3A_2170 = tpu.vector_load_idx %arg18[%iota3A, %add3A_2169] : memref<16x128xf32, #tpu.memory_space<vmem>>[vector<16xi32>, vector<16xi32>], vector<16xf32>,
      %mul3A_2171 = arith.mulf %gather3A_2042, %gather3A_2170 : vector<16xf32>
      %add3A_2172 = arith.addf %add3A_2156, %mul3A_2171 : vector<16xf32>
      %add3A_2173 = arith.addi %shift_right_arithmetic3A_1195, %and3A_1966 : vector<16xi32>
      %gather3A_2174 = tpu.vector_load_idx %arg18[%iota3A, %add3A_2173] : memref<16x128xf32, #tpu.memory_space<vmem>>[vector<16xi32>, vector<16xi32>], vector<16xf32>,
      %mul3A_2175 = arith.mulf %gather3A_2044, %gather3A_2174 : vector<16xf32>
      %add3A_2176 = arith.addf %add3A_2160, %mul3A_2175 : vector<16xf32>
      %add3A_2177 = arith.addi %shift_right_arithmetic3A_1195, %and3A_1975 : vector<16xi32>
      %gather3A_2178 = tpu.vector_load_idx %arg18[%iota3A, %add3A_2177] : memref<16x128xf32, #tpu.memory_space<vmem>>[vector<16xi32>, vector<16xi32>], vector<16xf32>,
      %mul3A_2179 = arith.mulf %gather3A_2046, %gather3A_2178 : vector<16xf32>
      %add3A_2180 = arith.addf %add3A_2164, %mul3A_2179 : vector<16xf32>
      %add3A_2181 = arith.addi %shift_right_arithmetic3A_1195, %and3A_1984 : vector<16xi32>
      %gather3A_2182 = tpu.vector_load_idx %arg18[%iota3A, %add3A_2181] : memref<16x128xf32, #tpu.memory_space<vmem>>[vector<16xi32>, vector<16xi32>], vector<16xf32>,
      %mul3A_2183 = arith.mulf %gather3A_2048, %gather3A_2182 : vector<16xf32>
      %add3A_2184 = arith.addf %add3A_2168, %mul3A_2183 : vector<16xf32>
      %add3A_2185 = arith.addf %add3A_2172, %add3A_2176 : vector<16xf32>
      %add3A_2186 = arith.addf %add3A_1691, %add3A_2185 : vector<16xf32>
      %add3A_2187 = arith.addf %add3A_2180, %add3A_2184 : vector<16xf32>
      %add3A_2188 = arith.addf %add3A_2186, %add3A_2187 : vector<16xf32>
      %scan3A_2189 = arith.constant 0 : i32
      %scan3A_2190 = arith.constant 20 : i32
      %scan3A_2191 = arith.addi %scan3A_2189, %scan3A_2190 : i32
      %scan3A_2192 = arith.constant 1 : i32
      %scan3A_2193 = scf.for %scan3A_2203 = %scan3A_2189 to %scan3A_2191 step %scan3A_2192 iter_args(%scan3A_2204 = %broadcast_in_dim3A_1199) -> (vector<16xf32>)  : i32 {
        %mul3A_2205 = arith.constant 20 : i32
        %mul3A_2206 = vector.broadcast %mul3A_2205 : i32 to vector<16xi32>
        %mul3A_2207 = arith.muli %iota3A, %mul3A_2206 : vector<16xi32>
        %add3A_2208 = vector.broadcast %scan3A_2203 : i32 to vector<16xi32>
        %add3A_2209 = arith.addi %mul3A_2207, %add3A_2208 : vector<16xi32>
        %mul3A_2210 = arith.constant 16 : i32
        %mul3A_2211 = arith.muli %add3A_1133, %mul3A_2210 : i32
        %mul3A_2212 = arith.constant 20 : i32
        %mul3A_2213 = arith.muli %mul3A_2211, %mul3A_2212 : i32
        %add3A_2214 = vector.broadcast %mul3A_2213 : i32 to vector<16xi32>
        %add3A_2215 = arith.addi %add3A_2214, %add3A_2209 : vector<16xi32>
        %gather3A_2216 = tpu.vector_load_idx %arg11[%add3A_2215] : memref<10240xi32, #tpu.memory_space<vmem>>[vector<16xi32>], vector<16xi32>,
        %and3A_2217 = arith.constant 256 : i32
        %and3A_2218 = vector.broadcast %and3A_2217 : i32 to vector<16xi32>
        %and3A_2219 = arith.andi %gather3A_2216, %and3A_2218 : vector<16xi32>
        %shift_right_arithmetic3A_2220 = arith.constant 2 : i32
        %shift_right_arithmetic3A_2221 = vector.broadcast %shift_right_arithmetic3A_2220 : i32 to vector<16xi32>
        %shift_right_arithmetic3A_2222 = arith.shrsi %and3A_2219, %shift_right_arithmetic3A_2221 : vector<16xi32>
        %broadcast_in_dim3A_2223 = arith.constant 0.000000e+00 : f32
        %broadcast_in_dim3A_2224 = vector.broadcast %broadcast_in_dim3A_2223 : f32 to vector<16xf32>
        %broadcast_in_dim3A_2225 = arith.constant 0.000000e+00 : f32
        %broadcast_in_dim3A_2226 = vector.broadcast %broadcast_in_dim3A_2225 : f32 to vector<16xf32>
        %broadcast_in_dim3A_2227 = arith.constant 0.000000e+00 : f32
        %broadcast_in_dim3A_2228 = vector.broadcast %broadcast_in_dim3A_2227 : f32 to vector<16xf32>
        %broadcast_in_dim3A_2229 = arith.constant 0.000000e+00 : f32
        %broadcast_in_dim3A_2230 = vector.broadcast %broadcast_in_dim3A_2229 : f32 to vector<16xf32>
        %add3A_2231 = arith.addi %shift_right_arithmetic3A_2222, %and3A_1705 : vector<16xi32>
        %gather3A_2232 = tpu.vector_load_idx %arg20[%add3A_2209, %add3A_2231] : memref<320x128xf32, #tpu.memory_space<vmem>>[vector<16xi32>, vector<16xi32>], vector<16xf32>,
        %mul3A_2233 = arith.mulf %gather3A_1986, %gather3A_2232 : vector<16xf32>
        %add3A_2234 = arith.addf %broadcast_in_dim3A_2224, %mul3A_2233 : vector<16xf32>
        %add3A_2235 = arith.addi %shift_right_arithmetic3A_2222, %and3A_1714 : vector<16xi32>
        %gather3A_2236 = tpu.vector_load_idx %arg20[%add3A_2209, %add3A_2235] : memref<320x128xf32, #tpu.memory_space<vmem>>[vector<16xi32>, vector<16xi32>], vector<16xf32>,
        %mul3A_2237 = arith.mulf %gather3A_1988, %gather3A_2236 : vector<16xf32>
        %add3A_2238 = arith.addf %broadcast_in_dim3A_2226, %mul3A_2237 : vector<16xf32>
        %add3A_2239 = arith.addi %shift_right_arithmetic3A_2222, %and3A_1723 : vector<16xi32>
        %gather3A_2240 = tpu.vector_load_idx %arg20[%add3A_2209, %add3A_2239] : memref<320x128xf32, #tpu.memory_space<vmem>>[vector<16xi32>, vector<16xi32>], vector<16xf32>,
        %mul3A_2241 = arith.mulf %gather3A_1990, %gather3A_2240 : vector<16xf32>
        %add3A_2242 = arith.addf %broadcast_in_dim3A_2228, %mul3A_2241 : vector<16xf32>
        %add3A_2243 = arith.addi %shift_right_arithmetic3A_2222, %and3A_1732 : vector<16xi32>
        %gather3A_2244 = tpu.vector_load_idx %arg20[%add3A_2209, %add3A_2243] : memref<320x128xf32, #tpu.memory_space<vmem>>[vector<16xi32>, vector<16xi32>], vector<16xf32>,
        %mul3A_2245 = arith.mulf %gather3A_1992, %gather3A_2244 : vector<16xf32>
        %add3A_2246 = arith.addf %broadcast_in_dim3A_2230, %mul3A_2245 : vector<16xf32>
        %add3A_2247 = arith.addi %shift_right_arithmetic3A_2222, %and3A_1741 : vector<16xi32>
        %gather3A_2248 = tpu.vector_load_idx %arg20[%add3A_2209, %add3A_2247] : memref<320x128xf32, #tpu.memory_space<vmem>>[vector<16xi32>, vector<16xi32>], vector<16xf32>,
        %mul3A_2249 = arith.mulf %gather3A_1994, %gather3A_2248 : vector<16xf32>
        %add3A_2250 = arith.addf %add3A_2234, %mul3A_2249 : vector<16xf32>
        %add3A_2251 = arith.addi %shift_right_arithmetic3A_2222, %and3A_1750 : vector<16xi32>
        %gather3A_2252 = tpu.vector_load_idx %arg20[%add3A_2209, %add3A_2251] : memref<320x128xf32, #tpu.memory_space<vmem>>[vector<16xi32>, vector<16xi32>], vector<16xf32>,
        %mul3A_2253 = arith.mulf %gather3A_1996, %gather3A_2252 : vector<16xf32>
        %add3A_2254 = arith.addf %add3A_2238, %mul3A_2253 : vector<16xf32>
        %add3A_2255 = arith.addi %shift_right_arithmetic3A_2222, %and3A_1759 : vector<16xi32>
        %gather3A_2256 = tpu.vector_load_idx %arg20[%add3A_2209, %add3A_2255] : memref<320x128xf32, #tpu.memory_space<vmem>>[vector<16xi32>, vector<16xi32>], vector<16xf32>,
        %mul3A_2257 = arith.mulf %gather3A_1998, %gather3A_2256 : vector<16xf32>
        %add3A_2258 = arith.addf %add3A_2242, %mul3A_2257 : vector<16xf32>
        %add3A_2259 = arith.addi %shift_right_arithmetic3A_2222, %and3A_1768 : vector<16xi32>
        %gather3A_2260 = tpu.vector_load_idx %arg20[%add3A_2209, %add3A_2259] : memref<320x128xf32, #tpu.memory_space<vmem>>[vector<16xi32>, vector<16xi32>], vector<16xf32>,
        %mul3A_2261 = arith.mulf %gather3A_2000, %gather3A_2260 : vector<16xf32>
        %add3A_2262 = arith.addf %add3A_2246, %mul3A_2261 : vector<16xf32>
        %add3A_2263 = arith.addi %shift_right_arithmetic3A_2222, %and3A_1777 : vector<16xi32>
        %gather3A_2264 = tpu.vector_load_idx %arg20[%add3A_2209, %add3A_2263] : memref<320x128xf32, #tpu.memory_space<vmem>>[vector<16xi32>, vector<16xi32>], vector<16xf32>,
        %mul3A_2265 = arith.mulf %gather3A_2002, %gather3A_2264 : vector<16xf32>
        %add3A_2266 = arith.addf %add3A_2250, %mul3A_2265 : vector<16xf32>
        %add3A_2267 = arith.addi %shift_right_arithmetic3A_2222, %and3A_1786 : vector<16xi32>
        %gather3A_2268 = tpu.vector_load_idx %arg20[%add3A_2209, %add3A_2267] : memref<320x128xf32, #tpu.memory_space<vmem>>[vector<16xi32>, vector<16xi32>], vector<16xf32>,
        %mul3A_2269 = arith.mulf %gather3A_2004, %gather3A_2268 : vector<16xf32>
        %add3A_2270 = arith.addf %add3A_2254, %mul3A_2269 : vector<16xf32>
        %add3A_2271 = arith.addi %shift_right_arithmetic3A_2222, %and3A_1795 : vector<16xi32>
        %gather3A_2272 = tpu.vector_load_idx %arg20[%add3A_2209, %add3A_2271] : memref<320x128xf32, #tpu.memory_space<vmem>>[vector<16xi32>, vector<16xi32>], vector<16xf32>,
        %mul3A_2273 = arith.mulf %gather3A_2006, %gather3A_2272 : vector<16xf32>
        %add3A_2274 = arith.addf %add3A_2258, %mul3A_2273 : vector<16xf32>
        %add3A_2275 = arith.addi %shift_right_arithmetic3A_2222, %and3A_1804 : vector<16xi32>
        %gather3A_2276 = tpu.vector_load_idx %arg20[%add3A_2209, %add3A_2275] : memref<320x128xf32, #tpu.memory_space<vmem>>[vector<16xi32>, vector<16xi32>], vector<16xf32>,
        %mul3A_2277 = arith.mulf %gather3A_2008, %gather3A_2276 : vector<16xf32>
        %add3A_2278 = arith.addf %add3A_2262, %mul3A_2277 : vector<16xf32>
        %add3A_2279 = arith.addi %shift_right_arithmetic3A_2222, %and3A_1813 : vector<16xi32>
        %gather3A_2280 = tpu.vector_load_idx %arg20[%add3A_2209, %add3A_2279] : memref<320x128xf32, #tpu.memory_space<vmem>>[vector<16xi32>, vector<16xi32>], vector<16xf32>,
        %mul3A_2281 = arith.mulf %gather3A_2010, %gather3A_2280 : vector<16xf32>
        %add3A_2282 = arith.addf %add3A_2266, %mul3A_2281 : vector<16xf32>
        %add3A_2283 = arith.addi %shift_right_arithmetic3A_2222, %and3A_1822 : vector<16xi32>
        %gather3A_2284 = tpu.vector_load_idx %arg20[%add3A_2209, %add3A_2283] : memref<320x128xf32, #tpu.memory_space<vmem>>[vector<16xi32>, vector<16xi32>], vector<16xf32>,
        %mul3A_2285 = arith.mulf %gather3A_2012, %gather3A_2284 : vector<16xf32>
        %add3A_2286 = arith.addf %add3A_2270, %mul3A_2285 : vector<16xf32>
        %add3A_2287 = arith.addi %shift_right_arithmetic3A_2222, %and3A_1831 : vector<16xi32>
        %gather3A_2288 = tpu.vector_load_idx %arg20[%add3A_2209, %add3A_2287] : memref<320x128xf32, #tpu.memory_space<vmem>>[vector<16xi32>, vector<16xi32>], vector<16xf32>,
        %mul3A_2289 = arith.mulf %gather3A_2014, %gather3A_2288 : vector<16xf32>
        %add3A_2290 = arith.addf %add3A_2274, %mul3A_2289 : vector<16xf32>
        %add3A_2291 = arith.addi %shift_right_arithmetic3A_2222, %and3A_1840 : vector<16xi32>
        %gather3A_2292 = tpu.vector_load_idx %arg20[%add3A_2209, %add3A_2291] : memref<320x128xf32, #tpu.memory_space<vmem>>[vector<16xi32>, vector<16xi32>], vector<16xf32>,
        %mul3A_2293 = arith.mulf %gather3A_2016, %gather3A_2292 : vector<16xf32>
        %add3A_2294 = arith.addf %add3A_2278, %mul3A_2293 : vector<16xf32>
        %add3A_2295 = arith.addi %shift_right_arithmetic3A_2222, %and3A_1849 : vector<16xi32>
        %gather3A_2296 = tpu.vector_load_idx %arg20[%add3A_2209, %add3A_2295] : memref<320x128xf32, #tpu.memory_space<vmem>>[vector<16xi32>, vector<16xi32>], vector<16xf32>,
        %mul3A_2297 = arith.mulf %gather3A_2018, %gather3A_2296 : vector<16xf32>
        %add3A_2298 = arith.addf %add3A_2282, %mul3A_2297 : vector<16xf32>
        %add3A_2299 = arith.addi %shift_right_arithmetic3A_2222, %and3A_1858 : vector<16xi32>
        %gather3A_2300 = tpu.vector_load_idx %arg20[%add3A_2209, %add3A_2299] : memref<320x128xf32, #tpu.memory_space<vmem>>[vector<16xi32>, vector<16xi32>], vector<16xf32>,
        %mul3A_2301 = arith.mulf %gather3A_2020, %gather3A_2300 : vector<16xf32>
        %add3A_2302 = arith.addf %add3A_2286, %mul3A_2301 : vector<16xf32>
        %add3A_2303 = arith.addi %shift_right_arithmetic3A_2222, %and3A_1867 : vector<16xi32>
        %gather3A_2304 = tpu.vector_load_idx %arg20[%add3A_2209, %add3A_2303] : memref<320x128xf32, #tpu.memory_space<vmem>>[vector<16xi32>, vector<16xi32>], vector<16xf32>,
        %mul3A_2305 = arith.mulf %gather3A_2022, %gather3A_2304 : vector<16xf32>
        %add3A_2306 = arith.addf %add3A_2290, %mul3A_2305 : vector<16xf32>
        %add3A_2307 = arith.addi %shift_right_arithmetic3A_2222, %and3A_1876 : vector<16xi32>
        %gather3A_2308 = tpu.vector_load_idx %arg20[%add3A_2209, %add3A_2307] : memref<320x128xf32, #tpu.memory_space<vmem>>[vector<16xi32>, vector<16xi32>], vector<16xf32>,
        %mul3A_2309 = arith.mulf %gather3A_2024, %gather3A_2308 : vector<16xf32>
        %add3A_2310 = arith.addf %add3A_2294, %mul3A_2309 : vector<16xf32>
        %add3A_2311 = arith.addi %shift_right_arithmetic3A_2222, %and3A_1885 : vector<16xi32>
        %gather3A_2312 = tpu.vector_load_idx %arg20[%add3A_2209, %add3A_2311] : memref<320x128xf32, #tpu.memory_space<vmem>>[vector<16xi32>, vector<16xi32>], vector<16xf32>,
        %mul3A_2313 = arith.mulf %gather3A_2026, %gather3A_2312 : vector<16xf32>
        %add3A_2314 = arith.addf %add3A_2298, %mul3A_2313 : vector<16xf32>
        %add3A_2315 = arith.addi %shift_right_arithmetic3A_2222, %and3A_1894 : vector<16xi32>
        %gather3A_2316 = tpu.vector_load_idx %arg20[%add3A_2209, %add3A_2315] : memref<320x128xf32, #tpu.memory_space<vmem>>[vector<16xi32>, vector<16xi32>], vector<16xf32>,
        %mul3A_2317 = arith.mulf %gather3A_2028, %gather3A_2316 : vector<16xf32>
        %add3A_2318 = arith.addf %add3A_2302, %mul3A_2317 : vector<16xf32>
        %add3A_2319 = arith.addi %shift_right_arithmetic3A_2222, %and3A_1903 : vector<16xi32>
        %gather3A_2320 = tpu.vector_load_idx %arg20[%add3A_2209, %add3A_2319] : memref<320x128xf32, #tpu.memory_space<vmem>>[vector<16xi32>, vector<16xi32>], vector<16xf32>,
        %mul3A_2321 = arith.mulf %gather3A_2030, %gather3A_2320 : vector<16xf32>
        %add3A_2322 = arith.addf %add3A_2306, %mul3A_2321 : vector<16xf32>
        %add3A_2323 = arith.addi %shift_right_arithmetic3A_2222, %and3A_1912 : vector<16xi32>
        %gather3A_2324 = tpu.vector_load_idx %arg20[%add3A_2209, %add3A_2323] : memref<320x128xf32, #tpu.memory_space<vmem>>[vector<16xi32>, vector<16xi32>], vector<16xf32>,
        %mul3A_2325 = arith.mulf %gather3A_2032, %gather3A_2324 : vector<16xf32>
        %add3A_2326 = arith.addf %add3A_2310, %mul3A_2325 : vector<16xf32>
        %add3A_2327 = arith.addi %shift_right_arithmetic3A_2222, %and3A_1921 : vector<16xi32>
        %gather3A_2328 = tpu.vector_load_idx %arg20[%add3A_2209, %add3A_2327] : memref<320x128xf32, #tpu.memory_space<vmem>>[vector<16xi32>, vector<16xi32>], vector<16xf32>,
        %mul3A_2329 = arith.mulf %gather3A_2034, %gather3A_2328 : vector<16xf32>
        %add3A_2330 = arith.addf %add3A_2314, %mul3A_2329 : vector<16xf32>
        %add3A_2331 = arith.addi %shift_right_arithmetic3A_2222, %and3A_1930 : vector<16xi32>
        %gather3A_2332 = tpu.vector_load_idx %arg20[%add3A_2209, %add3A_2331] : memref<320x128xf32, #tpu.memory_space<vmem>>[vector<16xi32>, vector<16xi32>], vector<16xf32>,
        %mul3A_2333 = arith.mulf %gather3A_2036, %gather3A_2332 : vector<16xf32>
        %add3A_2334 = arith.addf %add3A_2318, %mul3A_2333 : vector<16xf32>
        %add3A_2335 = arith.addi %shift_right_arithmetic3A_2222, %and3A_1939 : vector<16xi32>
        %gather3A_2336 = tpu.vector_load_idx %arg20[%add3A_2209, %add3A_2335] : memref<320x128xf32, #tpu.memory_space<vmem>>[vector<16xi32>, vector<16xi32>], vector<16xf32>,
        %mul3A_2337 = arith.mulf %gather3A_2038, %gather3A_2336 : vector<16xf32>
        %add3A_2338 = arith.addf %add3A_2322, %mul3A_2337 : vector<16xf32>
        %add3A_2339 = arith.addi %shift_right_arithmetic3A_2222, %and3A_1948 : vector<16xi32>
        %gather3A_2340 = tpu.vector_load_idx %arg20[%add3A_2209, %add3A_2339] : memref<320x128xf32, #tpu.memory_space<vmem>>[vector<16xi32>, vector<16xi32>], vector<16xf32>,
        %mul3A_2341 = arith.mulf %gather3A_2040, %gather3A_2340 : vector<16xf32>
        %add3A_2342 = arith.addf %add3A_2326, %mul3A_2341 : vector<16xf32>
        %add3A_2343 = arith.addi %shift_right_arithmetic3A_2222, %and3A_1957 : vector<16xi32>
        %gather3A_2344 = tpu.vector_load_idx %arg20[%add3A_2209, %add3A_2343] : memref<320x128xf32, #tpu.memory_space<vmem>>[vector<16xi32>, vector<16xi32>], vector<16xf32>,
        %mul3A_2345 = arith.mulf %gather3A_2042, %gather3A_2344 : vector<16xf32>
        %add3A_2346 = arith.addf %add3A_2330, %mul3A_2345 : vector<16xf32>
        %add3A_2347 = arith.addi %shift_right_arithmetic3A_2222, %and3A_1966 : vector<16xi32>
        %gather3A_2348 = tpu.vector_load_idx %arg20[%add3A_2209, %add3A_2347] : memref<320x128xf32, #tpu.memory_space<vmem>>[vector<16xi32>, vector<16xi32>], vector<16xf32>,
        %mul3A_2349 = arith.mulf %gather3A_2044, %gather3A_2348 : vector<16xf32>
        %add3A_2350 = arith.addf %add3A_2334, %mul3A_2349 : vector<16xf32>
        %add3A_2351 = arith.addi %shift_right_arithmetic3A_2222, %and3A_1975 : vector<16xi32>
        %gather3A_2352 = tpu.vector_load_idx %arg20[%add3A_2209, %add3A_2351] : memref<320x128xf32, #tpu.memory_space<vmem>>[vector<16xi32>, vector<16xi32>], vector<16xf32>,
        %mul3A_2353 = arith.mulf %gather3A_2046, %gather3A_2352 : vector<16xf32>
        %add3A_2354 = arith.addf %add3A_2338, %mul3A_2353 : vector<16xf32>
        %add3A_2355 = arith.addi %shift_right_arithmetic3A_2222, %and3A_1984 : vector<16xi32>
        %gather3A_2356 = tpu.vector_load_idx %arg20[%add3A_2209, %add3A_2355] : memref<320x128xf32, #tpu.memory_space<vmem>>[vector<16xi32>, vector<16xi32>], vector<16xf32>,
        %mul3A_2357 = arith.mulf %gather3A_2048, %gather3A_2356 : vector<16xf32>
        %add3A_2358 = arith.addf %add3A_2342, %mul3A_2357 : vector<16xf32>
        %add3A_2359 = arith.addf %add3A_2346, %add3A_2350 : vector<16xf32>
        %add3A_2360 = arith.addf %add3A_2354, %add3A_2358 : vector<16xf32>
        %add3A_2361 = arith.addf %add3A_2359, %add3A_2360 : vector<16xf32>
        %mul3A_2362 = arith.constant 16 : i32
        %mul3A_2363 = arith.muli %scan3A_2203, %mul3A_2362 : i32
        %get3A_2364 = arith.index_cast %mul3A_2363 : i32 to index
        %get3A_2365 = tpu.vector_load %arg21[%get3A_2364] {strides = array<i32>} : memref<320xf32, #tpu.memory_space<vmem>>, vector<16xf32>,
        %add3A_2366 = arith.addf %get3A_2365, %add3A_2361 : vector<16xf32>
        %exp3A = math.exp %add3A_2366 : vector<16xf32>
        %add3A_2367 = arith.addf %scan3A_2204, %exp3A : vector<16xf32>
        scf.yield %add3A_2367 : vector<16xf32>
      }
      %scan3A_2194 = arith.constant 20 : i32
      %mul3A_2195 = arith.constant 16 : i32
      %mul3A_2196 = arith.muli %add3A_1133, %mul3A_2195 : i32
      %swap3A_2197 = arith.index_cast %mul3A_2196 : i32 to index
      %swap3A_2198 = tpu.vector_load %arg22[%swap3A_2197] {strides = array<i32>} : memref<512xf32, #tpu.memory_space<vmem>>, vector<16xf32>,
      tpu.vector_store %arg22[%swap3A_2197], %add3A_2188 {strides = array<i32>} : memref<512xf32, #tpu.memory_space<vmem>>, vector<16xf32>,
      %mul3A_2199 = arith.constant 16 : i32
      %mul3A_2200 = arith.muli %add3A_1133, %mul3A_2199 : i32
      %swap3A_2201 = arith.index_cast %mul3A_2200 : i32 to index
      %swap3A_2202 = tpu.vector_load %arg23[%swap3A_2201] {strides = array<i32>} : memref<512xf32, #tpu.memory_space<vmem>>, vector<16xf32>,
      tpu.vector_store %arg23[%swap3A_2201], %scan3A_2193 {strides = array<i32>} : memref<512xf32, #tpu.memory_space<vmem>>, vector<16xf32>,
    }
    %scan3A_41 = arith.constant 16 : i32
    %dma_wait3A = arith.constant 0 : i32
    %dma_wait3A_42 = arith.constant 0 : i32
    %dma_wait3A_43 = tpu.memref_slice %arg5[%dma_wait3A, %dma_wait3A_42] : memref<500224x128xf32, #tpu.memory_space<hbm>> -> memref<16x128xf32, #tpu.memory_space<hbm>>
    %dma_wait3A_44 = arith.constant 0 : i32
    %dma_wait3A_45 = arith.constant 0 : i32
    %dma_wait3A_46 = tpu.memref_slice %arg5[%dma_wait3A_44, %dma_wait3A_45] : memref<500224x128xf32, #tpu.memory_space<hbm>> -> memref<16x128xf32, #tpu.memory_space<hbm>>
    tpu.wait_dma2 semaphore(%arg24 : memref<!tpu.dma_semaphore, #tpu.memory_space<semaphore_mem>>) src(%dma_wait3A_46 : memref<16x128xf32, #tpu.memory_space<hbm>>) dst(%arg15 : memref<16x128xf32, #tpu.memory_space<vmem>>)
    %dma_wait3A_47 = arith.constant 0 : i32
    %dma_wait3A_48 = arith.constant 0 : i32
    %dma_wait3A_49 = tpu.memref_slice %arg6[%dma_wait3A_47, %dma_wait3A_48] : memref<500224x128xf32, #tpu.memory_space<hbm>> -> memref<16x128xf32, #tpu.memory_space<hbm>>
    %dma_wait3A_50 = arith.constant 0 : i32
    %dma_wait3A_51 = arith.constant 0 : i32
    %dma_wait3A_52 = tpu.memref_slice %arg6[%dma_wait3A_50, %dma_wait3A_51] : memref<500224x128xf32, #tpu.memory_space<hbm>> -> memref<16x128xf32, #tpu.memory_space<hbm>>
    tpu.wait_dma2 semaphore(%arg26 : memref<!tpu.dma_semaphore, #tpu.memory_space<semaphore_mem>>) src(%dma_wait3A_52 : memref<16x128xf32, #tpu.memory_space<hbm>>) dst(%arg17 : memref<16x128xf32, #tpu.memory_space<vmem>>)
    %dma_wait3A_53 = arith.constant 0 : i32
    %dma_wait3A_54 = arith.constant 0 : i32
    %dma_wait3A_55 = tpu.memref_slice %arg6[%dma_wait3A_53, %dma_wait3A_54] : memref<500224x128xf32, #tpu.memory_space<hbm>> -> memref<320x128xf32, #tpu.memory_space<hbm>>
    %dma_wait3A_56 = arith.constant 0 : i32
    %dma_wait3A_57 = arith.constant 0 : i32
    %dma_wait3A_58 = tpu.memref_slice %arg6[%dma_wait3A_56, %dma_wait3A_57] : memref<500224x128xf32, #tpu.memory_space<hbm>> -> memref<320x128xf32, #tpu.memory_space<hbm>>
    tpu.wait_dma2 semaphore(%arg28 : memref<!tpu.dma_semaphore, #tpu.memory_space<semaphore_mem>>) src(%dma_wait3A_58 : memref<320x128xf32, #tpu.memory_space<hbm>>) dst(%arg19 : memref<320x128xf32, #tpu.memory_space<vmem>>)
    %mul3A_59 = arith.constant 512 : i32
    %mul3A_60 = arith.muli %add3A, %mul3A_59 : i32
    "tpu.region"() ({
      %run_scoped3A = tpu.sem_alloc : memref<!tpu.dma_semaphore, #tpu.memory_space<semaphore_mem>>
      %dma_start3A_63 = tpu.memref_slice %arg7[%mul3A_60] : memref<16384xf32, #tpu.memory_space<hbm>> -> memref<512xf32, #tpu.memory_space<hbm>>
      %dma_start3A_64 = tpu.memref_slice %arg7[%mul3A_60] : memref<16384xf32, #tpu.memory_space<hbm>> -> memref<512xf32, #tpu.memory_space<hbm>>
      tpu.enqueue_dma source(%arg22 : memref<512xf32, #tpu.memory_space<vmem>>) target(%dma_start3A_64 : memref<512xf32, #tpu.memory_space<hbm>>) target_semaphore(%run_scoped3A : memref<!tpu.dma_semaphore, #tpu.memory_space<semaphore_mem>>)
      %dma_wait3A_65 = tpu.memref_slice %arg7[%mul3A_60] : memref<16384xf32, #tpu.memory_space<hbm>> -> memref<512xf32, #tpu.memory_space<hbm>>
      %dma_wait3A_66 = tpu.memref_slice %arg7[%mul3A_60] : memref<16384xf32, #tpu.memory_space<hbm>> -> memref<512xf32, #tpu.memory_space<hbm>>
      tpu.wait_dma2 semaphore(%run_scoped3A : memref<!tpu.dma_semaphore, #tpu.memory_space<semaphore_mem>>) src(%arg22 : memref<512xf32, #tpu.memory_space<vmem>>) dst(%dma_wait3A_66 : memref<512xf32, #tpu.memory_space<hbm>>)
      tpu.yield
    }) : () -> ()
    %mul3A_61 = arith.constant 512 : i32
    %mul3A_62 = arith.muli %add3A, %mul3A_61 : i32
    "tpu.region"() ({
      %run_scoped3A = tpu.sem_alloc : memref<!tpu.dma_semaphore, #tpu.memory_space<semaphore_mem>>
      %dma_start3A_63 = tpu.memref_slice %arg8[%mul3A_62] : memref<16384xf32, #tpu.memory_space<hbm>> -> memref<512xf32, #tpu.memory_space<hbm>>
      %dma_start3A_64 = tpu.memref_slice %arg8[%mul3A_62] : memref<16384xf32, #tpu.memory_space<hbm>> -> memref<512xf32, #tpu.memory_space<hbm>>
      tpu.enqueue_dma source(%arg23 : memref<512xf32, #tpu.memory_space<vmem>>) target(%dma_start3A_64 : memref<512xf32, #tpu.memory_space<hbm>>) target_semaphore(%run_scoped3A : memref<!tpu.dma_semaphore, #tpu.memory_space<semaphore_mem>>)
      %dma_wait3A_65 = tpu.memref_slice %arg8[%mul3A_62] : memref<16384xf32, #tpu.memory_space<hbm>> -> memref<512xf32, #tpu.memory_space<hbm>>
      %dma_wait3A_66 = tpu.memref_slice %arg8[%mul3A_62] : memref<16384xf32, #tpu.memory_space<hbm>> -> memref<512xf32, #tpu.memory_space<hbm>>
      tpu.wait_dma2 semaphore(%run_scoped3A : memref<!tpu.dma_semaphore, #tpu.memory_space<semaphore_mem>>) src(%arg23 : memref<512xf32, #tpu.memory_space<vmem>>) dst(%dma_wait3A_66 : memref<512xf32, #tpu.memory_space<hbm>>)
      tpu.yield
    }) : () -> ()
    return
  }
}

module attributes {stable_mosaic.version = 14 : i64} {
  func.func @_tr_body(%arg0: i32, %arg1: memref<64x512xf32, #tpu.memory_space<vmem>>, %arg2: memref<256x128xf32, #tpu.memory_space<vmem>>) attributes {dimension_semantics = [#tpu.dimension_semantics<arbitrary>], iteration_bounds = array<i64: 1954>, scalar_prefetch = 0 : i64, scratch_operands = 0 : i64, tpu.core_type = #tpu.core_type<tc>, window_params = [{transform_indices = @transform_0, window_bounds = array<i64: 64, 512>}, {transform_indices = @transform_1, window_bounds = array<i64: 256, 128>}]} {
    %get3A = arith.constant 0 : index
    %get3A_0 = arith.constant 0 : index
    %get3A_1 = vector.load %arg1[%get3A, %get3A_0] : memref<64x512xf32, #tpu.memory_space<vmem>>, vector<64x512xf32>
    %slice3A = vector.extract_strided_slice %get3A_1 {offsets = [0, 0], sizes = [64, 256], strides = [1, 1]} : vector<64x512xf32> to vector<64x256xf32>
    %transpose3A = tpu.transpose %slice3A, [1, 0] : vector<64x256xf32> -> vector<256x64xf32>
    %swap3A = arith.constant 0 : index
    %swap3A_2 = arith.constant 0 : index
    %swap3A_3 = vector.load %arg2[%swap3A, %swap3A_2] : memref<256x128xf32, #tpu.memory_space<vmem>>, vector<256x64xf32>
    tpu.vector_store %arg2[%swap3A, %swap3A_2], %transpose3A {strides = array<i32>} : memref<256x128xf32, #tpu.memory_space<vmem>>, vector<256x64xf32>,
    %slice3A_4 = vector.extract_strided_slice %get3A_1 {offsets = [0, 256], sizes = [64, 256], strides = [1, 1]} : vector<64x512xf32> to vector<64x256xf32>
    %transpose3A_5 = tpu.transpose %slice3A_4, [1, 0] : vector<64x256xf32> -> vector<256x64xf32>
    %swap3A_6 = arith.constant 0 : index
    %swap3A_7 = arith.constant 64 : index
    %swap3A_8 = vector.load %arg2[%swap3A_6, %swap3A_7] : memref<256x128xf32, #tpu.memory_space<vmem>>, vector<256x64xf32>
    tpu.vector_store %arg2[%swap3A_6, %swap3A_7], %transpose3A_5 {strides = array<i32>} : memref<256x128xf32, #tpu.memory_space<vmem>>, vector<256x64xf32>,
    return
  }
  func.func @transform_0(%arg0: i32) -> (i32, i32) {
    %c0_i32 = arith.constant 0 : i32
    %c0_i32_0 = arith.constant 0 : i32
    return %c0_i32, %arg0 : i32, i32
  }
  func.func @transform_1(%arg0: i32) -> (i32, i32) {
    %c0_i32 = arith.constant 0 : i32
    %c0_i32_0 = arith.constant 0 : i32
    return %arg0, %c0_i32 : i32, i32
  }
}

module attributes {stable_mosaic.version = 14 : i64} {
  func.func @_finish_body(%arg0: memref<128x128xf32, #tpu.memory_space<vmem>>, %arg1: memref<128x128xf32, #tpu.memory_space<vmem>>, %arg2: memref<1x1xf32, #tpu.memory_space<smem>>) attributes {dimension_semantics = [], scalar_prefetch = 0 : i64, scratch_operands = 0 : i64, tpu.core_type = #tpu.core_type<tc>} {
    %get3A = arith.constant 0 : index
    %get3A_0 = arith.constant 0 : index
    %get3A_1 = vector.load %arg0[%get3A, %get3A_0] : memref<128x128xf32, #tpu.memory_space<vmem>>, vector<128x128xf32>
    %get3A_2 = arith.constant 0 : index
    %get3A_3 = arith.constant 0 : index
    %get3A_4 = vector.load %arg1[%get3A_2, %get3A_3] : memref<128x128xf32, #tpu.memory_space<vmem>>, vector<128x128xf32>
    %reduce_sum3A = vector.shape_cast %get3A_1 : vector<128x128xf32> to vector<1x128x128xf32>
    %reduce_sum3A_5 = arith.constant dense<0.000000e+00> : vector<1xf32>
    %reduce_sum3A_6 = vector.multi_reduction <add>, %reduce_sum3A, %reduce_sum3A_5 [1, 2] : vector<1x128x128xf32> to vector<1xf32>
    %reduce_sum3A_7 = vector.shape_cast %reduce_sum3A_6 : vector<1xf32> to vector<1x1x1xf32>
    %reduce_sum3A_8 = vector.extract %reduce_sum3A_7[0, 0, 0] : f32 from vector<1x1x1xf32>
    %log3A = math.log %get3A_4 : vector<128x128xf32>
    %reduce_sum3A_9 = vector.shape_cast %log3A : vector<128x128xf32> to vector<1x128x128xf32>
    %reduce_sum3A_10 = arith.constant dense<0.000000e+00> : vector<1xf32>
    %reduce_sum3A_11 = vector.multi_reduction <add>, %reduce_sum3A_9, %reduce_sum3A_10 [1, 2] : vector<1x128x128xf32> to vector<1xf32>
    %reduce_sum3A_12 = vector.shape_cast %reduce_sum3A_11 : vector<1xf32> to vector<1x1x1xf32>
    %reduce_sum3A_13 = vector.extract %reduce_sum3A_12[0, 0, 0] : f32 from vector<1x1x1xf32>
    %sub3A = arith.subf %reduce_sum3A_8, %reduce_sum3A_13 : f32
    %neg3A = arith.constant 0.000000e+00 : f32
    %neg3A_14 = arith.subf %neg3A, %sub3A : f32
    %div3A = arith.constant 1.638400e+04 : f32
    %div3A_15 = arith.divf %neg3A_14, %div3A : f32
    %swap3A = arith.constant 0 : index
    %swap3A_16 = arith.constant 0 : index
    %swap3A_17 = memref.load %arg2[%swap3A, %swap3A_16] : memref<1x1xf32, #tpu.memory_space<smem>>
    memref.store %div3A_15, %arg2[%swap3A, %swap3A_16] : memref<1x1xf32, #tpu.memory_space<smem>>
    return
  }
}

</mosaic_0001>

<sc_bundles>
// kernel: kernel.6.cloned.1.call-start
scs
__scs_entry_jumppad:
0x0: {  	(pc) =	sbr.rel $0x88, $3  }
0x1: {  	(tag) =	ssettag $0x0;
	lr =	simm.s32 $0x1  }
0x2: {  	[smem:$0x3F9C] =	sst lr;
	_ =	strace $0xD0000000  }
0x3: {  	_ = 	snop  }
0x4: {  	_ = 	snop  }
0x5: {  	_ = 	snop  }
0x6: {  	_ = 	snop  }
0x7: {  	_ = 	snop  }
__scs_overlays_trampoline_lowered:
0x8: {  	[smem:$0x3FAB] =	sst s0  }
0x9: {  	[smem:$0x3FAC] =	sst s1  }
0xa: {  	[smem:$0x3FAD] =	sst s2  }
0xb: {  	[smem:$0x3FAE] =	sst s3  }
0xc: {  	[smem:$0x3FAF] =	sst s4  }
0xd: {  	[smem:$0x3FB0] =	sst s5  }
0xe: {  	[smem:$0x3FB1] =	sst s6  }
0xf: {  	[smem:$0x3FB2] =	sst s7  }
0x10: {  	[smem:$0x3FB3] =	sst s8  }
0x11: {  	[smem:$0x3FB4] =	sst s9;
	s0 =	simm.s32 @!p0 $0x0  }
0x12: {  	s1 =	sld [smem:$0x3F9A];
	s0 =	simm.s32 @p0 $0x1  }
0x13: {  	[smem:$0x3FB5] =	sst s0;
	s0 =	simm.s32 @!p1 $0x0  }
0x14: {  	s2 =	sld [smem:$0x3F99];
	s0 =	simm.s32 @p1 $0x1  }
0x15: {  	[smem:$0x3FB6] =	sst s0;
	s0 =	simm.s32 @!p2 $0x0  }
0x16: {  	s3 =	sld [smem:$0x3FDB];
	s0 =	simm.s32 @p2 $0x1  }
0x17: {  	s4 =	simm.s32 $0x1BF5;
	[smem:$0x3FB8] =	sst s0  }
0x18: {  	s0 =	sld [smem:$0x3F9B];
	_ =	swait.ge [sflag:s4], $0x0  }
0x19: {  	s7 =	sld [smem:$0x3F9C]  }
0x1a: {  	s8 =	sadd.s32 $0xFFFFE003, lr  }
0x1b: {  	s9 =	sadd.s32 $0xFFFFFEF7, lr;
	s5 =	simm.s32 $0xFFFFFFFF;
	p2 =	slt.u32 s8, $0xFFFFF086  }
0x1c: {  	p1 =	slt.u32 s9, $0xF7A;
	s5 =	simm.s32 @!p2 $0x0  }
0x1d: {  	s5 =	simm.s32 @p1 $0x1;
	p0 =	seq.s32 s7, s2  }
0x1e: {  	s7 =	smul.u32 @!p0 $0xF7A, s2;
	p2 =	seq.s32 @!p0 s5, $0x0  }
0x1f: {  	s9 =	smul.u32 $0xF7A, s1;
	s8 =	simm.s32 @!p0 $0x1BF5;
	p2 =	por !p2, p0  }
0x20: {  	[sflag:s8] =	ssyncset.s32 @!p0 $0xFFFFF086;
	s6 =	sadd.s32 @!p0 s3, s7;
	s7 =	simm.s32 @!p0 $0x108  }
0x21: {  	s3 =	sadd.s32 s3, s9;
	s6 =	sadd.s32 @!p0 $0x88, s6;
	s7 =	simm.s32 @p2 $0x1082  }
0x22: {  	[simem:s7], [sflag:s8] =	dma.local @!p0 [hbm:s6], $0xF7A  }
0x23: {  	s9 =	sor.u32 $0xD0000000, s2;
	s6 =	simm.s32 $0x108;
	_ =	swait.ge @!p0 [sflag:s8], $0x0  }
0x24: {  	s3 =	sadd.s32 $0x88, s3;
	s6 =	simm.s32 @!p1 $0x1082;
	[sflag:s4] =	ssyncset.s32 $0xFFFFF086  }
0x25: {  	[simem:s6], [sflag:s4] =	dma.local [hbm:s3], $0xF7A  }
0x26: {  	[smem:$0x3F9C] =	sst s1;
	(tag) =	ssettag s2;
	_ =	strace s9  }
0x27: {  	s1 =	sld [smem:$0x3FAC]  }
0x28: {  	s2 =	sld [smem:$0x3FAD]  }
0x29: {  	s4 =	sld [smem:$0x3FAF]  }
0x2a: {  	p0 =	seq.s32 s5, $0x0;
	s5 =	sld [smem:$0x3FB0]  }
0x2b: {  	s6 =	sld [smem:$0x3FB1]  }
0x2c: {  	s7 =	sld [smem:$0x3FB2]  }
0x2d: {  	s3 =	simm.s32 $0x108;
	s8 =	sld [smem:$0x3FB3]  }
0x2e: {  	s3 =	simm.s32 @!p0 $0x1082;
	s9 =	sld [smem:$0x3FB4]  }
0x2f: {  	lr =	sadd.s32 s0, s3;
	s0 =	sld [smem:$0x3FAB]  }
0x30: {  	s3 =	sld [smem:$0x3FAE]  }
0x31: {  	[smem:$0x3FB7] =	sst s10  }
0x32: {  	s10 =	sld [smem:$0x3FB5];
	_ =	sdelay $0x3  }
0x33: {  	p0 =	seq.s32 s10, $0x1;
	s10 =	sld [smem:$0x3FB7];
	_ =	sdelay $0x3  }
0x34: {  	[smem:$0x3FB7] =	sst s10  }
0x35: {  	s10 =	sld [smem:$0x3FB6];
	_ =	sdelay $0x3  }
0x36: {  	p1 =	seq.s32 s10, $0x1;
	s10 =	sld [smem:$0x3FB7];
	_ =	sdelay $0x3  }
0x37: {  	[smem:$0x3FB7] =	sst s10  }
0x38: {  	s10 =	sld [smem:$0x3FB8]  }
0x39: {  	_ = 	snop;
	(pc) =	sbr.ind lr, $3  }
0x3a: {  	_ = 	snop  }
0x3b: {  	_ = 	snop  }
0x3c: {  	p2 =	seq.s32 s10, $0x1;
	s10 =	sld [smem:$0x3FB7]  }
0x3d: {  	_ =	shalt  }
0x3e: {  	_ =	shalt  }
0x3f: {  	_ =	shalt  }
0x40: {  	_ =	shalt  }
0x41: {  	_ =	shalt  }
0x42: {  	_ =	shalt  }
0x43: {  	_ =	shalt  }
0x44: {  	_ =	shalt  }
0x45: {  	_ =	shalt  }
0x46: {  	_ =	shalt  }
0x47: {  	_ =	shalt  }
0x48: {  	_ =	shalt  }
0x49: {  	_ =	shalt  }
0x4a: {  	_ =	shalt  }
0x4b: {  	_ =	shalt  }
0x4c: {  	_ =	shalt  }
0x4d: {  	_ =	shalt  }
0x4e: {  	_ =	shalt  }
0x4f: {  	_ =	shalt  }
0x50: {  	_ =	shalt  }
0x51: {  	_ =	shalt  }
0x52: {  	_ =	shalt  }
0x53: {  	_ =	shalt  }
0x54: {  	_ =	shalt  }
0x55: {  	_ =	shalt  }
0x56: {  	_ =	shalt  }
0x57: {  	_ =	shalt  }
0x58: {  	_ =	shalt  }
0x59: {  	_ =	shalt  }
0x5a: {  	_ =	shalt  }
0x5b: {  	_ =	shalt  }
0x5c: {  	_ =	shalt  }
0x5d: {  	_ =	shalt  }
0x5e: {  	_ =	shalt  }
0x5f: {  	_ =	shalt  }
0x60: {  	_ =	shalt  }
0x61: {  	_ =	shalt  }
0x62: {  	_ =	shalt  }
0x63: {  	_ =	shalt  }
0x64: {  	_ =	shalt  }
0x65: {  	_ =	shalt  }
0x66: {  	_ =	shalt  }
0x67: {  	_ =	shalt  }
0x68: {  	_ =	shalt  }
0x69: {  	_ =	shalt  }
0x6a: {  	_ =	shalt  }
0x6b: {  	_ =	shalt  }
0x6c: {  	_ =	shalt  }
0x6d: {  	_ =	shalt  }
0x6e: {  	_ =	shalt  }
0x6f: {  	_ =	shalt  }
0x70: {  	_ =	shalt  }
0x71: {  	_ =	shalt  }
0x72: {  	_ =	shalt  }
0x73: {  	_ =	shalt  }
0x74: {  	_ =	shalt  }
0x75: {  	_ =	shalt  }
0x76: {  	_ =	shalt  }
0x77: {  	_ =	shalt  }
0x78: {  	_ =	shalt  }
0x79: {  	_ =	shalt  }
0x7a: {  	_ =	shalt  }
0x7b: {  	_ =	shalt  }
0x7c: {  	_ =	shalt  }
0x7d: {  	_ =	shalt  }
0x7e: {  	_ =	shalt  }
0x7f: {  	_ =	shalt  }
0x80: {  	_ =	shalt  }
0x81: {  	_ =	shalt  }
0x82: {  	_ =	shalt  }
0x83: {  	_ =	shalt  }
0x84: {  	_ =	shalt  }
0x85: {  	_ =	shalt  }
0x86: {  	_ =	shalt  }
0x87: {  	_ =	shalt  }
.Lfunc_end0:
.L_simem_size_0:
called_computation_lowered:
.L_overlay_start_0:
0x88: {  	s2 =	sld [smem:$0x3FD9]  }
0x89: {  	s3 =	sld [smem:$0x3FFE];
	_ =	sdelay $0x1  }
0x8a: {  	s1 =	srdreg.scid  }
0x8b: {  	s0 =	sand.u32 $0x1, s1  }
0x8c: {  	s17 =	sshll.u32 s0, $0xA;
	s2 =	sadd.s32 s3, s2  }
0x8d: {  	s2 =	sadd.s32 s2, s17  }
0x8e: {  	[smem:$0x3FC3] =	sst s2  }
0x8f: {  	_ = 	snop  }
0x90: {  	s2 =	sld [smem:$0x3FC9]  }
0x91: {  	s18 =	sld [smem:$0x3FC8];
	(tm) =	ssettm $0x1  }
0x92: {  	s4 =	sld [smem:$0x3FFB];
	_ =	sdelay $0x3  }
0x93: {  	_ =	strace s4  }
0x94: {  	s4 =	sld [smem:$0x3FFC];
	_ =	sdelay $0x3  }
0x95: {  	_ =	strace s4  }
0x96: {  	s4 =	sld [smem:$0x3FFD];
	_ =	sdelay $0x3  }
0x97: {  	_ =	strace s4  }
0x98: {  	_ =	strace $0x8FFFFFFF  }
0x99: {  	s19 =	sld [smem:$0x3FDB];
	_ =	sdelay $0x1  }
0x9a: {  	s5 =	simm.s32 $_scs_section_size  }
0x9b: {  	s6 =	simm.s32 $_size__tile_overlayer_lowered;
	s7 =	simm.s32 $_tile_overlayer_lowered  }
0x9c: {  	s22 =	simm.s32 $0x1BFF;
	s21 =	sshll.u32 s7, $0x1;
	s4 =	sadd.s32 s5, s19  }
0x9d: {  	s8 =	simm.s32 $0x0;
	s20 =	sshll.u32 s6, $0x1;
	s6 =	sadd.s32 s21, s4  }
0x9e: {  	[timem:s8], [sflag:s22] =	dma.local [hbm:s6], s20  }
0x9f: {  	_ =	swait.ge [sflag:s22], s20  }
0xa0: {  	s5 =	ssub.s32 $0x0, s20;
	[sflag:s22] =	ssyncset.done $0x0  }
0xa1: {  	[sflag:s22] =	ssyncadd.s32 s5;
	_ =	sdelay $0x1  }
0xa2: {  	s23 =	simm.s32 $0x1B8B  }
0xa3: {  	_ =	swait.ge [sflag:s23], $0x1  }
0xa4: {  	[sflag:s23] =	ssyncset.done $0x0  }
0xa5: {  	s25 =	simm.s32 $0x1B8E;
	s24 =	sld [smem:$0x3FFE];
	[sflag:s23] =	ssyncadd.s32 $0xFFFFFFFF  }
0xa6: {  	s26 =	simm.s32 $execute0_lowered;
	[smem:$0x3FD2] =	sst s25  }
0xa7: {  	s6 =	sshll.u32 s26, $0x1;
	_ =	strace $0x80000046;
	[dreg:$0x1] =	wrdreg $0xFFFFFFFF  }
0xa8: {  	s28 =	simm.s32 $_size_execute0_lowered;
	s4 =	sadd.s32 s4, s6;
	[dreg:$0x0] =	wrdreg $0x0  }
0xa9: {  	s6 =	sshll.u32 s28, $0x1;
	[dreg:$0x2] =	wrdreg s4  }
0xaa: {  	[dreg:$0x3] =	wrdreg s6  }
0xab: {  	[dreg:$0x4] =	wrdreg $0xC0  }
0xac: {  	_ =	task [dreg:s8], $0x5FFFF  }
0xad: {  	[dreg:$0x1] =	wrdreg $0xFFFFFFFF  }
0xae: {  	[dreg:$0x0] =	wrdreg $0x60  }
0xaf: {  	[dreg:$0x2] =	wrdreg s2  }
0xb0: {  	[dreg:$0x3] =	wrdreg s18  }
0xb1: {  	[dreg:$0x4] =	wrdreg s24  }
0xb2: {  	[dreg:$0x5] =	wrdreg $0x9  }
0xb3: {  	_ =	task.clear_ibuf [dreg:s8], $0x6FFFF;
	_ =	strace $0x90000046  }
0xb4: {  	s29 =	simm.s32 $0x9;
	_ =	strace $0x80000048  }
0xb5: {  	_ =	swait.ge [sflag:s29], $0x1  }
0xb6: {  	[sflag:s29] =	ssyncadd.s32 $0xFFFFFFFF  }
0xb7: {  	_ =	strace $0x90000048  }
0xb8: {  	_ =	sfence  }
0xb9: {  	s30 =	sld [smem:$0x0];
	_ =	sdelay $0x2  }
0xba: {  	s31 =	sshll.u32 s1, $0xD;
	s1 =	sshrl.u32 s1, $0x2  }
0xbb: {  	s3 =	sand.u32 $0x4000, s31;
	s1 =	sadd.s32 s1, s30  }
0xbc: {  	s0 =	sor.u32 s3, s0;
	s1 =	sshll.u32 s1, $0x11  }
0xbd: {  	s0 =	sor.u32 s1, s0  }
0xbe: {  	s0 =	sadd.s32 $0x8F2B, s0  }
0xbf: {  	[sflag:s0] =	ssyncadd.remote.s32 $0x1  }
0xc0: {  	_ =	sfence.sel $0xFFFF  }
0xc1: {  	[dreg:$0x0] =	wrdreg $0xFFFFFFFF;
	(pc) =	sbr.abs _section_cstart, $3  }
0xc2: {  	[dreg:$0x1] =	wrdreg $0xFFFFFFFF  }
0xc3: {  	_ =	task.clear_ibuf [dreg:s8], $0x2FFFF;
	_ =	strace $0x9FFFFFFF  }
0xc4: {  	(tm) =	ssettm $0x7FFFFFFF  }
0xc5: {  	_ =	shalt  }
tec
execute0_lowered:
.L_overlay_start_1:
0x0: {  	(tag) =	ssettag $0x1  }
0x1: {  	v45 =	vlaneseq.u32;
	v5 =	vimm.s32 $0x780;
	vm2 =	vcmask $0x300  }
0x2: {  	vm3 =	vcmask $0x704;
	vm4 =	vcmask $0xB08;
	vm5 =	vcmask $0xF0C  }
0x3: {  	vm6 =	vcmask $0x1310;
	vm7 =	vcmask $0x1714;
	vm8 =	vcmask $0x1B18  }
0x4: {  	vm0 =	vcmask $0x1F1C;
	v12 =	vimm.s32 $0x781;
	vm1 =	vcmask $0x2320  }
0x5: {  	vm9 =	vcmask $0x2724;
	v13 =	vimm.s32 $0x782;
	vm10 =	vcmask $0x2B28  }
0x6: {  	vm11 =	vcmask $0x2F2C;
	vm12 =	vcmask $0x3330;
	vm13 =	vcmask $0x3734  }
0x7: {  	vm14 =	vcmask $0x3B38;
	v17 =	vimm.s32 $0x783;
	v18 =	vimm.s32 $0x784  }
0x8: {  	v21 =	vimm.s32 $0x785;
	v25 =	vimm.s32 $0x786;
	v26 =	vimm.s32 $0x787  }
0x9: {  	v29 =	vimm.s32 $0x788;
	v33 =	vimm.s32 $0x789;
	v34 =	vimm.s32 $0x78A  }
0xa: {  	v37 =	vimm.s32 $0x78B;
	v41 =	vimm.s32 $0x78C;
	v42 =	vimm.s32 $0x78D  }
0xb: {  	v46 =	vimm.s32 $0x78E;
	v3 =	vimm.s32 $0x38373635;
	v9 =	vmul.u32 $0x81, v45  }
0xc: {  	v49 =	vimm.s32 $0x34333231;
	v51 =	vimm.s32 $0x3C3B3A39;
	v3 =	vunpack.c.0.s8.s32 v3  }
0xd: {  	v0 =	vadd.s32 $0x1, v9;
	v52 =	vadd.s32 $0x2, v9;
	v53 =	vadd.s32 $0x3, v9  }
0xe: {  	v54 =	vadd.s32 $0x4, v9;
	v55 =	vadd.s32 $0x5, v9;
	v56 =	vadd.s32 $0x6, v9  }
0xf: {  	v57 =	vadd.s32 $0x7, v9;
	v58 =	vadd.s32 $0x8, v9;
	v59 =	vadd.s32 $0x9, v9  }
0x10: {  	v60 =	vadd.s32 $0xA, v9;
	v61 =	vadd.s32 $0xB, v9;
	v62 =	vadd.s32 $0xC, v9  }
0x11: {  	v63 =	vadd.s32 $0xD, v9;
	v4 =	vadd.s32 $0xE, v9;
	v1 =	vadd.s32 $0xF, v9;
	[tilespmem:$0x1FB50] =	vst v0  }
0x12: {  	v6 =	vadd.s32 $0x10, v9;
	v7 =	vadd.s32 $0x11, v9;
	v8 =	vadd.s32 $0x12, v9;
	[tilespmem:$0x1FB60] =	vst v52  }
0x13: {  	v10 =	vadd.s32 $0x13, v9;
	v11 =	vadd.s32 $0x14, v9;
	v2 =	vadd.s32 $0x15, v9;
	[tilespmem:$0x1FC30] =	vst v1  }
0x14: {  	v0 =	vsel vm2, $0x31, v5;
	v1 =	vsel vm2, $0x32, v12;
	[tilespmem:$0x1FC90] =	vst v2;
	v2 =	vsel vm2, $0x33, v13  }
0x15: {  	[tilespmem:$0x1FB70] =	vst v53;
	v52 =	vimm.s32 $0x3F3E3D;
	v53 =	vimm.s32 $0x35343332;
	v0 =	vsel vm3, $0xB2, v0  }
0x16: {  	[tilespmem:$0x1FB90] =	vst v55;
	v55 =	vimm.s32 $0x39383736;
	v1 =	vsel vm3, $0xB3, v1;
	v0 =	vsel vm4, $0x133, v0  }
0x17: {  	[tilespmem:$0x1FBA0] =	vst v56;
	v56 =	vimm.s32 $0x36353433;
	v1 =	vsel vm4, $0x134, v1;
	v0 =	vsel vm5, $0x1B4, v0  }
0x18: {  	[tilespmem:$0x1FBB0] =	vst v57;
	v57 =	vimm.s32 $0x3A393837;
	v1 =	vsel vm5, $0x1B5, v1;
	v0 =	vsel vm6, $0x235, v0  }
0x19: {  	v2 =	vsel vm3, $0xB4, v2;
	v1 =	vsel vm6, $0x236, v1;
	v0 =	vsel vm7, $0x2B6, v0  }
0x1a: {  	v2 =	vsel vm4, $0x135, v2;
	v1 =	vsel vm7, $0x2B7, v1;
	v0 =	vsel vm8, $0x337, v0  }
0x1b: {  	v2 =	vsel vm5, $0x1B6, v2;
	v1 =	vsel vm8, $0x338, v1;
	v0 =	vsel vm0, $0x3B8, v0  }
0x1c: {  	v2 =	vsel vm6, $0x237, v2;
	v1 =	vsel vm0, $0x3B9, v1;
	v0 =	vsel vm1, $0x439, v0  }
0x1d: {  	v2 =	vsel vm7, $0x2B8, v2;
	v1 =	vsel vm1, $0x43A, v1;
	v0 =	vsel vm9, $0x4BA, v0  }
0x1e: {  	v2 =	vsel vm8, $0x339, v2;
	v1 =	vsel vm9, $0x4BB, v1;
	v0 =	vsel vm10, $0x53B, v0  }
0x1f: {  	v2 =	vsel vm0, $0x3BA, v2;
	v1 =	vsel vm10, $0x53C, v1;
	v0 =	vsel vm11, $0x5BC, v0  }
0x20: {  	v2 =	vsel vm1, $0x43B, v2;
	v1 =	vsel vm11, $0x5BD, v1;
	v0 =	vsel vm12, $0x63D, v0  }
0x21: {  	[tilespmem:$0x1FBC0] =	vst v58;
	v2 =	vsel vm9, $0x4BC, v2;
	v1 =	vsel vm12, $0x63E, v1;
	v0 =	vsel vm13, $0x6BE, v0  }
0x22: {  	[tilespmem:$0x1FBE0] =	vst v60;
	v15 =	vsel vm10, $0x53D, v2;
	v14 =	vsel vm13, $0x6BF, v1;
	v0 =	vsel vm14, $0x73F, v0  }
0x23: {  	v58 =	vimm.s32 $0x3D3C3B3A;
	v16 =	vsel vm11, $0x5BE, v15;
	[tilespmem:$0x1FCA0] =	vst v0;
	v0 =	vsel vm14, $0x700, v14  }
0x24: {  	v60 =	vimm.s32 $0x1003F3E;
	v1 =	vsel vm2, $0x34, v17;
	[tilespmem:$0x1FCB0] =	vst v0;
	v0 =	vsel vm12, $0x63F, v16  }
0x25: {  	v2 =	vsel vm2, $0x35, v18;
	v1 =	vsel vm3, $0xB5, v1;
	v0 =	vsel vm13, $0x680, v0  }
0x26: {  	[tilespmem:$0x1FC70] =	vst v10;
	v20 =	vsel vm3, $0xB6, v2;
	v19 =	vsel vm4, $0x136, v1;
	v0 =	vsel vm14, $0x701, v0  }
0x27: {  	v10 =	vunpack.c.0.s8.s32 v52;
	v1 =	vsel vm4, $0x137, v20;
	[tilespmem:$0x1FCC0] =	vst v0;
	v0 =	vsel vm5, $0x1B7, v19  }
0x28: {  	v2 =	vsel vm2, $0x36, v21;
	v1 =	vsel vm5, $0x1B8, v1;
	v0 =	vsel vm6, $0x238, v0  }
0x29: {  	v2 =	vsel vm3, $0xB7, v2;
	v1 =	vsel vm6, $0x239, v1;
	v0 =	vsel vm7, $0x2B9, v0  }
0x2a: {  	v2 =	vsel vm4, $0x138, v2;
	v1 =	vsel vm7, $0x2BA, v1;
	v0 =	vsel vm8, $0x33A, v0  }
0x2b: {  	v2 =	vsel vm5, $0x1B9, v2;
	v1 =	vsel vm8, $0x33B, v1;
	v0 =	vsel vm0, $0x3BB, v0  }
0x2c: {  	v2 =	vsel vm6, $0x23A, v2;
	v1 =	vsel vm0, $0x3BC, v1;
	v0 =	vsel vm1, $0x43C, v0  }
0x2d: {  	v2 =	vsel vm7, $0x2BB, v2;
	v1 =	vsel vm1, $0x43D, v1;
	v0 =	vsel vm9, $0x4BD, v0  }
0x2e: {  	v2 =	vsel vm8, $0x33C, v2;
	v1 =	vsel vm9, $0x4BE, v1;
	v0 =	vsel vm10, $0x53E, v0  }
0x2f: {  	v2 =	vsel vm0, $0x3BD, v2;
	v1 =	vsel vm10, $0x53F, v1;
	v0 =	vsel vm11, $0x5BF, v0  }
0x30: {  	v2 =	vsel vm1, $0x43E, v2;
	v1 =	vsel vm11, $0x580, v1;
	v0 =	vsel vm12, $0x600, v0  }
0x31: {  	[tilespmem:$0x1FBD0] =	vst v59;
	v2 =	vsel vm9, $0x4BF, v2;
	v1 =	vsel vm12, $0x601, v1;
	v0 =	vsel vm13, $0x681, v0  }
0x32: {  	[tilespmem:$0x1FC20] =	vst v4;
	v23 =	vsel vm10, $0x500, v2;
	v22 =	vsel vm13, $0x682, v1;
	v0 =	vsel vm14, $0x702, v0  }
0x33: {  	v4 =	vunpack.c.0.s8.s32 v55;
	v24 =	vsel vm11, $0x581, v23;
	[tilespmem:$0x1FCD0] =	vst v0;
	v0 =	vsel vm14, $0x703, v22  }
0x34: {  	v59 =	vunpack.c.0.s8.s32 v58;
	v1 =	vsel vm2, $0x37, v25;
	[tilespmem:$0x1FCE0] =	vst v0;
	v0 =	vsel vm12, $0x602, v24  }
0x35: {  	v2 =	vsel vm2, $0x38, v26;
	v1 =	vsel vm3, $0xB8, v1;
	v0 =	vsel vm13, $0x683, v0  }
0x36: {  	v28 =	vsel vm3, $0xB9, v2;
	v27 =	vsel vm4, $0x139, v1;
	v0 =	vsel vm14, $0x704, v0  }
0x37: {  	v14 =	vimm.s32 $0x3F3E3D3C;
	v1 =	vsel vm4, $0x13A, v28;
	[tilespmem:$0x1FCF0] =	vst v0;
	v0 =	vsel vm5, $0x1BA, v27  }
0x38: {  	v2 =	vsel vm2, $0x39, v29;
	v1 =	vsel vm5, $0x1BB, v1;
	v0 =	vsel vm6, $0x23B, v0  }
0x39: {  	v2 =	vsel vm3, $0xBA, v2;
	v1 =	vsel vm6, $0x23C, v1;
	v0 =	vsel vm7, $0x2BC, v0  }
0x3a: {  	v2 =	vsel vm4, $0x13B, v2;
	v1 =	vsel vm7, $0x2BD, v1;
	v0 =	vsel vm8, $0x33D, v0  }
0x3b: {  	v2 =	vsel vm5, $0x1BC, v2;
	v1 =	vsel vm8, $0x33E, v1;
	v0 =	vsel vm0, $0x3BE, v0  }
0x3c: {  	v2 =	vsel vm6, $0x23D, v2;
	v1 =	vsel vm0, $0x3BF, v1;
	v0 =	vsel vm1, $0x43F, v0  }
0x3d: {  	v2 =	vsel vm7, $0x2BE, v2;
	v1 =	vsel vm1, $0x400, v1;
	v0 =	vsel vm9, $0x480, v0  }
0x3e: {  	v2 =	vsel vm8, $0x33F, v2;
	v1 =	vsel vm9, $0x481, v1;
	v0 =	vsel vm10, $0x501, v0  }
0x3f: {  	v2 =	vsel vm0, $0x380, v2;
	v1 =	vsel vm10, $0x502, v1;
	v0 =	vsel vm11, $0x582, v0  }
0x40: {  	v2 =	vsel vm1, $0x401, v2;
	v1 =	vsel vm11, $0x583, v1;
	v0 =	vsel vm12, $0x603, v0  }
0x41: {  	v2 =	vsel vm9, $0x482, v2;
	v1 =	vsel vm12, $0x604, v1;
	v0 =	vsel vm13, $0x684, v0  }
0x42: {  	[tilespmem:$0x1FC40] =	vst v6;
	v31 =	vsel vm10, $0x503, v2;
	v30 =	vsel vm13, $0x685, v1;
	v0 =	vsel vm14, $0x705, v0  }
0x43: {  	v6 =	vunpack.c.0.s8.s32 v14;
	v32 =	vsel vm11, $0x584, v31;
	[tilespmem:$0x1FD00] =	vst v0;
	v0 =	vsel vm14, $0x706, v30  }
0x44: {  	v16 =	vimm.s32 $0x3B3A3938;
	v1 =	vsel vm2, $0x3A, v33;
	[tilespmem:$0x1FD10] =	vst v0;
	v0 =	vsel vm12, $0x605, v32  }
0x45: {  	v2 =	vsel vm2, $0x3B, v34;
	v1 =	vsel vm3, $0xBB, v1;
	v0 =	vsel vm13, $0x686, v0  }
0x46: {  	[tilespmem:$0x1FC50] =	vst v7;
	v36 =	vsel vm3, $0xBC, v2;
	v35 =	vsel vm4, $0x13C, v1;
	v0 =	vsel vm14, $0x707, v0  }
0x47: {  	v7 =	vunpack.c.0.s8.s32 v16;
	v1 =	vsel vm4, $0x13D, v36;
	[tilespmem:$0x1FD20] =	vst v0;
	v0 =	vsel vm5, $0x1BD, v35  }
0x48: {  	v2 =	vsel vm2, $0x3C, v37;
	v1 =	vsel vm5, $0x1BE, v1;
	v0 =	vsel vm6, $0x23E, v0  }
0x49: {  	v2 =	vsel vm3, $0xBD, v2;
	v1 =	vsel vm6, $0x23F, v1;
	v0 =	vsel vm7, $0x2BF, v0  }
0x4a: {  	v2 =	vsel vm4, $0x13E, v2;
	v1 =	vsel vm7, $0x280, v1;
	v0 =	vsel vm8, $0x300, v0  }
0x4b: {  	v2 =	vsel vm5, $0x1BF, v2;
	v1 =	vsel vm8, $0x301, v1;
	v0 =	vsel vm0, $0x381, v0  }
0x4c: {  	v2 =	vsel vm6, $0x200, v2;
	v1 =	vsel vm0, $0x382, v1;
	v0 =	vsel vm1, $0x402, v0  }
0x4d: {  	v2 =	vsel vm7, $0x281, v2;
	v1 =	vsel vm1, $0x403, v1;
	v0 =	vsel vm9, $0x483, v0  }
0x4e: {  	v2 =	vsel vm8, $0x302, v2;
	v1 =	vsel vm9, $0x484, v1;
	v0 =	vsel vm10, $0x504, v0  }
0x4f: {  	v2 =	vsel vm0, $0x383, v2;
	v1 =	vsel vm10, $0x505, v1;
	v0 =	vsel vm11, $0x585, v0  }
0x50: {  	v2 =	vsel vm1, $0x404, v2;
	v1 =	vsel vm11, $0x586, v1;
	v0 =	vsel vm12, $0x606, v0  }
0x51: {  	v2 =	vsel vm9, $0x485, v2;
	v1 =	vsel vm12, $0x607, v1;
	v0 =	vsel vm13, $0x687, v0  }
0x52: {  	v39 =	vsel vm10, $0x506, v2;
	v38 =	vsel vm13, $0x688, v1;
	v0 =	vsel vm14, $0x708, v0  }
0x53: {  	v2 =	vsel vm2, $0x3E, v42;
	v40 =	vsel vm11, $0x587, v39;
	[tilespmem:$0x1FD30] =	vst v0;
	v0 =	vsel vm14, $0x709, v38  }
0x54: {  	v44 =	vsel vm3, $0xBF, v2;
	v1 =	vsel vm2, $0x3D, v41;
	[tilespmem:$0x1FD40] =	vst v0;
	v0 =	vsel vm12, $0x608, v40  }
0x55: {  	v2 =	vsel vm2, $0x3F, v46;
	v1 =	vsel vm3, $0xBE, v1;
	v0 =	vsel vm13, $0x689, v0  }
0x56: {  	[tilespmem:$0x1FD90] =	vst v3;
	v43 =	vsel vm4, $0x13F, v1;
	v1 =	vsel vm4, $0x100, v44;
	v0 =	vsel vm14, $0x70A, v0  }
0x57: {  	v2 =	vsel vm3, $0x80, v2;
	v1 =	vsel vm5, $0x181, v1;
	[tilespmem:$0x1FD50] =	vst v0;
	v0 =	vsel vm5, $0x180, v43  }
0x58: {  	[tilespmem:$0x1FB80] =	vst v54;
	v2 =	vsel vm4, $0x101, v2;
	v1 =	vsel vm6, $0x202, v1;
	v0 =	vsel vm6, $0x201, v0  }
0x59: {  	[tilespmem:$0x1FBF0] =	vst v61;
	v2 =	vsel vm5, $0x182, v2;
	v1 =	vsel vm7, $0x283, v1;
	v0 =	vsel vm7, $0x282, v0  }
0x5a: {  	[tilespmem:$0x1FC00] =	vst v62;
	v2 =	vsel vm6, $0x203, v2;
	v1 =	vsel vm8, $0x304, v1;
	v0 =	vsel vm8, $0x303, v0  }
0x5b: {  	[tilespmem:$0x1FC10] =	vst v63;
	v2 =	vsel vm7, $0x284, v2;
	v1 =	vsel vm0, $0x385, v1;
	v0 =	vsel vm0, $0x384, v0  }
0x5c: {  	[tilespmem:$0x1FC60] =	vst v8;
	v2 =	vsel vm8, $0x305, v2;
	v1 =	vsel vm1, $0x406, v1;
	v0 =	vsel vm1, $0x405, v0  }
0x5d: {  	[tilespmem:$0x1FC80] =	vst v11;
	v2 =	vsel vm0, $0x386, v2;
	v1 =	vsel vm9, $0x487, v1;
	v0 =	vsel vm9, $0x486, v0  }
0x5e: {  	[tilespmem:$0x1FDB0] =	vst v4;
	v2 =	vsel vm1, $0x407, v2;
	v1 =	vsel vm10, $0x508, v1;
	v0 =	vsel vm10, $0x507, v0  }
0x5f: {  	[tilespmem:$0x1FDD0] =	vst v59;
	v2 =	vsel vm9, $0x488, v2;
	v1 =	vsel vm11, $0x589, v1;
	v0 =	vsel vm11, $0x588, v0  }
0x60: {  	[tilespmem:$0x1FE40] =	vst v10;
	v48 =	vsel vm10, $0x509, v2;
	v1 =	vsel vm12, $0x60A, v1;
	v0 =	vsel vm12, $0x609, v0  }
0x61: {  	[tilespmem:$0x1FE30] =	vst v6;
	v47 =	vsel vm13, $0x68B, v1;
	v1 =	vsel vm11, $0x58A, v48;
	v0 =	vsel vm13, $0x68A, v0  }
0x62: {  	[tilespmem:$0x1FE10] =	vst v7;
	v2 =	vunpack.c.0.s8.s32 v49;
	v1 =	vsel vm12, $0x60B, v1;
	v0 =	vsel vm14, $0x70B, v0  }
0x63: {  	v50 =	vsel vm13, $0x68C, v1;
	vm0 =	vcmask $0x1F10;
	[tilespmem:$0x1FD60] =	vst v0;
	v0 =	vsel vm14, $0x70C, v47  }
0x64: {  	v13 =	vsel vm0, v3, v2;
	v2 =	vunpack.c.0.s8.s32 v57;
	[tilespmem:$0x1FD70] =	vst v0;
	v0 =	vsel vm14, $0x70D, v50  }
0x65: {  	v62 =	vimm.s32 $0x3E3D3C3B;
	v54 =	vunpack.c.0.s8.s32 v53;
	[tilespmem:$0x1FD80] =	vst v0;
	v0 =	vunpack.c.0.s8.s32 v51  }
0x66: {  	v63 =	vimm.s32 $0x201003F;
	v5 =	vimm.s32 $0x32107654;
	v1 =	vunpack.c.0.s8.s32 v56;
	[tilespmem:$0x1FDE0] =	vst v2  }
0x67: {  	v5 =	vunpack.c.l.s4.s8 v5;
	v17 =	vimm.s32 $0x4030201;
	[tilespmem:$0x1FDA0] =	vst v0;
	v0 =	vsel vm0, v4, v54  }
0x68: {  	s1 =	srdreg.scid;
	s2 =	stileid.u32;
	v18 =	vunpack.c.0.s8.s32 v17;
	v61 =	vsel vm0, v2, v1;
	[tilespmem:$0x1FDC0] =	vst v0;
	v0 =	vunpack.c.0.s8.s32 v62  }
0x69: {  	s0 =	rddreg [dreg:$0x0];
	s1 =	sand.u32 $0x1, s1;
	s2 =	sshll.u32 s2, $0x1;
	v12 =	vimm.s32 $0x3020100;
	v11 =	vunpack.c.0.s8.s32 v60;
	v33 =	vimm.s32 $0x76543210;
	[tilespmem:$0x1FDF0] =	vst v61  }
0x6a: {  	s5 =	rddreg [dreg:$0x1];
	s4 =	sor.u32 s1, s2;
	s2 =	simm.s32 $0x0;
	v21 =	vunpack.c.0.s8.s32 v5;
	v5 =	vunpack.c.l.s4.s8 v33;
	[tilespmem:$0x1FE00] =	vst v0;
	v0 =	vsel vm0, v18, v10  }
0x6b: {  	[smem:$0x7FF] =	sst s2;
	v2 =	vunpack.c.0.s8.s32 v12;
	v12 =	vunpack.c.0.s8.s32 v63;
	[tilespmem:$0x1FE20] =	vst v0  }
0x6c: {  	s6 =	rddreg [dreg:$0x2];
	v8 =	vimm.s32 $0x6543A987;
	v49 =	vunpack.c.0.s8.s32 v5;
	_ =	strace $0x80000047;
	[tilespmem:$0x1FE50] =	vst v11  }
0x6d: {  	v8 =	vunpack.c.l.s4.s8 v8;
	[tilespmem:$0x1FE60] =	vst v12  }
0x6e: {  	v53 =	vadd.s32 $0x16, v9;
	v55 =	vadd.s32 $0x18, v9;
	v58 =	vmul.u32 $0x14, v45;
	[tilespmem:$0x1FE70] =	vst v49  }
0x6f: {  	v60 =	vadd.s32 $0x1C, v9;
	v15 =	vimm.s32 $0x37363534;
	v54 =	vadd.s32 $0x17, v9;
	[tilespmem:$0x1FEB0] =	vst v53  }
0x70: {  	v59 =	vadd.s32 $0x1B, v9;
	v23 =	vimm.s32 $0x6050403;
	v34 =	vimm.s32 $0x54329876;
	[tilespmem:$0x1FEC0] =	vst v54  }
0x71: {  	v31 =	vimm.s32 $0x43218765;
	v39 =	vunpack.c.0.s8.s32 v8;
	v56 =	vadd.s32 $0x19, v9;
	[tilespmem:$0x1FED0] =	vst v55  }
0x72: {  	v30 =	vand.u32 $0xF, v21;
	v32 =	vimm.s32 $0xB0A0908;
	v57 =	vadd.s32 $0x1A, v9;
	[tilespmem:$0x1FEE0] =	vst v56  }
0x73: {  	v35 =	vimm.s32 $0xC0B0A09;
	v41 =	vimm.s32 $0x87654321;
	v3 =	vunpack.c.0.s8.s32 v15;
	[tilespmem:$0x1FEF0] =	vst v57  }
0x74: {  	vm2 =	vcmask $0x3F30;
	v46 =	vunpack.c.l.s4.s8 v41;
	v38 =	vimm.s32 $0xD0C0B0A;
	[tilespmem:$0x1FF00] =	vst v59  }
0x75: {  	v20 =	vsel vm0, v7, v3;
	v3 =	vunpack.c.l.s4.s8 v31;
	v61 =	vadd.s32 $0x1D, v9;
	[tilespmem:$0x1FF10] =	vst v60  }
0x76: {  	vm1 =	vcmask $0x2F10;
	v19 =	vsel vm0, v2, v6;
	v62 =	vadd.s32 $0x1E, v9;
	[tilespmem:$0x1FF20] =	vst v61  }
0x77: {  	v2 =	vsel vm1, v30, v6;
	v3 =	vunpack.c.0.s8.s32 v3;
	v6 =	vunpack.c.l.s4.s8 v34;
	[tilespmem:$0x1FF30] =	vst v62  }
0x78: {  	v40 =	vimm.s32 $0xE0D0C0B;
	v7 =	vunpack.c.0.s8.s32 v35;
	v63 =	vadd.s32 $0x1F, v9;
	[tilespmem:$0x1FF40] =	vst v9  }
0x79: {  	v3 =	vand.u32 $0xF, v3;
	v37 =	vunpack.c.0.s8.s32 v6;
	v4 =	vunpack.c.0.s8.s32 v32;
	[tilespmem:$0x1FF50] =	vst v63  }
0x7a: {  	s11 =	simm.s32 $0x7;
	v14 =	vcombine.low v20, v19;
	v6 =	vunpack.c.0.s8.s32 v40;
	v36 =	vsel vm1, v3, v10;
	[tilespmem:$0x1FF60] =	vst v58  }
0x7b: {  	s13 =	simm.s32 $0x400;
	s14 =	simm.s32 $0x10;
	s16 =	simm.s32 $0x5800;
	v3 =	vand.u32 $0xF, v37;
	v19 =	vsel vm2, v4, v2;
	v2 =	vunpack.c.0.s8.s32 v38;
	[tilespmem:$0x1FF80] =	vst v13  }
0x7c: {  	s18 =	simm.s32 $0x6800;
	s19 =	simm.s32 $0x140;
	s21 =	simm.s32 $0x7800;
	v24 =	vsel vm2, v7, v36;
	v3 =	vsel vm1, v3, v11;
	v4 =	vand.u32 $0xF, v39;
	[tilespmem:$0x1FF90] =	vst v19  }
0x7d: {  	s22 =	simm.s32 $0x1;
	s23 =	simm.s32 $0x3;
	s28 =	simm.s32 $0x11800;
	v1 =	vunpack.c.0.s8.s32 v23;
	v42 =	vsel vm1, v4, v12;
	v28 =	vsel vm2, v2, v3;
	[tilespmem:$0x1FFA0] =	vst v24  }
0x7e: {  	s29 =	simm.s32 $0x2;
	s30 =	simm.s32 $0x4;
	s31 =	simm.s32 $0x6;
	v22 =	vimm.s32 $0x5040302;
	v29 =	vsel vm2, v6, v42;
	[tilespmem:$0x1FFB0] =	vst v28  }
0x7f: {  	s12 =	simm.s32 $0x0;
	s15 =	simm.s32 $0x0;
	s3 =	smul.u32 $0x500, s4;
	v43 =	vimm.s32 $0x98765432;
	v48 =	vsel vm0, v1, v12;
	v4 =	vunpack.c.0.s8.s32 v46;
	[tilespmem:$0x1FFC0] =	vst v29  }
0x80: {  	s1 =	ssub.s32 $0x2, s1;
	s8 =	sshll.u32 s4, $0x6;
	s4 =	sadd.s32 $0x7ACC00, s6;
	v44 =	vimm.s32 $0xA9876543;
	v3 =	vunpack.c.l.s4.s8 v43;
	v0 =	vunpack.c.0.s8.s32 v22;
	[tilespmem:$0x1FFE0] =	vst v48  }
0x81: {  	s9 =	sshrl.u32 s1, $0x1;
	s0 =	sadd.s32 s0, s8;
	s7 =	sadd.s32 s3, s6;
	v2 =	vunpack.c.l.s4.s8 v44;
	v50 =	vand.u32 $0xF, v4;
	[tilespmem:$0x1FFF0] =	vst v14  }
0x82: {  	s25 =	sadd.s32 s5, s8;
	s24 =	sadd.s32 $0xC00, s7;
	[dreg:$0x4] =	wrdreg s0;
	v3 =	vunpack.c.0.s8.s32 v3;
	v47 =	vsel vm0, v0, v11;
	[tilespmem:$0x1FE80] =	vst v50;
	v0 =	vor.u32 $0x1, v58  }
0x83: {  	s3 =	sadd.s32 $0xAC00, s6;
	s6 =	sadd.s32 s8, s6;
	[dreg:$0x5] =	wrdreg s24;
	v2 =	vunpack.c.0.s8.s32 v2;
	[tilespmem:$0x1FF70] =	vst v0  }
0x84: {  	s1 =	ssub.s32 s1, s9;
	s26 =	sadd.s32 $0xF4EC00, s6;
	[dreg:$0x6] =	wrdreg s25;
	[tilespmem:$0x1FFD0] =	vst v47;
	v51 =	vand.u32 $0xF, v3  }
0x85: {  	s10 =	smax.u32 s1, $0x1;
	s9 =	sadd.s32 $0xF4F400, s6;
	[dreg:$0x7] =	wrdreg s26;
	v52 =	vand.u32 $0xF, v2;
	[tilespmem:$0x1FE90] =	vst v51  }
0x86: {  	s24 =	simm.s32 $0x5;
	s25 =	simm.s32 $0x6000;
	s26 =	simm.s32 $0x7000;
	[tilespmem:$0x1FEA0] =	vst v52  }
.LBB2_1:
0x87: {  	s0 =	rddreg [dreg:$0x4]  }
0x88: {  	[tilespmem:s2], [sflag:$0x7] =	stream.linear.gather [hbm4b:s0+s2], $0x200, $0x38;
	[tilespmem:$0x1BD80] =	vst v63  }
0x89: {  	_ =	swait.ge [sflag:s11], $0x200  }
0x8a: {  	[sflag:s11] =	ssyncset.done $0x0  }
0x8b: {  	s1 =	simm.s32 $0x200;
	s17 =	rddreg [dreg:$0x6];
	[sflag:s11] =	ssyncadd.s32 $0xFFFFFE00  }
0x8c: {  	[tilespmem:s1], [sflag:$0x7] =	stream.linear.gather [hbm4b:s17+s2], $0x200, $0x38;
	[tilespmem:$0x1BD80] =	vst v63  }
0x8d: {  	_ =	swait.ge [sflag:s11], $0x200  }
0x8e: {  	[sflag:s11] =	ssyncset.done $0x0  }
0x8f: {  	s20 =	rddreg [dreg:$0x5];
	[sflag:s11] =	ssyncadd.s32 $0xFFFFFE00  }
0x90: {  	[tilespmem:s13], [sflag:$0x7] =	stream.linear.gather [hbm4b:s20+s2], $0x2800, $0x38;
	[tilespmem:$0x1BD80] =	vst v63  }
0x91: {  	_ =	swait.ge [sflag:s11], $0x2800  }
0x92: {  	[sflag:s11] =	ssyncset.done $0x0  }
0x93: {  	s0 =	simm.s32 $0x0;
	[sflag:s11] =	ssyncadd.s32 $0xFFFFD800  }
0x94: {  	s1 =	simm.s32 $0x40;
	v0 =	vld [tilespmem:s0+$0x0]  }
.LBB2_2:
0x95: {  	_ =	sdelay $0x1  }
0x96: {  	p0 =	sne.s32 s1, $0x7C0  }
.Ltmp0:
0x97: {  	_ = 	snop;
	(pc) =	sbr.rel @p0 .LBB2_2-.Ltmp0, $4  }
0x98: {  	v1 =	vshra.s32 v0, $0x1  }
0x99: {  	v2 =	vand.u32 $0xFF, v0;
	v1 =	vand.u32 $0xFFFFFF00, v1  }
0x9a: {  	s5 =	sshra.s32 s1, $0x2;
	v1 =	vor.u32 v2, v1  }
0x9b: {  	s1 =	sadd.s32 $0x40, s1;
	v0 =	vld [tilespmem:s5+$0x0];
	[tilespmem:s0+$0x2C00] =	vst v1;
	s0 =	smov.u32 s5  }
0x9c: {  	_ =	sdelay $0x3  }
0x9d: {  	v1 =	vshra.s32 v0, $0x1  }
0x9e: {  	v0 =	vand.u32 $0xFF, v0;
	v1 =	vand.u32 $0xFFFFFF00, v1  }
0x9f: {  	v0 =	vor.u32 v0, v1  }
0xa0: {  	[tilespmem:s0+$0x2C00] =	vst v0;
	s0 =	simm.s32 $0x0  }
0xa1: {  	s5 =	simm.s32 $0x40;
	s1 =	simm.s32 $0x0;
	v0 =	vld [tilespmem:s0+$0x200]  }
.LBB2_4:
0xa2: {  	_ =	sdelay $0x1  }
0xa3: {  	p0 =	sne.s32 s5, $0x7C0  }
.Ltmp1:
0xa4: {  	_ = 	snop;
	(pc) =	sbr.rel @p0 .LBB2_4-.Ltmp1, $4  }
0xa5: {  	v1 =	vshra.s32 v0, $0x1  }
0xa6: {  	v2 =	vand.u32 $0xFF, v0;
	v1 =	vand.u32 $0xFFFFFF00, v1  }
0xa7: {  	s6 =	sshra.s32 s5, $0x2;
	v1 =	vor.u32 v2, v1  }
0xa8: {  	s5 =	sadd.s32 $0x40, s5;
	v0 =	vld [tilespmem:s6+$0x200];
	[tilespmem:s1+$0x2E00] =	vst v1;
	s1 =	smov.u32 s6  }
0xa9: {  	_ =	sdelay $0x3  }
0xaa: {  	v1 =	vshra.s32 v0, $0x1  }
0xab: {  	v0 =	vand.u32 $0xFF, v0;
	v1 =	vand.u32 $0xFFFFFF00, v1  }
0xac: {  	v0 =	vor.u32 v0, v1  }
0xad: {  	[tilespmem:s1+$0x2E00] =	vst v0  }
0xae: {  	s1 =	simm.s32 $0x40;
	v0 =	vld [tilespmem:s0+$0x400]  }
.LBB2_6:
0xaf: {  	_ =	sdelay $0x1  }
0xb0: {  	p0 =	sne.s32 s1, $0x9FC0  }
.Ltmp2:
0xb1: {  	_ = 	snop;
	(pc) =	sbr.rel @p0 .LBB2_6-.Ltmp2, $4  }
0xb2: {  	v1 =	vshra.s32 v0, $0x1  }
0xb3: {  	v2 =	vand.u32 $0xFF, v0;
	v1 =	vand.u32 $0xFFFFFF00, v1  }
0xb4: {  	s5 =	sshra.s32 s1, $0x2;
	v1 =	vor.u32 v2, v1  }
0xb5: {  	s1 =	sadd.s32 $0x40, s1;
	v0 =	vld [tilespmem:s5+$0x400];
	[tilespmem:s0+$0x3000] =	vst v1;
	s0 =	smov.u32 s5  }
0xb6: {  	_ =	sdelay $0x3  }
0xb7: {  	v1 =	vshra.s32 v0, $0x1  }
0xb8: {  	v63 =	vand.u32 $0xFF, v0;
	v1 =	vand.u32 $0xFFFFFF00, v1  }
0xb9: {  	v0 =	vor.u32 v63, v1  }
0xba: {  	s8 =	simm.s32 $0x2C00;
	[tilespmem:s0+$0x3000] =	vst v0  }
0xbb: {  	[tilespmem:s16], [sflag:$0x1] =	stream.indirect.gather [hbm4b:s3+s14], $0x80, s8, s14, $0xb8;
	[tilespmem:$0x1BD80] =	vst v63  }
0xbc: {  	s17 =	simm.s32 $0x2E00  }
0xbd: {  	[tilespmem:s18], [sflag:$0x3] =	stream.indirect.gather [hbm4b:s4+s14], $0x80, s17, s14, $0xb8;
	[tilespmem:$0x1BD80] =	vst v63  }
0xbe: {  	s20 =	simm.s32 $0x3000;
	s17 =	simm.s32 $0x0  }
0xbf: {  	[tilespmem:s21], [sflag:$0x5] =	stream.indirect.gather [hbm4b:s4+s19], $0x80, s20, s19, $0xb8;
	[tilespmem:$0x1BD80] =	vst v63  }
.LBB2_8:
0xc0: {  	_ =	swait.ge [sflag:s22], $0x800  }
0xc1: {  	[sflag:s22] =	ssyncset.done $0x0  }
0xc2: {  	[sflag:s22] =	ssyncadd.s32 $0xFFFFF800  }
0xc3: {  	_ =	swait.ge [sflag:s23], $0x800  }
0xc4: {  	[sflag:s23] =	ssyncset.done $0x0  }
0xc5: {  	[sflag:s23] =	ssyncadd.s32 $0xFFFFF800  }
0xc6: {  	_ =	swait.ge [sflag:s24], $0xA000  }
0xc7: {  	s1 =	sshllo.u32 s17, $0x1;
	v7 =	vld [tilespmem:$0x1FF40]  }
0xc8: {  	s20 =	sshll.u32 s1, $0x4;
	[sflag:s24] =	ssyncset.done $0x0;
	v8 =	vld [tilespmem:$0x1FB50]  }
0xc9: {  	s5 =	smul.u32 $0x500, s1;
	s0 =	sadd.s32 $0x2C00, s20;
	v9 =	vld [tilespmem:$0x1FB60];
	[sflag:s24] =	ssyncadd.s32 $0xFFFF6000  }
0xca: {  	v10 =	vld [tilespmem:$0x1FB70];
	[tilespmem:s25], [sflag:$0x2] =	stream.indirect.gather [hbm4b:s3+s14], $0x80, s0, s14, $0xb8  }
0xcb: {  	s6 =	sadd.s32 $0x2E00, s20;
	s7 =	sshra.s32 s5, $0x2;
	v11 =	vld [tilespmem:$0x1FB80]  }
0xcc: {  	v12 =	vld [tilespmem:$0x1FB90];
	[tilespmem:s26], [sflag:$0x4] =	stream.indirect.gather [hbm4b:s4+s14], $0x80, s6, s14, $0xb8  }
0xcd: {  	v13 =	vld [tilespmem:$0x1FBA0];
	s0 =	sadd.s32 $0x3000, s7  }
0xce: {  	v14 =	vld [tilespmem:$0x1FBB0];
	[tilespmem:s28], [sflag:$0x6] =	stream.indirect.gather [hbm4b:s4+s19], $0x80, s0, s19, $0xb8  }
0xcf: {  	v15 =	vld [tilespmem:$0x1FBC0];
	s0 =	sshll.u32 s17, $0x5  }
0xd0: {  	v0 =	vld [tilespmem:s0+$0x0]  }
0xd1: {  	v16 =	vld [tilespmem:$0x1FBD0]  }
0xd2: {  	v17 =	vld [tilespmem:$0x1FBE0]  }
0xd3: {  	v18 =	vld [tilespmem:$0x1FBF0]  }
0xd4: {  	v19 =	vld [tilespmem:$0x1FC00]  }
0xd5: {  	v20 =	vld [tilespmem:$0x1FC10];
	v0 =	vshrl.u32 v0, $0x2  }
0xd6: {  	v21 =	vld [tilespmem:$0x1FC20];
	v39 =	vand.u32 $0x40, v0  }
0xd7: {  	v22 =	vld [tilespmem:$0x1FC30];
	v4 =	vor.u32 v10, v39  }
0xd8: {  	v23 =	vld [tilespmem:$0x1FC40]  }
0xd9: {  	v24 =	vld [tilespmem:$0x1FC50]  }
0xda: {  	v26 =	vld [tilespmem:$0x1FC60];
	v1 =	vor.u32 v7, v39  }
0xdb: {  	v27 =	vld [tilespmem:$0x1FC70];
	v6 =	vor.u32 v11, v39  }
0xdc: {  	v51 =	vld.idx.msk [tilespmem:v4+s16+$0x0], $0xffff;
	v4 =	vor.u32 v15, v39  }
0xdd: {  	v59 =	vld [tilespmem:$0x1FC80]  }
0xde: {  	v54 =	vld [tilespmem:$0x1FC90];
	v2 =	vor.u32 v8, v39  }
0xdf: {  	v41 =	vld.idx.msk [tilespmem:v1+s16+$0x0], $0xffff;
	v1 =	vor.u32 v12, v39  }
0xe0: {  	v57 =	vld.idx.msk [tilespmem:v6+s16+$0x0], $0xffff;
	v6 =	vor.u32 v16, v39  }
0xe1: {  	v63 =	vld.idx.msk [tilespmem:v4+s16+$0x0], $0xffff;
	v4 =	vor.u32 v20, v39  }
0xe2: {  	v0 =	vld [tilespmem:$0x1FEC0];
	v3 =	vor.u32 v9, v39  }
0xe3: {  	v48 =	vld.idx.msk [tilespmem:v2+s16+$0x0], $0xffff;
	v2 =	vor.u32 v13, v39  }
0xe4: {  	v58 =	vld.idx.msk [tilespmem:v1+s16+$0x0], $0xffff;
	v1 =	vor.u32 v17, v39  }
0xe5: {  	v25 =	vld.idx.msk [tilespmem:v6+s16+$0x0], $0xffff;
	v6 =	vor.u32 v21, v39  }
0xe6: {  	v29 =	vld.idx.msk [tilespmem:v4+s16+$0x0], $0xffff;
	v4 =	vor.u32 v26, v39  }
0xe7: {  	v42 =	vld.idx.msk [tilespmem:v3+s16+$0x0], $0xffff  }
0xe8: {  	v3 =	vor.u32 v14, v39;
	v52 =	vld.idx.msk [tilespmem:v2+s16+$0x0], $0xffff  }
0xe9: {  	v2 =	vor.u32 v18, v39;
	v62 =	vld.idx.msk [tilespmem:v1+s16+$0x0], $0xffff  }
0xea: {  	v1 =	vor.u32 v22, v39;
	v53 =	vld.idx.msk [tilespmem:v6+s16+$0x0], $0xffff  }
0xeb: {  	v6 =	vor.u32 v27, v39;
	v32 =	vld.idx.msk [tilespmem:v4+s16+$0x0], $0xffff  }
0xec: {  	v4 =	vor.u32 v0, v39;
	v0 =	vld [tilespmem:$0x1FED0]  }
0xed: {  	v47 =	vld.idx.msk [tilespmem:v3+s16+$0x0], $0xffff  }
0xee: {  	v3 =	vor.u32 v19, v39;
	v43 =	vld.idx.msk [tilespmem:v2+s16+$0x0], $0xffff  }
0xef: {  	v2 =	vor.u32 v23, v39;
	v46 =	vld.idx.msk [tilespmem:v1+s16+$0x0], $0xffff  }
0xf0: {  	v1 =	vor.u32 v59, v39;
	v44 =	vld.idx.msk [tilespmem:v6+s16+$0x0], $0xffff  }
0xf1: {  	v6 =	vor.u32 v0, v39;
	v0 =	vld [tilespmem:$0x1FEE0]  }
0xf2: {  	v56 =	vld [tilespmem:$0x1FEB0]  }
0xf3: {  	v28 =	vld.idx.msk [tilespmem:v3+s16+$0x0], $0xffff  }
0xf4: {  	v3 =	vor.u32 v24, v39;
	v30 =	vld.idx.msk [tilespmem:v2+s16+$0x0], $0xffff  }
0xf5: {  	v2 =	vor.u32 v54, v39;
	v35 =	vld.idx.msk [tilespmem:v1+s16+$0x0], $0xffff  }
0xf6: {  	v1 =	vor.u32 v0, v39;
	v0 =	vld [tilespmem:$0x1FEF0];
	_ =	sdelay $0x2  }
0xf7: {  	v31 =	vld.idx.msk [tilespmem:v3+s16+$0x0], $0xffff  }
0xf8: {  	v3 =	vor.u32 v56, v39;
	v34 =	vld.idx.msk [tilespmem:v2+s16+$0x0], $0xffff  }
0xf9: {  	v2 =	vor.u32 v0, v39;
	v0 =	vld [tilespmem:$0x1FF00];
	_ =	sdelay $0x3  }
0xfa: {  	v36 =	vld.idx.msk [tilespmem:v3+s16+$0x0], $0xffff  }
0xfb: {  	v3 =	vor.u32 v0, v39;
	v0 =	vld [tilespmem:$0x1FF10]  }
0xfc: {  	v33 =	vld.idx.msk [tilespmem:v4+s16+$0x0], $0xffff  }
0xfd: {  	v49 =	vld.idx.msk [tilespmem:v6+s16+$0x0], $0xffff  }
0xfe: {  	v6 =	vld [tilespmem:$0x1FF60]  }
0xff: {  	v38 =	vld.idx.msk [tilespmem:v1+s16+$0x0], $0xffff  }
0x100: {  	v1 =	vld [tilespmem:$0x1FF20];
	v4 =	vor.u32 v0, v39;
	_ =	sdelay $0x1  }
0x101: {  	s8 =	smul.u32 $0x280, s17  }
0x102: {  	v5 =	vld [tilespmem:s0+$0x200]  }
0x103: {  	v0 =	vadd.s32 s8, v6  }
0x104: {  	v1 =	vor.u32 v1, v39;
	v4 =	vld.idx.msk [tilespmem:v4+s16+$0x0], $0xffff;
	_ =	sdelay $0x2  }
0x105: {  	v5 =	vshrl.u32 v5, $0x2  }
0x106: {  	v61 =	vand.u32 $0x40, v5;
	[tilespmem:$0x1F6F0] =	vst v0;
	v6 =	vld.idx.msk [tilespmem:v0+s13+$0x0], $0xffff  }
0x107: {  	v0 =	vld.idx.msk [tilespmem:v1+s16+$0x0], $0xffff;
	[tilespmem:$0x1FA50] =	vst v4;
	v4 =	vor.u32 v7, v61;
	_ =	sdelay $0x2  }
0x108: {  	v50 =	vld.idx.msk [tilespmem:v2+s16+$0x0], $0xffff  }
0x109: {  	v2 =	vld [tilespmem:$0x1FF30]  }
0x10a: {  	v5 =	vor.u32 v8, v61;
	[tilespmem:$0x1FA60] =	vst v0;
	v0 =	vld.idx.msk [tilespmem:v4+s18+$0x0], $0xffff;
	_ =	sdelay $0x2  }
0x10b: {  	v37 =	vld.idx.msk [tilespmem:v3+s16+$0x0], $0xffff  }
0x10c: {  	v2 =	vor.u32 v2, v39;
	v3 =	vld [tilespmem:$0x1FF50]  }
0x10d: {  	v1 =	vor.u32 v9, v61;
	[tilespmem:$0x1F700] =	vst v0;
	v0 =	vld.idx.msk [tilespmem:v5+s18+$0x0], $0xffff;
	_ =	sdelay $0x3  }
0x10e: {  	v3 =	vor.u32 v3, v39;
	v55 =	vld.idx.msk [tilespmem:v2+s16+$0x0], $0xffff  }
0x10f: {  	v2 =	vor.u32 v10, v61;
	[tilespmem:$0x1F710] =	vst v0;
	v0 =	vld.idx.msk [tilespmem:v1+s18+$0x0], $0xffff;
	_ =	sdelay $0x3  }
0x110: {  	v60 =	vld.idx.msk [tilespmem:v3+s16+$0x0], $0xffff  }
0x111: {  	v3 =	vor.u32 v11, v61;
	[tilespmem:$0x1F720] =	vst v0;
	v0 =	vld.idx.msk [tilespmem:v2+s18+$0x0], $0xffff;
	_ =	sdelay $0x4  }
0x112: {  	v4 =	vor.u32 v12, v61;
	[tilespmem:$0x1F730] =	vst v0;
	v0 =	vld.idx.msk [tilespmem:v3+s18+$0x0], $0xffff;
	_ =	sdelay $0x4  }
0x113: {  	v5 =	vor.u32 v13, v61;
	[tilespmem:$0x1F740] =	vst v0;
	v0 =	vld.idx.msk [tilespmem:v4+s18+$0x0], $0xffff;
	_ =	sdelay $0x4  }
0x114: {  	v8 =	vor.u32 v14, v61;
	[tilespmem:$0x1F750] =	vst v0;
	v0 =	vld.idx.msk [tilespmem:v5+s18+$0x0], $0xffff;
	_ =	sdelay $0x4  }
0x115: {  	v2 =	vor.u32 v15, v61;
	[tilespmem:$0x1F770] =	vst v0;
	v0 =	vld.idx.msk [tilespmem:v8+s18+$0x0], $0xffff;
	_ =	sdelay $0x4  }
0x116: {  	v40 =	vmul.u32 $0xA00, v45;
	v7 =	vmov s15;
	v6 =	vshrl.u32 v6, $0x2;
	[tilespmem:$0x1F780] =	vst v0;
	v0 =	vld.idx.msk [tilespmem:v2+s18+$0x0], $0xffff  }
0x117: {  	v7 =	vshll.u32 v7, $0x7;
	v1 =	vand.u32 $0x40, v6  }
0x118: {  	v6 =	vadd.s32 v40, v7;
	v7 =	vadd.s32 $0x5, v45;
	v5 =	vor.u32 v16, v61  }
0x119: {  	v1 =	vor.u32 v6, v1;
	v6 =	vadd.s32 $0x4, v45;
	[tilespmem:$0x1F7A0] =	vst v7  }
0x11a: {  	[tilespmem:$0x1F760] =	vst v6  }
0x11b: {  	v4 =	vor.u32 v6, v1;
	[tilespmem:$0x1F790] =	vst v0;
	v0 =	vadd.s32 $0x1, v45  }
0x11c: {  	v2 =	vor.u32 v7, v1;
	[tilespmem:$0x1F7B0] =	vst v0;
	v7 =	vor.u32 v0, v1;
	v0 =	vadd.s32 $0x2, v45  }
0x11d: {  	v6 =	vor.u32 v17, v61;
	[tilespmem:$0x1F7C0] =	vst v0;
	v8 =	vor.u32 v0, v1;
	v0 =	vld.idx.msk [tilespmem:v5+s18+$0x0], $0xffff;
	_ =	sdelay $0x2  }
0x11e: {  	v3 =	vor.u32 v45, v1;
	_ =	sdelay $0x1  }
0x11f: {  	[tilespmem:$0x1F7D0] =	vst v0;
	v0 =	vld.idx.msk [tilespmem:v6+s18+$0x0], $0xffff  }
0x120: {  	[tilespmem:$0x1F6E0] =	vst v39;
	v9 =	vadd.s32 $0x3, v45  }
0x121: {  	[tilespmem:$0x1F7E0] =	vst v9;
	v5 =	vor.u32 v9, v1;
	v9 =	vadd.s32 $0x6, v45  }
0x122: {  	v3 =	vld.idx.msk [tilespmem:v3+s21+$0x0], $0xffff;
	[tilespmem:$0x1F800] =	vst v9;
	v6 =	vor.u32 v9, v1;
	v9 =	vor.u32 v18, v61  }
0x123: {  	[tilespmem:$0x1F820] =	vst v41  }
0x124: {  	[tilespmem:$0x1F7F0] =	vst v0;
	v0 =	vadd.s32 $0x7, v45  }
0x125: {  	[tilespmem:$0x1F810] =	vst v0;
	v10 =	vor.u32 v0, v1;
	v0 =	vadd.s32 $0x8, v45  }
0x126: {  	v11 =	vor.u32 v19, v61;
	[tilespmem:$0x1F840] =	vst v0;
	v39 =	vor.u32 v0, v1;
	v0 =	vadd.s32 $0x9, v45  }
0x127: {  	v3 =	vmul.f32 v3, v41;
	[tilespmem:$0x1F850] =	vst v0;
	v41 =	vor.u32 v0, v1;
	v0 =	vld.idx.msk [tilespmem:v9+s18+$0x0], $0xffff;
	_ =	sdelay $0x1  }
0x128: {  	v4 =	vld.idx.msk [tilespmem:v4+s21+$0x0], $0xffff  }
0x129: {  	v2 =	vld.idx.msk [tilespmem:v2+s21+$0x0], $0xffff  }
0x12a: {  	v9 =	vld.idx.msk [tilespmem:v10+s21+$0x0], $0xffff  }
0x12b: {  	v10 =	vor.u32 v20, v61;
	[tilespmem:$0x1F860] =	vst v0;
	v0 =	vld.idx.msk [tilespmem:v11+s18+$0x0], $0xffff  }
0x12c: {  	v7 =	vld.idx.msk [tilespmem:v7+s21+$0x0], $0xffff  }
0x12d: {  	v8 =	vld.idx.msk [tilespmem:v8+s21+$0x0], $0xffff  }
0x12e: {  	v5 =	vld.idx.msk [tilespmem:v5+s21+$0x0], $0xffff  }
0x12f: {  	v6 =	vld.idx.msk [tilespmem:v6+s21+$0x0], $0xffff  }
0x130: {  	v21 =	vor.u32 v21, v61;
	v3 =	vadd.f32 $0.0e+00, v3;
	v4 =	vmul.f32 v4, v57;
	[tilespmem:$0x1F8A0] =	vst v0;
	v0 =	vld.idx.msk [tilespmem:v10+s18+$0x0], $0xffff  }
0x131: {  	[tilespmem:$0x1F830] =	vst v57;
	v22 =	vor.u32 v22, v61;
	v19 =	vadd.s32 $0xC, v45;
	v57 =	vadd.s32 $0xA, v45  }
0x132: {  	v3 =	vadd.f32 v4, v3;
	v4 =	vor.u32 v57, v1;
	v8 =	vmul.f32 v8, v42  }
0x133: {  	[tilespmem:$0x1F870] =	vst v58;
	v2 =	vmul.f32 v2, v58;
	v58 =	vadd.s32 $0xB, v45;
	v7 =	vmul.f32 v7, v48  }
0x134: {  	v8 =	vadd.f32 $0.0e+00, v8;
	v6 =	vmul.f32 v6, v52;
	v11 =	vor.u32 v58, v1  }
0x135: {  	v5 =	vmul.f32 v5, v51;
	v20 =	vor.u32 v19, v1;
	[tilespmem:$0x1F8F0] =	vst v0;
	v0 =	vadd.s32 $0xE, v45  }
0x136: {  	v6 =	vadd.f32 v6, v8;
	[tilespmem:$0x1F910] =	vst v0;
	v8 =	vor.u32 v0, v1;
	v0 =	vld.idx.msk [tilespmem:v21+s18+$0x0], $0xffff  }
0x137: {  	v4 =	vld.idx.msk [tilespmem:v4+s21+$0x0], $0xffff;
	v7 =	vadd.f32 $0.0e+00, v7  }
0x138: {  	[tilespmem:$0x1F880] =	vst v57;
	v57 =	vadd.s32 $0xD, v45;
	v5 =	vadd.f32 $0.0e+00, v5;
	v12 =	vld.idx.msk [tilespmem:v39+s21+$0x0], $0xffff;
	v9 =	vmul.f32 v9, v47  }
0x139: {  	v2 =	vadd.f32 v2, v7;
	v10 =	vor.u32 v57, v1;
	v7 =	vld.idx.msk [tilespmem:v11+s21+$0x0], $0xffff  }
0x13a: {  	v5 =	vadd.f32 v9, v5;
	v9 =	vld.idx.msk [tilespmem:v20+s21+$0x0], $0xffff  }
0x13b: {  	v23 =	vor.u32 v23, v61;
	[tilespmem:$0x1F930] =	vst v0;
	v0 =	vld.idx.msk [tilespmem:v22+s18+$0x0], $0xffff  }
0x13c: {  	v4 =	vmul.f32 v4, v62;
	v13 =	vld.idx.msk [tilespmem:v41+s21+$0x0], $0xffff;
	v41 =	vadd.s32 $0xF, v45  }
0x13d: {  	v15 =	vor.u32 v41, v1;
	v11 =	vmul.f32 v12, v63  }
0x13e: {  	[tilespmem:$0x1F8D0] =	vst v51;
	v51 =	vor.u32 $0x10, v45;
	v4 =	vadd.f32 v4, v6;
	v10 =	vld.idx.msk [tilespmem:v10+s21+$0x0], $0xffff  }
0x13f: {  	v3 =	vadd.f32 v11, v3;
	v11 =	vor.u32 v51, v1;
	v7 =	vmul.f32 v7, v43;
	v6 =	vld.idx.msk [tilespmem:v8+s21+$0x0], $0xffff  }
0x140: {  	v39 =	vor.u32 v24, v61;
	v20 =	vadd.s32 $0x11, v45;
	v9 =	vmul.f32 v9, v28;
	[tilespmem:$0x1F950] =	vst v0;
	v0 =	vld.idx.msk [tilespmem:v23+s18+$0x0], $0xffff  }
0x141: {  	v5 =	vadd.f32 v7, v5;
	v7 =	vor.u32 v20, v1  }
0x142: {  	v3 =	vadd.f32 v9, v3;
	v9 =	vld.idx.msk [tilespmem:v15+s21+$0x0], $0xffff  }
0x143: {  	v13 =	vmul.f32 v13, v25  }
0x144: {  	v11 =	vld.idx.msk [tilespmem:v11+s21+$0x0], $0xffff;
	v6 =	vmul.f32 v6, v53  }
0x145: {  	v2 =	vadd.f32 v13, v2;
	v10 =	vmul.f32 v10, v29;
	[tilespmem:$0x1F990] =	vst v0;
	v0 =	vld.idx.msk [tilespmem:v39+s18+$0x0], $0xffff;
	v39 =	vadd.s32 $0x16, v45  }
0x146: {  	v23 =	vadd.s32 $0x15, v45;
	v4 =	vadd.f32 v6, v4;
	v6 =	vld.idx.msk [tilespmem:v7+s21+$0x0], $0xffff;
	v7 =	vor.u32 v39, v1  }
0x147: {  	[tilespmem:$0x1F8B0] =	vst v42;
	v2 =	vadd.f32 v10, v2;
	v9 =	vmul.f32 v9, v46;
	v10 =	vor.u32 v23, v1  }
0x148: {  	[tilespmem:$0x1FA00] =	vst v53;
	v8 =	vor.u32 v26, v61;
	v53 =	vadd.s32 $0x19, v45  }
0x149: {  	[tilespmem:$0x1F900] =	vst v47;
	v11 =	vmul.f32 v11, v30;
	v5 =	vadd.f32 v9, v5;
	v9 =	vor.u32 v53, v1  }
0x14a: {  	[tilespmem:$0x1F980] =	vst v43;
	v43 =	vadd.s32 $0x12, v45  }
0x14b: {  	[tilespmem:$0x1F920] =	vst v63;
	v13 =	vor.u32 v43, v1;
	v22 =	vadd.s32 $0x1A, v45;
	v3 =	vadd.f32 v11, v3;
	v7 =	vld.idx.msk [tilespmem:v7+s21+$0x0], $0xffff  }
0x14c: {  	v11 =	vor.u32 v22, v1;
	v10 =	vld.idx.msk [tilespmem:v10+s21+$0x0], $0xffff;
	v6 =	vmul.f32 v6, v31;
	[tilespmem:$0x1F9B0] =	vst v0;
	v0 =	vadd.s32 $0x13, v45  }
0x14d: {  	v42 =	vor.u32 v27, v61;
	v63 =	vadd.s32 $0x17, v45;
	[tilespmem:$0x1F9E0] =	vst v0;
	v47 =	vor.u32 v0, v1;
	v0 =	vld.idx.msk [tilespmem:v8+s18+$0x0], $0xffff  }
0x14e: {  	[tilespmem:$0x1F960] =	vst v62;
	v62 =	vor.u32 v63, v1;
	v21 =	vadd.s32 $0x14, v45;
	v2 =	vadd.f32 v6, v2;
	v6 =	vld.idx.msk [tilespmem:v9+s21+$0x0], $0xffff  }
0x14f: {  	[tilespmem:$0x1F890] =	vst v48;
	v24 =	vadd.s32 $0x18, v45;
	v8 =	vor.u32 v21, v1  }
0x150: {  	[tilespmem:$0x1F970] =	vst v41;
	v41 =	vmov v36;
	v48 =	vld.idx.msk [tilespmem:v13+s21+$0x0], $0xffff;
	v7 =	vmul.f32 v7, v36;
	v36 =	vor.u32 v54, v61  }
0x151: {  	v15 =	vor.u32 v24, v1;
	v11 =	vld.idx.msk [tilespmem:v11+s21+$0x0], $0xffff;
	v10 =	vmul.f32 v10, v34  }
0x152: {  	[tilespmem:$0x1F9F0] =	vst v0;
	v0 =	vld.idx.msk [tilespmem:v42+s18+$0x0], $0xffff  }
0x153: {  	[tilespmem:$0x1F940] =	vst v25;
	v13 =	vld.idx.msk [tilespmem:v62+s21+$0x0], $0xffff;
	v2 =	vadd.f32 v10, v2;
	v6 =	vmul.f32 v6, v38  }
0x154: {  	[tilespmem:$0x1FA20] =	vst v46;
	v25 =	vadd.s32 $0x1F, v45;
	v46 =	vadd.s32 $0x1B, v45;
	v8 =	vld.idx.msk [tilespmem:v8+s21+$0x0], $0xffff  }
0x155: {  	[tilespmem:$0x1FA30] =	vst v32;
	v12 =	vmul.f32 v48, v32;
	v48 =	vadd.s32 $0x1D, v45;
	v2 =	vadd.f32 v6, v2;
	v6 =	vld.idx.msk [tilespmem:v36+s18+$0x0], $0xffff  }
0x156: {  	[tilespmem:$0x1F9C0] =	vst v43;
	v26 =	vadd.s32 $0x1E, v45;
	v15 =	vld.idx.msk [tilespmem:v15+s21+$0x0], $0xffff;
	v32 =	vor.u32 v48, v1;
	v42 =	vor.u32 v46, v1  }
0x157: {  	v11 =	vmul.f32 v11, v50;
	v10 =	vor.u32 v56, v61;
	v14 =	vld.idx.msk [tilespmem:v47+s21+$0x0], $0xffff;
	[tilespmem:$0x1FA10] =	vst v0;
	v0 =	vadd.s32 $0x1C, v45  }
0x158: {  	v43 =	vmovc v31;
	v31 =	vld [tilespmem:$0x1FA60];
	v9 =	vor.u32 v26, v1;
	v62 =	vor.u32 v0, v1;
	v1 =	vor.u32 v25, v1  }
0x159: {  	v47 =	vmovc v35;
	v54 =	vmov v50;
	v50 =	vld [tilespmem:$0x1FEE0];
	v8 =	vmul.f32 v8, v35;
	v35 =	vor.u32 v59, v61  }
0x15a: {  	[tilespmem:$0x1FA80] =	vst v6;
	v6 =	vld [tilespmem:$0x1FEF0]  }
0x15b: {  	[tilespmem:$0x1F8E0] =	vst v52;
	v52 =	vmov v34;
	v34 =	vld.idx.msk [tilespmem:v42+s21+$0x0], $0xffff  }
0x15c: {  	v10 =	vld.idx.msk [tilespmem:v10+s18+$0x0], $0xffff;
	v14 =	vmul.f32 v14, v44  }
0x15d: {  	v4 =	vadd.f32 v12, v4;
	v1 =	vld.idx.msk [tilespmem:v1+s21+$0x0], $0xffff  }
0x15e: {  	v13 =	vmul.f32 v13, v33;
	v5 =	vadd.f32 v14, v5;
	v14 =	vld.idx.msk [tilespmem:v35+s18+$0x0], $0xffff  }
0x15f: {  	v4 =	vadd.f32 v7, v4;
	v7 =	vld.idx.msk [tilespmem:v9+s21+$0x0], $0xffff;
	v6 =	vor.u32 v6, v61  }
0x160: {  	v9 =	vld [tilespmem:$0x1FEC0];
	v5 =	vadd.f32 v13, v5;
	v12 =	vmul.f32 v34, v37  }
0x161: {  	v42 =	vmov v49;
	v3 =	vadd.f32 v8, v3;
	v8 =	vld.idx.msk [tilespmem:v32+s21+$0x0], $0xffff  }
0x162: {  	v45 =	vmul.f32 v15, v49;
	v49 =	vld [tilespmem:$0x1FED0];
	[tilespmem:$0x1FA90] =	vst v10;
	v5 =	vadd.f32 v12, v5;
	v1 =	vmul.f32 v1, v60  }
0x163: {  	v10 =	vld [tilespmem:$0x1FF00];
	[tilespmem:$0x1FA70] =	vst v14;
	v14 =	vor.u32 v50, v61  }
0x164: {  	v5 =	vadd.f32 v1, v5;
	v1 =	vld.idx.msk [tilespmem:v6+s18+$0x0], $0xffff;
	_ =	sdelay $0x1  }
0x165: {  	v27 =	vld [tilespmem:$0x1FA50];
	v9 =	vor.u32 v9, v61;
	v8 =	vmul.f32 v8, v31  }
0x166: {  	v4 =	vadd.f32 v11, v4;
	v11 =	vld [tilespmem:$0x1FF10];
	v15 =	vor.u32 v49, v61  }
0x167: {  	v2 =	vadd.f32 v8, v2;
	v8 =	vld.idx.msk [tilespmem:v14+s18+$0x0], $0xffff  }
0x168: {  	v10 =	vor.u32 v10, v61;
	[tilespmem:$0x1FAD0] =	vst v1;
	v1 =	vld [tilespmem:$0x1FF50]  }
0x169: {  	v16 =	vld.idx.msk [tilespmem:v62+s21+$0x0], $0xffff  }
0x16a: {  	v9 =	vld.idx.msk [tilespmem:v9+s18+$0x0], $0xffff  }
0x16b: {  	v56 =	vld.idx.msk [tilespmem:v15+s18+$0x0], $0xffff  }
0x16c: {  	[tilespmem:$0x1FAC0] =	vst v8;
	v8 =	vld [tilespmem:$0x1FF30]  }
0x16d: {  	v6 =	vor.u32 v1, v61;
	v1 =	vld.idx.msk [tilespmem:v10+s18+$0x0], $0xffff  }
0x16e: {  	v7 =	vmul.f32 v7, v55;
	v11 =	vor.u32 v11, v61  }
0x16f: {  	v3 =	vadd.f32 v45, v3;
	[tilespmem:$0x1FAA0] =	vst v9;
	v9 =	vmul.f32 v16, v27  }
0x170: {  	v4 =	vadd.f32 v7, v4  }
0x171: {  	v3 =	vadd.f32 v9, v3;
	[tilespmem:$0x1FAB0] =	vst v56;
	v56 =	vmovc v55;
	v55 =	vmov v60;
	v60 =	vld [tilespmem:$0x1FF20];
	v8 =	vor.u32 v8, v61  }
0x172: {  	[tilespmem:$0x1FAF0] =	vst v1;
	v1 =	vld [tilespmem:$0x1FF70]  }
0x173: {  	v2 =	vadd.f32 v2, v3;
	v3 =	vadd.f32 v5, v4;
	v4 =	vld.idx.msk [tilespmem:v11+s18+$0x0], $0xffff;
	_ =	sdelay $0x2  }
0x174: {  	v2 =	vadd.f32 v3, v2;
	v12 =	vor.u32 v60, v61;
	v3 =	vld.idx.msk [tilespmem:v8+s18+$0x0], $0xffff  }
0x175: {  	v1 =	vadd.s32 s8, v1  }
0x176: {  	[tilespmem:$0x1FB00] =	vst v4;
	v4 =	vadd.s32 s15, v1;
	_ =	sdelay $0x2  }
0x177: {  	s6 =	simm.s32 $0x1B800;
	v5 =	vld.idx.msk [tilespmem:v12+s18+$0x0], $0xffff;
	[tilespmem:$0x1FB20] =	vst v3  }
0x178: {  	v3 =	vld.idx.msk [tilespmem:v6+s18+$0x0], $0xffff;
	[tilespmem:s6+$0x0] =	vst v2  }
0x179: {  	v2 =	vld.idx.msk [tilespmem:v4+s13+$0x0], $0xffff;
	_ =	sdelay $0x2  }
0x17a: {  	s7 =	simm.s32 $0x1  }
0x17b: {  	[tilespmem:$0x1FB30] =	vst v3;
	v3 =	vmov s7  }
0x17c: {  	v3 =	vshll.u32 v3, $0x7;
	v2 =	vshrl.u32 v2, $0x2  }
0x17d: {  	v3 =	vadd.s32 v40, v3;
	v2 =	vand.u32 $0x40, v2  }
0x17e: {  	v2 =	vor.u32 v3, v2  }
0x17f: {  	[tilespmem:$0x1FB40] =	vst v40;
	v3 =	vor.u32 v0, v2  }
0x180: {  	[tilespmem:$0x1FB10] =	vst v5;
	v5 =	vor.u32 v48, v2  }
0x181: {  	[tilespmem:$0x1FAE0] =	vst v61;
	v6 =	vor.u32 v24, v2  }
0x182: {  	[tilespmem:$0x1F9A0] =	vst v28;
	v8 =	vor.u32 v53, v2  }
0x183: {  	[tilespmem:$0x1F9D0] =	vst v29  }
0x184: {  	[tilespmem:$0x1F8C0] =	vst v58;
	v58 =	vmovc v30;
	v28 =	vmovc v57;
	v57 =	vmov v19;
	v29 =	vmov v20;
	v30 =	vmov v21;
	v4 =	vld.idx.msk [tilespmem:v3+s21+$0x0], $0xffff  }
0x185: {  	[tilespmem:$0x1FA40] =	vst v44;
	v59 =	vmovc v33;
	v32 =	vmovc v22;
	v49 =	vmov v37;
	v34 =	vmov v23;
	v35 =	vmov v24;
	v5 =	vld.idx.msk [tilespmem:v5+s21+$0x0], $0xffff  }
0x186: {  	v37 =	vmovc v25;
	v62 =	vmov v38;
	v10 =	vor.u32 v21, v2;
	v7 =	vor.u32 v23, v2;
	v3 =	vld.idx.msk [tilespmem:v6+s21+$0x0], $0xffff  }
0x187: {  	s5 =	sshll.u32 s17, $0x1;
	s8 =	simm.s32 $0x2;
	v11 =	vor.u32 v51, v2;
	v9 =	vor.u32 v20, v2;
	v6 =	vld.idx.msk [tilespmem:v8+s21+$0x0], $0xffff;
	v8 =	vor.u32 v19, v2  }
.LBB2_9:
0x188: {  	v13 =	vld [tilespmem:$0x1F840]  }
0x189: {  	v12 =	vor.u32 v28, v2;
	_ =	sdelay $0x1  }
0x18a: {  	v10 =	vld.idx.msk [tilespmem:v10+s21+$0x0], $0xffff  }
0x18b: {  	v7 =	vld.idx.msk [tilespmem:v7+s21+$0x0], $0xffff  }
0x18c: {  	v44 =	vld [tilespmem:$0x1F9D0];
	v13 =	vor.u32 v13, v2  }
0x18d: {  	v12 =	vld.idx.msk [tilespmem:v12+s21+$0x0], $0xffff  }
0x18e: {  	v14 =	vld [tilespmem:$0x1F850]  }
0x18f: {  	v18 =	vld [tilespmem:$0x1F7B0]  }
0x190: {  	v17 =	vlaneseq.u32;
	v38 =	vld [tilespmem:$0x1F920]  }
0x191: {  	v17 =	vor.u32 v17, v2;
	v13 =	vld.idx.msk [tilespmem:v13+s21+$0x0], $0xffff  }
0x192: {  	v12 =	vmul.f32 v12, v44;
	v44 =	vld [tilespmem:$0x1F9E0]  }
0x193: {  	v11 =	vld.idx.msk [tilespmem:v11+s21+$0x0], $0xffff  }
0x194: {  	v15 =	vld [tilespmem:$0x1F760]  }
0x195: {  	v19 =	vld [tilespmem:$0x1F7C0]  }
0x196: {  	v18 =	vor.u32 v18, v2;
	v17 =	vld.idx.msk [tilespmem:v17+s21+$0x0], $0xffff  }
0x197: {  	v13 =	vmul.f32 v13, v38;
	v38 =	vor.u32 v44, v2;
	v44 =	vld [tilespmem:$0x1F820]  }
0x198: {  	v9 =	vld.idx.msk [tilespmem:v9+s21+$0x0], $0xffff  }
0x199: {  	v16 =	vld [tilespmem:$0x1F7A0]  }
0x19a: {  	v20 =	vld [tilespmem:$0x1F7E0]  }
0x19b: {  	v19 =	vor.u32 v19, v2;
	v18 =	vld.idx.msk [tilespmem:v18+s21+$0x0], $0xffff  }
0x19c: {  	v17 =	vmul.f32 v17, v44;
	v44 =	vld [tilespmem:$0x1F890]  }
0x19d: {  	v8 =	vld.idx.msk [tilespmem:v8+s21+$0x0], $0xffff  }
0x19e: {  	v21 =	vld [tilespmem:$0x1F800]  }
0x19f: {  	v23 =	vld [tilespmem:$0x1F810]  }
0x1a0: {  	v20 =	vor.u32 v20, v2;
	v19 =	vld.idx.msk [tilespmem:v19+s21+$0x0], $0xffff  }
0x1a1: {  	v18 =	vmul.f32 v18, v44;
	v44 =	vld [tilespmem:$0x1F8B0]  }
0x1a2: {  	v22 =	vor.u32 v26, v2;
	v45 =	vmov v26;
	v26 =	vld [tilespmem:$0x1F880]  }
0x1a3: {  	v33 =	vld [tilespmem:$0x1F970]  }
0x1a4: {  	v36 =	vld [tilespmem:$0x1F9A0]  }
0x1a5: {  	v21 =	vor.u32 v21, v2;
	v20 =	vld.idx.msk [tilespmem:v20+s21+$0x0], $0xffff  }
0x1a6: {  	v19 =	vmul.f32 v19, v44;
	v44 =	vld [tilespmem:$0x1F8D0]  }
0x1a7: {  	v61 =	vld [tilespmem:$0x1F9C0];
	v14 =	vor.u32 v14, v2  }
0x1a8: {  	v40 =	vld [tilespmem:$0x1F940]  }
0x1a9: {  	v50 =	vmov v27;
	v4 =	vmul.f32 v4, v27;
	v27 =	vld [tilespmem:$0x1F8C0];
	v15 =	vor.u32 v15, v2  }
0x1aa: {  	v23 =	vor.u32 v23, v2;
	v21 =	vld.idx.msk [tilespmem:v21+s21+$0x0], $0xffff  }
0x1ab: {  	v20 =	vmul.f32 v20, v44;
	v44 =	vld [tilespmem:$0x1F8E0]  }
0x1ac: {  	v14 =	vld.idx.msk [tilespmem:v14+s21+$0x0], $0xffff  }
0x1ad: {  	v60 =	vmov v31;
	v5 =	vmul.f32 v5, v31;
	v31 =	vld [tilespmem:$0x1F910]  }
0x1ae: {  	v16 =	vor.u32 v16, v2;
	v15 =	vld.idx.msk [tilespmem:v15+s21+$0x0], $0xffff  }
0x1af: {  	v26 =	vor.u32 v26, v2;
	v23 =	vld.idx.msk [tilespmem:v23+s21+$0x0], $0xffff  }
0x1b0: {  	v21 =	vmul.f32 v21, v44;
	v44 =	vld [tilespmem:$0x1F900]  }
0x1b1: {  	v33 =	vor.u32 v33, v2;
	v14 =	vmul.f32 v14, v40;
	v40 =	vld [tilespmem:$0x1F830]  }
0x1b2: {  	v8 =	vmul.f32 v8, v36;
	v36 =	vor.u32 v61, v2;
	v61 =	vld [tilespmem:$0x1F870]  }
0x1b3: {  	v27 =	vor.u32 v27, v2;
	v16 =	vld.idx.msk [tilespmem:v16+s21+$0x0], $0xffff  }
0x1b4: {  	v31 =	vor.u32 v31, v2;
	v26 =	vld.idx.msk [tilespmem:v26+s21+$0x0], $0xffff  }
0x1b5: {  	v23 =	vmul.f32 v23, v44;
	v44 =	vld [tilespmem:$0x1F960]  }
0x1b6: {  	v33 =	vld.idx.msk [tilespmem:v33+s21+$0x0], $0xffff;
	v15 =	vmul.f32 v15, v40;
	v40 =	vor.u32 v63, v2  }
0x1b7: {  	v36 =	vld.idx.msk [tilespmem:v36+s21+$0x0], $0xffff  }
0x1b8: {  	v27 =	vld.idx.msk [tilespmem:v27+s21+$0x0], $0xffff;
	v16 =	vmul.f32 v16, v61;
	v17 =	vadd.f32 $0.0e+00, v17;
	v18 =	vadd.f32 $0.0e+00, v18  }
0x1b9: {  	v31 =	vld.idx.msk [tilespmem:v31+s21+$0x0], $0xffff;
	v20 =	vadd.f32 $0.0e+00, v20  }
0x1ba: {  	v15 =	vadd.f32 v15, v17;
	v16 =	vadd.f32 v16, v18;
	v17 =	vmul.f32 v26, v44;
	v44 =	vld [tilespmem:$0x1F980]  }
0x1bb: {  	v20 =	vadd.f32 v23, v20;
	v23 =	vld.idx.msk [tilespmem:v40+s21+$0x0], $0xffff  }
0x1bc: {  	v14 =	vadd.f32 v14, v16;
	v40 =	vld [tilespmem:$0x1FA00]  }
0x1bd: {  	v61 =	vmov v39;
	v39 =	vor.u32 v39, v2;
	v38 =	vld.idx.msk [tilespmem:v38+s21+$0x0], $0xffff;
	v19 =	vadd.f32 $0.0e+00, v19  }
0x1be: {  	v24 =	vor.u32 v32, v2;
	v25 =	vor.u32 v37, v2;
	v12 =	vadd.f32 v12, v14;
	v14 =	vld.idx.msk [tilespmem:v22+s21+$0x0], $0xffff  }
0x1bf: {  	v2 =	vor.u32 v46, v2;
	v19 =	vadd.f32 v21, v19;
	v21 =	vmul.f32 v27, v44;
	v44 =	vld [tilespmem:$0x1FA20]  }
0x1c0: {  	v22 =	vld [tilespmem:$0x1FA40]  }
0x1c1: {  	v13 =	vadd.f32 v13, v15;
	v15 =	vmul.f32 v31, v40;
	v40 =	vld [tilespmem:$0x1FA30]  }
0x1c2: {  	v3 =	vmul.f32 v3, v42;
	v6 =	vmul.f32 v6, v62;
	v18 =	vld.idx.msk [tilespmem:v39+s21+$0x0], $0xffff  }
0x1c3: {  	v10 =	vmul.f32 v10, v47;
	v7 =	vmul.f32 v7, v52;
	v17 =	vadd.f32 v17, v19  }
0x1c4: {  	v11 =	vmul.f32 v11, v58;
	v2 =	vld.idx.msk [tilespmem:v2+s21+$0x0], $0xffff;
	v19 =	vadd.f32 v21, v20;
	v20 =	vmul.f32 v33, v44  }
0x1c5: {  	v9 =	vmul.f32 v9, v43;
	v8 =	vadd.f32 v8, v13;
	v16 =	vld.idx.msk [tilespmem:v24+s21+$0x0], $0xffff;
	v15 =	vadd.f32 v15, v17  }
0x1c6: {  	v13 =	vmul.f32 v36, v40;
	v44 =	vadd.f32 v20, v19;
	v19 =	vmul.f32 v38, v22  }
0x1c7: {  	v8 =	vadd.f32 v11, v8;
	v11 =	vmul.f32 v18, v41;
	v9 =	vadd.f32 v9, v12;
	v33 =	vld.idx.msk [tilespmem:v25+s21+$0x0], $0xffff  }
0x1c8: {  	v40 =	vmul.f32 v23, v59;
	v36 =	vadd.f32 v13, v15;
	v38 =	vadd.f32 v19, v44  }
0x1c9: {  	v2 =	vmul.f32 v2, v49;
	v8 =	vadd.f32 v10, v8;
	v7 =	vadd.f32 v7, v9  }
0x1ca: {  	v9 =	vmul.f32 v16, v54;
	v10 =	vadd.f32 v11, v36;
	v11 =	vadd.f32 v40, v38  }
0x1cb: {  	v3 =	vadd.f32 v3, v8;
	v6 =	vadd.f32 v6, v7;
	v7 =	vmul.f32 v14, v56  }
0x1cc: {  	v8 =	vadd.f32 v9, v10;
	v9 =	vmul.f32 v33, v55;
	v2 =	vadd.f32 v2, v11  }
0x1cd: {  	v3 =	vadd.f32 v4, v3;
	v4 =	vadd.f32 v5, v6  }
0x1ce: {  	v5 =	vadd.f32 v7, v8;
	v2 =	vadd.f32 v9, v2;
	_ =	sdelay $0x1  }
0x1cf: {  	v6 =	vadd.s32 s7, v1;
	v3 =	vadd.f32 v4, v3;
	v2 =	vadd.f32 v2, v5;
	_ =	sdelay $0x1  }
0x1d0: {  	v2 =	vadd.f32 v2, v3  }
0x1d1: {  	s6 =	sadd.s32 $0x10, s6  }
0x1d2: {  	[tilespmem:s6+$0x0] =	vst v2  }
0x1d3: {  	v2 =	vld.idx.msk [tilespmem:v6+s13+$0x0], $0xffff  }
0x1d4: {  	v4 =	vld [tilespmem:$0x1FB40];
	_ =	sdelay $0x2  }
0x1d5: {  	v3 =	vmov s8  }
0x1d6: {  	v3 =	vshll.u32 v3, $0x7;
	v2 =	vshrl.u32 v2, $0x2  }
0x1d7: {  	v3 =	vadd.s32 v4, v3;
	v2 =	vand.u32 $0x40, v2  }
0x1d8: {  	v2 =	vor.u32 v3, v2  }
0x1d9: {  	v3 =	vor.u32 v0, v2  }
0x1da: {  	v5 =	vor.u32 v48, v2  }
0x1db: {  	v6 =	vor.u32 v35, v2  }
0x1dc: {  	p0 =	sne.s32 s8, $0x13;
	v44 =	vor.u32 v53, v2  }
.Ltmp3:
0x1dd: {  	_ = 	snop;
	(pc) =	sbr.rel @p0 .LBB2_9-.Ltmp3, $4  }
0x1de: {  	v4 =	vld.idx.msk [tilespmem:v3+s21+$0x0], $0xffff  }
0x1df: {  	v39 =	vmov v61;
	v26 =	vmov v45;
	v5 =	vld.idx.msk [tilespmem:v5+s21+$0x0], $0xffff  }
0x1e0: {  	v31 =	vmovc v60;
	v27 =	vmov v50;
	v10 =	vor.u32 v30, v2;
	v7 =	vor.u32 v34, v2;
	v3 =	vld.idx.msk [tilespmem:v6+s21+$0x0], $0xffff  }
0x1e1: {  	s7 =	smov.u32 s8;
	s8 =	sadd.s32 $0x1, s8;
	v11 =	vor.u32 v51, v2;
	v9 =	vor.u32 v29, v2;
	v8 =	vor.u32 v57, v2;
	v6 =	vld.idx.msk [tilespmem:v44+s21+$0x0], $0xffff  }
0x1e2: {  	[tilespmem:$0x1EF30] =	vst v0;
	v0 =	vld [tilespmem:$0x1F840];
	_ =	sdelay $0x4  }
0x1e3: {  	v12 =	vor.u32 v0, v2;
	v0 =	vld [tilespmem:$0x1F850];
	_ =	sdelay $0x4  }
0x1e4: {  	v13 =	vor.u32 v0, v2;
	v0 =	vld [tilespmem:$0x1F760];
	_ =	sdelay $0x4  }
0x1e5: {  	v14 =	vor.u32 v0, v2;
	v0 =	vld [tilespmem:$0x1F7A0];
	_ =	sdelay $0x4  }
0x1e6: {  	v15 =	vor.u32 v0, v2;
	v0 =	vld [tilespmem:$0x1F7B0];
	_ =	sdelay $0x4  }
0x1e7: {  	v17 =	vor.u32 v0, v2;
	v0 =	vld [tilespmem:$0x1F7C0];
	_ =	sdelay $0x4  }
0x1e8: {  	v18 =	vor.u32 v0, v2;
	v0 =	vld [tilespmem:$0x1F7E0];
	_ =	sdelay $0x4  }
0x1e9: {  	v19 =	vor.u32 v0, v2;
	v0 =	vld [tilespmem:$0x1F800];
	_ =	sdelay $0x4  }
0x1ea: {  	v20 =	vor.u32 v0, v2;
	v0 =	vld [tilespmem:$0x1F810];
	_ =	sdelay $0x4  }
0x1eb: {  	v22 =	vor.u32 v0, v2;
	v0 =	vld [tilespmem:$0x1F880];
	_ =	sdelay $0x4  }
0x1ec: {  	v25 =	vor.u32 v0, v2;
	v0 =	vld [tilespmem:$0x1F8C0];
	_ =	sdelay $0x4  }
0x1ed: {  	v21 =	vor.u32 v26, v2;
	v26 =	vor.u32 v0, v2;
	v0 =	vld [tilespmem:$0x1F910];
	_ =	sdelay $0x4  }
0x1ee: {  	v4 =	vmul.f32 v4, v27;
	v27 =	vor.u32 v0, v2;
	v0 =	vld [tilespmem:$0x1F970];
	_ =	sdelay $0x4  }
0x1ef: {  	v5 =	vmul.f32 v5, v31;
	v31 =	vor.u32 v0, v2;
	v0 =	vld [tilespmem:$0x1F9C0];
	_ =	sdelay $0x3  }
0x1f0: {  	v12 =	vld.idx.msk [tilespmem:v12+s21+$0x0], $0xffff  }
0x1f1: {  	v33 =	vor.u32 v0, v2;
	v0 =	vld [tilespmem:$0x1F920];
	_ =	sdelay $0x3  }
0x1f2: {  	v13 =	vld.idx.msk [tilespmem:v13+s21+$0x0], $0xffff  }
0x1f3: {  	v12 =	vmul.f32 v12, v0;
	v0 =	vld [tilespmem:$0x1F940];
	_ =	sdelay $0x4  }
0x1f4: {  	v13 =	vmul.f32 v13, v0;
	v0 =	vld [tilespmem:$0x1F9E0];
	_ =	sdelay $0x3  }
0x1f5: {  	v14 =	vld.idx.msk [tilespmem:v14+s21+$0x0], $0xffff  }
0x1f6: {  	v36 =	vor.u32 v0, v2;
	v0 =	vld [tilespmem:$0x1F830];
	_ =	sdelay $0x2  }
0x1f7: {  	[tilespmem:$0x1EF70] =	vst v30;
	v30 =	vlaneseq.u32  }
0x1f8: {  	v16 =	vor.u32 v30, v2;
	v15 =	vld.idx.msk [tilespmem:v15+s21+$0x0], $0xffff  }
0x1f9: {  	v14 =	vmul.f32 v14, v0;
	v0 =	vld [tilespmem:$0x1F870];
	_ =	sdelay $0x3  }
0x1fa: {  	v16 =	vld.idx.msk [tilespmem:v16+s21+$0x0], $0xffff  }
0x1fb: {  	v15 =	vmul.f32 v15, v0;
	v0 =	vld [tilespmem:$0x1F820];
	_ =	sdelay $0x3  }
0x1fc: {  	v17 =	vld.idx.msk [tilespmem:v17+s21+$0x0], $0xffff  }
0x1fd: {  	v16 =	vmul.f32 v16, v0;
	v0 =	vld [tilespmem:$0x1F890];
	_ =	sdelay $0x3  }
0x1fe: {  	v18 =	vld.idx.msk [tilespmem:v18+s21+$0x0], $0xffff  }
0x1ff: {  	v17 =	vmul.f32 v17, v0;
	v0 =	vld [tilespmem:$0x1F8B0];
	_ =	sdelay $0x3  }
0x200: {  	v19 =	vld.idx.msk [tilespmem:v19+s21+$0x0], $0xffff  }
0x201: {  	v18 =	vmul.f32 v18, v0;
	v0 =	vld [tilespmem:$0x1F8D0];
	_ =	sdelay $0x3  }
0x202: {  	v20 =	vld.idx.msk [tilespmem:v20+s21+$0x0], $0xffff  }
0x203: {  	v19 =	vmul.f32 v19, v0;
	v0 =	vld [tilespmem:$0x1F8E0];
	_ =	sdelay $0x2  }
0x204: {  	v10 =	vld.idx.msk [tilespmem:v10+s21+$0x0], $0xffff  }
0x205: {  	v22 =	vld.idx.msk [tilespmem:v22+s21+$0x0], $0xffff  }
0x206: {  	v20 =	vmul.f32 v20, v0;
	v0 =	vld [tilespmem:$0x1F900]  }
0x207: {  	v7 =	vld.idx.msk [tilespmem:v7+s21+$0x0], $0xffff  }
0x208: {  	v11 =	vld.idx.msk [tilespmem:v11+s21+$0x0], $0xffff  }
0x209: {  	v9 =	vld.idx.msk [tilespmem:v9+s21+$0x0], $0xffff  }
0x20a: {  	v25 =	vld.idx.msk [tilespmem:v25+s21+$0x0], $0xffff  }
0x20b: {  	v22 =	vmul.f32 v22, v0;
	v0 =	vld [tilespmem:$0x1F960]  }
0x20c: {  	v8 =	vld.idx.msk [tilespmem:v8+s21+$0x0], $0xffff  }
0x20d: {  	[tilespmem:$0x1EF20] =	vst v48;
	v48 =	vld [tilespmem:$0x1F9A0]  }
0x20e: {  	[tilespmem:$0x1EF90] =	vst v51;
	v1 =	vor.u32 v28, v2;
	v51 =	vld [tilespmem:$0x1F9D0];
	v16 =	vadd.f32 $0.0e+00, v16  }
0x20f: {  	v26 =	vld.idx.msk [tilespmem:v26+s21+$0x0], $0xffff  }
0x210: {  	v14 =	vadd.f32 v14, v16;
	v16 =	vmul.f32 v25, v0;
	v0 =	vld [tilespmem:$0x1F980]  }
0x211: {  	[tilespmem:$0x1EF40] =	vst v53;
	v53 =	vld [tilespmem:$0x1FA20]  }
0x212: {  	[tilespmem:$0x1EFA0] =	vst v57;
	v57 =	vld [tilespmem:$0x1FA30]  }
0x213: {  	v38 =	vor.u32 v39, v2;
	v1 =	vld.idx.msk [tilespmem:v1+s21+$0x0], $0xffff;
	v18 =	vadd.f32 $0.0e+00, v18  }
0x214: {  	v23 =	vor.u32 v32, v2;
	v3 =	vmul.f32 v3, v42;
	v27 =	vld.idx.msk [tilespmem:v27+s21+$0x0], $0xffff  }
0x215: {  	[tilespmem:$0x1F010] =	vst v52;
	v17 =	vadd.f32 $0.0e+00, v17;
	v18 =	vadd.f32 v20, v18;
	v20 =	vmul.f32 v26, v0;
	v0 =	vld [tilespmem:$0x1FA00]  }
0x216: {  	v24 =	vor.u32 v37, v2;
	[tilespmem:$0x1F020] =	vst v58;
	v6 =	vmul.f32 v6, v62;
	v11 =	vmul.f32 v11, v58;
	v58 =	vld [tilespmem:$0x1FA40]  }
0x217: {  	v10 =	vmul.f32 v10, v47;
	v7 =	vmul.f32 v7, v52;
	v33 =	vld.idx.msk [tilespmem:v33+s21+$0x0], $0xffff;
	v15 =	vadd.f32 v15, v17  }
0x218: {  	v8 =	vmul.f32 v8, v48;
	v52 =	vor.u32 v63, v2;
	v1 =	vmul.f32 v1, v51;
	v17 =	vld.idx.msk [tilespmem:v38+s21+$0x0], $0xffff  }
0x219: {  	v31 =	vld.idx.msk [tilespmem:v31+s21+$0x0], $0xffff;
	v2 =	vor.u32 v46, v2;
	v12 =	vadd.f32 v12, v14;
	v13 =	vadd.f32 v13, v15  }
0x21a: {  	v15 =	vld.idx.msk [tilespmem:v23+s21+$0x0], $0xffff;
	v19 =	vadd.f32 $0.0e+00, v19;
	v16 =	vadd.f32 v16, v18;
	v14 =	vmul.f32 v27, v0  }
0x21b: {  	v9 =	vmul.f32 v9, v43;
	v36 =	vld.idx.msk [tilespmem:v36+s21+$0x0], $0xffff;
	v8 =	vadd.f32 v8, v12;
	v1 =	vadd.f32 v1, v13  }
0x21c: {  	v12 =	vmul.f32 v33, v57;
	v13 =	vld.idx.msk [tilespmem:v21+s21+$0x0], $0xffff;
	v19 =	vadd.f32 v22, v19;
	v14 =	vadd.f32 v14, v16  }
0x21d: {  	v8 =	vadd.f32 v11, v8;
	v1 =	vadd.f32 v9, v1;
	v9 =	vmul.f32 v17, v41;
	v22 =	vld.idx.msk [tilespmem:v52+s21+$0x0], $0xffff  }
0x21e: {  	v18 =	vadd.f32 v20, v19;
	v19 =	vmul.f32 v31, v53;
	v11 =	vadd.f32 v12, v14  }
0x21f: {  	v2 =	vld.idx.msk [tilespmem:v2+s21+$0x0], $0xffff;
	v8 =	vadd.f32 v10, v8;
	v1 =	vadd.f32 v7, v1;
	v7 =	vmul.f32 v15, v54  }
0x220: {  	v16 =	vadd.f32 v19, v18;
	v18 =	vmul.f32 v36, v58;
	v9 =	vadd.f32 v9, v11  }
0x221: {  	v3 =	vadd.f32 v3, v8;
	v1 =	vadd.f32 v6, v1;
	v6 =	vmul.f32 v13, v56;
	v19 =	vld.idx.msk [tilespmem:v24+s21+$0x0], $0xffff  }
0x222: {  	v12 =	vadd.f32 v18, v16;
	v14 =	vmul.f32 v22, v59;
	v7 =	vadd.f32 v7, v9  }
0x223: {  	v3 =	vadd.f32 v4, v3  }
0x224: {  	v2 =	vmul.f32 v2, v49;
	v10 =	vadd.f32 v14, v12;
	v4 =	vadd.f32 v6, v7;
	v7 =	vld [tilespmem:$0x1FF40]  }
0x225: {  	v0 =	vld [tilespmem:$0x1F6E0]  }
0x226: {  	v8 =	vmul.f32 v19, v55;
	v2 =	vadd.f32 v2, v10;
	_ =	sdelay $0x1  }
0x227: {  	v1 =	vadd.f32 v5, v1;
	v2 =	vadd.f32 v8, v2  }
0x228: {  	v11 =	vadd.s32 $0x21, v7  }
0x229: {  	v1 =	vadd.f32 v1, v3;
	v2 =	vadd.f32 v2, v4;
	v4 =	vor.u32 v11, v0;
	_ =	sdelay $0x1  }
0x22a: {  	v1 =	vadd.f32 v2, v1  }
0x22b: {  	s6 =	sadd.s32 $0x10, s6  }
0x22c: {  	v27 =	vadd.s32 $0x26, v7;
	[tilespmem:s6+$0x0] =	vst v1  }
0x22d: {  	[tilespmem:$0x1EFE0] =	vst v42;
	v42 =	vld.idx.msk [tilespmem:v4+s16+$0x0], $0xffff;
	v4 =	vor.u32 v27, v0;
	_ =	sdelay $0x3  }
0x22e: {  	v38 =	vadd.s32 $0x2B, v7  }
0x22f: {  	[tilespmem:$0x1F0A0] =	vst v56;
	v56 =	vld.idx.msk [tilespmem:v4+s16+$0x0], $0xffff;
	v4 =	vor.u32 v38, v0;
	_ =	sdelay $0x1  }
0x230: {  	v25 =	vadd.s32 $0x24, v7  }
0x231: {  	v1 =	vor.u32 v25, v0  }
0x232: {  	v51 =	vadd.s32 $0x30, v7  }
0x233: {  	[tilespmem:$0x1F040] =	vst v63;
	v63 =	vld.idx.msk [tilespmem:v4+s16+$0x0], $0xffff;
	v4 =	vor.u32 v51, v0;
	_ =	sdelay $0x2  }
0x234: {  	v44 =	vld.idx.msk [tilespmem:v1+s16+$0x0], $0xffff  }
0x235: {  	v1 =	vld [tilespmem:$0x1FCA0]  }
0x236: {  	v52 =	vld.idx.msk [tilespmem:v4+s16+$0x0], $0xffff  }
0x237: {  	v10 =	vadd.s32 $0x20, v7;
	v4 =	vld [tilespmem:$0x1FCE0]  }
0x238: {  	[tilespmem:$0x1EFB0] =	vst v28;
	v18 =	vadd.s32 $0x22, v7;
	v24 =	vadd.s32 $0x23, v7;
	v26 =	vadd.s32 $0x25, v7  }
0x239: {  	[tilespmem:$0x1F000] =	vst v47;
	v28 =	vadd.s32 $0x27, v7;
	v31 =	vadd.s32 $0x28, v7;
	v33 =	vadd.s32 $0x29, v7  }
0x23a: {  	[tilespmem:$0x1F050] =	vst v46;
	v36 =	vadd.s32 $0x2A, v7;
	v46 =	vadd.s32 $0x2C, v7;
	v47 =	vadd.s32 $0x2D, v7  }
0x23b: {  	[tilespmem:$0x1F090] =	vst v49;
	v48 =	vadd.s32 $0x2E, v7;
	v49 =	vadd.s32 $0x2F, v7;
	v7 =	vor.u32 v1, v0  }
0x23c: {  	v9 =	vor.u32 v4, v0;
	v4 =	vld [tilespmem:$0x1FCF0];
	_ =	sdelay $0x3  }
0x23d: {  	[tilespmem:$0x1F030] =	vst v43;
	v43 =	vld.idx.msk [tilespmem:v7+s16+$0x0], $0xffff  }
0x23e: {  	v7 =	vor.u32 v4, v0;
	v4 =	vld [tilespmem:$0x1FD00];
	_ =	sdelay $0x3  }
0x23f: {  	v8 =	vld [tilespmem:$0x1FCD0]  }
0x240: {  	v12 =	vor.u32 v4, v0;
	v4 =	vld [tilespmem:$0x1FD10];
	_ =	sdelay $0x3  }
0x241: {  	v8 =	vor.u32 v8, v0  }
0x242: {  	v13 =	vor.u32 v4, v0;
	v4 =	vld [tilespmem:$0x1FD20];
	_ =	sdelay $0x3  }
0x243: {  	[tilespmem:$0x1F0B0] =	vst v55;
	v55 =	vld.idx.msk [tilespmem:v8+s16+$0x0], $0xffff  }
0x244: {  	v8 =	vor.u32 v4, v0;
	v4 =	vld [tilespmem:$0x1FD30];
	_ =	sdelay $0x3  }
0x245: {  	[tilespmem:$0x1F080] =	vst v54;
	v54 =	vld.idx.msk [tilespmem:v9+s16+$0x0], $0xffff  }
0x246: {  	v9 =	vor.u32 v4, v0;
	v4 =	vld.idx.msk [tilespmem:v7+s16+$0x0], $0xffff;
	_ =	sdelay $0x4  }
0x247: {  	[tilespmem:$0x1F5B0] =	vst v4;
	v4 =	vld [tilespmem:$0x1FD40];
	_ =	sdelay $0x4  }
0x248: {  	v14 =	vor.u32 v4, v0;
	v4 =	vld [tilespmem:$0x1FD50];
	_ =	sdelay $0x4  }
0x249: {  	v15 =	vor.u32 v4, v0;
	v4 =	vld.idx.msk [tilespmem:v13+s16+$0x0], $0xffff;
	_ =	sdelay $0x4  }
0x24a: {  	[tilespmem:$0x1F5C0] =	vst v4;
	v4 =	vld.idx.msk [tilespmem:v8+s16+$0x0], $0xffff;
	_ =	sdelay $0x4  }
0x24b: {  	[tilespmem:$0x1F5D0] =	vst v4;
	v4 =	vld [tilespmem:$0x1FD60];
	_ =	sdelay $0x4  }
0x24c: {  	v17 =	vor.u32 v4, v0;
	v4 =	vld.idx.msk [tilespmem:v9+s16+$0x0], $0xffff;
	_ =	sdelay $0x1  }
0x24d: {  	v3 =	vor.u32 v10, v0  }
0x24e: {  	[tilespmem:$0x1EF80] =	vst v29;
	v29 =	vld [tilespmem:$0x1FCB0];
	v2 =	vor.u32 v18, v0  }
0x24f: {  	v53 =	vld [tilespmem:$0x1FAE0];
	v5 =	vor.u32 v24, v0  }
0x250: {  	[tilespmem:$0x1F5F0] =	vst v4;
	v4 =	vld [tilespmem:$0x1FD70]  }
0x251: {  	v58 =	vld [tilespmem:$0x1FCC0];
	v6 =	vor.u32 v33, v0  }
0x252: {  	v39 =	vld.idx.msk [tilespmem:v3+s16+$0x0], $0xffff;
	v3 =	vor.u32 v26, v0  }
0x253: {  	v57 =	vld.idx.msk [tilespmem:v2+s16+$0x0], $0xffff;
	v2 =	vor.u32 v28, v0  }
0x254: {  	v40 =	vld.idx.msk [tilespmem:v5+s16+$0x0], $0xffff;
	v5 =	vor.u32 v31, v0  }
0x255: {  	v19 =	vor.u32 v4, v0;
	v4 =	vld.idx.msk [tilespmem:v14+s16+$0x0], $0xffff  }
0x256: {  	[tilespmem:$0x1F070] =	vst v59;
	v59 =	vld.idx.msk [tilespmem:v6+s16+$0x0], $0xffff;
	v6 =	vor.u32 v48, v0  }
0x257: {  	[tilespmem:$0x1EFF0] =	vst v62;
	v62 =	vld.idx.msk [tilespmem:v3+s16+$0x0], $0xffff;
	v3 =	vor.u32 v36, v0  }
0x258: {  	[tilespmem:$0x1EFC0] =	vst v32;
	v32 =	vld.idx.msk [tilespmem:v2+s16+$0x0], $0xffff;
	v2 =	vor.u32 v46, v0  }
0x259: {  	[tilespmem:$0x1EF60] =	vst v34;
	v34 =	vld.idx.msk [tilespmem:v5+s16+$0x0], $0xffff;
	v5 =	vor.u32 v47, v0  }
0x25a: {  	[tilespmem:$0x1F600] =	vst v4;
	v4 =	vld [tilespmem:$0x1FD80]  }
0x25b: {  	[tilespmem:$0x1F060] =	vst v41;
	v41 =	vld.idx.msk [tilespmem:v6+s16+$0x0], $0xffff  }
0x25c: {  	[tilespmem:$0x1EF50] =	vst v35;
	v35 =	vld.idx.msk [tilespmem:v3+s16+$0x0], $0xffff  }
0x25d: {  	[tilespmem:$0x1EFD0] =	vst v37;
	v37 =	vld.idx.msk [tilespmem:v2+s16+$0x0], $0xffff  }
0x25e: {  	v20 =	vor.u32 v10, v53;
	v6 =	vor.u32 v58, v0;
	v2 =	vld.idx.msk [tilespmem:v5+s16+$0x0], $0xffff  }
0x25f: {  	v3 =	vor.u32 v49, v0;
	v5 =	vor.u32 v29, v0;
	v0 =	vor.u32 v4, v0;
	v4 =	vld.idx.msk [tilespmem:v15+s16+$0x0], $0xffff;
	_ =	sdelay $0x4  }
0x260: {  	v21 =	vor.u32 v11, v53;
	[tilespmem:$0x1F640] =	vst v4;
	v4 =	vld.idx.msk [tilespmem:v20+s18+$0x0], $0xffff;
	_ =	sdelay $0x4  }
0x261: {  	v23 =	vor.u32 v18, v53;
	[tilespmem:$0x1F110] =	vst v4;
	v4 =	vld.idx.msk [tilespmem:v21+s18+$0x0], $0xffff;
	_ =	sdelay $0x1  }
0x262: {  	v7 =	vld.idx.msk [tilespmem:v12+s16+$0x0], $0xffff  }
0x263: {  	v12 =	vld [tilespmem:$0x1F6F0]  }
0x264: {  	v0 =	vld.idx.msk [tilespmem:v0+s16+$0x0], $0xffff  }
0x265: {  	[tilespmem:$0x1F130] =	vst v4;
	v4 =	vld.idx.msk [tilespmem:v23+s18+$0x0], $0xffff;
	_ =	sdelay $0x1  }
0x266: {  	s8 =	simm.s32 $0x0  }
0x267: {  	[tilespmem:$0x1F0E0] =	vst v18;
	v16 =	vadd.s32 s8, v12  }
0x268: {  	v18 =	vld.idx.msk [tilespmem:v19+s16+$0x0], $0xffff;
	[tilespmem:$0x1F650] =	vst v0;
	v0 =	vor.u32 v25, v53  }
0x269: {  	v19 =	vor.u32 v24, v53;
	[tilespmem:$0x1F150] =	vst v4;
	v4 =	vld [tilespmem:$0x1FB40];
	_ =	sdelay $0x2  }
0x26a: {  	[tilespmem:$0x1F0F0] =	vst v24;
	v22 =	vld.idx.msk [tilespmem:v16+s13+$0x0], $0xffff;
	v24 =	vmov s8  }
0x26b: {  	v24 =	vshll.u32 v24, $0x7;
	v0 =	vld.idx.msk [tilespmem:v0+s18+$0x0], $0xffff  }
0x26c: {  	v24 =	vadd.s32 v4, v24;
	v4 =	vld.idx.msk [tilespmem:v19+s18+$0x0], $0xffff  }
0x26d: {  	v20 =	vor.u32 v26, v53;
	_ =	sdelay $0x1  }
0x26e: {  	v22 =	vshrl.u32 v22, $0x2  }
0x26f: {  	v22 =	vand.u32 $0x40, v22;
	[tilespmem:$0x1F190] =	vst v0  }
0x270: {  	v19 =	vor.u32 v24, v22;
	[tilespmem:$0x1F170] =	vst v4;
	v4 =	vadd.s32 $0x28, v30  }
0x271: {  	v21 =	vor.u32 v27, v53;
	[tilespmem:$0x1F1A0] =	vst v4;
	v0 =	vor.u32 v4, v19;
	v4 =	vld.idx.msk [tilespmem:v20+s18+$0x0], $0xffff;
	_ =	sdelay $0x4  }
0x272: {  	v23 =	vor.u32 v28, v53;
	[tilespmem:$0x1F1B0] =	vst v4;
	v4 =	vld.idx.msk [tilespmem:v21+s18+$0x0], $0xffff;
	_ =	sdelay $0x3  }
0x273: {  	[tilespmem:$0x1F100] =	vst v25  }
0x274: {  	v25 =	vor.u32 v31, v53;
	[tilespmem:$0x1F1D0] =	vst v4;
	v4 =	vld.idx.msk [tilespmem:v23+s18+$0x0], $0xffff;
	_ =	sdelay $0x1  }
0x275: {  	[tilespmem:$0x1F140] =	vst v27;
	v8 =	vor.u32 $0x20, v30  }
0x276: {  	[tilespmem:$0x1F280] =	vst v33;
	v20 =	vor.u32 v8, v19  }
0x277: {  	[tilespmem:$0x1F2A0] =	vst v36  }
0x278: {  	[tilespmem:$0x1F1F0] =	vst v4;
	v4 =	vld.idx.msk [tilespmem:v25+s18+$0x0], $0xffff  }
0x279: {  	[tilespmem:$0x1F1C0] =	vst v8;
	v8 =	vadd.s32 $0x24, v30  }
0x27a: {  	[tilespmem:$0x1F290] =	vst v39;
	v9 =	vadd.s32 $0x21, v30;
	v22 =	vor.u32 v8, v19  }
0x27b: {  	v33 =	vor.u32 v33, v53;
	[tilespmem:$0x1F1E0] =	vst v9;
	v20 =	vld.idx.msk [tilespmem:v20+s21+$0x0], $0xffff  }
0x27c: {  	v36 =	vor.u32 v36, v53;
	[tilespmem:$0x1F200] =	vst v8;
	v8 =	vadd.s32 $0x22, v30  }
0x27d: {  	v24 =	vor.u32 v8, v19;
	v21 =	vor.u32 v9, v19;
	[tilespmem:$0x1F210] =	vst v4;
	v4 =	vadd.s32 $0x23, v30  }
0x27e: {  	v9 =	vadd.s32 $0x25, v30;
	[tilespmem:$0x1F240] =	vst v4;
	v25 =	vor.u32 v4, v19;
	v4 =	vadd.s32 $0x27, v30  }
0x27f: {  	v22 =	vld.idx.msk [tilespmem:v22+s21+$0x0], $0xffff;
	v23 =	vor.u32 v9, v19;
	[tilespmem:$0x1F260] =	vst v4;
	v27 =	vor.u32 v4, v19;
	v4 =	vadd.s32 $0x2A, v30  }
0x280: {  	v20 =	vmul.f32 v20, v39;
	[tilespmem:$0x1F2C0] =	vst v4;
	v39 =	vor.u32 v4, v19;
	v4 =	vld.idx.msk [tilespmem:v33+s18+$0x0], $0xffff;
	_ =	sdelay $0x1  }
0x281: {  	v21 =	vld.idx.msk [tilespmem:v21+s21+$0x0], $0xffff  }
0x282: {  	v24 =	vld.idx.msk [tilespmem:v24+s21+$0x0], $0xffff  }
0x283: {  	[tilespmem:$0x1F2D0] =	vst v44;
	v23 =	vld.idx.msk [tilespmem:v23+s21+$0x0], $0xffff  }
0x284: {  	v22 =	vmul.f32 v22, v44;
	v44 =	vor.u32 v38, v53;
	[tilespmem:$0x1F310] =	vst v4;
	v4 =	vld.idx.msk [tilespmem:v36+s18+$0x0], $0xffff  }
0x285: {  	v25 =	vld.idx.msk [tilespmem:v25+s21+$0x0], $0xffff  }
0x286: {  	[tilespmem:$0x1F230] =	vst v8;
	v8 =	vadd.s32 $0x26, v30;
	v20 =	vadd.f32 $0.0e+00, v20;
	v21 =	vmul.f32 v21, v42  }
0x287: {  	[tilespmem:$0x1F120] =	vst v26;
	v26 =	vor.u32 v8, v19  }
0x288: {  	v20 =	vadd.f32 v22, v20;
	v21 =	vadd.f32 $0.0e+00, v21;
	v23 =	vmul.f32 v23, v62  }
0x289: {  	v22 =	vmul.f32 v24, v57;
	v24 =	vor.u32 v46, v53;
	[tilespmem:$0x1F340] =	vst v4;
	v4 =	vld.idx.msk [tilespmem:v44+s18+$0x0], $0xffff  }
0x28a: {  	v21 =	vadd.f32 v23, v21;
	v23 =	vmul.f32 v25, v40;
	v25 =	vor.u32 v47, v53;
	_ =	sdelay $0x2  }
0x28b: {  	v26 =	vld.idx.msk [tilespmem:v26+s21+$0x0], $0xffff  }
0x28c: {  	[tilespmem:$0x1F3B0] =	vst v4;
	v4 =	vld.idx.msk [tilespmem:v24+s18+$0x0], $0xffff  }
0x28d: {  	[tilespmem:$0x1F2F0] =	vst v62;
	v62 =	vor.u32 v48, v53;
	v24 =	vor.u32 v1, v53;
	v1 =	vld.idx.msk [tilespmem:v25+s18+$0x0], $0xffff;
	_ =	sdelay $0x3  }
0x28e: {  	[tilespmem:$0x1F370] =	vst v56  }
0x28f: {  	v26 =	vmul.f32 v26, v56;
	v56 =	vor.u32 v49, v53;
	[tilespmem:$0x1F400] =	vst v1;
	v1 =	vld.idx.msk [tilespmem:v62+s18+$0x0], $0xffff;
	_ =	sdelay $0x3  }
0x290: {  	[tilespmem:$0x1F320] =	vst v57  }
0x291: {  	v57 =	vor.u32 v51, v53;
	[tilespmem:$0x1F410] =	vst v1;
	v1 =	vld.idx.msk [tilespmem:v56+s18+$0x0], $0xffff  }
0x292: {  	[tilespmem:$0x1F250] =	vst v8;
	v8 =	vadd.s32 $0x29, v30  }
0x293: {  	[tilespmem:$0x1F180] =	vst v31;
	v31 =	vor.u32 v8, v19;
	_ =	sdelay $0x2  }
0x294: {  	[tilespmem:$0x1F430] =	vst v1;
	v1 =	vld.idx.msk [tilespmem:v57+s18+$0x0], $0xffff;
	_ =	sdelay $0x1  }
0x295: {  	v31 =	vld.idx.msk [tilespmem:v31+s21+$0x0], $0xffff;
	_ =	sdelay $0x2  }
0x296: {  	[tilespmem:$0x1F460] =	vst v1;
	v1 =	vld.idx.msk [tilespmem:v24+s18+$0x0], $0xffff;
	_ =	sdelay $0x1  }
0x297: {  	v31 =	vmul.f32 v31, v59;
	v22 =	vadd.f32 $0.0e+00, v22  }
0x298: {  	v0 =	vld.idx.msk [tilespmem:v0+s21+$0x0], $0xffff  }
0x299: {  	v22 =	vadd.f32 v26, v22;
	v26 =	vadd.f32 v31, v21;
	v21 =	vor.u32 v29, v53;
	v29 =	vld [tilespmem:$0x1FDA0]  }
0x29a: {  	[tilespmem:$0x1F480] =	vst v1;
	v1 =	vld [tilespmem:$0x1FE40];
	_ =	sdelay $0x2  }
0x29b: {  	v0 =	vmul.f32 v0, v34;
	v27 =	vld.idx.msk [tilespmem:v27+s21+$0x0], $0xffff;
	_ =	sdelay $0x1  }
0x29c: {  	v0 =	vadd.f32 v0, v20;
	v20 =	vsel vm0, v1, v29;
	v1 =	vld.idx.msk [tilespmem:v21+s18+$0x0], $0xffff;
	_ =	sdelay $0x2  }
0x29d: {  	v27 =	vmul.f32 v27, v32;
	v23 =	vadd.f32 $0.0e+00, v23  }
0x29e: {  	[tilespmem:$0x1F160] =	vst v28;
	v28 =	vld [tilespmem:$0x1FDD0]  }
0x29f: {  	v23 =	vadd.f32 v27, v23;
	v27 =	vor.u32 v58, v53;
	[tilespmem:$0x1F4A0] =	vst v1;
	v1 =	vld [tilespmem:$0x1FE50];
	_ =	sdelay $0x2  }
0x2a0: {  	[tilespmem:$0x1F2B0] =	vst v42  }
0x2a1: {  	[tilespmem:$0x1F3D0] =	vst v59;
	v33 =	vld.idx.msk [tilespmem:v39+s21+$0x0], $0xffff  }
0x2a2: {  	[tilespmem:$0x1F270] =	vst v8;
	v8 =	vadd.s32 $0x2B, v30;
	v39 =	vsel vm0, v1, v28;
	v1 =	vld.idx.msk [tilespmem:v27+s18+$0x0], $0xffff  }
0x2a3: {  	[tilespmem:$0x1F2E0] =	vst v8;
	v42 =	vor.u32 v8, v19;
	v8 =	vadd.s32 $0x2C, v30  }
0x2a4: {  	[tilespmem:$0x1F450] =	vst v8  }
0x2a5: {  	v15 =	vor.u32 $0x30, v30;
	v59 =	vor.u32 v8, v19;
	[tilespmem:$0x1F3F0] =	vst v4;
	v4 =	vadd.s32 $0x2D, v30  }
0x2a6: {  	v8 =	vadd.s32 $0x2E, v30;
	[tilespmem:$0x1F470] =	vst v4;
	v62 =	vor.u32 v4, v19;
	v4 =	vadd.s32 $0x2F, v30;
	v30 =	vld [tilespmem:$0x1FE00]  }
0x2a7: {  	[tilespmem:$0x1F4C0] =	vst v1;
	v1 =	vld [tilespmem:$0x1FE60];
	_ =	sdelay $0x3  }
0x2a8: {  	[tilespmem:$0x1F380] =	vst v48;
	v48 =	vld.idx.msk [tilespmem:v42+s21+$0x0], $0xffff  }
0x2a9: {  	v44 =	vsel vm0, v1, v30;
	v1 =	vld [tilespmem:$0x1FDC0];
	_ =	sdelay $0x3  }
0x2aa: {  	[tilespmem:$0x1F440] =	vst v63  }
0x2ab: {  	v31 =	vmul.f32 v48, v63;
	[tilespmem:$0x1F4B0] =	vst v4;
	v63 =	vor.u32 v4, v19;
	v4 =	vcombine.low v1, v39;
	v1 =	vld [tilespmem:$0x1FDF0];
	_ =	sdelay $0x4  }
0x2ac: {  	[tilespmem:$0x1F490] =	vst v8;
	v24 =	vor.u32 v8, v19;
	v8 =	vcombine.low v1, v44;
	v1 =	vld [tilespmem:$0x1FD90];
	_ =	sdelay $0x4  }
0x2ad: {  	v21 =	vsel vm0, v29, v1;
	v1 =	vld [tilespmem:$0x1FE20];
	_ =	sdelay $0x3  }
0x2ae: {  	[tilespmem:$0x1F420] =	vst v35  }
0x2af: {  	v25 =	vmul.f32 v33, v35;
	[tilespmem:$0x1F4E0] =	vst v4;
	v35 =	vor.u32 v4, v19;
	v4 =	vcombine.low v21, v1;
	v1 =	vld [tilespmem:$0x1FDB0];
	_ =	sdelay $0x4  }
0x2b0: {  	v21 =	vsel vm0, v28, v1;
	v1 =	vld [tilespmem:$0x1FDE0];
	_ =	sdelay $0x3  }
0x2b1: {  	v28 =	vld [tilespmem:$0x1FE10]  }
0x2b2: {  	v25 =	vadd.f32 v25, v22;
	v22 =	vsel vm0, v30, v1;
	v1 =	vld [tilespmem:$0x1FE30];
	_ =	sdelay $0x2  }
0x2b3: {  	[tilespmem:$0x1F300] =	vst v38;
	v38 =	vld [tilespmem:$0x1FF80]  }
0x2b4: {  	v33 =	vld.idx.msk [tilespmem:v59+s21+$0x0], $0xffff  }
0x2b5: {  	v59 =	vsel vm0, v1, v28;
	v1 =	vld [tilespmem:$0x1FE70]  }
0x2b6: {  	v23 =	vadd.f32 v31, v23;
	v31 =	vld.idx.msk [tilespmem:v62+s21+$0x0], $0xffff;
	_ =	sdelay $0x1  }
0x2b7: {  	v57 =	vld [tilespmem:$0x1FFD0]  }
0x2b8: {  	[tilespmem:$0x1F0C0] =	vst v10;
	v30 =	vor.u32 v4, v19  }
0x2b9: {  	[tilespmem:$0x1F360] =	vst v47;
	v47 =	vcombine.low v59, v1;
	v1 =	vld [tilespmem:$0x1FE90]  }
0x2ba: {  	[tilespmem:$0x1F530] =	vst v2;
	v31 =	vmul.f32 v31, v2;
	v2 =	vld [tilespmem:$0x1FCD0];
	v10 =	vcombine.low v38, v20  }
0x2bb: {  	[tilespmem:$0x1F3C0] =	vst v34;
	v24 =	vld.idx.msk [tilespmem:v24+s21+$0x0], $0xffff  }
0x2bc: {  	[tilespmem:$0x1F4D0] =	vst v10;
	v34 =	vor.u32 v10, v19;
	v10 =	vld [tilespmem:$0x1FFF0];
	v29 =	vcombine.low v21, v57  }
0x2bd: {  	v26 =	vadd.f32 v31, v26;
	v31 =	vld.idx.msk [tilespmem:v30+s21+$0x0], $0xffff  }
0x2be: {  	[tilespmem:$0x1F4F0] =	vst v8;
	v48 =	vor.u32 v8, v19;
	v8 =	vcombine.low v39, v1;
	v39 =	vor.u32 v29, v19;
	_ =	sdelay $0x2  }
0x2bf: {  	[tilespmem:$0x1F3A0] =	vst v49;
	v24 =	vmul.f32 v24, v41;
	v49 =	vor.u32 v10, v19  }
0x2c0: {  	[tilespmem:$0x1F5A0] =	vst v54;
	v27 =	vor.u32 v15, v19;
	v31 =	vmul.f32 v31, v54;
	v54 =	vor.u32 v2, v53;
	v2 =	vld [tilespmem:$0x1F5B0]  }
0x2c1: {  	v24 =	vadd.f32 v24, v25;
	v25 =	vld.idx.msk [tilespmem:v39+s21+$0x0], $0xffff;
	_ =	sdelay $0x1  }
0x2c2: {  	v1 =	vld [tilespmem:$0x1FEA0]  }
0x2c3: {  	v49 =	vld.idx.msk [tilespmem:v49+s21+$0x0], $0xffff  }
0x2c4: {  	v27 =	vld.idx.msk [tilespmem:v27+s21+$0x0], $0xffff  }
0x2c5: {  	v25 =	vmul.f32 v25, v2;
	v2 =	vld [tilespmem:$0x1FCE0];
	_ =	sdelay $0x1  }
0x2c6: {  	[tilespmem:$0x1F0D0] =	vst v11;
	v11 =	vld.idx.msk [tilespmem:v17+s16+$0x0], $0xffff;
	v17 =	vmov v4;
	v4 =	vcombine.low v44, v1;
	_ =	sdelay $0x1  }
0x2c7: {  	[tilespmem:$0x1F560] =	vst v52;
	v56 =	vor.u32 v4, v19  }
0x2c8: {  	v14 =	vmovc v55;
	v27 =	vmul.f32 v27, v52;
	v52 =	vmul.f32 v49, v55;
	v55 =	vor.u32 v2, v53;
	v2 =	vld [tilespmem:$0x1FCF0];
	_ =	sdelay $0x1  }
0x2c9: {  	v1 =	vld [tilespmem:$0x1FE80]  }
0x2ca: {  	[tilespmem:$0x1F330] =	vst v46;
	v46 =	vld.idx.msk [tilespmem:v34+s21+$0x0], $0xffff  }
0x2cb: {  	[tilespmem:$0x1F3E0] =	vst v51;
	v51 =	vor.u32 v47, v19;
	v39 =	vld.idx.msk [tilespmem:v56+s21+$0x0], $0xffff  }
0x2cc: {  	v56 =	vor.u32 v2, v53;
	v2 =	vld [tilespmem:$0x1FD00];
	_ =	sdelay $0x1  }
0x2cd: {  	v5 =	vld.idx.msk [tilespmem:v5+s16+$0x0], $0xffff;
	[tilespmem:$0x1F500] =	vst v29;
	v29 =	vmov v12;
	v12 =	vcombine.low v20, v1  }
0x2ce: {  	v58 =	vmul.f32 v46, v43;
	v36 =	vld.idx.msk [tilespmem:v35+s21+$0x0], $0xffff  }
0x2cf: {  	v51 =	vld.idx.msk [tilespmem:v51+s21+$0x0], $0xffff;
	v59 =	vor.u32 v12, v19  }
0x2d0: {  	v33 =	vmul.f32 v33, v37;
	v26 =	vadd.f32 v58, v26;
	v58 =	vor.u32 v2, v53;
	v2 =	vld [tilespmem:$0x1F5C0];
	_ =	sdelay $0x1  }
0x2d1: {  	v0 =	vadd.f32 v33, v0;
	_ =	sdelay $0x1  }
0x2d2: {  	v0 =	vadd.f32 v27, v0;
	v27 =	vld.idx.msk [tilespmem:v59+s21+$0x0], $0xffff  }
0x2d3: {  	[tilespmem:$0x1F580] =	vst v5;
	v36 =	vmul.f32 v36, v5;
	v5 =	vmov v2;
	v59 =	vmul.f32 v51, v2;
	v2 =	vld [tilespmem:$0x1F5D0];
	_ =	sdelay $0x3  }
0x2d4: {  	v33 =	vor.u32 v8, v19  }
0x2d5: {  	[tilespmem:$0x1F350] =	vst v40;
	v40 =	vmov v2;
	v27 =	vmul.f32 v27, v2;
	v2 =	vld.idx.msk [tilespmem:v54+s18+$0x0], $0xffff;
	_ =	sdelay $0x3  }
0x2d6: {  	v33 =	vld.idx.msk [tilespmem:v33+s21+$0x0], $0xffff  }
0x2d7: {  	[tilespmem:$0x1F5E0] =	vst v2;
	v2 =	vld [tilespmem:$0x1F5F0];
	_ =	sdelay $0x4  }
0x2d8: {  	[tilespmem:$0x1F220] =	vst v9;
	v9 =	vmov v2;
	v33 =	vmul.f32 v33, v2;
	v2 =	vld [tilespmem:$0x1F600];
	_ =	sdelay $0x4  }
0x2d9: {  	v13 =	vmov v4;
	v4 =	vmov v2;
	v39 =	vmul.f32 v39, v2;
	v2 =	vld [tilespmem:$0x1FD10];
	_ =	sdelay $0x4  }
0x2da: {  	v0 =	vadd.f32 v52, v0;
	v52 =	vor.u32 v2, v53;
	v2 =	vld.idx.msk [tilespmem:v55+s18+$0x0], $0xffff;
	_ =	sdelay $0x1  }
0x2db: {  	v62 =	vld [tilespmem:$0x1FFE0];
	_ =	sdelay $0x1  }
0x2dc: {  	v6 =	vld.idx.msk [tilespmem:v6+s16+$0x0], $0xffff  }
0x2dd: {  	[tilespmem:$0x1F610] =	vst v2;
	v2 =	vld [tilespmem:$0x1FD20]  }
0x2de: {  	v3 =	vld.idx.msk [tilespmem:v3+s16+$0x0], $0xffff  }
0x2df: {  	v42 =	vld.idx.msk [tilespmem:v63+s21+$0x0], $0xffff;
	v28 =	vcombine.low v22, v62  }
0x2e0: {  	v48 =	vld.idx.msk [tilespmem:v48+s21+$0x0], $0xffff;
	v26 =	vadd.f32 v31, v26  }
0x2e1: {  	v63 =	vor.u32 v28, v19;
	v1 =	vld [tilespmem:$0x1FF90]  }
0x2e2: {  	v26 =	vadd.f32 v27, v26;
	v27 =	vor.u32 v2, v53;
	v2 =	vld.idx.msk [tilespmem:v56+s18+$0x0], $0xffff;
	_ =	sdelay $0x2  }
0x2e3: {  	v42 =	vmul.f32 v42, v3  }
0x2e4: {  	v44 =	vld.idx.msk [tilespmem:v63+s21+$0x0], $0xffff;
	v63 =	vor.u32 v1, v19  }
0x2e5: {  	v23 =	vadd.f32 v42, v23;
	v48 =	vmul.f32 v48, v6;
	[tilespmem:$0x1F620] =	vst v2;
	v2 =	vld.idx.msk [tilespmem:v58+s18+$0x0], $0xffff  }
0x2e6: {  	[tilespmem:$0x1F520] =	vst v37;
	v37 =	vld [tilespmem:$0x1FFB0]  }
0x2e7: {  	v23 =	vadd.f32 v48, v23;
	v48 =	vld [tilespmem:$0x1FFC0]  }
0x2e8: {  	[tilespmem:$0x1F510] =	vst v28;
	v28 =	vld [tilespmem:$0x1FFA0]  }
0x2e9: {  	v46 =	vld.idx.msk [tilespmem:v63+s21+$0x0], $0xffff  }
0x2ea: {  	[tilespmem:$0x1F630] =	vst v2;
	v2 =	vld [tilespmem:$0x1F640];
	_ =	sdelay $0x2  }
0x2eb: {  	v30 =	vor.u32 v28, v19  }
0x2ec: {  	v42 =	vor.u32 v37, v19;
	v19 =	vor.u32 v48, v19  }
0x2ed: {  	v16 =	vmov v8;
	v8 =	vmov v2;
	v54 =	vmul.f32 v46, v2;
	v2 =	vld [tilespmem:$0x1FD30];
	_ =	sdelay $0x2  }
0x2ee: {  	v31 =	vld.idx.msk [tilespmem:v30+s21+$0x0], $0xffff  }
0x2ef: {  	v19 =	vld.idx.msk [tilespmem:v19+s21+$0x0], $0xffff  }
0x2f0: {  	v55 =	vor.u32 v2, v53;
	v2 =	vld [tilespmem:$0x1F650];
	_ =	sdelay $0x3  }
0x2f1: {  	v31 =	vmul.f32 v31, v11  }
0x2f2: {  	v44 =	vmul.f32 v44, v7;
	v63 =	vmovc v7;
	v7 =	vmovc v11;
	v11 =	vmov v2;
	v19 =	vmul.f32 v19, v2;
	v2 =	vld [tilespmem:$0x1FD40];
	_ =	sdelay $0x4  }
0x2f3: {  	v58 =	vor.u32 v2, v53;
	v2 =	vld.idx.msk [tilespmem:v52+s18+$0x0], $0xffff;
	_ =	sdelay $0x4  }
0x2f4: {  	[tilespmem:$0x1F660] =	vst v2;
	v2 =	vld [tilespmem:$0x1FD50];
	_ =	sdelay $0x4  }
0x2f5: {  	v26 =	vadd.f32 v31, v26;
	v31 =	vor.u32 v2, v53;
	v2 =	vld.idx.msk [tilespmem:v27+s18+$0x0], $0xffff  }
0x2f6: {  	v24 =	vadd.f32 v36, v24;
	_ =	sdelay $0x1  }
0x2f7: {  	v24 =	vadd.f32 v25, v24;
	v25 =	vld.idx.msk [tilespmem:v42+s21+$0x0], $0xffff;
	_ =	sdelay $0x1  }
0x2f8: {  	[tilespmem:$0x1F670] =	vst v2;
	v2 =	vld [tilespmem:$0x1FD60];
	_ =	sdelay $0x2  }
0x2f9: {  	v25 =	vmul.f32 v25, v18;
	v24 =	vadd.f32 v33, v24;
	_ =	sdelay $0x1  }
0x2fa: {  	v24 =	vadd.f32 v25, v24;
	v25 =	vor.u32 v2, v53;
	v2 =	vld [tilespmem:$0x1FD70]  }
0x2fb: {  	v0 =	vadd.f32 v59, v0;
	_ =	sdelay $0x1  }
0x2fc: {  	v0 =	vadd.f32 v54, v0;
	_ =	sdelay $0x1  }
0x2fd: {  	v0 =	vadd.f32 v26, v0;
	v26 =	vor.u32 v2, v53;
	v2 =	vld.idx.msk [tilespmem:v55+s18+$0x0], $0xffff;
	_ =	sdelay $0x4  }
0x2fe: {  	[tilespmem:$0x1F680] =	vst v2;
	v2 =	vld [tilespmem:$0x1FD80];
	_ =	sdelay $0x4  }
0x2ff: {  	v59 =	vor.u32 v2, v53;
	v2 =	vld.idx.msk [tilespmem:v58+s18+$0x0], $0xffff;
	_ =	sdelay $0x1  }
0x300: {  	s7 =	simm.s32 $0x1  }
0x301: {  	[tilespmem:$0x1F570] =	vst v43;
	v43 =	vadd.s32 s7, v29;
	_ =	sdelay $0x1  }
0x302: {  	v23 =	vadd.f32 v44, v23;
	[tilespmem:$0x1F690] =	vst v2;
	v2 =	vld.idx.msk [tilespmem:v31+s18+$0x0], $0xffff;
	_ =	sdelay $0x1  }
0x303: {  	v23 =	vadd.f32 v39, v23  }
0x304: {  	s6 =	simm.s32 $0x1B800;
	v56 =	vld.idx.msk [tilespmem:v43+s13+$0x0], $0xffff  }
0x305: {  	v19 =	vadd.f32 v19, v23;
	v27 =	vld [tilespmem:s6+$0x0]  }
0x306: {  	[tilespmem:$0x1F6A0] =	vst v2;
	v2 =	vld [tilespmem:$0x1FB40]  }
0x307: {  	v19 =	vadd.f32 v19, v24;
	_ =	sdelay $0x1  }
0x308: {  	v23 =	vmov s7;
	v0 =	vadd.f32 v19, v0  }
0x309: {  	v23 =	vshll.u32 v23, $0x7;
	v24 =	vshrl.u32 v56, $0x2  }
0x30a: {  	v19 =	vadd.s32 v2, v23;
	v23 =	vand.u32 $0x40, v24;
	v24 =	vadd.f32 v0, v27;
	v0 =	vld.idx.msk [tilespmem:v26+s18+$0x0], $0xffff;
	_ =	sdelay $0x3  }
0x30b: {  	[tilespmem:$0x1F390] =	vst v32;
	v2 =	vld.idx.msk [tilespmem:v25+s18+$0x0], $0xffff  }
0x30c: {  	[tilespmem:$0x1F6C0] =	vst v0;
	v0 =	vld.idx.msk [tilespmem:v59+s18+$0x0], $0xffff  }
0x30d: {  	[tilespmem:$0x1F540] =	vst v41  }
0x30e: {  	[tilespmem:$0x1F590] =	vst v6  }
0x30f: {  	[tilespmem:$0x1F550] =	vst v3;
	v23 =	vor.u32 v19, v23  }
0x310: {  	v6 =	vmovc v37;
	v3 =	vmov v48;
	v19 =	vimm.f32 $0.0e+00;
	v26 =	vor.u32 v1, v23;
	[tilespmem:$0x1F6B0] =	vst v2  }
0x311: {  	s7 =	simm.s32 $0x2;
	v27 =	vor.u32 v28, v23;
	v25 =	vor.u32 v47, v23;
	[tilespmem:$0x1F6D0] =	vst v0;
	v0 =	vor.u32 v12, v23  }
.LBB2_11:
0x312: {  	v1 =	vld [tilespmem:$0x1F450];
	_ =	sdelay $0x4  }
0x313: {  	v56 =	vor.u32 v1, v23;
	v1 =	vld [tilespmem:$0x1F470];
	_ =	sdelay $0x4  }
0x314: {  	v42 =	vor.u32 v1, v23;
	v1 =	vld [tilespmem:$0x1F1A0];
	_ =	sdelay $0x4  }
0x315: {  	v44 =	vor.u32 v1, v23;
	v1 =	vld [tilespmem:$0x1F270];
	_ =	sdelay $0x4  }
0x316: {  	v46 =	vor.u32 v1, v23;
	v1 =	vld [tilespmem:$0x1F200];
	_ =	sdelay $0x4  }
0x317: {  	v48 =	vor.u32 v1, v23;
	v1 =	vld [tilespmem:$0x1F220];
	_ =	sdelay $0x4  }
0x318: {  	v49 =	vor.u32 v1, v23;
	v1 =	vld [tilespmem:$0x1F1C0];
	_ =	sdelay $0x4  }
0x319: {  	v53 =	vor.u32 v1, v23;
	v1 =	vld [tilespmem:$0x1F1E0];
	_ =	sdelay $0x2  }
0x31a: {  	v24 =	vmul.f32 $1.442695020e+00, v24;
	_ =	sdelay $0x1  }
0x31b: {  	(erf) = vpow2.f32 v24;
	v59 =	vor.u32 v1, v23;
	v1 =	vld [tilespmem:$0x1F230];
	_ =	sdelay $0x4  }
0x31c: {  	v51 =	vadd.s32 s7, v29;
	v29 =	vor.u32 v1, v23;
	v1 =	vld [tilespmem:$0x1F240];
	_ =	sdelay $0x3  }
0x31d: {  	v28 =	vpop (erf)  }
0x31e: {  	v19 =	vadd.f32 v28, v19;
	v28 =	vor.u32 v1, v23;
	v1 =	vld [tilespmem:$0x1F250];
	_ =	sdelay $0x4  }
0x31f: {  	v34 =	vor.u32 v1, v23;
	v1 =	vld [tilespmem:$0x1F260];
	_ =	sdelay $0x4  }
0x320: {  	v37 =	vor.u32 v1, v23;
	v1 =	vld [tilespmem:$0x1F2C0]  }
0x321: {  	v2 =	vld [tilespmem:$0x1F2D0]  }
0x322: {  	v48 =	vld.idx.msk [tilespmem:v48+s21+$0x0], $0xffff;
	_ =	sdelay $0x2  }
0x323: {  	v58 =	vor.u32 v1, v23;
	v1 =	vld [tilespmem:$0x1F2E0]  }
0x324: {  	v49 =	vld.idx.msk [tilespmem:v49+s21+$0x0], $0xffff  }
0x325: {  	v48 =	vmul.f32 v48, v2;
	v2 =	vld [tilespmem:$0x1F2F0];
	_ =	sdelay $0x1  }
0x326: {  	v36 =	vor.u32 v17, v23  }
0x327: {  	v52 =	vor.u32 v1, v23;
	v1 =	vld [tilespmem:$0x1F490]  }
0x328: {  	v53 =	vld.idx.msk [tilespmem:v53+s21+$0x0], $0xffff  }
0x329: {  	v49 =	vmul.f32 v49, v2;
	v2 =	vld [tilespmem:$0x1F290];
	_ =	sdelay $0x1  }
0x32a: {  	v36 =	vld.idx.msk [tilespmem:v36+s21+$0x0], $0xffff  }
0x32b: {  	v54 =	vor.u32 v1, v23;
	v1 =	vld [tilespmem:$0x1F5A0]  }
0x32c: {  	v59 =	vld.idx.msk [tilespmem:v59+s21+$0x0], $0xffff  }
0x32d: {  	v53 =	vmul.f32 v53, v2;
	v2 =	vld [tilespmem:$0x1F2B0];
	_ =	sdelay $0x1  }
0x32e: {  	v39 =	vor.u32 v15, v23  }
0x32f: {  	v36 =	vmul.f32 v36, v1;
	v1 =	vld [tilespmem:$0x1F4B0]  }
0x330: {  	v29 =	vld.idx.msk [tilespmem:v29+s21+$0x0], $0xffff  }
0x331: {  	v33 =	vcombine.low v38, v20;
	v59 =	vmul.f32 v59, v2;
	v2 =	vld [tilespmem:$0x1F320];
	_ =	sdelay $0x1  }
0x332: {  	v24 =	vor.u32 v33, v23;
	v39 =	vld.idx.msk [tilespmem:v39+s21+$0x0], $0xffff  }
0x333: {  	v55 =	vor.u32 v1, v23;
	v1 =	vld [tilespmem:$0x1F560]  }
0x334: {  	v28 =	vld.idx.msk [tilespmem:v28+s21+$0x0], $0xffff  }
0x335: {  	v29 =	vmul.f32 v29, v2;
	v2 =	vld [tilespmem:$0x1F350];
	_ =	sdelay $0x1  }
0x336: {  	v24 =	vld.idx.msk [tilespmem:v24+s21+$0x0], $0xffff  }
0x337: {  	v39 =	vmul.f32 v39, v1;
	v1 =	vld [tilespmem:$0x1F570]  }
0x338: {  	v34 =	vld.idx.msk [tilespmem:v34+s21+$0x0], $0xffff  }
0x339: {  	v28 =	vmul.f32 v28, v2;
	v2 =	vld [tilespmem:$0x1F370];
	_ =	sdelay $0x1  }
0x33a: {  	v33 =	vld.idx.msk [tilespmem:v56+s21+$0x0], $0xffff  }
0x33b: {  	v24 =	vmul.f32 v24, v1;
	v1 =	vld [tilespmem:$0x1F520]  }
0x33c: {  	v37 =	vld.idx.msk [tilespmem:v37+s21+$0x0], $0xffff  }
0x33d: {  	v34 =	vmul.f32 v34, v2;
	v2 =	vld [tilespmem:$0x1F390];
	_ =	sdelay $0x1  }
0x33e: {  	v42 =	vld.idx.msk [tilespmem:v42+s21+$0x0], $0xffff  }
0x33f: {  	v33 =	vmul.f32 v33, v1;
	v1 =	vld [tilespmem:$0x1F530]  }
0x340: {  	v58 =	vld.idx.msk [tilespmem:v58+s21+$0x0], $0xffff  }
0x341: {  	v37 =	vmul.f32 v37, v2;
	v2 =	vld [tilespmem:$0x1F420];
	_ =	sdelay $0x2  }
0x342: {  	v53 =	vadd.f32 $0.0e+00, v53;
	v42 =	vmul.f32 v42, v1;
	v1 =	vld [tilespmem:$0x1F4E0]  }
0x343: {  	v52 =	vld.idx.msk [tilespmem:v52+s21+$0x0], $0xffff  }
0x344: {  	v48 =	vadd.f32 v48, v53;
	v53 =	vmul.f32 v58, v2;
	v2 =	vld [tilespmem:$0x1F440];
	_ =	sdelay $0x1  }
0x345: {  	v44 =	vld.idx.msk [tilespmem:v44+s21+$0x0], $0xffff  }
0x346: {  	v29 =	vadd.f32 $0.0e+00, v29;
	v56 =	vor.u32 v1, v23;
	v1 =	vld [tilespmem:$0x1F3C0]  }
0x347: {  	v54 =	vld.idx.msk [tilespmem:v54+s21+$0x0], $0xffff  }
0x348: {  	v29 =	vadd.f32 v34, v29;
	v34 =	vmul.f32 v52, v2;
	v2 =	vld [tilespmem:$0x1F540];
	_ =	sdelay $0x1  }
0x349: {  	v46 =	vld.idx.msk [tilespmem:v46+s21+$0x0], $0xffff  }
0x34a: {  	v44 =	vmul.f32 v44, v1;
	v1 =	vld [tilespmem:$0x1F3D0];
	_ =	sdelay $0x1  }
0x34b: {  	v52 =	vmul.f32 v54, v2;
	v2 =	vld [tilespmem:$0x1F550]  }
0x34c: {  	v55 =	vld.idx.msk [tilespmem:v55+s21+$0x0], $0xffff;
	_ =	sdelay $0x1  }
0x34d: {  	v46 =	vmul.f32 v46, v1;
	v1 =	vld [tilespmem:$0x1F4F0];
	_ =	sdelay $0x2  }
0x34e: {  	v29 =	vadd.f32 v53, v29;
	v53 =	vmul.f32 v55, v2;
	v2 =	vld [tilespmem:$0x1F580]  }
0x34f: {  	v56 =	vld.idx.msk [tilespmem:v56+s21+$0x0], $0xffff  }
0x350: {  	v1 =	vor.u32 v1, v23  }
0x351: {  	v26 =	vld.idx.msk [tilespmem:v26+s21+$0x0], $0xffff;
	v30 =	vcombine.low v21, v57  }
0x352: {  	v31 =	vor.u32 v10, v23;
	v27 =	vld.idx.msk [tilespmem:v27+s21+$0x0], $0xffff;
	v32 =	vcombine.low v22, v62  }
0x353: {  	v25 =	vld.idx.msk [tilespmem:v25+s21+$0x0], $0xffff;
	v30 =	vor.u32 v30, v23  }
0x354: {  	v32 =	vor.u32 v32, v23;
	v59 =	vadd.f32 $0.0e+00, v59;
	v55 =	vmul.f32 v56, v2;
	v2 =	vld [tilespmem:$0x1F590]  }
0x355: {  	v1 =	vld.idx.msk [tilespmem:v1+s21+$0x0], $0xffff  }
0x356: {  	v0 =	vld.idx.msk [tilespmem:v0+s21+$0x0], $0xffff;
	v35 =	vor.u32 v6, v23;
	v41 =	vor.u32 v16, v23;
	v49 =	vadd.f32 v49, v59  }
0x357: {  	v43 =	vor.u32 v3, v23;
	v31 =	vld.idx.msk [tilespmem:v31+s21+$0x0], $0xffff;
	v28 =	vadd.f32 $0.0e+00, v28;
	v23 =	vor.u32 v13, v23  }
0x358: {  	v30 =	vld.idx.msk [tilespmem:v30+s21+$0x0], $0xffff;
	v59 =	vadd.f32 v46, v49  }
0x359: {  	v32 =	vld.idx.msk [tilespmem:v32+s21+$0x0], $0xffff;
	v28 =	vadd.f32 v37, v28;
	v58 =	vadd.f32 v44, v48  }
0x35a: {  	v26 =	vmul.f32 v26, v8;
	v54 =	vadd.f32 v42, v59;
	v1 =	vmul.f32 v1, v2;
	v2 =	vld [tilespmem:$0x1F5B0]  }
0x35b: {  	v27 =	vmul.f32 v27, v7;
	v41 =	vld.idx.msk [tilespmem:v41+s21+$0x0], $0xffff;
	v28 =	vadd.f32 v34, v28;
	v33 =	vadd.f32 v33, v58  }
0x35c: {  	v25 =	vmul.f32 v25, v5;
	v29 =	vadd.f32 v52, v29;
	v24 =	vadd.f32 v24, v54;
	v23 =	vld.idx.msk [tilespmem:v23+s21+$0x0], $0xffff  }
0x35d: {  	v0 =	vmul.f32 v0, v40;
	v35 =	vld.idx.msk [tilespmem:v35+s21+$0x0], $0xffff;
	v28 =	vadd.f32 v53, v28;
	v33 =	vadd.f32 v39, v33  }
0x35e: {  	v31 =	vmul.f32 v31, v14;
	v56 =	vld.idx.msk [tilespmem:v43+s21+$0x0], $0xffff;
	v29 =	vadd.f32 v55, v29;
	v24 =	vadd.f32 v36, v24  }
0x35f: {  	v1 =	vadd.f32 v1, v28;
	v28 =	vmul.f32 v32, v63;
	v30 =	vmul.f32 v30, v2  }
0x360: {  	v31 =	vadd.f32 v31, v33;
	v59 =	vmul.f32 v41, v9;
	v0 =	vadd.f32 v0, v24  }
0x361: {  	v23 =	vmul.f32 v23, v4;
	v1 =	vadd.f32 v28, v1;
	v29 =	vadd.f32 v30, v29  }
0x362: {  	v58 =	vld.idx.msk [tilespmem:v51+s13+$0x0], $0xffff;
	v25 =	vadd.f32 v25, v31;
	v24 =	vmul.f32 v35, v18;
	v0 =	vadd.f32 v27, v0  }
0x363: {  	v27 =	vld [tilespmem:$0x1FB40];
	v1 =	vadd.f32 v23, v1;
	v23 =	vmul.f32 v56, v11;
	v28 =	vadd.f32 v59, v29  }
0x364: {  	v48 =	vld [tilespmem:$0x1FF90];
	v25 =	vadd.f32 v26, v25  }
0x365: {  	s6 =	sadd.s32 $0x10, s6;
	v49 =	vld [tilespmem:$0x1FFA0];
	v1 =	vadd.f32 v23, v1;
	v24 =	vadd.f32 v24, v28  }
0x366: {  	p0 =	sne.s32 s7, $0x13;
	v0 =	vadd.f32 v0, v25;
	v29 =	vmov s7;
	v28 =	vld [tilespmem:s6+$0x0]  }
.Ltmp4:
0x367: {  	v23 =	vshrl.u32 v58, $0x2;
	v26 =	vshll.u32 v29, $0x7;
	v1 =	vadd.f32 v1, v24;
	(pc) =	sbr.rel @p0 .LBB2_11-.Ltmp4, $4  }
0x368: {  	v23 =	vand.u32 $0x40, v23;
	v26 =	vadd.s32 v27, v26  }
0x369: {  	v23 =	vor.u32 v26, v23;
	v0 =	vadd.f32 v1, v0  }
0x36a: {  	v26 =	vor.u32 v48, v23;
	v27 =	vor.u32 v49, v23  }
0x36b: {  	s7 =	sadd.s32 $0x1, s7;
	v29 =	vld [tilespmem:$0x1F6F0];
	v25 =	vor.u32 v47, v23;
	v24 =	vadd.f32 v0, v28;
	v0 =	vor.u32 v12, v23  }
0x36c: {  	v2 =	vld [tilespmem:$0x1F200];
	_ =	sdelay $0x4  }
0x36d: {  	v22 =	vor.u32 v2, v23;
	v2 =	vld [tilespmem:$0x1F220];
	_ =	sdelay $0x2  }
0x36e: {  	v21 =	vld.idx.msk [tilespmem:v26+s21+$0x0], $0xffff  }
0x36f: {  	v26 =	vld.idx.msk [tilespmem:v27+s21+$0x0], $0xffff  }
0x370: {  	v27 =	vor.u32 v2, v23;
	v2 =	vld [tilespmem:$0x1F1C0];
	_ =	sdelay $0x4  }
0x371: {  	v28 =	vor.u32 v2, v23;
	v2 =	vld [tilespmem:$0x1F1E0];
	_ =	sdelay $0x4  }
0x372: {  	v29 =	vor.u32 v2, v23;
	v2 =	vld [tilespmem:$0x1F230];
	_ =	sdelay $0x4  }
0x373: {  	v30 =	vor.u32 v2, v23;
	v2 =	vld [tilespmem:$0x1F4D0];
	_ =	sdelay $0x4  }
0x374: {  	v31 =	vor.u32 v2, v23;
	v2 =	vld [tilespmem:$0x1F250];
	_ =	sdelay $0x4  }
0x375: {  	v32 =	vor.u32 v2, v23;
	v2 =	vld [tilespmem:$0x1F240];
	_ =	sdelay $0x4  }
0x376: {  	v33 =	vor.u32 v2, v23;
	v2 =	vld [tilespmem:$0x1F1A0];
	_ =	sdelay $0x4  }
0x377: {  	v34 =	vor.u32 v2, v23;
	v2 =	vld [tilespmem:$0x1F260];
	_ =	sdelay $0x4  }
0x378: {  	v35 =	vor.u32 v2, v23;
	v2 =	vld [tilespmem:$0x1F270];
	_ =	sdelay $0x4  }
0x379: {  	v36 =	vor.u32 v2, v23;
	v2 =	vld [tilespmem:$0x1F2C0];
	_ =	sdelay $0x4  }
0x37a: {  	v37 =	vor.u32 v2, v23;
	v2 =	vld [tilespmem:$0x1F2E0];
	_ =	sdelay $0x2  }
0x37b: {  	v25 =	vld.idx.msk [tilespmem:v25+s21+$0x0], $0xffff  }
0x37c: {  	[tilespmem:$0x1EB40] =	vst v12;
	v12 =	vld [tilespmem:$0x1F2D0]  }
0x37d: {  	v39 =	vor.u32 v2, v23;
	v2 =	vld [tilespmem:$0x1F450]  }
0x37e: {  	[tilespmem:$0x1EB50] =	vst v15;
	v20 =	vor.u32 v15, v23;
	v15 =	vld [tilespmem:$0x1F290]  }
0x37f: {  	v1 =	vor.u32 v10, v23;
	v10 =	vld [tilespmem:$0x1F2B0]  }
0x380: {  	v53 =	vld [tilespmem:$0x1F2F0]  }
0x381: {  	[tilespmem:$0x1EB30] =	vst v47;
	v47 =	vld [tilespmem:$0x1F320]  }
0x382: {  	v41 =	vor.u32 v2, v23;
	v2 =	vld [tilespmem:$0x1F470]  }
0x383: {  	v38 =	vld [tilespmem:$0x1F370]  }
0x384: {  	v52 =	vld [tilespmem:$0x1F350]  }
0x385: {  	v51 =	vld [tilespmem:$0x1F390]  }
0x386: {  	v54 =	vld [tilespmem:$0x1F3C0]  }
0x387: {  	v42 =	vor.u32 v2, v23;
	v2 =	vld [tilespmem:$0x1F490]  }
0x388: {  	v57 =	vld [tilespmem:$0x1F3D0]  }
0x389: {  	v56 =	vld [tilespmem:$0x1F420]  }
0x38a: {  	v55 =	vld [tilespmem:$0x1F440]  }
0x38b: {  	v58 =	vld [tilespmem:$0x1F530]  }
0x38c: {  	v43 =	vor.u32 v2, v23;
	v2 =	vld [tilespmem:$0x1F4B0]  }
0x38d: {  	v0 =	vld.idx.msk [tilespmem:v0+s21+$0x0], $0xffff  }
0x38e: {  	v22 =	vld.idx.msk [tilespmem:v22+s21+$0x0], $0xffff  }
0x38f: {  	v28 =	vld.idx.msk [tilespmem:v28+s21+$0x0], $0xffff  }
0x390: {  	v29 =	vld.idx.msk [tilespmem:v29+s21+$0x0], $0xffff  }
0x391: {  	v44 =	vor.u32 v2, v23;
	v2 =	vld [tilespmem:$0x1F4E0]  }
0x392: {  	v30 =	vld.idx.msk [tilespmem:v30+s21+$0x0], $0xffff  }
0x393: {  	v27 =	vld.idx.msk [tilespmem:v27+s21+$0x0], $0xffff  }
0x394: {  	v32 =	vld.idx.msk [tilespmem:v32+s21+$0x0], $0xffff  }
0x395: {  	v34 =	vld.idx.msk [tilespmem:v34+s21+$0x0], $0xffff  }
0x396: {  	v28 =	vmul.f32 v28, v15;
	v29 =	vmul.f32 v29, v10;
	v62 =	vor.u32 v2, v23;
	v2 =	vld [tilespmem:$0x1F4F0]  }
0x397: {  	v22 =	vmul.f32 v22, v12;
	v30 =	vmul.f32 v30, v47;
	v33 =	vld.idx.msk [tilespmem:v33+s21+$0x0], $0xffff  }
0x398: {  	v1 =	vld.idx.msk [tilespmem:v1+s21+$0x0], $0xffff;
	v27 =	vmul.f32 v27, v53;
	v28 =	vadd.f32 $0.0e+00, v28;
	v29 =	vadd.f32 $0.0e+00, v29  }
0x399: {  	v30 =	vadd.f32 $0.0e+00, v30;
	v32 =	vmul.f32 v32, v38;
	v35 =	vld.idx.msk [tilespmem:v35+s21+$0x0], $0xffff  }
0x39a: {  	v22 =	vadd.f32 v22, v28;
	v27 =	vadd.f32 v27, v29;
	v28 =	vld.idx.msk [tilespmem:v39+s21+$0x0], $0xffff  }
0x39b: {  	v29 =	vadd.f32 v32, v30;
	v34 =	vmul.f32 v34, v54;
	v32 =	vor.u32 v2, v23;
	v2 =	vld [tilespmem:$0x1F500]  }
0x39c: {  	v33 =	vmul.f32 v33, v52;
	v30 =	vld.idx.msk [tilespmem:v41+s21+$0x0], $0xffff  }
0x39d: {  	[tilespmem:$0x1EB60] =	vst v17;
	v17 =	vor.u32 v17, v23;
	v22 =	vadd.f32 v34, v22;
	v34 =	vld.idx.msk [tilespmem:v62+s21+$0x0], $0xffff  }
0x39e: {  	v33 =	vadd.f32 $0.0e+00, v33;
	v35 =	vmul.f32 v35, v51;
	v62 =	vld [tilespmem:$0x1F520]  }
0x39f: {  	v36 =	vld.idx.msk [tilespmem:v36+s21+$0x0], $0xffff  }
0x3a0: {  	v20 =	vld.idx.msk [tilespmem:v20+s21+$0x0], $0xffff;
	v33 =	vadd.f32 v35, v33;
	v28 =	vmul.f32 v28, v55;
	v46 =	vor.u32 v2, v23  }
0x3a1: {  	v41 =	vld.idx.msk [tilespmem:v42+s21+$0x0], $0xffff  }
0x3a2: {  	v28 =	vadd.f32 v28, v33;
	v33 =	vld.idx.msk [tilespmem:v17+s21+$0x0], $0xffff  }
0x3a3: {  	v43 =	vld.idx.msk [tilespmem:v43+s21+$0x0], $0xffff;
	v30 =	vmul.f32 v30, v62  }
0x3a4: {  	v36 =	vmul.f32 v36, v57;
	v2 =	vld [tilespmem:$0x1F510]  }
0x3a5: {  	v22 =	vadd.f32 v30, v22;
	v30 =	vld.idx.msk [tilespmem:v46+s21+$0x0], $0xffff  }
0x3a6: {  	v27 =	vadd.f32 v36, v27;
	v17 =	vmul.f32 v41, v58;
	v46 =	vld [tilespmem:$0x1F540]  }
0x3a7: {  	v31 =	vld.idx.msk [tilespmem:v31+s21+$0x0], $0xffff  }
0x3a8: {  	v37 =	vld.idx.msk [tilespmem:v37+s21+$0x0], $0xffff;
	v27 =	vadd.f32 v17, v27;
	v17 =	vor.u32 v3, v23  }
0x3a9: {  	[tilespmem:$0x1EB70] =	vst v16;
	v36 =	vor.u32 v16, v23;
	v16 =	vor.u32 v6, v23;
	v6 =	vld [tilespmem:$0x1F5A0]  }
0x3aa: {  	v35 =	vld.idx.msk [tilespmem:v44+s21+$0x0], $0xffff;
	v44 =	vor.u32 v2, v23  }
0x3ab: {  	v59 =	vmul.f32 v43, v46;
	v43 =	vld [tilespmem:$0x1F550]  }
0x3ac: {  	v41 =	vld [tilespmem:$0x1F570]  }
0x3ad: {  	v37 =	vmul.f32 v37, v56;
	v42 =	vld.idx.msk [tilespmem:v17+s21+$0x0], $0xffff  }
0x3ae: {  	v32 =	vld.idx.msk [tilespmem:v32+s21+$0x0], $0xffff  }
0x3af: {  	v29 =	vadd.f32 v37, v29;
	v37 =	vld.idx.msk [tilespmem:v44+s21+$0x0], $0xffff  }
0x3b0: {  	v44 =	vld [tilespmem:$0x1F560];
	v35 =	vmul.f32 v35, v43  }
0x3b1: {  	v29 =	vadd.f32 v59, v29;
	v59 =	vld [tilespmem:$0x1F580]  }
0x3b2: {  	v39 =	vor.u32 v13, v23;
	v28 =	vadd.f32 v35, v28;
	v35 =	vld.idx.msk [tilespmem:v36+s21+$0x0], $0xffff  }
0x3b3: {  	v36 =	vld [tilespmem:$0x1F590]  }
0x3b4: {  	v25 =	vmul.f32 v25, v5;
	v17 =	vld [tilespmem:$0x1F5B0]  }
0x3b5: {  	v31 =	vmul.f32 v31, v41;
	v20 =	vmul.f32 v20, v44  }
0x3b6: {  	v0 =	vmul.f32 v0, v40;
	v21 =	vmul.f32 v21, v8  }
0x3b7: {  	v34 =	vmul.f32 v34, v59;
	v20 =	vadd.f32 v20, v22;
	v22 =	vadd.f32 v31, v27;
	v27 =	vld.idx.msk [tilespmem:v39+s21+$0x0], $0xffff  }
0x3b8: {  	v1 =	vmul.f32 v1, v14;
	v32 =	vmul.f32 v32, v36  }
0x3b9: {  	v31 =	vmul.f32 v33, v6;
	v39 =	vld.idx.msk [tilespmem:v16+s21+$0x0], $0xffff;
	v33 =	vmul.f32 v30, v17;
	v29 =	vadd.f32 v34, v29  }
0x3ba: {  	v30 =	vmul.f32 v37, v63;
	v1 =	vadd.f32 v1, v20;
	v28 =	vadd.f32 v32, v28  }
0x3bb: {  	v22 =	vadd.f32 v31, v22;
	v20 =	vmul.f32 v42, v11;
	v23 =	vadd.f32 v33, v29  }
0x3bc: {  	v29 =	vmul.f32 v35, v9;
	v34 =	vmul.f32 v27, v4;
	v28 =	vadd.f32 v30, v28  }
0x3bd: {  	v1 =	vadd.f32 v25, v1;
	v0 =	vadd.f32 v0, v22;
	v35 =	vmul.f32 v26, v7  }
0x3be: {  	v37 =	vmul.f32 v39, v18;
	v23 =	vadd.f32 v29, v23;
	v22 =	vadd.f32 v34, v28  }
0x3bf: {  	v1 =	vadd.f32 v21, v1;
	v0 =	vadd.f32 v35, v0  }
0x3c0: {  	v39 =	vadd.f32 v37, v23;
	v20 =	vadd.f32 v20, v22;
	_ =	sdelay $0x1  }
0x3c1: {  	v0 =	vadd.f32 v0, v1;
	v1 =	vadd.f32 v20, v39  }
0x3c2: {  	v2 =	vld [tilespmem:$0x1F700]  }
0x3c3: {  	v0 =	vadd.f32 v1, v0;
	v1 =	vld [tilespmem:$0x1F820];
	_ =	sdelay $0x3  }
0x3c4: {  	v3 =	vld [tilespmem:$0x1F710]  }
0x3c5: {  	v1 =	vmul.f32 v2, v1;
	v2 =	vld [tilespmem:$0x1F890];
	_ =	sdelay $0x4  }
0x3c6: {  	v16 =	vmul.f32 v3, v2;
	v2 =	vld [tilespmem:$0x1F8B0]  }
0x3c7: {  	v3 =	vld [tilespmem:$0x1F720];
	_ =	sdelay $0x4  }
0x3c8: {  	v32 =	vmul.f32 v3, v2;
	v2 =	vld [tilespmem:$0x1F8D0]  }
0x3c9: {  	v3 =	vld [tilespmem:$0x1F730];
	_ =	sdelay $0x4  }
0x3ca: {  	v33 =	vmul.f32 v3, v2;
	v2 =	vld [tilespmem:$0x1F830]  }
0x3cb: {  	v3 =	vld [tilespmem:$0x1F740];
	_ =	sdelay $0x4  }
0x3cc: {  	v34 =	vmul.f32 v3, v2;
	v2 =	vld [tilespmem:$0x1F870]  }
0x3cd: {  	v3 =	vld [tilespmem:$0x1F750];
	_ =	sdelay $0x4  }
0x3ce: {  	v35 =	vmul.f32 v3, v2;
	v2 =	vld [tilespmem:$0x1F8E0]  }
0x3cf: {  	v3 =	vld [tilespmem:$0x1F770];
	_ =	sdelay $0x4  }
0x3d0: {  	v37 =	vmul.f32 v3, v2;
	v2 =	vld [tilespmem:$0x1F900]  }
0x3d1: {  	v3 =	vld [tilespmem:$0x1F780];
	_ =	sdelay $0x2  }
0x3d2: {  	s6 =	sadd.s32 $0x10, s6  }
0x3d3: {  	v42 =	vld [tilespmem:s6+$0x0]  }
0x3d4: {  	v39 =	vmul.f32 v3, v2;
	v2 =	vld [tilespmem:$0x1F920]  }
0x3d5: {  	v3 =	vld [tilespmem:$0x1F790];
	_ =	sdelay $0x4  }
0x3d6: {  	v0 =	vadd.f32 v0, v42;
	v42 =	vmul.f32 v3, v2;
	v2 =	vld [tilespmem:$0x1F940]  }
0x3d7: {  	v3 =	vld [tilespmem:$0x1F7D0];
	_ =	sdelay $0x4  }
0x3d8: {  	v20 =	vadd.f32 $0.0e+00, v16;
	v16 =	vmul.f32 v3, v2;
	v2 =	vld [tilespmem:$0x1F960]  }
0x3d9: {  	v3 =	vld [tilespmem:$0x1F7F0];
	_ =	sdelay $0x4  }
0x3da: {  	v21 =	vadd.f32 $0.0e+00, v32;
	v32 =	vmul.f32 v3, v2;
	v2 =	vld [tilespmem:$0x1F980]  }
0x3db: {  	v3 =	vld [tilespmem:$0x1F860];
	_ =	sdelay $0x4  }
0x3dc: {  	v22 =	vadd.f32 $0.0e+00, v33;
	v33 =	vmul.f32 v3, v2;
	v2 =	vld [tilespmem:$0x1F9A0]  }
0x3dd: {  	v3 =	vld [tilespmem:$0x1F8A0];
	_ =	sdelay $0x4  }
0x3de: {  	v27 =	vmul.f32 v3, v2;
	v2 =	vld [tilespmem:$0x1F9D0]  }
0x3df: {  	v3 =	vld [tilespmem:$0x1F8F0];
	_ =	sdelay $0x2  }
0x3e0: {  	v1 =	vadd.f32 $0.0e+00, v1;
	_ =	sdelay $0x1  }
0x3e1: {  	v1 =	vadd.f32 v34, v1;
	v34 =	vmul.f32 v3, v2;
	v2 =	vld [tilespmem:$0x1FA00]  }
0x3e2: {  	v3 =	vld [tilespmem:$0x1F930];
	_ =	sdelay $0x4  }
0x3e3: {  	v20 =	vadd.f32 v35, v20;
	v35 =	vmul.f32 v3, v2;
	v2 =	vld [tilespmem:$0x1FA20]  }
0x3e4: {  	v3 =	vld [tilespmem:$0x1F950];
	_ =	sdelay $0x4  }
0x3e5: {  	v21 =	vadd.f32 v37, v21;
	v37 =	vmul.f32 v3, v2;
	v2 =	vld [tilespmem:$0x1F020]  }
0x3e6: {  	v3 =	vld [tilespmem:$0x1F990];
	_ =	sdelay $0x4  }
0x3e7: {  	v22 =	vadd.f32 v39, v22;
	v39 =	vmul.f32 v3, v2;
	v2 =	vld [tilespmem:$0x1F030]  }
0x3e8: {  	v3 =	vld [tilespmem:$0x1F9B0];
	_ =	sdelay $0x4  }
0x3e9: {  	v1 =	vadd.f32 v42, v1;
	v42 =	vmul.f32 v3, v2;
	v2 =	vld [tilespmem:$0x1FA30]  }
0x3ea: {  	v3 =	vld [tilespmem:$0x1F9F0];
	_ =	sdelay $0x4  }
0x3eb: {  	v1 =	vadd.f32 v27, v1;
	v27 =	vmul.f32 v3, v2;
	v2 =	vld [tilespmem:$0x1FA40]  }
0x3ec: {  	v3 =	vld [tilespmem:$0x1FA10];
	_ =	sdelay $0x4  }
0x3ed: {  	v20 =	vadd.f32 v16, v20;
	v16 =	vmul.f32 v3, v2;
	v2 =	vld [tilespmem:$0x1F000]  }
0x3ee: {  	v3 =	vld [tilespmem:$0x1FA70];
	_ =	sdelay $0x4  }
0x3ef: {  	v21 =	vadd.f32 v32, v21;
	v32 =	vmul.f32 v3, v2;
	v2 =	vld [tilespmem:$0x1F010]  }
0x3f0: {  	v3 =	vld [tilespmem:$0x1FA80];
	_ =	sdelay $0x4  }
0x3f1: {  	v22 =	vadd.f32 v33, v22;
	v33 =	vmul.f32 v3, v2;
	v2 =	vld [tilespmem:$0x1F060]  }
0x3f2: {  	v3 =	vld [tilespmem:$0x1FA90];
	_ =	sdelay $0x4  }
0x3f3: {  	v20 =	vadd.f32 v34, v20;
	v34 =	vmul.f32 v3, v2;
	v2 =	vld [tilespmem:$0x1F070]  }
0x3f4: {  	v3 =	vld [tilespmem:$0x1FAA0];
	_ =	sdelay $0x4  }
0x3f5: {  	v21 =	vadd.f32 v35, v21;
	v35 =	vmul.f32 v3, v2;
	v2 =	vld [tilespmem:$0x1EFE0]  }
0x3f6: {  	v3 =	vld [tilespmem:$0x1FAB0];
	_ =	sdelay $0x4  }
0x3f7: {  	v21 =	vadd.f32 v27, v21;
	v27 =	vmul.f32 v3, v2;
	v2 =	vld [tilespmem:$0x1EFF0]  }
0x3f8: {  	v3 =	vld [tilespmem:$0x1FAC0];
	_ =	sdelay $0x4  }
0x3f9: {  	v22 =	vadd.f32 v37, v22;
	v37 =	vmul.f32 v3, v2;
	v2 =	vld [tilespmem:$0x1F080]  }
0x3fa: {  	v3 =	vld [tilespmem:$0x1FAD0];
	_ =	sdelay $0x4  }
0x3fb: {  	v1 =	vadd.f32 v39, v1;
	v39 =	vmul.f32 v3, v2;
	v2 =	vld [tilespmem:$0x1F090]  }
0x3fc: {  	v3 =	vld [tilespmem:$0x1FAF0];
	_ =	sdelay $0x4  }
0x3fd: {  	v20 =	vadd.f32 v42, v20;
	v42 =	vmul.f32 v3, v2;
	v2 =	vld [tilespmem:$0x1FB00];
	_ =	sdelay $0x4  }
0x3fe: {  	v22 =	vadd.f32 v16, v22;
	v16 =	vmul.f32 v2, v50;
	v2 =	vld [tilespmem:$0x1FB10];
	_ =	sdelay $0x3  }
0x3ff: {  	v3 =	vld [tilespmem:$0x1FB20]  }
0x400: {  	v1 =	vadd.f32 v32, v1;
	v32 =	vmul.f32 v2, v60;
	v2 =	vld [tilespmem:$0x1F0A0];
	_ =	sdelay $0x4  }
0x401: {  	v1 =	vadd.f32 v27, v1;
	v27 =	vmul.f32 v3, v2;
	v2 =	vld [tilespmem:$0x1F0B0]  }
0x402: {  	v3 =	vld [tilespmem:$0x1FB30];
	_ =	sdelay $0x4  }
0x403: {  	v20 =	vadd.f32 v33, v20;
	v33 =	vmul.f32 v3, v2;
	v2 =	vld [tilespmem:$0x1F130];
	_ =	sdelay $0x4  }
0x404: {  	v22 =	vadd.f32 v35, v22;
	v35 =	vmul.f32 v2, v10;
	v2 =	vld [tilespmem:$0x1F150];
	_ =	sdelay $0x4  }
0x405: {  	v20 =	vadd.f32 v37, v20;
	v37 =	vmul.f32 v2, v47;
	v2 =	vld [tilespmem:$0x1F170];
	_ =	sdelay $0x2  }
0x406: {  	v21 =	vadd.f32 v34, v21;
	_ =	sdelay $0x1  }
0x407: {  	v21 =	vadd.f32 v39, v21;
	v39 =	vmul.f32 v2, v52;
	v2 =	vld [tilespmem:$0x1F190];
	_ =	sdelay $0x4  }
0x408: {  	v22 =	vadd.f32 v42, v22;
	v42 =	vmul.f32 v2, v12;
	v2 =	vld [tilespmem:$0x1F1B0];
	_ =	sdelay $0x4  }
0x409: {  	v47 =	vmul.f32 v2, v53;
	v2 =	vld [tilespmem:$0x1F1D0];
	_ =	sdelay $0x4  }
0x40a: {  	v50 =	vmul.f32 v2, v38;
	v2 =	vld [tilespmem:$0x1F1F0];
	_ =	sdelay $0x4  }
0x40b: {  	v52 =	vmul.f32 v2, v51;
	v2 =	vld [tilespmem:$0x1F210];
	_ =	sdelay $0x4  }
0x40c: {  	v53 =	vmul.f32 v2, v54;
	v2 =	vld [tilespmem:$0x1F310];
	_ =	sdelay $0x4  }
0x40d: {  	v54 =	vmul.f32 v2, v57;
	v2 =	vld [tilespmem:$0x1F340]  }
0x40e: {  	v24 =	vmul.f32 $1.442695020e+00, v24  }
0x40f: {  	v0 =	vmul.f32 $1.442695020e+00, v0;
	v1 =	vadd.f32 v16, v1;
	v20 =	vadd.f32 v32, v20  }
0x410: {  	(erf) = vpow2.f32 v24  }
0x411: {  	(erf) = vpow2.f32 v0;
	v0 =	vadd.f32 v20, v1;
	v1 =	vld [tilespmem:$0x1F110]  }
0x412: {  	v56 =	vmul.f32 v2, v56;
	v2 =	vld [tilespmem:$0x1F3B0];
	_ =	sdelay $0x3  }
0x413: {  	v1 =	vmul.f32 v1, v15  }
0x414: {  	v10 =	vmul.f32 v2, v55;
	v2 =	vld [tilespmem:$0x1F3F0]  }
0x415: {  	v1 =	vadd.f32 $0.0e+00, v1;
	_ =	sdelay $0x1  }
0x416: {  	v3 =	vld [tilespmem:$0x1F400];
	v1 =	vadd.f32 v42, v1  }
0x417: {  	v31 =	vmov v5;
	v5 =	vld [tilespmem:$0x1F480]  }
0x418: {  	v1 =	vadd.f32 v53, v1;
	v2 =	vmul.f32 v2, v62  }
0x419: {  	v21 =	vadd.f32 v27, v21;
	v22 =	vadd.f32 v33, v22  }
0x41a: {  	v1 =	vadd.f32 v2, v1;
	v2 =	vld [tilespmem:$0x1F410]  }
0x41b: {  	v34 =	vadd.f32 v22, v21;
	v22 =	vadd.f32 $0.0e+00, v37;
	v57 =	vmul.f32 v3, v58;
	v3 =	vld [tilespmem:$0x1F430]  }
0x41c: {  	v28 =	vmov v11;
	v11 =	vmul.f32 v5, v41;
	v5 =	vld [tilespmem:$0x1F4A0];
	v23 =	vadd.f32 $0.0e+00, v39  }
0x41d: {  	[tilespmem:$0x1EB80] =	vst v13;
	v13 =	vmov v7;
	v7 =	vld [tilespmem:$0x1F4C0];
	v22 =	vadd.f32 v50, v22  }
0x41e: {  	v23 =	vadd.f32 v52, v23  }
0x41f: {  	v21 =	vadd.f32 $0.0e+00, v35;
	v22 =	vadd.f32 v56, v22;
	v2 =	vmul.f32 v2, v46  }
0x420: {  	v30 =	vmov v4;
	v4 =	vld [tilespmem:$0x1F460];
	v3 =	vmul.f32 v3, v43;
	v10 =	vadd.f32 v10, v23  }
0x421: {  	v5 =	vmul.f32 v5, v59;
	v21 =	vadd.f32 v47, v21;
	v2 =	vadd.f32 v2, v22  }
0x422: {  	v3 =	vadd.f32 v3, v10;
	v10 =	vmul.f32 v7, v36;
	v7 =	vld [tilespmem:$0x1F610]  }
0x423: {  	v21 =	vadd.f32 v54, v21;
	v2 =	vadd.f32 v5, v2;
	v5 =	vld [tilespmem:$0x1F5E0];
	_ =	sdelay $0x1  }
0x424: {  	v4 =	vmul.f32 v4, v44;
	v21 =	vadd.f32 v57, v21;
	_ =	sdelay $0x1  }
0x425: {  	v1 =	vadd.f32 v4, v1;
	v4 =	vadd.f32 v11, v21;
	v6 =	vmul.f32 v7, v6  }
0x426: {  	v5 =	vmul.f32 v5, v14  }
0x427: {  	v4 =	vadd.f32 v6, v4;
	v6 =	vld [tilespmem:$0x1F670]  }
0x428: {  	v1 =	vadd.f32 v5, v1;
	v5 =	vld [tilespmem:$0x1F660];
	_ =	sdelay $0x3  }
0x429: {  	v6 =	vmul.f32 v6, v40  }
0x42a: {  	v7 =	vld [tilespmem:$0x1F620];
	v5 =	vmul.f32 v5, v31  }
0x42b: {  	v4 =	vadd.f32 v6, v4;
	v6 =	vld [tilespmem:$0x1F6A0]  }
0x42c: {  	v1 =	vadd.f32 v5, v1;
	v5 =	vld [tilespmem:$0x1F680];
	_ =	sdelay $0x2  }
0x42d: {  	v3 =	vadd.f32 v10, v3;
	v10 =	vld [tilespmem:$0x1F630];
	v7 =	vmul.f32 v7, v17  }
0x42e: {  	v6 =	vmul.f32 v6, v8;
	v8 =	vld [tilespmem:$0x1F6B0]  }
0x42f: {  	v2 =	vadd.f32 v7, v2;
	v7 =	vld [tilespmem:$0x1F690];
	v5 =	vmul.f32 v5, v9  }
0x430: {  	v1 =	vadd.f32 v6, v1;
	v6 =	vld [tilespmem:$0x1F6D0]  }
0x431: {  	v2 =	vadd.f32 v5, v2;
	v5 =	vld [tilespmem:$0x1F6C0]  }
0x432: {  	v10 =	vmul.f32 v10, v63  }
0x433: {  	v8 =	vmul.f32 v8, v13  }
0x434: {  	v3 =	vadd.f32 v10, v3;
	v7 =	vmul.f32 v7, v30  }
0x435: {  	v0 =	vadd.f32 $0.0e+00, v0;
	v4 =	vadd.f32 v8, v4  }
0x436: {  	v3 =	vadd.f32 v7, v3;
	v6 =	vmul.f32 v6, v28;
	v5 =	vmul.f32 v5, v18  }
0x437: {  	v0 =	vadd.f32 v34, v0;
	v1 =	vadd.f32 v4, v1  }
0x438: {  	v3 =	vadd.f32 v6, v3;
	v2 =	vadd.f32 v5, v2;
	_ =	sdelay $0x1  }
0x439: {  	v4 =	vpop (erf);
	v0 =	vadd.f32 v1, v0;
	v1 =	vadd.f32 v3, v2  }
0x43a: {  	v2 =	vadd.f32 v4, v19  }
0x43b: {  	v3 =	vpop (erf);
	v0 =	vadd.f32 v1, v0  }
0x43c: {  	v1 =	vadd.f32 v3, v2  }
0x43d: {  	[tilespmem:s0+$0x1B980] =	vst v0  }
0x43e: {  	[tilespmem:s0+$0x1BB80] =	vst v1  }
0x43f: {  	_ =	swait.ge [sflag:s29], $0x800  }
0x440: {  	[sflag:s29] =	ssyncset.done $0x0  }
0x441: {  	[sflag:s29] =	ssyncadd.s32 $0xFFFFF800  }
0x442: {  	_ =	swait.ge [sflag:s30], $0x800  }
0x443: {  	[sflag:s30] =	ssyncset.done $0x0  }
0x444: {  	s6 =	smin.u32 s5, $0x1D;
	[sflag:s30] =	ssyncadd.s32 $0xFFFFF800  }
0x445: {  	s0 =	sadd.s32 $0x2, s6;
	_ =	swait.ge [sflag:s31], $0xA000  }
0x446: {  	s7 =	sshll.u32 s0, $0x4;
	[sflag:s31] =	ssyncset.done $0x0  }
0x447: {  	s0 =	smul.u32 $0x500, s0;
	s8 =	sor.u32 $0x2C00, s7;
	[sflag:s31] =	ssyncadd.s32 $0xFFFF6000  }
0x448: {  	[tilespmem:s16], [sflag:$0x1] =	stream.indirect.gather [hbm4b:s3+s14], $0x80, s8, s14, $0xb8;
	[tilespmem:$0x1BD80] =	vst v63  }
0x449: {  	s5 =	sadd.s32 $0x2E00, s7;
	s0 =	sshrl.u32 s0, $0x2  }
0x44a: {  	[tilespmem:s18], [sflag:$0x3] =	stream.indirect.gather [hbm4b:s4+s14], $0x80, s5, s14, $0xb8;
	[tilespmem:$0x1BD80] =	vst v63  }
0x44b: {  	s0 =	sadd.s32 $0x3000, s0  }
0x44c: {  	[tilespmem:s21], [sflag:$0x5] =	stream.indirect.gather [hbm4b:s4+s19], $0x80, s0, s19, $0xb8;
	[tilespmem:$0x1BD80] =	vst v63  }
0x44d: {  	v0 =	vld [tilespmem:s20+$0x0];
	_ =	sdelay $0x1  }
0x44e: {  	v11 =	vld [tilespmem:$0x1FB70]  }
0x44f: {  	v15 =	vld [tilespmem:$0x1FBB0]  }
0x450: {  	v10 =	vld [tilespmem:$0x1FB60]  }
0x451: {  	v12 =	vld [tilespmem:$0x1FB80];
	v0 =	vshrl.u32 v0, $0x2  }
0x452: {  	v16 =	vld [tilespmem:$0x1FBC0];
	v3 =	vand.u32 $0x40, v0  }
0x453: {  	v17 =	vld [tilespmem:$0x1FBD0];
	v4 =	vor.u32 v11, v3  }
0x454: {  	v20 =	vld [tilespmem:$0x1FC00];
	v7 =	vor.u32 v15, v3  }
0x455: {  	v21 =	vld [tilespmem:$0x1FC10]  }
0x456: {  	v28 =	vld [tilespmem:$0x1FC20];
	v2 =	vor.u32 v10, v3  }
0x457: {  	v25 =	vld [tilespmem:$0x1FC50];
	v6 =	vor.u32 v12, v3  }
0x458: {  	v55 =	vld.idx.msk [tilespmem:v4+s25+$0x0], $0xffff;
	v4 =	vor.u32 v16, v3  }
0x459: {  	v36 =	vld.idx.msk [tilespmem:v7+s25+$0x0], $0xffff;
	v7 =	vor.u32 v20, v3  }
0x45a: {  	v26 =	vld [tilespmem:$0x1FC60]  }
0x45b: {  	v40 =	vld.idx.msk [tilespmem:v2+s25+$0x0], $0xffff  }
0x45c: {  	v44 =	vld.idx.msk [tilespmem:v6+s25+$0x0], $0xffff;
	v6 =	vor.u32 v17, v3  }
0x45d: {  	v30 =	vld.idx.msk [tilespmem:v4+s25+$0x0], $0xffff;
	v4 =	vor.u32 v21, v3  }
0x45e: {  	v34 =	vld.idx.msk [tilespmem:v7+s25+$0x0], $0xffff;
	v7 =	vor.u32 v25, v3  }
0x45f: {  	v2 =	vld [tilespmem:$0x1FEB0]  }
0x460: {  	v27 =	vld [tilespmem:$0x1FC70]  }
0x461: {  	v29 =	vld.idx.msk [tilespmem:v6+s25+$0x0], $0xffff  }
0x462: {  	v6 =	vor.u32 v28, v3;
	v33 =	vld.idx.msk [tilespmem:v4+s25+$0x0], $0xffff  }
0x463: {  	v4 =	vor.u32 v26, v3;
	v35 =	vld.idx.msk [tilespmem:v7+s25+$0x0], $0xffff  }
0x464: {  	v7 =	vor.u32 v2, v3;
	v2 =	vld [tilespmem:$0x1FEC0];
	_ =	sdelay $0x2  }
0x465: {  	v63 =	vld.idx.msk [tilespmem:v6+s25+$0x0], $0xffff  }
0x466: {  	v6 =	vor.u32 v27, v3;
	v38 =	vld.idx.msk [tilespmem:v4+s25+$0x0], $0xffff  }
0x467: {  	v4 =	vor.u32 v2, v3;
	v2 =	vld [tilespmem:$0x1FED0];
	_ =	sdelay $0x3  }
0x468: {  	v46 =	vld.idx.msk [tilespmem:v6+s25+$0x0], $0xffff  }
0x469: {  	v6 =	vor.u32 v2, v3;
	v2 =	vld [tilespmem:$0x1FF00];
	_ =	sdelay $0x1  }
0x46a: {  	v8 =	vld [tilespmem:$0x1FF40]  }
0x46b: {  	v9 =	vld [tilespmem:$0x1FB50]  }
0x46c: {  	v43 =	vld.idx.msk [tilespmem:v7+s25+$0x0], $0xffff  }
0x46d: {  	v7 =	vor.u32 v2, v3;
	v2 =	vld [tilespmem:$0x1FF10]  }
0x46e: {  	v13 =	vld [tilespmem:$0x1FB90]  }
0x46f: {  	v14 =	vld [tilespmem:$0x1FBA0]  }
0x470: {  	v18 =	vld [tilespmem:$0x1FBE0];
	v0 =	vor.u32 v8, v3  }
0x471: {  	v1 =	vor.u32 v9, v3;
	v60 =	vld.idx.msk [tilespmem:v4+s25+$0x0], $0xffff  }
0x472: {  	v4 =	vor.u32 v2, v3;
	v2 =	vld.idx.msk [tilespmem:v6+s25+$0x0], $0xffff  }
0x473: {  	v19 =	vld [tilespmem:$0x1FBF0]  }
0x474: {  	v23 =	vld [tilespmem:$0x1FC30]  }
0x475: {  	v37 =	vld.idx.msk [tilespmem:v0+s25+$0x0], $0xffff;
	v0 =	vor.u32 v13, v3  }
0x476: {  	v42 =	vld.idx.msk [tilespmem:v1+s25+$0x0], $0xffff;
	v1 =	vor.u32 v14, v3  }
0x477: {  	[tilespmem:$0x1EDF0] =	vst v2;
	v2 =	vld [tilespmem:$0x1FF20]  }
0x478: {  	v24 =	vld [tilespmem:$0x1FC40]  }
0x479: {  	v5 =	vld [tilespmem:s20+$0x200]  }
0x47a: {  	v56 =	vld.idx.msk [tilespmem:v0+s25+$0x0], $0xffff;
	v0 =	vor.u32 v18, v3  }
0x47b: {  	v47 =	vld.idx.msk [tilespmem:v1+s25+$0x0], $0xffff;
	v1 =	vor.u32 v19, v3  }
0x47c: {  	v6 =	vor.u32 v2, v3;
	v2 =	vld.idx.msk [tilespmem:v4+s25+$0x0], $0xffff;
	_ =	sdelay $0x1  }
0x47d: {  	v52 =	vld [tilespmem:$0x1FC80]  }
0x47e: {  	v5 =	vshrl.u32 v5, $0x2;
	v32 =	vld.idx.msk [tilespmem:v0+s25+$0x0], $0xffff;
	v0 =	vor.u32 v23, v3  }
0x47f: {  	v22 =	vand.u32 $0x40, v5;
	v31 =	vld.idx.msk [tilespmem:v1+s25+$0x0], $0xffff;
	v1 =	vor.u32 v24, v3  }
0x480: {  	v5 =	vor.u32 v8, v22;
	[tilespmem:$0x1EE10] =	vst v2;
	v2 =	vld.idx.msk [tilespmem:v6+s25+$0x0], $0xffff;
	_ =	sdelay $0x2  }
0x481: {  	v62 =	vld.idx.msk [tilespmem:v0+s25+$0x0], $0xffff  }
0x482: {  	v0 =	vor.u32 v52, v3;
	v59 =	vld.idx.msk [tilespmem:v1+s25+$0x0], $0xffff  }
0x483: {  	v4 =	vor.u32 v9, v22;
	[tilespmem:$0x1EE20] =	vst v2;
	v2 =	vld.idx.msk [tilespmem:v5+s26+$0x0], $0xffff  }
0x484: {  	v1 =	vld [tilespmem:$0x1FC90];
	_ =	sdelay $0x2  }
0x485: {  	v41 =	vld.idx.msk [tilespmem:v0+s25+$0x0], $0xffff  }
0x486: {  	v6 =	vor.u32 v10, v22;
	[tilespmem:$0x1EBA0] =	vst v2;
	v2 =	vld.idx.msk [tilespmem:v4+s26+$0x0], $0xffff  }
0x487: {  	v1 =	vor.u32 v1, v3;
	v0 =	vld [tilespmem:$0x1FEE0];
	_ =	sdelay $0x3  }
0x488: {  	v5 =	vor.u32 v13, v22;
	[tilespmem:$0x1EBB0] =	vst v2;
	v2 =	vld.idx.msk [tilespmem:v6+s26+$0x0], $0xffff  }
0x489: {  	v0 =	vor.u32 v0, v3;
	v39 =	vld.idx.msk [tilespmem:v1+s25+$0x0], $0xffff  }
0x48a: {  	v1 =	vld [tilespmem:$0x1FEF0];
	_ =	sdelay $0x2  }
0x48b: {  	v4 =	vor.u32 v14, v22;
	[tilespmem:$0x1EBC0] =	vst v2;
	v2 =	vld.idx.msk [tilespmem:v5+s26+$0x0], $0xffff  }
0x48c: {  	v0 =	vld.idx.msk [tilespmem:v0+s25+$0x0], $0xffff  }
0x48d: {  	v1 =	vor.u32 v1, v3;
	_ =	sdelay $0x2  }
0x48e: {  	v5 =	vor.u32 v17, v22;
	[tilespmem:$0x1EBF0] =	vst v2;
	v2 =	vld.idx.msk [tilespmem:v4+s26+$0x0], $0xffff  }
0x48f: {  	[tilespmem:$0x1EE00] =	vst v0;
	v0 =	vld [tilespmem:$0x1FF30]  }
0x490: {  	v51 =	vld.idx.msk [tilespmem:v1+s25+$0x0], $0xffff  }
0x491: {  	v1 =	vld [tilespmem:$0x1FF50]  }
0x492: {  	v6 =	vld [tilespmem:$0x1FF60]  }
0x493: {  	v4 =	vor.u32 v18, v22;
	[tilespmem:$0x1EC00] =	vst v2;
	v2 =	vld.idx.msk [tilespmem:v5+s26+$0x0], $0xffff;
	_ =	sdelay $0x2  }
0x494: {  	s7 =	smul.u32 $0x140, s1  }
0x495: {  	[tilespmem:$0x1EB90] =	vst v3;
	v0 =	vor.u32 v0, v3  }
0x496: {  	v1 =	vor.u32 v1, v3;
	v3 =	vadd.s32 s7, v6;
	v6 =	vor.u32 v19, v22;
	[tilespmem:$0x1EC40] =	vst v2;
	v2 =	vld.idx.msk [tilespmem:v4+s26+$0x0], $0xffff;
	_ =	sdelay $0x4  }
0x497: {  	v5 =	vor.u32 v28, v22;
	[tilespmem:$0x1EC50] =	vst v2;
	v2 =	vld.idx.msk [tilespmem:v6+s26+$0x0], $0xffff;
	_ =	sdelay $0x3  }
0x498: {  	v0 =	vld.idx.msk [tilespmem:v0+s25+$0x0], $0xffff  }
0x499: {  	[tilespmem:$0x1EC60] =	vst v2;
	v2 =	vld.idx.msk [tilespmem:v5+s26+$0x0], $0xffff  }
0x49a: {  	v50 =	vld.idx.msk [tilespmem:v7+s25+$0x0], $0xffff  }
0x49b: {  	v7 =	vld.idx.msk [tilespmem:v3+s13+$0x0], $0xffff  }
0x49c: {  	v28 =	vld [tilespmem:$0x1FB40]  }
0x49d: {  	[tilespmem:$0x1EE90] =	vst v0;
	v0 =	vor.u32 v11, v22  }
0x49e: {  	s8 =	simm.s32 $0x0;
	v4 =	vor.u32 v23, v22;
	[tilespmem:$0x1EC90] =	vst v2;
	v2 =	vld [tilespmem:$0x1F760]  }
0x49f: {  	v8 =	vmov s8  }
0x4a0: {  	v8 =	vshll.u32 v8, $0x7;
	v7 =	vshrl.u32 v7, $0x2  }
0x4a1: {  	v7 =	vand.u32 $0x40, v7;
	v8 =	vadd.s32 v28, v8  }
0x4a2: {  	v0 =	vld.idx.msk [tilespmem:v0+s26+$0x0], $0xffff;
	v7 =	vor.u32 v8, v7  }
0x4a3: {  	v5 =	vor.u32 v2, v7;
	v2 =	vld.idx.msk [tilespmem:v4+s26+$0x0], $0xffff;
	_ =	sdelay $0x2  }
0x4a4: {  	v1 =	vld.idx.msk [tilespmem:v1+s25+$0x0], $0xffff  }
0x4a5: {  	[tilespmem:$0x1EBD0] =	vst v0;
	v0 =	vor.u32 v15, v22  }
0x4a6: {  	v6 =	vor.u32 v24, v22;
	[tilespmem:$0x1ECA0] =	vst v2;
	v2 =	vld [tilespmem:$0x1F7A0];
	_ =	sdelay $0x2  }
0x4a7: {  	[tilespmem:$0x1EE40] =	vst v1;
	v1 =	vor.u32 v12, v22  }
0x4a8: {  	v0 =	vld.idx.msk [tilespmem:v0+s26+$0x0], $0xffff  }
0x4a9: {  	v4 =	vor.u32 v2, v7;
	v2 =	vld.idx.msk [tilespmem:v6+s26+$0x0], $0xffff;
	_ =	sdelay $0x2  }
0x4aa: {  	v1 =	vld.idx.msk [tilespmem:v1+s26+$0x0], $0xffff  }
0x4ab: {  	[tilespmem:$0x1EC20] =	vst v0  }
0x4ac: {  	v0 =	vor.u32 v20, v22;
	[tilespmem:$0x1ECB0] =	vst v2;
	v2 =	vlaneseq.u32  }
0x4ad: {  	v6 =	vor.u32 v2, v7;
	v2 =	vld [tilespmem:$0x1F7E0];
	_ =	sdelay $0x1  }
0x4ae: {  	[tilespmem:$0x1EBE0] =	vst v1;
	v1 =	vor.u32 v16, v22;
	_ =	sdelay $0x1  }
0x4af: {  	v0 =	vld.idx.msk [tilespmem:v0+s26+$0x0], $0xffff  }
0x4b0: {  	v8 =	vor.u32 v2, v7;
	v2 =	vld [tilespmem:$0x1F800];
	_ =	sdelay $0x1  }
0x4b1: {  	v1 =	vld.idx.msk [tilespmem:v1+s26+$0x0], $0xffff;
	_ =	sdelay $0x1  }
0x4b2: {  	[tilespmem:$0x1EC70] =	vst v0;
	v0 =	vor.u32 v25, v22  }
0x4b3: {  	v9 =	vor.u32 v27, v22;
	v10 =	vor.u32 v2, v7;
	v2 =	vld [tilespmem:$0x1F810];
	_ =	sdelay $0x1  }
0x4b4: {  	[tilespmem:$0x1EC30] =	vst v1;
	v1 =	vor.u32 v21, v22;
	_ =	sdelay $0x1  }
0x4b5: {  	v0 =	vld.idx.msk [tilespmem:v0+s26+$0x0], $0xffff  }
0x4b6: {  	v11 =	vor.u32 v2, v7;
	v2 =	vld.idx.msk [tilespmem:v9+s26+$0x0], $0xffff;
	_ =	sdelay $0x1  }
0x4b7: {  	v1 =	vld.idx.msk [tilespmem:v1+s26+$0x0], $0xffff  }
0x4b8: {  	v53 =	vld [tilespmem:$0x1F840]  }
0x4b9: {  	[tilespmem:$0x1ECC0] =	vst v0;
	v0 =	vld [tilespmem:$0x1F7B0]  }
0x4ba: {  	[tilespmem:$0x1ECE0] =	vst v2;
	v2 =	vld [tilespmem:$0x1F880]  }
0x4bb: {  	v54 =	vld [tilespmem:$0x1F850]  }
0x4bc: {  	v57 =	vld [tilespmem:$0x1EFA0];
	[tilespmem:$0x1EC80] =	vst v1;
	v1 =	vor.u32 v26, v22  }
0x4bd: {  	v27 =	vld [tilespmem:$0x1EF40]  }
0x4be: {  	v20 =	vld [tilespmem:$0x1EF30];
	v0 =	vor.u32 v0, v7  }
0x4bf: {  	v9 =	vor.u32 v2, v7;
	v2 =	vld [tilespmem:$0x1F8C0]  }
0x4c0: {  	v23 =	vld [tilespmem:$0x1EF90]  }
0x4c1: {  	v1 =	vld.idx.msk [tilespmem:v1+s26+$0x0], $0xffff  }
0x4c2: {  	v25 =	vld [tilespmem:$0x1EF70]  }
0x4c3: {  	v0 =	vld.idx.msk [tilespmem:v0+s28+$0x0], $0xffff  }
0x4c4: {  	v14 =	vor.u32 v2, v7;
	v2 =	vld [tilespmem:$0x1F910]  }
0x4c5: {  	v6 =	vld.idx.msk [tilespmem:v6+s28+$0x0], $0xffff  }
0x4c6: {  	v12 =	vor.u32 v53, v7;
	[tilespmem:$0x1ECD0] =	vst v1;
	v1 =	vld [tilespmem:$0x1F7C0]  }
0x4c7: {  	v13 =	vor.u32 v54, v7;
	v24 =	vld [tilespmem:$0x1EF80]  }
0x4c8: {  	v5 =	vld.idx.msk [tilespmem:v5+s28+$0x0], $0xffff  }
0x4c9: {  	[tilespmem:$0x1ED20] =	vst v42;
	v0 =	vmul.f32 v0, v42;
	v42 =	vor.u32 v2, v7;
	v2 =	vld [tilespmem:$0x1F970]  }
0x4ca: {  	[tilespmem:$0x1ED10] =	vst v37;
	v6 =	vmul.f32 v6, v37;
	v37 =	vld [tilespmem:$0x1EFB0]  }
0x4cb: {  	v12 =	vld.idx.msk [tilespmem:v12+s28+$0x0], $0xffff;
	v1 =	vor.u32 v1, v7  }
0x4cc: {  	v13 =	vld.idx.msk [tilespmem:v13+s28+$0x0], $0xffff  }
0x4cd: {  	v4 =	vld.idx.msk [tilespmem:v4+s28+$0x0], $0xffff  }
0x4ce: {  	[tilespmem:$0x1ECF0] =	vst v44;
	v5 =	vmul.f32 v5, v44;
	v44 =	vor.u32 v2, v7;
	v2 =	vld [tilespmem:$0x1F9C0]  }
0x4cf: {  	v8 =	vld.idx.msk [tilespmem:v8+s28+$0x0], $0xffff;
	v58 =	vor.u32 v37, v7  }
0x4d0: {  	v1 =	vld.idx.msk [tilespmem:v1+s28+$0x0], $0xffff  }
0x4d1: {  	v6 =	vadd.f32 $0.0e+00, v6;
	v11 =	vld.idx.msk [tilespmem:v11+s28+$0x0], $0xffff  }
0x4d2: {  	v0 =	vadd.f32 $0.0e+00, v0;
	v4 =	vmul.f32 v4, v56;
	v10 =	vld.idx.msk [tilespmem:v10+s28+$0x0], $0xffff  }
0x4d3: {  	v15 =	vor.u32 v57, v7;
	v5 =	vadd.f32 v5, v6;
	v6 =	vor.u32 v2, v7;
	v2 =	vld [tilespmem:$0x1F9E0]  }
0x4d4: {  	v0 =	vadd.f32 v4, v0;
	v8 =	vmul.f32 v8, v55;
	v4 =	vld.idx.msk [tilespmem:v58+s28+$0x0], $0xffff  }
0x4d5: {  	v1 =	vmul.f32 v1, v40;
	v58 =	vld.idx.msk [tilespmem:v44+s28+$0x0], $0xffff  }
0x4d6: {  	v8 =	vadd.f32 $0.0e+00, v8;
	v11 =	vmul.f32 v11, v36;
	v14 =	vld.idx.msk [tilespmem:v14+s28+$0x0], $0xffff  }
0x4d7: {  	v1 =	vadd.f32 $0.0e+00, v1;
	v10 =	vmul.f32 v10, v47;
	v9 =	vld.idx.msk [tilespmem:v9+s28+$0x0], $0xffff  }
0x4d8: {  	v15 =	vld.idx.msk [tilespmem:v15+s28+$0x0], $0xffff;
	v8 =	vadd.f32 v11, v8;
	v11 =	vor.u32 v2, v7  }
0x4d9: {  	[tilespmem:$0x1ED40] =	vst v55;
	v1 =	vadd.f32 v10, v1;
	v10 =	vld.idx.msk [tilespmem:v42+s28+$0x0], $0xffff  }
0x4da: {  	[tilespmem:$0x1EDC0] =	vst v62;
	v21 =	vor.u32 v25, v7;
	v16 =	vmul.f32 v58, v62;
	v62 =	vld [tilespmem:$0x1EFC0]  }
0x4db: {  	[tilespmem:$0x1ED00] =	vst v56;
	v26 =	vld [tilespmem:$0x1EF60];
	v12 =	vmul.f32 v12, v30;
	v56 =	vor.u32 v24, v7;
	v14 =	vmul.f32 v14, v31  }
0x4dc: {  	v13 =	vmul.f32 v13, v29;
	v55 =	vor.u32 v23, v7;
	v9 =	vmul.f32 v9, v32;
	v6 =	vld.idx.msk [tilespmem:v6+s28+$0x0], $0xffff  }
0x4dd: {  	v5 =	vadd.f32 v12, v5;
	v8 =	vadd.f32 v14, v8;
	v14 =	vmul.f32 v15, v34;
	v11 =	vld.idx.msk [tilespmem:v11+s28+$0x0], $0xffff  }
0x4de: {  	[tilespmem:$0x1ED80] =	vst v29;
	v29 =	vld [tilespmem:$0x1EDF0];
	v0 =	vadd.f32 v13, v0;
	v4 =	vmul.f32 v4, v33;
	v1 =	vadd.f32 v9, v1  }
0x4df: {  	[tilespmem:$0x1ED70] =	vst v30;
	v30 =	vld [tilespmem:$0x1EE00];
	v5 =	vadd.f32 v14, v5;
	v10 =	vmul.f32 v10, v63;
	v14 =	vor.u32 v62, v7  }
0x4e0: {  	[tilespmem:$0x1ED60] =	vst v36;
	v12 =	vld.idx.msk [tilespmem:v56+s28+$0x0], $0xffff;
	v36 =	vor.u32 v26, v7  }
0x4e1: {  	v4 =	vadd.f32 v4, v0;
	v0 =	vld [tilespmem:$0x1EF20];
	v1 =	vadd.f32 v10, v1  }
0x4e2: {  	v18 =	vld.idx.msk [tilespmem:v55+s28+$0x0], $0xffff;
	v8 =	vadd.f32 v16, v8;
	v6 =	vmul.f32 v6, v38;
	v11 =	vmul.f32 v11, v46  }
0x4e3: {  	[tilespmem:$0x1ED50] =	vst v47;
	v13 =	vor.u32 v61, v7;
	v55 =	vld.idx.msk [tilespmem:v21+s28+$0x0], $0xffff  }
0x4e4: {  	v1 =	vadd.f32 v6, v1;
	v6 =	vadd.f32 v11, v8;
	v8 =	vld.idx.msk [tilespmem:v14+s28+$0x0], $0xffff;
	v14 =	vor.u32 v52, v22  }
0x4e5: {  	[tilespmem:$0x1ED90] =	vst v32;
	v47 =	vmov v33;
	v33 =	vld.idx.msk [tilespmem:v36+s28+$0x0], $0xffff;
	v32 =	vor.u32 v27, v7  }
0x4e6: {  	v36 =	vor.u32 v0, v7;
	v21 =	vmov v0;
	v0 =	vld [tilespmem:$0x1FC90]  }
0x4e7: {  	v42 =	vld [tilespmem:$0x1EF50]  }
0x4e8: {  	v10 =	vld.idx.msk [tilespmem:v13+s28+$0x0], $0xffff  }
0x4e9: {  	v14 =	vld.idx.msk [tilespmem:v14+s26+$0x0], $0xffff  }
0x4ea: {  	[tilespmem:$0x1ED30] =	vst v40;
	v40 =	vld.idx.msk [tilespmem:v32+s28+$0x0], $0xffff  }
0x4eb: {  	[tilespmem:$0x1EDA0] =	vst v31;
	v2 =	vld [tilespmem:$0x1F040]  }
0x4ec: {  	[tilespmem:$0x1EC10] =	vst v3;
	v3 =	vmov v34;
	v12 =	vmul.f32 v12, v35;
	v31 =	vld [tilespmem:$0x1EE10];
	v34 =	vmul.f32 v18, v59  }
0x4ed: {  	v32 =	vld [tilespmem:$0x1EE20];
	v10 =	vmul.f32 v10, v43;
	v11 =	vmul.f32 v55, v41;
	v55 =	vor.u32 v0, v22  }
0x4ee: {  	v12 =	vadd.f32 v12, v4;
	v4 =	vmul.f32 v33, v39;
	[tilespmem:$0x1EE30] =	vst v14;
	v14 =	vld [tilespmem:$0x1FEE0]  }
0x4ef: {  	v15 =	vor.u32 v42, v7;
	v5 =	vadd.f32 v34, v5;
	v1 =	vadd.f32 v10, v1;
	v10 =	vld [tilespmem:$0x1FEC0]  }
0x4f0: {  	v9 =	vor.u32 v2, v7;
	v0 =	vadd.f32 v4, v12;
	v4 =	vld.idx.msk [tilespmem:v36+s28+$0x0], $0xffff;
	v12 =	vmul.f32 v40, v30  }
0x4f1: {  	v58 =	vmovc v59;
	v59 =	vmov v35;
	v35 =	vor.u32 v20, v7;
	v5 =	vadd.f32 v11, v5;
	v11 =	vld [tilespmem:$0x1FEB0]  }
0x4f2: {  	v0 =	vadd.f32 v12, v0;
	v12 =	vld.idx.msk [tilespmem:v55+s26+$0x0], $0xffff  }
0x4f3: {  	[tilespmem:$0x1EDB0] =	vst v63;
	v63 =	vld [tilespmem:$0x1F050];
	v14 =	vor.u32 v14, v22  }
0x4f4: {  	v15 =	vld.idx.msk [tilespmem:v15+s28+$0x0], $0xffff  }
0x4f5: {  	v9 =	vld.idx.msk [tilespmem:v9+s28+$0x0], $0xffff  }
0x4f6: {  	v17 =	vld.idx.msk [tilespmem:v35+s28+$0x0], $0xffff;
	v10 =	vor.u32 v10, v22;
	v4 =	vmul.f32 v4, v32  }
0x4f7: {  	v11 =	vor.u32 v11, v22;
	[tilespmem:$0x1EE50] =	vst v12;
	v12 =	vld [tilespmem:$0x1FEF0]  }
0x4f8: {  	v0 =	vadd.f32 v4, v0;
	v4 =	vld.idx.msk [tilespmem:v14+s26+$0x0], $0xffff  }
0x4f9: {  	[tilespmem:$0x1EDE0] =	vst v46;
	v13 =	vor.u32 v63, v7;
	v46 =	vld [tilespmem:$0x1EFD0]  }
0x4fa: {  	v52 =	vmovc v43;
	v43 =	vmov v60;
	v9 =	vmul.f32 v9, v60;
	v60 =	vld [tilespmem:$0x1FED0];
	v8 =	vmul.f32 v8, v51  }
0x4fb: {  	v10 =	vld.idx.msk [tilespmem:v10+s26+$0x0], $0xffff  }
0x4fc: {  	v1 =	vadd.f32 v8, v1;
	v8 =	vld.idx.msk [tilespmem:v11+s26+$0x0], $0xffff  }
0x4fd: {  	v12 =	vor.u32 v12, v22;
	[tilespmem:$0x1EEA0] =	vst v4;
	v4 =	vld [tilespmem:$0x1FF30]  }
0x4fe: {  	v13 =	vld.idx.msk [tilespmem:v13+s28+$0x0], $0xffff;
	v15 =	vmul.f32 v15, v29  }
0x4ff: {  	[tilespmem:$0x1EDD0] =	vst v38;
	v38 =	vor.u32 v45, v7;
	v7 =	vor.u32 v46, v7  }
0x500: {  	v5 =	vadd.f32 v15, v5;
	v16 =	vor.u32 v60, v22;
	[tilespmem:$0x1EE70] =	vst v10;
	v10 =	vmul.f32 v17, v31  }
0x501: {  	[tilespmem:$0x1EE60] =	vst v8;
	v8 =	vld [tilespmem:$0x1FF00]  }
0x502: {  	v5 =	vadd.f32 v10, v5;
	v10 =	vor.u32 v4, v22;
	v4 =	vld.idx.msk [tilespmem:v12+s26+$0x0], $0xffff  }
0x503: {  	v34 =	vld [tilespmem:$0x1EE40];
	v13 =	vmul.f32 v13, v50;
	v6 =	vadd.f32 v9, v6  }
0x504: {  	v7 =	vld.idx.msk [tilespmem:v7+s28+$0x0], $0xffff  }
0x505: {  	v6 =	vadd.f32 v13, v6;
	v13 =	vld.idx.msk [tilespmem:v16+s26+$0x0], $0xffff;
	_ =	sdelay $0x1  }
0x506: {  	v8 =	vor.u32 v8, v22;
	[tilespmem:$0x1EEB0] =	vst v4;
	v4 =	vld [tilespmem:$0x1FF50]  }
0x507: {  	v11 =	vld [tilespmem:$0x1FF10]  }
0x508: {  	v9 =	vld.idx.msk [tilespmem:v38+s28+$0x0], $0xffff  }
0x509: {  	v7 =	vmul.f32 v7, v34;
	[tilespmem:$0x1EE80] =	vst v13;
	v13 =	vld [tilespmem:$0x1EE90];
	_ =	sdelay $0x1  }
0x50a: {  	v6 =	vadd.f32 v7, v6;
	v7 =	vor.u32 v4, v22;
	v4 =	vld.idx.msk [tilespmem:v8+s26+$0x0], $0xffff  }
0x50b: {  	v11 =	vor.u32 v11, v22;
	_ =	sdelay $0x1  }
0x50c: {  	v9 =	vmul.f32 v9, v13  }
0x50d: {  	v55 =	vmov v13;
	v13 =	vld [tilespmem:$0x1FF20]  }
0x50e: {  	v1 =	vadd.f32 v9, v1;
	[tilespmem:$0x1EED0] =	vst v4;
	v4 =	vld [tilespmem:$0x1FF70]  }
0x50f: {  	v0 =	vadd.f32 v0, v5;
	v5 =	vld.idx.msk [tilespmem:v11+s26+$0x0], $0xffff  }
0x510: {  	v1 =	vadd.f32 v6, v1;
	_ =	sdelay $0x1  }
0x511: {  	v13 =	vor.u32 v13, v22;
	v0 =	vadd.f32 v1, v0;
	v1 =	vld.idx.msk [tilespmem:v10+s26+$0x0], $0xffff  }
0x512: {  	v4 =	vadd.s32 s7, v4  }
0x513: {  	[tilespmem:$0x1EEE0] =	vst v5;
	v5 =	vadd.s32 s8, v4;
	_ =	sdelay $0x2  }
0x514: {  	s0 =	simm.s32 $0x1B800;
	v6 =	vld.idx.msk [tilespmem:v13+s26+$0x0], $0xffff;
	[tilespmem:$0x1EF00] =	vst v1  }
0x515: {  	v1 =	vld.idx.msk [tilespmem:v7+s26+$0x0], $0xffff;
	[tilespmem:s0+$0x0] =	vst v0  }
0x516: {  	v0 =	vld.idx.msk [tilespmem:v5+s13+$0x0], $0xffff;
	_ =	sdelay $0x2  }
0x517: {  	s1 =	simm.s32 $0x1  }
0x518: {  	[tilespmem:$0x1EF10] =	vst v1;
	v1 =	vmov s1  }
0x519: {  	v1 =	vshll.u32 v1, $0x7;
	v0 =	vshrl.u32 v0, $0x2  }
0x51a: {  	v1 =	vadd.s32 v28, v1;
	v0 =	vand.u32 $0x40, v0  }
0x51b: {  	v5 =	vor.u32 v1, v0  }
0x51c: {  	v0 =	vor.u32 v20, v5  }
0x51d: {  	[tilespmem:$0x1EEF0] =	vst v6;
	v6 =	vor.u32 v21, v5  }
0x51e: {  	v7 =	vor.u32 v42, v5  }
0x51f: {  	v8 =	vor.u32 v27, v5;
	_ =	sdelay $0x1  }
0x520: {  	v1 =	vld.idx.msk [tilespmem:v0+s28+$0x0], $0xffff  }
0x521: {  	[tilespmem:$0x1EEC0] =	vst v22;
	v56 =	vmov v39;
	v39 =	vmov v61;
	v12 =	vor.u32 v25, v5;
	v6 =	vld.idx.msk [tilespmem:v6+s28+$0x0], $0xffff  }
0x522: {  	v61 =	vmovc v23;
	v44 =	vmovc v41;
	v38 =	vmov v51;
	v51 =	vmov v50;
	v9 =	vor.u32 v26, v5;
	v0 =	vld.idx.msk [tilespmem:v7+s28+$0x0], $0xffff  }
0x523: {  	s5 =	simm.s32 $0x2;
	v11 =	vor.u32 v23, v5;
	v10 =	vor.u32 v24, v5;
	v7 =	vld.idx.msk [tilespmem:v8+s28+$0x0], $0xffff;
	v8 =	vor.u32 v57, v5  }
.LBB2_13:
0x524: {  	_ =	sdelay $0x1  }
0x525: {  	v12 =	vld.idx.msk [tilespmem:v12+s28+$0x0], $0xffff  }
0x526: {  	v9 =	vld.idx.msk [tilespmem:v9+s28+$0x0], $0xffff  }
0x527: {  	v11 =	vld.idx.msk [tilespmem:v11+s28+$0x0], $0xffff  }
0x528: {  	v16 =	vld [tilespmem:$0x1F760]  }
0x529: {  	v10 =	vld.idx.msk [tilespmem:v10+s28+$0x0], $0xffff  }
0x52a: {  	v17 =	vld [tilespmem:$0x1F7A0]  }
0x52b: {  	v8 =	vld.idx.msk [tilespmem:v8+s28+$0x0], $0xffff  }
0x52c: {  	v19 =	vld [tilespmem:$0x1F7B0]  }
0x52d: {  	v20 =	vld [tilespmem:$0x1F7C0];
	v16 =	vor.u32 v16, v5  }
0x52e: {  	v21 =	vld [tilespmem:$0x1F7E0]  }
0x52f: {  	v22 =	vld [tilespmem:$0x1F800]  }
0x530: {  	v24 =	vld [tilespmem:$0x1F810]  }
0x531: {  	v36 =	vld [tilespmem:$0x1ECF0];
	v19 =	vor.u32 v19, v5  }
0x532: {  	v16 =	vld.idx.msk [tilespmem:v16+s28+$0x0], $0xffff  }
0x533: {  	v27 =	vld [tilespmem:$0x1F880]  }
0x534: {  	v28 =	vld [tilespmem:$0x1F8C0]  }
0x535: {  	v1 =	vmul.f32 v1, v31;
	v41 =	vmov v31;
	v31 =	vld [tilespmem:$0x1F9C0]  }
0x536: {  	v20 =	vor.u32 v20, v5;
	v19 =	vld.idx.msk [tilespmem:v19+s28+$0x0], $0xffff  }
0x537: {  	v16 =	vmul.f32 v16, v36;
	v36 =	vld [tilespmem:$0x1ED20]  }
0x538: {  	v33 =	vld [tilespmem:$0x1ED70]  }
0x539: {  	v40 =	vld [tilespmem:$0x1ED80]  }
0x53a: {  	v15 =	vor.u32 v54, v5;
	v50 =	vld [tilespmem:$0x1F9E0]  }
0x53b: {  	v21 =	vor.u32 v21, v5;
	v20 =	vld.idx.msk [tilespmem:v20+s28+$0x0], $0xffff  }
0x53c: {  	v19 =	vmul.f32 v19, v36;
	v36 =	vld [tilespmem:$0x1ED30]  }
0x53d: {  	v14 =	vor.u32 v53, v5;
	v60 =	vmov v29;
	v0 =	vmul.f32 v0, v29;
	v29 =	vld [tilespmem:$0x1F910]  }
0x53e: {  	v35 =	vmov v30;
	v7 =	vmul.f32 v7, v30;
	v30 =	vld [tilespmem:$0x1F970];
	v17 =	vor.u32 v17, v5  }
0x53f: {  	v15 =	vld.idx.msk [tilespmem:v15+s28+$0x0], $0xffff;
	v22 =	vor.u32 v22, v5  }
0x540: {  	v21 =	vld.idx.msk [tilespmem:v21+s28+$0x0], $0xffff  }
0x541: {  	v20 =	vmul.f32 v20, v36;
	v36 =	vld [tilespmem:$0x1ED40]  }
0x542: {  	v13 =	vor.u32 v37, v5;
	v18 =	vlaneseq.u32;
	v14 =	vld.idx.msk [tilespmem:v14+s28+$0x0], $0xffff  }
0x543: {  	v18 =	vor.u32 v18, v5;
	v17 =	vld.idx.msk [tilespmem:v17+s28+$0x0], $0xffff  }
0x544: {  	v6 =	vmul.f32 v6, v32;
	v24 =	vor.u32 v24, v5;
	v22 =	vld.idx.msk [tilespmem:v22+s28+$0x0], $0xffff  }
0x545: {  	v28 =	vor.u32 v28, v5;
	v15 =	vmul.f32 v15, v40;
	v40 =	vmovc v32;
	v32 =	vor.u32 v50, v5;
	v50 =	vld [tilespmem:$0x1ED00]  }
0x546: {  	v21 =	vmul.f32 v21, v36;
	v36 =	vld [tilespmem:$0x1ED50]  }
0x547: {  	v13 =	vld.idx.msk [tilespmem:v13+s28+$0x0], $0xffff  }
0x548: {  	v18 =	vld.idx.msk [tilespmem:v18+s28+$0x0], $0xffff;
	v14 =	vmul.f32 v14, v33;
	v33 =	vor.u32 v39, v5  }
0x549: {  	v24 =	vld.idx.msk [tilespmem:v24+s28+$0x0], $0xffff  }
0x54a: {  	v27 =	vor.u32 v27, v5;
	v28 =	vld.idx.msk [tilespmem:v28+s28+$0x0], $0xffff  }
0x54b: {  	v17 =	vmul.f32 v17, v50;
	v19 =	vadd.f32 $0.0e+00, v19;
	v22 =	vmul.f32 v22, v36;
	v36 =	vld [tilespmem:$0x1ED60]  }
0x54c: {  	v31 =	vor.u32 v31, v5;
	v50 =	vld [tilespmem:$0x1ED10]  }
0x54d: {  	v30 =	vor.u32 v30, v5;
	v17 =	vadd.f32 v17, v19;
	v19 =	vld.idx.msk [tilespmem:v33+s28+$0x0], $0xffff  }
0x54e: {  	v33 =	vld [tilespmem:$0x1EDA0]  }
0x54f: {  	v29 =	vor.u32 v29, v5;
	v27 =	vld.idx.msk [tilespmem:v27+s28+$0x0], $0xffff  }
0x550: {  	v24 =	vmul.f32 v24, v36;
	v36 =	vld [tilespmem:$0x1ED90]  }
0x551: {  	v31 =	vld.idx.msk [tilespmem:v31+s28+$0x0], $0xffff;
	v18 =	vmul.f32 v18, v50;
	v20 =	vadd.f32 $0.0e+00, v20  }
0x552: {  	v25 =	vor.u32 v62, v5;
	v30 =	vld.idx.msk [tilespmem:v30+s28+$0x0], $0xffff  }
0x553: {  	v18 =	vadd.f32 $0.0e+00, v18;
	v20 =	vadd.f32 v22, v20;
	v22 =	vmul.f32 v28, v33;
	v33 =	vld [tilespmem:$0x1EDC0]  }
0x554: {  	v29 =	vld.idx.msk [tilespmem:v29+s28+$0x0], $0xffff;
	v21 =	vadd.f32 $0.0e+00, v21  }
0x555: {  	v23 =	vor.u32 v45, v5;
	v16 =	vadd.f32 v16, v18;
	v18 =	vmul.f32 v27, v36;
	v36 =	vld [tilespmem:$0x1EDB0]  }
0x556: {  	v26 =	vor.u32 v46, v5;
	v8 =	vmul.f32 v8, v3;
	v32 =	vld.idx.msk [tilespmem:v32+s28+$0x0], $0xffff;
	v21 =	vadd.f32 v24, v21  }
0x557: {  	v50 =	vmovc v34;
	v34 =	vor.u32 v2, v5;
	v5 =	vor.u32 v63, v5;
	v14 =	vadd.f32 v14, v16  }
0x558: {  	v15 =	vadd.f32 v15, v17;
	v17 =	vld.idx.msk [tilespmem:v25+s28+$0x0], $0xffff;
	v25 =	vadd.f32 v22, v21;
	v21 =	vmul.f32 v30, v33  }
0x559: {  	v8 =	vadd.f32 v8, v14;
	v14 =	vld [tilespmem:$0x1EDD0]  }
0x55a: {  	v16 =	vmul.f32 v29, v36;
	v36 =	vadd.f32 v21, v25;
	v25 =	vld [tilespmem:$0x1EDE0];
	_ =	sdelay $0x1  }
0x55b: {  	v13 =	vmul.f32 v13, v47;
	v24 =	vld.idx.msk [tilespmem:v34+s28+$0x0], $0xffff  }
0x55c: {  	v12 =	vmul.f32 v12, v44;
	v9 =	vmul.f32 v9, v56;
	v5 =	vld.idx.msk [tilespmem:v5+s28+$0x0], $0xffff;
	v18 =	vadd.f32 v18, v20  }
0x55d: {  	v11 =	vmul.f32 v11, v58;
	v10 =	vmul.f32 v10, v59;
	v13 =	vadd.f32 v13, v15  }
0x55e: {  	v15 =	vld.idx.msk [tilespmem:v23+s28+$0x0], $0xffff;
	v14 =	vmul.f32 v31, v14;
	v16 =	vadd.f32 v16, v18;
	v20 =	vmul.f32 v32, v25  }
0x55f: {  	v8 =	vadd.f32 v11, v8;
	v10 =	vadd.f32 v10, v13;
	v11 =	vmul.f32 v19, v52;
	v33 =	vld.idx.msk [tilespmem:v26+s28+$0x0], $0xffff  }
0x560: {  	v13 =	vadd.f32 v14, v16;
	v14 =	vadd.f32 v20, v36;
	v36 =	vmul.f32 v24, v43  }
0x561: {  	v5 =	vmul.f32 v5, v51;
	v8 =	vadd.f32 v12, v8;
	v9 =	vadd.f32 v9, v10  }
0x562: {  	v10 =	vmul.f32 v17, v38;
	v11 =	vadd.f32 v11, v13;
	v12 =	vadd.f32 v36, v14  }
0x563: {  	v0 =	vadd.f32 v0, v8;
	v7 =	vadd.f32 v7, v9;
	v8 =	vmul.f32 v15, v55  }
0x564: {  	v9 =	vadd.f32 v10, v11;
	v10 =	vmul.f32 v33, v50;
	v5 =	vadd.f32 v5, v12  }
0x565: {  	v0 =	vadd.f32 v1, v0;
	v1 =	vadd.f32 v6, v7  }
0x566: {  	v6 =	vadd.f32 v8, v9;
	v5 =	vadd.f32 v10, v5;
	_ =	sdelay $0x1  }
0x567: {  	v7 =	vadd.s32 s1, v4;
	v0 =	vadd.f32 v1, v0;
	v1 =	vadd.f32 v5, v6;
	_ =	sdelay $0x1  }
0x568: {  	v0 =	vadd.f32 v1, v0  }
0x569: {  	s0 =	sadd.s32 $0x10, s0  }
0x56a: {  	[tilespmem:s0+$0x0] =	vst v0  }
0x56b: {  	v0 =	vld.idx.msk [tilespmem:v7+s13+$0x0], $0xffff  }
0x56c: {  	v5 =	vld [tilespmem:$0x1FB40];
	_ =	sdelay $0x2  }
0x56d: {  	v1 =	vmov s5  }
0x56e: {  	v1 =	vshll.u32 v1, $0x7;
	v0 =	vshrl.u32 v0, $0x2  }
0x56f: {  	v1 =	vadd.s32 v5, v1;
	v0 =	vand.u32 $0x40, v0  }
0x570: {  	v5 =	vor.u32 v1, v0;
	v1 =	vld [tilespmem:$0x1EF20];
	_ =	sdelay $0x4  }
0x571: {  	v6 =	vor.u32 v1, v5;
	v1 =	vld [tilespmem:$0x1EF40];
	_ =	sdelay $0x3  }
0x572: {  	v0 =	vld [tilespmem:$0x1EF30]  }
0x573: {  	v13 =	vor.u32 v1, v5;
	v1 =	vld [tilespmem:$0x1EF70];
	_ =	sdelay $0x4  }
0x574: {  	v0 =	vor.u32 v0, v5;
	v12 =	vor.u32 v1, v5;
	v1 =	vld [tilespmem:$0x1EF60];
	_ =	sdelay $0x4  }
0x575: {  	v9 =	vor.u32 v1, v5;
	v1 =	vld.idx.msk [tilespmem:v0+s28+$0x0], $0xffff  }
0x576: {  	v7 =	vor.u32 v42, v5;
	v0 =	vld [tilespmem:$0x1EF80]  }
0x577: {  	p0 =	sne.s32 s5, $0x13  }
.Ltmp5:
0x578: {  	_ = 	snop;
	(pc) =	sbr.rel @p0 .LBB2_13-.Ltmp5, $4  }
0x579: {  	_ = 	snop  }
0x57a: {  	v6 =	vld.idx.msk [tilespmem:v6+s28+$0x0], $0xffff  }
0x57b: {  	v31 =	vmovc v41;
	v34 =	vmov v50;
	v30 =	vmov v35;
	v10 =	vor.u32 v0, v5;
	v0 =	vld.idx.msk [tilespmem:v7+s28+$0x0], $0xffff  }
0x57c: {  	s1 =	smov.u32 s5;
	v29 =	vmovc v60;
	v32 =	vmov v40;
	s5 =	sadd.s32 $0x1, s5;
	v11 =	vor.u32 v61, v5;
	v8 =	vor.u32 v57, v5;
	v7 =	vld.idx.msk [tilespmem:v13+s28+$0x0], $0xffff  }
0x57d: {  	_ =	sdelay $0x3  }
0x57e: {  	v12 =	vld.idx.msk [tilespmem:v12+s28+$0x0], $0xffff  }
0x57f: {  	v9 =	vld.idx.msk [tilespmem:v9+s28+$0x0], $0xffff  }
0x580: {  	v11 =	vld.idx.msk [tilespmem:v11+s28+$0x0], $0xffff  }
0x581: {  	v15 =	vld [tilespmem:$0x1F760]  }
0x582: {  	v10 =	vld.idx.msk [tilespmem:v10+s28+$0x0], $0xffff  }
0x583: {  	v16 =	vld [tilespmem:$0x1F7A0]  }
0x584: {  	v8 =	vld.idx.msk [tilespmem:v8+s28+$0x0], $0xffff  }
0x585: {  	v18 =	vld [tilespmem:$0x1F7B0]  }
0x586: {  	v19 =	vld [tilespmem:$0x1F7C0]  }
0x587: {  	v20 =	vld [tilespmem:$0x1F7E0]  }
0x588: {  	v21 =	vld [tilespmem:$0x1F800]  }
0x589: {  	v23 =	vld [tilespmem:$0x1F810]  }
0x58a: {  	v26 =	vld [tilespmem:$0x1F880]  }
0x58b: {  	v13 =	vor.u32 v53, v5;
	v27 =	vld [tilespmem:$0x1F8C0]  }
0x58c: {  	v28 =	vld [tilespmem:$0x1F910]  }
0x58d: {  	v4 =	vor.u32 v37, v5;
	v37 =	vld [tilespmem:$0x1ED70]  }
0x58e: {  	v53 =	vld [tilespmem:$0x1ED80]  }
0x58f: {  	v61 =	vld [tilespmem:$0x1ED00];
	v19 =	vor.u32 v19, v5  }
0x590: {  	v13 =	vld.idx.msk [tilespmem:v13+s28+$0x0], $0xffff  }
0x591: {  	v33 =	vld [tilespmem:$0x1ED10]  }
0x592: {  	v36 =	vld [tilespmem:$0x1ED20]  }
0x593: {  	v24 =	vor.u32 v62, v5;
	v62 =	vor.u32 v39, v5;
	v39 =	vld [tilespmem:$0x1EDB0]  }
0x594: {  	v20 =	vor.u32 v20, v5;
	v19 =	vld.idx.msk [tilespmem:v19+s28+$0x0], $0xffff  }
0x595: {  	v13 =	vmul.f32 v13, v37;
	v37 =	vor.u32 v2, v5;
	v2 =	vld [tilespmem:$0x1ED30]  }
0x596: {  	v42 =	vld [tilespmem:$0x1EDD0]  }
0x597: {  	v14 =	vor.u32 v54, v5;
	v6 =	vmul.f32 v6, v32;
	v32 =	vld [tilespmem:$0x1F2A0]  }
0x598: {  	v0 =	vmul.f32 v0, v29;
	v29 =	vld [tilespmem:$0x1F970]  }
0x599: {  	v21 =	vor.u32 v21, v5;
	v20 =	vld.idx.msk [tilespmem:v20+s28+$0x0], $0xffff  }
0x59a: {  	v19 =	vmul.f32 v19, v2;
	v2 =	vld [tilespmem:$0x1ED40]  }
0x59b: {  	v17 =	vlaneseq.u32;
	v4 =	vld.idx.msk [tilespmem:v4+s28+$0x0], $0xffff  }
0x59c: {  	v17 =	vor.u32 v17, v5;
	v14 =	vld.idx.msk [tilespmem:v14+s28+$0x0], $0xffff  }
0x59d: {  	[tilespmem:$0x1E6D0] =	vst v3;
	v15 =	vor.u32 v15, v5;
	v8 =	vmul.f32 v8, v3;
	v3 =	vld [tilespmem:$0x1F9C0]  }
0x59e: {  	v23 =	vor.u32 v23, v5;
	v21 =	vld.idx.msk [tilespmem:v21+s28+$0x0], $0xffff  }
0x59f: {  	v20 =	vmul.f32 v20, v2;
	v2 =	vld [tilespmem:$0x1ED50]  }
0x5a0: {  	[tilespmem:$0x1E6C0] =	vst v59;
	v16 =	vor.u32 v16, v5;
	v10 =	vmul.f32 v10, v59;
	v59 =	vld [tilespmem:$0x1ECF0]  }
0x5a1: {  	v18 =	vor.u32 v18, v5;
	v17 =	vld.idx.msk [tilespmem:v17+s28+$0x0], $0xffff  }
0x5a2: {  	v15 =	vld.idx.msk [tilespmem:v15+s28+$0x0], $0xffff  }
0x5a3: {  	v26 =	vor.u32 v26, v5;
	v23 =	vld.idx.msk [tilespmem:v23+s28+$0x0], $0xffff  }
0x5a4: {  	v21 =	vmul.f32 v21, v2;
	v2 =	vld [tilespmem:$0x1ED60]  }
0x5a5: {  	v27 =	vor.u32 v27, v5;
	v16 =	vld.idx.msk [tilespmem:v16+s28+$0x0], $0xffff  }
0x5a6: {  	v28 =	vor.u32 v28, v5;
	v18 =	vld.idx.msk [tilespmem:v18+s28+$0x0], $0xffff  }
0x5a7: {  	v7 =	vmul.f32 v7, v30;
	v30 =	vor.u32 v3, v5;
	v3 =	vld [tilespmem:$0x1F9E0]  }
0x5a8: {  	v26 =	vld.idx.msk [tilespmem:v26+s28+$0x0], $0xffff  }
0x5a9: {  	v23 =	vmul.f32 v23, v2;
	v2 =	vld [tilespmem:$0x1ED90]  }
0x5aa: {  	v29 =	vor.u32 v29, v5;
	v27 =	vld.idx.msk [tilespmem:v27+s28+$0x0], $0xffff;
	v17 =	vmul.f32 v17, v33  }
0x5ab: {  	v28 =	vld.idx.msk [tilespmem:v28+s28+$0x0], $0xffff  }
0x5ac: {  	v14 =	vmul.f32 v14, v53;
	v53 =	vld [tilespmem:$0x1F380];
	v17 =	vadd.f32 $0.0e+00, v17;
	v15 =	vmul.f32 v15, v59  }
0x5ad: {  	v33 =	vld [tilespmem:$0x1F300]  }
0x5ae: {  	v15 =	vadd.f32 v15, v17;
	v17 =	vmul.f32 v26, v2;
	v2 =	vld [tilespmem:$0x1EDA0]  }
0x5af: {  	v29 =	vld.idx.msk [tilespmem:v29+s28+$0x0], $0xffff  }
0x5b0: {  	v1 =	vmul.f32 v1, v31;
	v31 =	vor.u32 v3, v5;
	v18 =	vmul.f32 v18, v36;
	v30 =	vld.idx.msk [tilespmem:v30+s28+$0x0], $0xffff  }
0x5b1: {  	v22 =	vor.u32 v45, v5;
	v3 =	vld [tilespmem:$0x1EDE0];
	v19 =	vadd.f32 $0.0e+00, v19  }
0x5b2: {  	v25 =	vor.u32 v46, v5;
	v16 =	vmul.f32 v16, v61;
	v61 =	vld [tilespmem:$0x1F3A0];
	v18 =	vadd.f32 $0.0e+00, v18  }
0x5b3: {  	v5 =	vor.u32 v63, v5;
	v19 =	vadd.f32 v21, v19;
	v21 =	vmul.f32 v27, v2;
	v2 =	vld [tilespmem:$0x1EDC0]  }
0x5b4: {  	v16 =	vadd.f32 v16, v18;
	v18 =	vld.idx.msk [tilespmem:v62+s28+$0x0], $0xffff;
	v20 =	vadd.f32 $0.0e+00, v20  }
0x5b5: {  	v12 =	vmul.f32 v12, v44;
	v9 =	vmul.f32 v9, v56;
	v31 =	vld.idx.msk [tilespmem:v31+s28+$0x0], $0xffff  }
0x5b6: {  	v13 =	vadd.f32 v13, v15;
	v15 =	vmul.f32 v28, v39;
	v28 =	vld [tilespmem:$0x1F140];
	v20 =	vadd.f32 v23, v20  }
0x5b7: {  	v11 =	vmul.f32 v11, v58;
	v4 =	vmul.f32 v4, v47;
	v14 =	vadd.f32 v14, v16;
	v23 =	vld.idx.msk [tilespmem:v37+s28+$0x0], $0xffff  }
0x5b8: {  	v5 =	vld.idx.msk [tilespmem:v5+s28+$0x0], $0xffff;
	v17 =	vadd.f32 v17, v19;
	v19 =	vadd.f32 v21, v20;
	v20 =	vmul.f32 v29, v2  }
0x5b9: {  	v16 =	vld.idx.msk [tilespmem:v24+s28+$0x0], $0xffff;
	v8 =	vadd.f32 v8, v13;
	v13 =	vmul.f32 v30, v42;
	v4 =	vadd.f32 v4, v14  }
0x5ba: {  	v14 =	vld.idx.msk [tilespmem:v22+s28+$0x0], $0xffff;
	v15 =	vadd.f32 v15, v17;
	v17 =	vadd.f32 v20, v19;
	v19 =	vmul.f32 v31, v3  }
0x5bb: {  	v8 =	vadd.f32 v11, v8;
	v4 =	vadd.f32 v10, v4;
	v10 =	vmul.f32 v18, v52;
	v20 =	vld.idx.msk [tilespmem:v25+s28+$0x0], $0xffff  }
0x5bc: {  	v62 =	vld [tilespmem:$0x1F3E0];
	v11 =	vadd.f32 v13, v15;
	v15 =	vmul.f32 v23, v43;
	v13 =	vadd.f32 v19, v17  }
0x5bd: {  	v24 =	vld [tilespmem:$0x1F0E0];
	v8 =	vadd.f32 v12, v8;
	v5 =	vmul.f32 v5, v51;
	v4 =	vadd.f32 v9, v4  }
0x5be: {  	v18 =	vld [tilespmem:$0x1F0C0];
	v9 =	vmul.f32 v16, v38;
	v10 =	vadd.f32 v10, v11;
	v11 =	vadd.f32 v15, v13  }
0x5bf: {  	v0 =	vadd.f32 v0, v8;
	v4 =	vadd.f32 v7, v4;
	v7 =	vmul.f32 v14, v55;
	v3 =	vld [tilespmem:$0x1EB90]  }
0x5c0: {  	v30 =	vld [tilespmem:$0x1F180];
	v8 =	vadd.f32 v9, v10;
	v9 =	vmul.f32 v20, v34;
	v5 =	vadd.f32 v5, v11  }
0x5c1: {  	v22 =	vld [tilespmem:$0x1FD70];
	v0 =	vadd.f32 v1, v0;
	v1 =	vadd.f32 v6, v4  }
0x5c2: {  	v4 =	vadd.f32 v7, v8;
	v19 =	vld [tilespmem:$0x1F0D0];
	v5 =	vadd.f32 v9, v5  }
0x5c3: {  	v25 =	vld [tilespmem:$0x1F0F0]  }
0x5c4: {  	v0 =	vadd.f32 v1, v0;
	v27 =	vld [tilespmem:$0x1F120];
	v1 =	vadd.f32 v5, v4;
	v4 =	vor.u32 v18, v3  }
0x5c5: {  	[tilespmem:$0x1E720] =	vst v51;
	v51 =	vld [tilespmem:$0x1F330]  }
0x5c6: {  	v26 =	vld [tilespmem:$0x1F100];
	v0 =	vadd.f32 v1, v0  }
0x5c7: {  	s0 =	sadd.s32 $0x10, s0;
	v16 =	vld [tilespmem:$0x1FD30];
	v5 =	vor.u32 v19, v3  }
0x5c8: {  	v29 =	vld [tilespmem:$0x1F160];
	v6 =	vor.u32 v25, v3;
	[tilespmem:s0+$0x0] =	vst v0  }
0x5c9: {  	v46 =	vld.idx.msk [tilespmem:v4+s25+$0x0], $0xffff;
	v4 =	vor.u32 v27, v3  }
0x5ca: {  	v10 =	vld [tilespmem:$0x1FCD0]  }
0x5cb: {  	v31 =	vld [tilespmem:$0x1F280];
	v0 =	vor.u32 v26, v3  }
0x5cc: {  	v63 =	vld.idx.msk [tilespmem:v5+s25+$0x0], $0xffff;
	v5 =	vor.u32 v28, v3  }
0x5cd: {  	v2 =	vld.idx.msk [tilespmem:v6+s25+$0x0], $0xffff  }
0x5ce: {  	[tilespmem:$0x1E6F0] =	vst v52;
	v52 =	vld.idx.msk [tilespmem:v4+s25+$0x0], $0xffff;
	v4 =	vor.u32 v32, v3  }
0x5cf: {  	v8 =	vld [tilespmem:$0x1FCB0];
	v1 =	vor.u32 v24, v3  }
0x5d0: {  	v42 =	vld.idx.msk [tilespmem:v0+s25+$0x0], $0xffff;
	v0 =	vor.u32 v31, v3  }
0x5d1: {  	[tilespmem:$0x1E6A0] =	vst v56;
	v56 =	vld.idx.msk [tilespmem:v5+s25+$0x0], $0xffff;
	v5 =	vor.u32 v33, v3  }
0x5d2: {  	v6 =	vor.u32 v30, v3;
	[tilespmem:$0x1EA10] =	vst v2;
	v2 =	vld [tilespmem:$0x1F360]  }
0x5d3: {  	v4 =	vld.idx.msk [tilespmem:v4+s25+$0x0], $0xffff  }
0x5d4: {  	v55 =	vld.idx.msk [tilespmem:v1+s25+$0x0], $0xffff  }
0x5d5: {  	v1 =	vor.u32 v29, v3;
	v54 =	vld.idx.msk [tilespmem:v0+s25+$0x0], $0xffff  }
0x5d6: {  	v0 =	vor.u32 v53, v3;
	v5 =	vld.idx.msk [tilespmem:v5+s25+$0x0], $0xffff  }
0x5d7: {  	v57 =	vld.idx.msk [tilespmem:v6+s25+$0x0], $0xffff;
	v6 =	vor.u32 v2, v3  }
0x5d8: {  	v11 =	vld [tilespmem:$0x1FCE0];
	[tilespmem:$0x1E730] =	vst v4;
	v4 =	vor.u32 v61, v3  }
0x5d9: {  	v9 =	vld [tilespmem:$0x1FCC0]  }
0x5da: {  	v1 =	vld.idx.msk [tilespmem:v1+s25+$0x0], $0xffff  }
0x5db: {  	v0 =	vld.idx.msk [tilespmem:v0+s25+$0x0], $0xffff;
	[tilespmem:$0x1EA40] =	vst v5;
	v5 =	vor.u32 v62, v3  }
0x5dc: {  	[tilespmem:$0x1E6B0] =	vst v58;
	v58 =	vld.idx.msk [tilespmem:v6+s25+$0x0], $0xffff;
	v6 =	vor.u32 v8, v3  }
0x5dd: {  	v4 =	vld.idx.msk [tilespmem:v4+s25+$0x0], $0xffff  }
0x5de: {  	[tilespmem:$0x1E690] =	vst v44;
	v7 =	vld [tilespmem:$0x1FCA0]  }
0x5df: {  	v13 =	vld [tilespmem:$0x1FD00];
	[tilespmem:$0x1EA20] =	vst v1;
	v1 =	vor.u32 v51, v3  }
0x5e0: {  	[tilespmem:$0x1EA90] =	vst v0;
	v0 =	vor.u32 v9, v3;
	v44 =	vld.idx.msk [tilespmem:v5+s25+$0x0], $0xffff  }
0x5e1: {  	v5 =	vor.u32 v11, v3;
	v6 =	vld.idx.msk [tilespmem:v6+s25+$0x0], $0xffff  }
0x5e2: {  	v15 =	vld [tilespmem:$0x1FD20];
	[tilespmem:$0x1EA70] =	vst v4;
	v4 =	vor.u32 v10, v3  }
0x5e3: {  	v14 =	vld [tilespmem:$0x1FD10]  }
0x5e4: {  	v45 =	vld.idx.msk [tilespmem:v1+s25+$0x0], $0xffff  }
0x5e5: {  	v1 =	vor.u32 v7, v3;
	v0 =	vld.idx.msk [tilespmem:v0+s25+$0x0], $0xffff  }
0x5e6: {  	[tilespmem:$0x1EAD0] =	vst v6;
	v6 =	vor.u32 v13, v3;
	v5 =	vld.idx.msk [tilespmem:v5+s25+$0x0], $0xffff  }
0x5e7: {  	v59 =	vld.idx.msk [tilespmem:v4+s25+$0x0], $0xffff;
	v4 =	vor.u32 v15, v3  }
0x5e8: {  	v12 =	vld [tilespmem:$0x1FCF0]  }
0x5e9: {  	v20 =	vld [tilespmem:$0x1FD50]  }
0x5ea: {  	v1 =	vld.idx.msk [tilespmem:v1+s25+$0x0], $0xffff;
	[tilespmem:$0x1EAA0] =	vst v0;
	v0 =	vor.u32 v14, v3  }
0x5eb: {  	[tilespmem:$0x1EAB0] =	vst v5;
	v5 =	vor.u32 v16, v3;
	v6 =	vld.idx.msk [tilespmem:v6+s25+$0x0], $0xffff  }
0x5ec: {  	v4 =	vld.idx.msk [tilespmem:v4+s25+$0x0], $0xffff;
	_ =	sdelay $0x1  }
0x5ed: {  	v21 =	vld [tilespmem:$0x1FD60]  }
0x5ee: {  	[tilespmem:$0x1EA60] =	vst v1;
	v1 =	vor.u32 v12, v3;
	v0 =	vld.idx.msk [tilespmem:v0+s25+$0x0], $0xffff  }
0x5ef: {  	[tilespmem:$0x1EAC0] =	vst v6;
	v6 =	vor.u32 v20, v3;
	v5 =	vld.idx.msk [tilespmem:v5+s25+$0x0], $0xffff  }
0x5f0: {  	v36 =	vld [tilespmem:$0x1EEC0];
	[tilespmem:$0x1EB10] =	vst v4;
	v4 =	vor.u32 v22, v3  }
0x5f1: {  	v23 =	vld [tilespmem:$0x1FD80]  }
0x5f2: {  	v17 =	vld [tilespmem:$0x1FD40]  }
0x5f3: {  	v1 =	vld.idx.msk [tilespmem:v1+s25+$0x0], $0xffff;
	[tilespmem:$0x1EA80] =	vst v0;
	v0 =	vor.u32 v21, v3  }
0x5f4: {  	[tilespmem:$0x1E740] =	vst v5;
	v5 =	vld.idx.msk [tilespmem:v6+s25+$0x0], $0xffff  }
0x5f5: {  	v4 =	vld.idx.msk [tilespmem:v4+s25+$0x0], $0xffff;
	_ =	sdelay $0x2  }
0x5f6: {  	[tilespmem:$0x1EAE0] =	vst v1;
	v1 =	vor.u32 v17, v3;
	v3 =	vor.u32 v23, v3;
	v0 =	vld.idx.msk [tilespmem:v0+s25+$0x0], $0xffff  }
0x5f7: {  	[tilespmem:$0x1EAF0] =	vst v5;
	v5 =	vor.u32 v19, v36  }
0x5f8: {  	[tilespmem:$0x1E760] =	vst v4;
	v4 =	vor.u32 v25, v36;
	_ =	sdelay $0x2  }
0x5f9: {  	[tilespmem:$0x1EB20] =	vst v0;
	v0 =	vor.u32 v24, v36;
	v24 =	vld.idx.msk [tilespmem:v3+s25+$0x0], $0xffff  }
0x5fa: {  	v5 =	vld.idx.msk [tilespmem:v5+s26+$0x0], $0xffff  }
0x5fb: {  	v3 =	vor.u32 v26, v36;
	v4 =	vld.idx.msk [tilespmem:v4+s26+$0x0], $0xffff;
	_ =	sdelay $0x3  }
0x5fc: {  	[tilespmem:$0x1E780] =	vst v5;
	v5 =	vor.u32 v28, v36  }
0x5fd: {  	v3 =	vld.idx.msk [tilespmem:v3+s26+$0x0], $0xffff;
	[tilespmem:$0x1E7A0] =	vst v4;
	v4 =	vor.u32 v30, v36;
	_ =	sdelay $0x3  }
0x5fe: {  	v5 =	vld.idx.msk [tilespmem:v5+s26+$0x0], $0xffff  }
0x5ff: {  	[tilespmem:$0x1E7B0] =	vst v3;
	v3 =	vor.u32 v31, v36;
	v4 =	vld.idx.msk [tilespmem:v4+s26+$0x0], $0xffff;
	_ =	sdelay $0x3  }
0x600: {  	[tilespmem:$0x1E7D0] =	vst v5  }
0x601: {  	v5 =	vor.u32 v33, v36;
	[tilespmem:$0x1E7F0] =	vst v4;
	v4 =	vor.u32 v2, v36;
	v2 =	vld.idx.msk [tilespmem:v3+s26+$0x0], $0xffff;
	_ =	sdelay $0x3  }
0x602: {  	v0 =	vld.idx.msk [tilespmem:v0+s26+$0x0], $0xffff  }
0x603: {  	[tilespmem:$0x1E800] =	vst v2;
	v2 =	vld.idx.msk [tilespmem:v5+s26+$0x0], $0xffff;
	_ =	sdelay $0x1  }
0x604: {  	v1 =	vld.idx.msk [tilespmem:v1+s25+$0x0], $0xffff;
	_ =	sdelay $0x1  }
0x605: {  	[tilespmem:$0x1E790] =	vst v0;
	v0 =	vor.u32 v29, v36  }
0x606: {  	v3 =	vor.u32 v53, v36;
	[tilespmem:$0x1E820] =	vst v2;
	v2 =	vld.idx.msk [tilespmem:v4+s26+$0x0], $0xffff;
	_ =	sdelay $0x1  }
0x607: {  	[tilespmem:$0x1E750] =	vst v1;
	v1 =	vor.u32 v18, v36;
	_ =	sdelay $0x1  }
0x608: {  	v0 =	vld.idx.msk [tilespmem:v0+s26+$0x0], $0xffff  }
0x609: {  	v5 =	vor.u32 v62, v36;
	[tilespmem:$0x1E840] =	vst v2;
	v2 =	vld.idx.msk [tilespmem:v3+s26+$0x0], $0xffff;
	_ =	sdelay $0x1  }
0x60a: {  	v1 =	vld.idx.msk [tilespmem:v1+s26+$0x0], $0xffff;
	_ =	sdelay $0x1  }
0x60b: {  	[tilespmem:$0x1E7E0] =	vst v0;
	v0 =	vor.u32 v51, v36  }
0x60c: {  	v4 =	vor.u32 v8, v36;
	[tilespmem:$0x1E850] =	vst v2;
	v2 =	vld.idx.msk [tilespmem:v5+s26+$0x0], $0xffff;
	_ =	sdelay $0x1  }
0x60d: {  	[tilespmem:$0x1E770] =	vst v1;
	v1 =	vor.u32 v27, v36;
	_ =	sdelay $0x1  }
0x60e: {  	v0 =	vld.idx.msk [tilespmem:v0+s26+$0x0], $0xffff  }
0x60f: {  	v3 =	vor.u32 v9, v36;
	[tilespmem:$0x1E870] =	vst v2;
	v2 =	vld.idx.msk [tilespmem:v4+s26+$0x0], $0xffff;
	_ =	sdelay $0x1  }
0x610: {  	v1 =	vld.idx.msk [tilespmem:v1+s26+$0x0], $0xffff;
	_ =	sdelay $0x1  }
0x611: {  	[tilespmem:$0x1E830] =	vst v0;
	v0 =	vor.u32 v7, v36  }
0x612: {  	v5 =	vor.u32 v10, v36;
	[tilespmem:$0x1E890] =	vst v2;
	v2 =	vld.idx.msk [tilespmem:v3+s26+$0x0], $0xffff;
	_ =	sdelay $0x1  }
0x613: {  	[tilespmem:$0x1E7C0] =	vst v1;
	v1 =	vor.u32 v32, v36;
	_ =	sdelay $0x1  }
0x614: {  	v0 =	vld.idx.msk [tilespmem:v0+s26+$0x0], $0xffff  }
0x615: {  	v4 =	vor.u32 v12, v36;
	[tilespmem:$0x1E8A0] =	vst v2;
	v2 =	vld.idx.msk [tilespmem:v5+s26+$0x0], $0xffff;
	_ =	sdelay $0x1  }
0x616: {  	v1 =	vld.idx.msk [tilespmem:v1+s26+$0x0], $0xffff;
	_ =	sdelay $0x1  }
0x617: {  	[tilespmem:$0x1E880] =	vst v0;
	v0 =	vor.u32 v11, v36  }
0x618: {  	v3 =	vor.u32 v13, v36;
	[tilespmem:$0x1E8B0] =	vst v2;
	v2 =	vld.idx.msk [tilespmem:v4+s26+$0x0], $0xffff  }
0x619: {  	[tilespmem:$0x1E6E0] =	vst v47;
	v47 =	vld [tilespmem:$0x1F270]  }
0x61a: {  	v37 =	vld [tilespmem:$0x1F250];
	[tilespmem:$0x1E810] =	vst v1;
	v1 =	vor.u32 v61, v36  }
0x61b: {  	[tilespmem:$0x1E700] =	vst v43;
	v43 =	vld [tilespmem:$0x1F1E0]  }
0x61c: {  	v0 =	vld.idx.msk [tilespmem:v0+s26+$0x0], $0xffff  }
0x61d: {  	v6 =	vor.u32 v14, v36;
	[tilespmem:$0x1E8D0] =	vst v2;
	v2 =	vld.idx.msk [tilespmem:v3+s26+$0x0], $0xffff  }
0x61e: {  	v18 =	vld [tilespmem:$0x1EC10]  }
0x61f: {  	v1 =	vld.idx.msk [tilespmem:v1+s26+$0x0], $0xffff  }
0x620: {  	v34 =	vld [tilespmem:$0x1F240]  }
0x621: {  	v14 =	vld [tilespmem:$0x1FB40];
	[tilespmem:$0x1E8C0] =	vst v0;
	v0 =	vor.u32 v16, v36  }
0x622: {  	v5 =	vor.u32 v15, v36;
	[tilespmem:$0x1E8E0] =	vst v2;
	v2 =	vld.idx.msk [tilespmem:v6+s26+$0x0], $0xffff  }
0x623: {  	s7 =	simm.s32 $0x0;
	v19 =	vld [tilespmem:$0x1F260]  }
0x624: {  	v28 =	vld [tilespmem:$0x1F220];
	[tilespmem:$0x1E860] =	vst v1;
	v1 =	vadd.s32 s7, v18  }
0x625: {  	v29 =	vld [tilespmem:$0x1FFF0]  }
0x626: {  	v0 =	vld.idx.msk [tilespmem:v0+s26+$0x0], $0xffff  }
0x627: {  	v4 =	vor.u32 v17, v36;
	[tilespmem:$0x1E8F0] =	vst v2;
	v2 =	vld.idx.msk [tilespmem:v5+s26+$0x0], $0xffff  }
0x628: {  	v30 =	vld [tilespmem:$0x1F1C0];
	v7 =	vmov s7  }
0x629: {  	v1 =	vld.idx.msk [tilespmem:v1+s13+$0x0], $0xffff;
	v6 =	vshll.u32 v7, $0x7;
	v7 =	vor.u32 v21, v36  }
0x62a: {  	v32 =	vld [tilespmem:$0x1F490]  }
0x62b: {  	v51 =	vld [tilespmem:$0x1F230];
	[tilespmem:$0x1E910] =	vst v0;
	v3 =	vor.u32 v20, v36  }
0x62c: {  	v0 =	vor.u32 v23, v36;
	[tilespmem:$0x1E900] =	vst v2;
	v2 =	vld.idx.msk [tilespmem:v4+s26+$0x0], $0xffff  }
0x62d: {  	v53 =	vld [tilespmem:$0x1F200]  }
0x62e: {  	v1 =	vshrl.u32 v1, $0x2;
	v4 =	vld.idx.msk [tilespmem:v7+s26+$0x0], $0xffff  }
0x62f: {  	v1 =	vand.u32 $0x40, v1;
	v15 =	vld [tilespmem:$0x1F1A0];
	v5 =	vadd.s32 v14, v6  }
0x630: {  	v3 =	vld.idx.msk [tilespmem:v3+s26+$0x0], $0xffff;
	v1 =	vor.u32 v5, v1  }
0x631: {  	v0 =	vld.idx.msk [tilespmem:v0+s26+$0x0], $0xffff;
	[tilespmem:$0x1E920] =	vst v2;
	v2 =	vor.u32 v30, v1  }
0x632: {  	v62 =	vld [tilespmem:$0x1F450];
	v6 =	vor.u32 v22, v36  }
0x633: {  	v61 =	vld [tilespmem:$0x1F470];
	[tilespmem:$0x1E940] =	vst v4;
	v4 =	vor.u32 v53, v1  }
0x634: {  	v16 =	vld [tilespmem:$0x1F4F0]  }
0x635: {  	v17 =	vld [tilespmem:$0x1EB60];
	[tilespmem:$0x1E930] =	vst v3;
	v3 =	vor.u32 v43, v1  }
0x636: {  	[tilespmem:$0x1E960] =	vst v0;
	v0 =	vor.u32 v15, v1;
	v2 =	vld.idx.msk [tilespmem:v2+s28+$0x0], $0xffff  }
0x637: {  	v8 =	vor.u32 v28, v1;
	v5 =	vld.idx.msk [tilespmem:v6+s26+$0x0], $0xffff  }
0x638: {  	v6 =	vor.u32 v62, v1;
	v4 =	vld.idx.msk [tilespmem:v4+s28+$0x0], $0xffff  }
0x639: {  	v20 =	vor.u32 v16, v1;
	v16 =	vld [tilespmem:$0x1F2E0]  }
0x63a: {  	v10 =	vor.u32 v47, v1;
	v3 =	vld.idx.msk [tilespmem:v3+s28+$0x0], $0xffff  }
0x63b: {  	v7 =	vor.u32 v51, v1;
	v0 =	vld.idx.msk [tilespmem:v0+s28+$0x0], $0xffff;
	v2 =	vmul.f32 v2, v46  }
0x63c: {  	v8 =	vld.idx.msk [tilespmem:v8+s28+$0x0], $0xffff  }
0x63d: {  	v12 =	vor.u32 v37, v1;
	v6 =	vld.idx.msk [tilespmem:v6+s28+$0x0], $0xffff;
	v4 =	vmul.f32 v4, v42;
	v2 =	vadd.f32 $0.0e+00, v2  }
0x63e: {  	v23 =	vor.u32 v17, v1;
	v17 =	vld [tilespmem:$0x1F4B0]  }
0x63f: {  	v2 =	vadd.f32 v4, v2;
	v4 =	vld.idx.msk [tilespmem:v10+s28+$0x0], $0xffff;
	v10 =	vor.u32 v34, v1  }
0x640: {  	v9 =	vor.u32 v61, v1;
	v7 =	vld.idx.msk [tilespmem:v7+s28+$0x0], $0xffff;
	v0 =	vmul.f32 v0, v57;
	v3 =	vmul.f32 v3, v63  }
0x641: {  	[tilespmem:$0x1E970] =	vst v46;
	v8 =	vmul.f32 v8, v52;
	v46 =	vld [tilespmem:$0x1EB50]  }
0x642: {  	s8 =	simm.s32 $0x1;
	v3 =	vadd.f32 $0.0e+00, v3;
	v0 =	vadd.f32 v0, v2;
	v2 =	vmul.f32 v6, v45;
	v6 =	vld.idx.msk [tilespmem:v12+s28+$0x0], $0xffff  }
0x643: {  	v12 =	vadd.s32 s8, v18;
	v18 =	vld [tilespmem:$0x1EA10]  }
0x644: {  	v3 =	vadd.f32 v8, v3;
	v8 =	vld.idx.msk [tilespmem:v10+s28+$0x0], $0xffff  }
0x645: {  	v9 =	vld.idx.msk [tilespmem:v9+s28+$0x0], $0xffff;
	[tilespmem:$0x1E950] =	vst v5;
	v5 =	vor.u32 v19, v1  }
0x646: {  	[tilespmem:$0x1E990] =	vst v57;
	v57 =	vld [tilespmem:$0x1F4D0];
	v11 =	vor.u32 v46, v1  }
0x647: {  	[tilespmem:$0x1E980] =	vst v42;
	v22 =	vor.u32 v29, v1;
	v42 =	vld [tilespmem:$0x1EB30]  }
0x648: {  	v0 =	vadd.f32 v2, v0;
	v2 =	vld.idx.msk [tilespmem:v20+s28+$0x0], $0xffff;
	v20 =	vor.u32 v16, v1  }
0x649: {  	v7 =	vmul.f32 v7, v55;
	v8 =	vmul.f32 v8, v18;
	v18 =	vld [tilespmem:$0x1EB40]  }
0x64a: {  	v5 =	vld.idx.msk [tilespmem:v5+s28+$0x0], $0xffff;
	v4 =	vmul.f32 v4, v54  }
0x64b: {  	v13 =	vor.u32 v32, v1;
	v7 =	vadd.f32 $0.0e+00, v7;
	v11 =	vld.idx.msk [tilespmem:v11+s28+$0x0], $0xffff;
	v6 =	vmul.f32 v6, v56  }
0x64c: {  	v3 =	vadd.f32 v4, v3;
	v4 =	vld.idx.msk [tilespmem:v22+s28+$0x0], $0xffff  }
0x64d: {  	[tilespmem:$0x1E9A0] =	vst v63;
	v63 =	vadd.f32 v6, v7;
	v6 =	vld.idx.msk [tilespmem:v20+s28+$0x0], $0xffff;
	v20 =	vmov s8  }
0x64e: {  	v10 =	vor.u32 v42, v1;
	v20 =	vshll.u32 v20, $0x7;
	v22 =	vor.u32 v18, v1;
	v18 =	vld [tilespmem:$0x1EA20]  }
0x64f: {  	v20 =	vadd.s32 v14, v20;
	v14 =	vld [tilespmem:$0x1F500]  }
0x650: {  	v13 =	vld.idx.msk [tilespmem:v13+s28+$0x0], $0xffff  }
0x651: {  	v25 =	vor.u32 v17, v1;
	v17 =	vld [tilespmem:$0x1F4E0];
	v11 =	vmul.f32 v11, v44  }
0x652: {  	v23 =	vld.idx.msk [tilespmem:v23+s28+$0x0], $0xffff;
	v21 =	vor.u32 v57, v1;
	v8 =	vadd.f32 $0.0e+00, v8  }
0x653: {  	v10 =	vld.idx.msk [tilespmem:v10+s28+$0x0], $0xffff;
	v4 =	vmul.f32 v4, v59;
	v0 =	vadd.f32 v11, v0;
	v5 =	vmul.f32 v5, v18  }
0x654: {  	v26 =	vor.u32 v14, v1;
	v14 =	vld [tilespmem:$0x1FFC0]  }
0x655: {  	v5 =	vadd.f32 v5, v8;
	v8 =	vor.u32 v49, v1;
	v49 =	vadd.f32 v4, v0;
	v4 =	vld [tilespmem:$0x1EA80]  }
0x656: {  	v25 =	vld.idx.msk [tilespmem:v25+s28+$0x0], $0xffff  }
0x657: {  	v21 =	vld.idx.msk [tilespmem:v21+s28+$0x0], $0xffff  }
0x658: {  	v12 =	vld.idx.msk [tilespmem:v12+s13+$0x0], $0xffff  }
0x659: {  	v31 =	vor.u32 v14, v1;
	v14 =	vld [tilespmem:$0x1EA60]  }
0x65a: {  	[tilespmem:$0x1E710] =	vst v38;
	v9 =	vmul.f32 v9, v58;
	v38 =	vmul.f32 v10, v4;
	v4 =	vld.idx.msk [tilespmem:v8+s28+$0x0], $0xffff  }
0x65b: {  	v8 =	vld [tilespmem:$0x1EA90]  }
0x65c: {  	v3 =	vadd.f32 v9, v3;
	v9 =	vld [tilespmem:$0x1EA40]  }
0x65d: {  	v12 =	vshrl.u32 v12, $0x2;
	v11 =	vld [tilespmem:$0x1F510]  }
0x65e: {  	v12 =	vand.u32 $0x40, v12;
	v21 =	vmul.f32 v21, v14;
	v14 =	vld [tilespmem:$0x1EB80]  }
0x65f: {  	v20 =	vor.u32 v20, v12;
	v12 =	vld [tilespmem:$0x1EB70]  }
0x660: {  	[tilespmem:$0x1EA00] =	vst v56;
	v56 =	vmul.f32 v13, v8;
	v8 =	vld [tilespmem:$0x1EAA0]  }
0x661: {  	[tilespmem:$0x1E9F0] =	vst v44;
	v44 =	vld.idx.msk [tilespmem:v26+s28+$0x0], $0xffff  }
0x662: {  	v6 =	vmul.f32 v6, v9;
	v0 =	vadd.f32 v21, v3;
	v3 =	vld [tilespmem:$0x1FFB0]  }
0x663: {  	v27 =	vor.u32 v48, v1;
	v26 =	vor.u32 v14, v1;
	v14 =	vld [tilespmem:$0x1F2C0]  }
0x664: {  	v11 =	vor.u32 v11, v1;
	v5 =	vadd.f32 v6, v5;
	v6 =	vld [tilespmem:$0x1EA70]  }
0x665: {  	v36 =	vmul.f32 v2, v8;
	v2 =	vld [tilespmem:$0x1EAB0]  }
0x666: {  	v7 =	vor.u32 v17, v1  }
0x667: {  	[tilespmem:$0x1E9B0] =	vst v45  }
0x668: {  	v27 =	vld.idx.msk [tilespmem:v27+s28+$0x0], $0xffff;
	v12 =	vor.u32 v12, v1;
	v45 =	vor.u32 v14, v1;
	v1 =	vor.u32 v3, v1  }
0x669: {  	v11 =	vld.idx.msk [tilespmem:v11+s28+$0x0], $0xffff  }
0x66a: {  	v6 =	vmul.f32 v25, v6;
	v25 =	vmul.f32 v23, v2;
	v2 =	vld [tilespmem:$0x1EAC0]  }
0x66b: {  	v7 =	vld.idx.msk [tilespmem:v7+s28+$0x0], $0xffff  }
0x66c: {  	v9 =	vld.idx.msk [tilespmem:v22+s28+$0x0], $0xffff  }
0x66d: {  	[tilespmem:$0x1EA30] =	vst v58;
	v58 =	vld.idx.msk [tilespmem:v1+s28+$0x0], $0xffff  }
0x66e: {  	v1 =	vld [tilespmem:$0x1EAF0]  }
0x66f: {  	[tilespmem:$0x1E9C0] =	vst v52;
	v52 =	vmul.f32 v11, v2;
	v2 =	vld [tilespmem:$0x1EAD0]  }
0x670: {  	v22 =	vld.idx.msk [tilespmem:v12+s28+$0x0], $0xffff;
	v6 =	vadd.f32 v6, v5;
	v5 =	vor.u32 v30, v20  }
0x671: {  	v3 =	vld.idx.msk [tilespmem:v31+s28+$0x0], $0xffff  }
0x672: {  	v48 =	vld.idx.msk [tilespmem:v26+s28+$0x0], $0xffff;
	v11 =	vor.u32 v19, v20  }
0x673: {  	v14 =	vld [tilespmem:$0x1F510]  }
0x674: {  	[tilespmem:$0x1E9D0] =	vst v55;
	v26 =	vmul.f32 v7, v2;
	v7 =	vor.u32 v53, v20;
	v53 =	vmul.f32 v27, v1;
	v1 =	vld [tilespmem:$0x1EB10]  }
0x675: {  	[tilespmem:$0x1E9E0] =	vst v54;
	v8 =	vld.idx.msk [tilespmem:v5+s28+$0x0], $0xffff  }
0x676: {  	[tilespmem:$0x1EA50] =	vst v59;
	v10 =	vor.u32 v43, v20;
	v2 =	vld [tilespmem:$0x1EAE0]  }
0x677: {  	[tilespmem:$0x1EB00] =	vst v24;
	v55 =	vor.u32 v28, v20;
	v27 =	vld.idx.msk [tilespmem:v11+s28+$0x0], $0xffff  }
0x678: {  	v33 =	vor.u32 v16, v20;
	v39 =	vor.u32 v29, v20;
	v29 =	vmovc v42;
	v13 =	vor.u32 v62, v20;
	v11 =	vld [tilespmem:$0x1F4F0]  }
0x679: {  	v42 =	vor.u32 v42, v20;
	v18 =	vmovc v16;
	v12 =	vor.u32 v61, v20;
	v5 =	vmul.f32 v9, v1;
	v1 =	vld [tilespmem:$0x1EB20]  }
0x67a: {  	v43 =	vmovc v28;
	v28 =	vmovc v37;
	v30 =	vmov v61;
	v61 =	vmov v32;
	v59 =	vld.idx.msk [tilespmem:v45+s28+$0x0], $0xffff;
	v31 =	vmul.f32 v3, v24  }
0x67b: {  	v24 =	vmovc v62;
	v45 =	vmov v34;
	v62 =	vor.u32 v34, v20;
	v54 =	vmul.f32 v44, v2;
	v44 =	vld.idx.msk [tilespmem:v10+s28+$0x0], $0xffff  }
0x67c: {  	v3 =	vor.u32 v47, v20;
	v23 =	vor.u32 v17, v20;
	v9 =	vor.u32 v51, v20;
	v10 =	vld.idx.msk [tilespmem:v7+s28+$0x0], $0xffff  }
0x67d: {  	v19 =	vmovc v51;
	v51 =	vld.idx.msk [tilespmem:v13+s28+$0x0], $0xffff;
	v13 =	vor.u32 v32, v20;
	v32 =	vmov v57;
	v7 =	vor.u32 v57, v20  }
0x67e: {  	s0 =	simm.s32 $0x1B800;
	v34 =	vmovc v11;
	v11 =	vor.u32 v11, v20;
	v57 =	vor.u32 v14, v20;
	v4 =	vmul.f32 v4, v1  }
0x67f: {  	s1 =	simm.s32 $0x2;
	v21 =	vld [tilespmem:s0+$0x0];
	v2 =	vimm.f32 $0.0e+00;
	v1 =	vor.u32 v37, v20;
	v37 =	vmovc v47;
	v47 =	vmovc v46;
	v46 =	vor.u32 v46, v20  }
.LBB2_15:
0x680: {  	_ =	sdelay $0x2  }
0x681: {  	v14 =	vor.u32 v15, v20;
	v15 =	vld [tilespmem:$0x1E730];
	_ =	sdelay $0x4  }
0x682: {  	v59 =	vmul.f32 v59, v15;
	v15 =	vld [tilespmem:$0x1E750];
	_ =	sdelay $0x4  }
0x683: {  	v48 =	vmul.f32 v48, v15;
	v15 =	vld [tilespmem:$0x1E970];
	_ =	sdelay $0x1  }
0x684: {  	v0 =	vadd.f32 v25, v0;
	v25 =	vld [tilespmem:$0x1E980];
	_ =	sdelay $0x2  }
0x685: {  	v8 =	vmul.f32 v8, v15;
	_ =	sdelay $0x1  }
0x686: {  	v10 =	vmul.f32 v10, v25;
	v8 =	vadd.f32 $0.0e+00, v8  }
0x687: {  	v25 =	vld [tilespmem:$0x1EB70]  }
0x688: {  	v0 =	vadd.f32 v5, v0;
	v5 =	vadd.f32 v10, v8;
	v8 =	vld.idx.msk [tilespmem:v14+s28+$0x0], $0xffff  }
0x689: {  	v14 =	vld [tilespmem:$0x1E740];
	_ =	sdelay $0x4  }
0x68a: {  	v25 =	vor.u32 v25, v20;
	v14 =	vmul.f32 v22, v14;
	v22 =	vld [tilespmem:$0x1FF90]  }
0x68b: {  	v6 =	vadd.f32 v36, v6  }
0x68c: {  	v9 =	vld.idx.msk [tilespmem:v9+s28+$0x0], $0xffff;
	v36 =	vadd.f32 v38, v49;
	v38 =	vadd.f32 v59, v63  }
0x68d: {  	v0 =	vadd.f32 v4, v0;
	v4 =	vld [tilespmem:$0x1EA20]  }
0x68e: {  	v10 =	vadd.f32 v56, v38;
	v38 =	vld.idx.msk [tilespmem:v39+s28+$0x0], $0xffff  }
0x68f: {  	v39 =	vor.u32 v22, v20;
	v22 =	vld.idx.msk [tilespmem:v25+s28+$0x0], $0xffff  }
0x690: {  	v25 =	vld [tilespmem:$0x1FFB0]  }
0x691: {  	v12 =	vld.idx.msk [tilespmem:v12+s28+$0x0], $0xffff  }
0x692: {  	v13 =	vld.idx.msk [tilespmem:v13+s28+$0x0], $0xffff  }
0x693: {  	v16 =	vld [tilespmem:$0x1F500]  }
0x694: {  	v4 =	vmul.f32 v27, v4;
	v27 =	vld.idx.msk [tilespmem:v33+s28+$0x0], $0xffff  }
0x695: {  	v33 =	vor.u32 v25, v20;
	v25 =	vld [tilespmem:$0x1FFC0]  }
0x696: {  	v17 =	vld [tilespmem:$0x1EB80]  }
0x697: {  	v63 =	vld [tilespmem:$0x1F4B0]  }
0x698: {  	v11 =	vld.idx.msk [tilespmem:v11+s28+$0x0], $0xffff  }
0x699: {  	v49 =	vld [tilespmem:$0x1FFA0];
	v6 =	vadd.f32 v52, v6  }
0x69a: {  	v10 =	vadd.f32 v26, v10;
	v26 =	vor.u32 v25, v20;
	v25 =	vld [tilespmem:$0x1E760]  }
0x69b: {  	v3 =	vld.idx.msk [tilespmem:v3+s28+$0x0], $0xffff;
	v6 =	vadd.f32 v48, v6  }
0x69c: {  	v59 =	vor.u32 v63, v20;
	v63 =	vld [tilespmem:$0x1E9B0]  }
0x69d: {  	v6 =	vadd.f32 v31, v6;
	v31 =	vld [tilespmem:$0x1E9D0];
	v10 =	vadd.f32 v54, v10  }
0x69e: {  	v52 =	vld.idx.msk [tilespmem:v55+s28+$0x0], $0xffff  }
0x69f: {  	v56 =	vld [tilespmem:$0x1E9A0];
	v10 =	vadd.f32 v14, v10;
	v25 =	vmul.f32 v58, v25  }
0x6a0: {  	v15 =	vld [tilespmem:$0x1F2C0]  }
0x6a1: {  	v51 =	vmul.f32 v51, v63;
	v63 =	vld [tilespmem:$0x1E9E0];
	v10 =	vadd.f32 v25, v10  }
0x6a2: {  	v9 =	vmul.f32 v9, v31;
	v31 =	vld [tilespmem:$0x1E990]  }
0x6a3: {  	v6 =	vadd.f32 v6, v10;
	v10 =	vld [tilespmem:$0x1E9C0]  }
0x6a4: {  	v44 =	vmul.f32 v44, v56;
	v56 =	vld [tilespmem:$0x1EB40]  }
0x6a5: {  	v58 =	vld [tilespmem:$0x1EB60]  }
0x6a6: {  	v7 =	vld.idx.msk [tilespmem:v7+s28+$0x0], $0xffff;
	v36 =	vadd.f32 v53, v36;
	v16 =	vor.u32 v16, v20  }
0x6a7: {  	v46 =	vld.idx.msk [tilespmem:v46+s28+$0x0], $0xffff;
	v17 =	vor.u32 v17, v20;
	v49 =	vor.u32 v49, v20;
	v8 =	vmul.f32 v8, v31  }
0x6a8: {  	v0 =	vadd.f32 v0, v36;
	v14 =	vld [tilespmem:$0x1EC10];
	v36 =	vadd.f32 $0.0e+00, v44;
	v10 =	vmul.f32 v52, v10  }
0x6a9: {  	v15 =	vor.u32 v15, v20;
	v3 =	vmul.f32 v3, v63;
	v5 =	vadd.f32 v8, v5;
	v8 =	vld.idx.msk [tilespmem:v57+s28+$0x0], $0xffff  }
0x6aa: {  	v48 =	vor.u32 v58, v20;
	v20 =	vor.u32 v56, v20;
	v56 =	vld [tilespmem:$0x1EA40];
	v10 =	vadd.f32 v10, v36  }
0x6ab: {  	v0 =	vadd.f32 v6, v0;
	v6 =	vld [tilespmem:$0x1EA90]  }
0x6ac: {  	v3 =	vadd.f32 v3, v10;
	v10 =	vld [tilespmem:$0x1EAC0]  }
0x6ad: {  	v1 =	vld.idx.msk [tilespmem:v1+s28+$0x0], $0xffff  }
0x6ae: {  	s5 =	smov.u32 s1;
	v44 =	vld.idx.msk [tilespmem:v62+s28+$0x0], $0xffff  }
0x6af: {  	v62 =	vld [tilespmem:$0x1FB40];
	v14 =	vadd.s32 s5, v14  }
0x6b0: {  	v27 =	vmul.f32 v27, v56;
	v56 =	vmul.f32 v13, v6;
	v13 =	vld.idx.msk [tilespmem:v23+s28+$0x0], $0xffff  }
0x6b1: {  	v52 =	vmul.f32 v8, v10;
	v10 =	vld [tilespmem:$0x1EA00]  }
0x6b2: {  	v23 =	vld [tilespmem:$0x1EAA0]  }
0x6b3: {  	v63 =	vld.idx.msk [tilespmem:v59+s28+$0x0], $0xffff;
	v58 =	vmov s5  }
0x6b4: {  	v14 =	vld.idx.msk [tilespmem:v14+s13+$0x0], $0xffff;
	v25 =	vshll.u32 v58, $0x7  }
0x6b5: {  	v53 =	vadd.s32 v62, v25;
	v25 =	vld [tilespmem:$0x1EA30]  }
0x6b6: {  	v1 =	vmul.f32 v1, v10;
	v10 =	vld [tilespmem:$0x1EA70]  }
0x6b7: {  	v36 =	vmul.f32 v11, v23;
	v11 =	vld.idx.msk [tilespmem:v20+s28+$0x0], $0xffff  }
0x6b8: {  	v20 =	vld [tilespmem:$0x1EA10]  }
0x6b9: {  	v9 =	vadd.f32 $0.0e+00, v9;
	v31 =	vld.idx.msk [tilespmem:v42+s28+$0x0], $0xffff  }
0x6ba: {  	v58 =	vld [tilespmem:$0x1EA50];
	v0 =	vadd.f32 v0, v21  }
0x6bb: {  	v10 =	vmul.f32 v63, v10;
	v63 =	vadd.f32 v1, v9;
	v1 =	vld [tilespmem:$0x1F1C0]  }
0x6bc: {  	v0 =	vmul.f32 $1.442695020e+00, v0;
	v12 =	vmul.f32 v12, v25;
	v25 =	vld [tilespmem:$0x1EA60]  }
0x6bd: {  	v14 =	vshrl.u32 v14, $0x2;
	v6 =	vld [tilespmem:$0x1E9F0];
	v20 =	vmul.f32 v44, v20  }
0x6be: {  	v21 =	vld [tilespmem:$0x1EAB0];
	(erf) = vpow2.f32 v0;
	v0 =	vand.u32 $0x40, v14  }
0x6bf: {  	v48 =	vld.idx.msk [tilespmem:v48+s28+$0x0], $0xffff;
	v8 =	vadd.f32 $0.0e+00, v20;
	v20 =	vor.u32 v53, v0  }
0x6c0: {  	v0 =	vadd.f32 v12, v3;
	v3 =	vor.u32 v1, v20;
	v1 =	vld [tilespmem:$0x1F1E0]  }
0x6c1: {  	v7 =	vmul.f32 v7, v25;
	v25 =	vld [tilespmem:$0x1EA80]  }
0x6c2: {  	v5 =	vadd.f32 v51, v5;
	v6 =	vmul.f32 v46, v6;
	_ =	sdelay $0x1  }
0x6c3: {  	v5 =	vadd.f32 v6, v5;
	v6 =	vld.idx.msk [tilespmem:v39+s28+$0x0], $0xffff  }
0x6c4: {  	v42 =	vmul.f32 v38, v58;
	v12 =	vor.u32 v1, v20;
	v1 =	vld [tilespmem:$0x1EAD0]  }
0x6c5: {  	v38 =	vmul.f32 v31, v25;
	v25 =	vmul.f32 v48, v21;
	v48 =	vld.idx.msk [tilespmem:v17+s28+$0x0], $0xffff  }
0x6c6: {  	v4 =	vadd.f32 v4, v8;
	v8 =	vld [tilespmem:$0x1EAF0]  }
0x6c7: {  	v17 =	vld.idx.msk [tilespmem:v49+s28+$0x0], $0xffff  }
0x6c8: {  	v49 =	vadd.f32 v42, v5;
	v5 =	vld.idx.msk [tilespmem:v26+s28+$0x0], $0xffff  }
0x6c9: {  	v26 =	vmul.f32 v13, v1;
	v1 =	vld [tilespmem:$0x1F200];
	_ =	sdelay $0x1  }
0x6ca: {  	v53 =	vmul.f32 v6, v8;
	v6 =	vld [tilespmem:$0x1EB00];
	_ =	sdelay $0x2  }
0x6cb: {  	v16 =	vld.idx.msk [tilespmem:v16+s28+$0x0], $0xffff;
	v14 =	vor.u32 v1, v20  }
0x6cc: {  	v59 =	vld.idx.msk [tilespmem:v15+s28+$0x0], $0xffff;
	v4 =	vadd.f32 v27, v4  }
0x6cd: {  	v31 =	vmul.f32 v5, v6;
	v5 =	vld [tilespmem:$0x1FFF0]  }
0x6ce: {  	v6 =	vadd.f32 v10, v4;
	v4 =	vld [tilespmem:$0x1EB10]  }
0x6cf: {  	v1 =	vld [tilespmem:$0x1F260]  }
0x6d0: {  	v10 =	vld.idx.msk [tilespmem:v14+s28+$0x0], $0xffff  }
0x6d1: {  	v14 =	vld [tilespmem:$0x1F4E0]  }
0x6d2: {  	s0 =	sadd.s32 $0x10, s0;
	v58 =	vld.idx.msk [tilespmem:v33+s28+$0x0], $0xffff;
	v15 =	vor.u32 v24, v20  }
0x6d3: {  	v21 =	vld [tilespmem:s0+$0x0]  }
0x6d4: {  	v39 =	vor.u32 v5, v20;
	v5 =	vmul.f32 v11, v4;
	v4 =	vld [tilespmem:$0x1EB20]  }
0x6d5: {  	v0 =	vadd.f32 v7, v0;
	v7 =	vor.u32 v1, v20;
	v1 =	vld [tilespmem:$0x1EAE0]  }
0x6d6: {  	p0 =	sne.s32 s1, $0x13;
	v62 =	vor.u32 v45, v20;
	v23 =	vor.u32 v14, v20;
	v14 =	vld [tilespmem:$0x1F510]  }
.Ltmp6:
0x6d7: {  	v55 =	vor.u32 v43, v20;
	v33 =	vor.u32 v18, v20;
	v46 =	vor.u32 v47, v20;
	v51 =	vld.idx.msk [tilespmem:v15+s28+$0x0], $0xffff;
	(pc) =	sbr.rel @p0 .LBB2_15-.Ltmp6, $4  }
0x6d8: {  	v42 =	vor.u32 v29, v20;
	v9 =	vor.u32 v19, v20;
	v8 =	vld.idx.msk [tilespmem:v3+s28+$0x0], $0xffff;
	v3 =	vor.u32 v37, v20  }
0x6d9: {  	v11 =	vor.u32 v34, v20;
	v44 =	vld.idx.msk [tilespmem:v12+s28+$0x0], $0xffff;
	v12 =	vor.u32 v30, v20;
	v13 =	vor.u32 v61, v20  }
0x6da: {  	v15 =	vld [tilespmem:$0x1F1A0];
	v4 =	vmul.f32 v17, v4;
	v54 =	vmul.f32 v16, v1;
	v1 =	vor.u32 v28, v20;
	v16 =	vpop (erf)  }
0x6db: {  	s1 =	sadd.s32 $0x1, s1;
	v27 =	vld.idx.msk [tilespmem:v7+s28+$0x0], $0xffff;
	v7 =	vor.u32 v32, v20;
	v2 =	vadd.f32 v16, v2;
	v57 =	vor.u32 v14, v20  }
0x6dc: {  	_ =	sdelay $0x2  }
0x6dd: {  	v24 =	vld [tilespmem:$0x1E730]  }
0x6de: {  	v9 =	vld.idx.msk [tilespmem:v9+s28+$0x0], $0xffff  }
0x6df: {  	v32 =	vld [tilespmem:$0x1E970]  }
0x6e0: {  	v12 =	vld.idx.msk [tilespmem:v12+s28+$0x0], $0xffff  }
0x6e1: {  	v47 =	vld [tilespmem:$0x1E980]  }
0x6e2: {  	v13 =	vld.idx.msk [tilespmem:v13+s28+$0x0], $0xffff  }
0x6e3: {  	v37 =	vld [tilespmem:$0x1E740]  }
0x6e4: {  	v3 =	vld.idx.msk [tilespmem:v3+s28+$0x0], $0xffff  }
0x6e5: {  	v16 =	vadd.f32 v38, v49;
	v38 =	vld [tilespmem:$0x1E760]  }
0x6e6: {  	v6 =	vadd.f32 v36, v6;
	v36 =	vld [tilespmem:$0x1E990]  }
0x6e7: {  	v30 =	vld [tilespmem:$0x1F4B0]  }
0x6e8: {  	v34 =	vld.idx.msk [tilespmem:v33+s28+$0x0], $0xffff  }
0x6e9: {  	v1 =	vld.idx.msk [tilespmem:v1+s28+$0x0], $0xffff  }
0x6ea: {  	v19 =	vld [tilespmem:$0x1E9E0]  }
0x6eb: {  	v28 =	vld [tilespmem:$0x1E9F0]  }
0x6ec: {  	v18 =	vld [tilespmem:$0x1EB80]  }
0x6ed: {  	v29 =	vld [tilespmem:$0x1FFA0]  }
0x6ee: {  	v33 =	vld [tilespmem:$0x1EA60]  }
0x6ef: {  	v6 =	vadd.f32 v52, v6;
	v52 =	vld.idx.msk [tilespmem:v55+s28+$0x0], $0xffff  }
0x6f0: {  	v55 =	vld [tilespmem:$0x1EB70]  }
0x6f1: {  	v43 =	vmul.f32 v59, v24;
	v59 =	vld.idx.msk [tilespmem:v46+s28+$0x0], $0xffff  }
0x6f2: {  	v49 =	vmul.f32 v22, v37;
	v22 =	vld.idx.msk [tilespmem:v39+s28+$0x0], $0xffff  }
0x6f3: {  	v14 =	vor.u32 v15, v20;
	v46 =	vld [tilespmem:$0x1EA10]  }
0x6f4: {  	v39 =	vld [tilespmem:$0x1E9D0]  }
0x6f5: {  	v15 =	vadd.f32 v43, v63;
	v43 =	vld [tilespmem:$0x1E9A0]  }
0x6f6: {  	v8 =	vmul.f32 v8, v32;
	v63 =	vld.idx.msk [tilespmem:v62+s28+$0x0], $0xffff  }
0x6f7: {  	v62 =	vld [tilespmem:$0x1FF90]  }
0x6f8: {  	v10 =	vmul.f32 v10, v47;
	v8 =	vadd.f32 $0.0e+00, v8;
	v14 =	vld.idx.msk [tilespmem:v14+s28+$0x0], $0xffff  }
0x6f9: {  	v15 =	vadd.f32 v56, v15;
	v56 =	vld [tilespmem:$0x1E750]  }
0x6fa: {  	v8 =	vadd.f32 v10, v8;
	v10 =	vld.idx.msk [tilespmem:v11+s28+$0x0], $0xffff;
	v11 =	vor.u32 v55, v20  }
0x6fb: {  	v0 =	vadd.f32 v25, v0;
	v55 =	vld [tilespmem:$0x1F500];
	v45 =	vadd.f32 v26, v15  }
0x6fc: {  	v26 =	vld.idx.msk [tilespmem:v57+s28+$0x0], $0xffff  }
0x6fd: {  	v0 =	vadd.f32 v5, v0;
	v5 =	vadd.f32 v54, v45;
	v45 =	vld [tilespmem:$0x1FFC0]  }
0x6fe: {  	v54 =	vmul.f32 v58, v38;
	v58 =	vmul.f32 v44, v43;
	v44 =	vld [tilespmem:$0x1EAA0]  }
0x6ff: {  	v0 =	vadd.f32 v4, v0;
	v14 =	vmul.f32 v14, v36;
	v11 =	vld.idx.msk [tilespmem:v11+s28+$0x0], $0xffff  }
0x700: {  	v17 =	vmul.f32 v48, v56;
	v48 =	vadd.f32 v53, v16;
	v5 =	vadd.f32 v49, v5;
	v49 =	vld [tilespmem:$0x1EA20]  }
0x701: {  	v61 =	vadd.f32 v14, v8;
	v14 =	vor.u32 v30, v20;
	v30 =	vld [tilespmem:$0x1FFB0]  }
0x702: {  	v0 =	vadd.f32 v0, v48;
	v48 =	vld [tilespmem:$0x1E9C0]  }
0x703: {  	v6 =	vadd.f32 v17, v6;
	v17 =	vmul.f32 v59, v28;
	v59 =	vor.u32 v18, v20;
	v18 =	vld [tilespmem:$0x1EA70]  }
0x704: {  	v5 =	vadd.f32 v54, v5;
	v54 =	vld [tilespmem:$0x1EB40]  }
0x705: {  	v8 =	vmul.f32 v63, v46;
	v63 =	vor.u32 v62, v20;
	v53 =	vadd.f32 v31, v6;
	v6 =	vld.idx.msk [tilespmem:v7+s28+$0x0], $0xffff  }
0x706: {  	v31 =	vld [tilespmem:$0x1F2C0]  }
0x707: {  	v4 =	vadd.f32 v53, v5;
	v53 =	vld [tilespmem:$0x1EB60]  }
0x708: {  	v14 =	vld.idx.msk [tilespmem:v14+s28+$0x0], $0xffff  }
0x709: {  	v15 =	vadd.f32 $0.0e+00, v58;
	v58 =	vmul.f32 v27, v49;
	v27 =	vld [tilespmem:$0x1EA90]  }
0x70a: {  	v62 =	vld.idx.msk [tilespmem:v63+s28+$0x0], $0xffff  }
0x70b: {  	v16 =	vmul.f32 v52, v48;
	v52 =	vld [tilespmem:$0x1E9B0]  }
0x70c: {  	v8 =	vadd.f32 $0.0e+00, v8;
	v0 =	vadd.f32 v4, v0;
	v4 =	vld.idx.msk [tilespmem:v42+s28+$0x0], $0xffff  }
0x70d: {  	v42 =	vld [tilespmem:$0x1EA30];
	v5 =	vor.u32 v31, v20  }
0x70e: {  	v8 =	vadd.f32 v58, v8;
	v58 =	vld.idx.msk [tilespmem:v59+s28+$0x0], $0xffff  }
0x70f: {  	v3 =	vmul.f32 v3, v19;
	v15 =	vadd.f32 v16, v15;
	v31 =	vor.u32 v29, v20;
	v29 =	vld [tilespmem:$0x1ED30]  }
0x710: {  	v0 =	vadd.f32 v0, v21;
	v21 =	vld [tilespmem:$0x1ED20]  }
0x711: {  	v3 =	vadd.f32 v3, v15;
	v15 =	vor.u32 v54, v20;
	v54 =	vld [tilespmem:$0x1EA40];
	v51 =	vmul.f32 v51, v52  }
0x712: {  	v5 =	vld.idx.msk [tilespmem:v5+s28+$0x0], $0xffff  }
0x713: {  	v16 =	vor.u32 v53, v20;
	v7 =	vadd.f32 v51, v61;
	v51 =	vld [tilespmem:$0x1EA00]  }
0x714: {  	v61 =	vmul.f32 v12, v42;
	v12 =	vld.idx.msk [tilespmem:v23+s28+$0x0], $0xffff  }
0x715: {  	v59 =	vmul.f32 v13, v27;
	v13 =	vld.idx.msk [tilespmem:v31+s28+$0x0], $0xffff  }
0x716: {  	v53 =	vor.u32 v45, v20;
	v23 =	vld [tilespmem:$0x1EAD0]  }
0x717: {  	v31 =	vld [tilespmem:$0x1EA80]  }
0x718: {  	v16 =	vld.idx.msk [tilespmem:v16+s28+$0x0], $0xffff  }
0x719: {  	v15 =	vld.idx.msk [tilespmem:v15+s28+$0x0], $0xffff  }
0x71a: {  	v25 =	vmul.f32 v34, v54;
	v34 =	vld [tilespmem:$0x1EA50]  }
0x71b: {  	v63 =	vld.idx.msk [tilespmem:v53+s28+$0x0], $0xffff  }
0x71c: {  	v7 =	vadd.f32 v17, v7;
	v17 =	vor.u32 v55, v20;
	v55 =	vor.u32 v30, v20;
	v20 =	vld [tilespmem:$0x1EBA0]  }
0x71d: {  	v30 =	vld [tilespmem:$0x1EBC0]  }
0x71e: {  	v14 =	vmul.f32 v14, v18;
	v8 =	vadd.f32 v25, v8;
	v25 =	vld [tilespmem:$0x1EAC0]  }
0x71f: {  	v9 =	vmul.f32 v9, v39;
	v45 =	vmul.f32 v12, v23;
	v12 =	vld [tilespmem:$0x1EAF0]  }
0x720: {  	v8 =	vadd.f32 v14, v8;
	v14 =	vld [tilespmem:$0x1EB20]  }
0x721: {  	v9 =	vadd.f32 $0.0e+00, v9;
	v1 =	vmul.f32 v1, v51;
	v57 =	vmul.f32 v22, v34;
	v22 =	vld [tilespmem:$0x1EAB0]  }
0x722: {  	v10 =	vmul.f32 v10, v44;
	v17 =	vld.idx.msk [tilespmem:v17+s28+$0x0], $0xffff  }
0x723: {  	v5 =	vmul.f32 v5, v24;
	v1 =	vadd.f32 v1, v9;
	v9 =	vld.idx.msk [tilespmem:v55+s28+$0x0], $0xffff  }
0x724: {  	v6 =	vmul.f32 v6, v33;
	v8 =	vadd.f32 v10, v8;
	v10 =	vld [tilespmem:$0x1E7A0]  }
0x725: {  	v3 =	vadd.f32 v61, v3;
	v1 =	vadd.f32 v5, v1;
	v53 =	vmul.f32 v26, v25;
	v26 =	vld [tilespmem:$0x1EBB0]  }
0x726: {  	v58 =	vmul.f32 v58, v56;
	v61 =	vmul.f32 v16, v22;
	v16 =	vld [tilespmem:$0x1EAE0]  }
0x727: {  	v3 =	vadd.f32 v6, v3;
	v1 =	vadd.f32 v59, v1;
	v59 =	vmul.f32 v11, v37;
	v11 =	vld [tilespmem:$0x1EB00]  }
0x728: {  	v4 =	vmul.f32 v4, v31;
	v7 =	vadd.f32 v57, v7;
	v6 =	vadd.f32 v53, v8;
	v53 =	vld [tilespmem:$0x1EBE0]  }
0x729: {  	v1 =	vadd.f32 v45, v1;
	v45 =	vld [tilespmem:$0x1ECF0]  }
0x72a: {  	v4 =	vadd.f32 v4, v7;
	v6 =	vadd.f32 v58, v6;
	v58 =	vld [tilespmem:$0x1ED00]  }
0x72b: {  	s0 =	sadd.s32 $0x10, s0;
	v3 =	vadd.f32 v61, v3;
	v61 =	vmul.f32 v62, v12;
	v55 =	vmul.f32 v17, v16;
	v17 =	vld [tilespmem:$0x1EB10]  }
0x72c: {  	v62 =	vmul.f32 v13, v14;
	v13 =	vld [tilespmem:s0+$0x0]  }
0x72d: {  	v4 =	vadd.f32 v61, v4;
	v61 =	vld [tilespmem:$0x1ED50];
	v1 =	vadd.f32 v55, v1  }
0x72e: {  	v55 =	vld [tilespmem:$0x1ED40]  }
0x72f: {  	v5 =	vmul.f32 v63, v11;
	v63 =	vmul.f32 v9, v38;
	v1 =	vadd.f32 v59, v1;
	v59 =	vld [tilespmem:$0x1EBF0]  }
0x730: {  	v57 =	vmul.f32 v15, v17;
	v15 =	vld [tilespmem:$0x1ED10]  }
0x731: {  	v5 =	vadd.f32 v5, v6;
	v1 =	vadd.f32 v63, v1;
	v63 =	vld [tilespmem:$0x1ED60]  }
0x732: {  	v3 =	vadd.f32 v57, v3;
	v57 =	vld [tilespmem:$0x1EBD0]  }
0x733: {  	v1 =	vadd.f32 v5, v1;
	v5 =	vmul.f32 v53, v45;
	v45 =	vld [tilespmem:$0x1EDA0]  }
0x734: {  	v53 =	vld [tilespmem:$0x1EC60]  }
0x735: {  	v3 =	vadd.f32 v62, v3;
	v62 =	vld [tilespmem:$0x1EC00]  }
0x736: {  	v7 =	vmul.f32 v59, v58;
	v58 =	vld [tilespmem:$0x1E6E0]  }
0x737: {  	v59 =	vld [tilespmem:$0x1EC80]  }
0x738: {  	v3 =	vadd.f32 v3, v4;
	v4 =	vmul.f32 v30, v29;
	v29 =	vld [tilespmem:$0x1ED90]  }
0x739: {  	v30 =	vld [tilespmem:$0x1EC50]  }
0x73a: {  	v6 =	vmul.f32 v57, v55;
	v55 =	vld [tilespmem:$0x1E6D0]  }
0x73b: {  	v57 =	vld [tilespmem:$0x1EC70]  }
0x73c: {  	v1 =	vadd.f32 v1, v3;
	v3 =	vmul.f32 v20, v15;
	v15 =	vld [tilespmem:$0x1ED70]  }
0x73d: {  	v20 =	vld [tilespmem:$0x1EC30]  }
0x73e: {  	v0 =	vmul.f32 $1.442695020e+00, v0;
	v9 =	vmul.f32 v53, v45;
	v45 =	vld [tilespmem:$0x1ECD0]  }
0x73f: {  	v53 =	vld [tilespmem:$0x1EDE0]  }
0x740: {  	(erf) = vpow2.f32 v0;
	v0 =	vadd.f32 v1, v13;
	v13 =	vld [tilespmem:$0x1EC20]  }
0x741: {  	v1 =	vmul.f32 v26, v21;
	v3 =	vadd.f32 $0.0e+00, v3;
	v21 =	vld [tilespmem:$0x1ED80]  }
0x742: {  	v26 =	vld [tilespmem:$0x1EC40]  }
0x743: {  	v4 =	vadd.f32 $0.0e+00, v4;
	v3 =	vadd.f32 v5, v3;
	v5 =	vmul.f32 v62, v61;
	v61 =	vld [tilespmem:$0x1EDB0]  }
0x744: {  	v62 =	vld [tilespmem:$0x1EC90]  }
0x745: {  	v1 =	vadd.f32 $0.0e+00, v1;
	v4 =	vadd.f32 v5, v4;
	v5 =	vmul.f32 v20, v15;
	v15 =	vld [tilespmem:$0x1E6B0]  }
0x746: {  	v20 =	vld [tilespmem:$0x1ECB0]  }
0x747: {  	v1 =	vadd.f32 v7, v1;
	v7 =	vmul.f32 v13, v63;
	v63 =	vld [tilespmem:$0x1EDC0]  }
0x748: {  	v13 =	vld [tilespmem:$0x1ECA0]  }
0x749: {  	v8 =	vmul.f32 v26, v21;
	v21 =	vld [tilespmem:$0x1E6C0]  }
0x74a: {  	v26 =	vld [tilespmem:$0x1ECC0]  }
0x74b: {  	v6 =	vadd.f32 $0.0e+00, v6;
	v3 =	vadd.f32 v5, v3;
	v5 =	vmul.f32 v57, v55;
	v55 =	vld [tilespmem:$0x1ECE0]  }
0x74c: {  	v57 =	vld [tilespmem:$0x1E690]  }
0x74d: {  	v6 =	vadd.f32 v7, v6;
	v7 =	vmul.f32 v30, v29;
	v30 =	vld [tilespmem:$0x1EDD0]  }
0x74e: {  	v3 =	vadd.f32 v5, v3;
	v5 =	vmul.f32 v62, v61;
	v61 =	vld [tilespmem:$0x1EE50]  }
0x74f: {  	v62 =	vld [tilespmem:$0x1E6F0]  }
0x750: {  	v4 =	vadd.f32 v7, v4;
	v7 =	vmul.f32 v59, v58;
	v58 =	vld [tilespmem:$0x1EE30]  }
0x751: {  	v59 =	vld [tilespmem:$0x1E6A0]  }
0x752: {  	v1 =	vadd.f32 v8, v1;
	v8 =	vmul.f32 v13, v63;
	v63 =	vld [tilespmem:$0x1EE60]  }
0x753: {  	v13 =	vld [tilespmem:$0x1E700]  }
0x754: {  	v6 =	vadd.f32 v9, v6;
	v9 =	vmul.f32 v26, v21;
	v21 =	vld [tilespmem:$0x1EEA0]  }
0x755: {  	v26 =	vld [tilespmem:$0x1E710]  }
0x756: {  	v1 =	vadd.f32 v7, v1;
	v7 =	vmul.f32 v20, v15;
	v15 =	vld [tilespmem:$0x1EE70]  }
0x757: {  	v20 =	vld [tilespmem:$0x1EE80]  }
0x758: {  	v29 =	vadd.f32 v8, v6;
	v6 =	vmul.f32 v45, v30;
	v30 =	vld [tilespmem:$0x1E720]  }
0x759: {  	v45 =	vld [tilespmem:$0x1EEE0]  }
0x75a: {  	v4 =	vadd.f32 v5, v4;
	v3 =	vadd.f32 v7, v3;
	v7 =	vmul.f32 v55, v53;
	v53 =	vld [tilespmem:$0x1EEF0]  }
0x75b: {  	v55 =	vld [tilespmem:$0x1EE90]  }
0x75c: {  	v4 =	vadd.f32 v6, v4;
	v6 =	vmul.f32 v58, v57;
	v57 =	vld [tilespmem:$0x1EF00]  }
0x75d: {  	v58 =	vld [tilespmem:$0x1EF10]  }
0x75e: {  	v5 =	vadd.f32 v7, v29;
	v29 =	vld [tilespmem:$0x1EEB0]  }
0x75f: {  	v1 =	vadd.f32 v9, v1;
	v8 =	vmul.f32 v61, v59;
	v7 =	vmul.f32 v63, v62;
	v62 =	vld [tilespmem:$0x1E770]  }
0x760: {  	v63 =	vld [tilespmem:$0x1E780];
	v9 =	vmul.f32 v15, v13  }
0x761: {  	v1 =	vadd.f32 v8, v1;
	v4 =	vadd.f32 v7, v4;
	v7 =	vmul.f32 v21, v35;
	v35 =	vld [tilespmem:$0x1EED0]  }
0x762: {  	v3 =	vadd.f32 v6, v3;
	v6 =	vmul.f32 v20, v60;
	v13 =	vld [tilespmem:$0x1E7B0]  }
0x763: {  	v15 =	vld [tilespmem:$0x1E7C0];
	v5 =	vadd.f32 v9, v5;
	v9 =	vmul.f32 v53, v40;
	v1 =	vadd.f32 v7, v1  }
0x764: {  	v20 =	vld [tilespmem:$0x1E7D0];
	v3 =	vadd.f32 v6, v3  }
0x765: {  	v7 =	vmul.f32 v45, v41;
	v6 =	vmul.f32 v29, v26;
	v59 =	vadd.f32 v9, v1;
	v9 =	vld [tilespmem:$0x1E790]  }
0x766: {  	v0 =	vmul.f32 $1.442695020e+00, v0;
	v21 =	vld [tilespmem:$0x1E7E0];
	v8 =	vmul.f32 v35, v30  }
0x767: {  	v41 =	vld [tilespmem:$0x1E850];
	v3 =	vadd.f32 v7, v3;
	v4 =	vadd.f32 v6, v4;
	v6 =	vmul.f32 v57, v55  }
0x768: {  	(erf) = vpow2.f32 v0;
	v29 =	vld [tilespmem:$0x1E7F0];
	v7 =	vmul.f32 v58, v50;
	v5 =	vadd.f32 v8, v5  }
0x769: {  	v30 =	vld [tilespmem:$0x1E800];
	v0 =	vadd.f32 v59, v3;
	v60 =	vadd.f32 v6, v4;
	v6 =	vmul.f32 v63, v43  }
0x76a: {  	v61 =	vadd.f32 v7, v5;
	v5 =	vmul.f32 v62, v32;
	v3 =	vmul.f32 v9, v39;
	v39 =	vld [tilespmem:$0x1E840]  }
0x76b: {  	v35 =	vld [tilespmem:$0x1E820];
	v8 =	vmul.f32 v15, v48;
	v7 =	vmul.f32 v10, v46;
	v6 =	vadd.f32 $0.0e+00, v6  }
0x76c: {  	v4 =	vmul.f32 v13, v47;
	v10 =	vmul.f32 v21, v49;
	v32 =	vld [tilespmem:$0x1E810];
	v5 =	vadd.f32 $0.0e+00, v5  }
0x76d: {  	v7 =	vadd.f32 $0.0e+00, v7;
	v26 =	vadd.f32 v8, v6;
	v6 =	vmul.f32 v29, v36;
	v36 =	vld [tilespmem:$0x1E830]  }
0x76e: {  	v45 =	vld [tilespmem:$0x1E880];
	v9 =	vmul.f32 v20, v51;
	v3 =	vadd.f32 $0.0e+00, v3  }
0x76f: {  	v4 =	vadd.f32 v4, v5;
	v7 =	vadd.f32 v10, v7;
	v10 =	vmul.f32 v39, v42;
	v42 =	vld [tilespmem:$0x1E860]  }
0x770: {  	v43 =	vld [tilespmem:$0x1E870];
	v8 =	vmul.f32 v30, v19;
	v3 =	vadd.f32 v9, v3  }
0x771: {  	v46 =	vld [tilespmem:$0x1E890];
	v9 =	vmul.f32 v35, v54;
	v4 =	vadd.f32 v6, v4;
	v6 =	vmul.f32 v32, v24  }
0x772: {  	v48 =	vld [tilespmem:$0x1E8B0];
	v5 =	vadd.f32 v8, v26;
	v8 =	vmul.f32 v36, v52  }
0x773: {  	v49 =	vld [tilespmem:$0x1E8C0];
	v40 =	vadd.f32 v9, v7;
	v7 =	vmul.f32 v41, v27;
	v3 =	vadd.f32 v6, v3  }
0x774: {  	v53 =	vld [tilespmem:$0x1E900];
	v9 =	vmul.f32 v45, v33;
	v4 =	vadd.f32 v8, v4;
	v8 =	vmul.f32 v42, v18  }
0x775: {  	v5 =	vadd.f32 v10, v5;
	v52 =	vld [tilespmem:$0x1E8F0];
	v3 =	vadd.f32 v7, v3;
	v7 =	vmul.f32 v43, v28  }
0x776: {  	v55 =	vld [tilespmem:$0x1E920];
	v6 =	vadd.f32 v8, v40;
	v8 =	vmul.f32 v46, v23  }
0x777: {  	v47 =	vld [tilespmem:$0x1E8A0];
	v5 =	vadd.f32 v9, v5;
	v4 =	vadd.f32 v7, v4  }
0x778: {  	v50 =	vld [tilespmem:$0x1E8D0];
	v7 =	vmul.f32 v48, v34;
	v3 =	vadd.f32 v8, v3;
	v8 =	vmul.f32 v49, v22  }
0x779: {  	v51 =	vld [tilespmem:$0x1E8E0]  }
0x77a: {  	v54 =	vld [tilespmem:$0x1E910];
	v4 =	vadd.f32 v7, v4;
	v5 =	vadd.f32 v8, v5;
	v8 =	vmul.f32 v52, v31  }
0x77b: {  	v57 =	vld [tilespmem:$0x1E940]  }
0x77c: {  	v10 =	vmul.f32 v47, v44;
	v4 =	vadd.f32 v8, v4;
	v8 =	vmul.f32 v55, v56;
	v56 =	vld [tilespmem:$0x1E930]  }
0x77d: {  	v58 =	vld [tilespmem:$0x1E950];
	v7 =	vmul.f32 v50, v16  }
0x77e: {  	v59 =	vld [tilespmem:$0x1E960];
	v9 =	vmul.f32 v51, v25;
	v6 =	vadd.f32 v10, v6  }
0x77f: {  	v10 =	vmul.f32 v53, v17;
	v3 =	vadd.f32 v7, v3;
	v7 =	vmul.f32 v54, v37  }
0x780: {  	v0 =	vadd.f32 $0.0e+00, v0;
	v6 =	vadd.f32 v9, v6;
	v9 =	vmul.f32 v57, v14  }
0x781: {  	v5 =	vadd.f32 v10, v5;
	v3 =	vadd.f32 v7, v3;
	v7 =	vmul.f32 v56, v12  }
0x782: {  	v1 =	vadd.f32 v61, v60;
	v6 =	vadd.f32 v8, v6;
	v8 =	vmul.f32 v58, v38  }
0x783: {  	v5 =	vadd.f32 v9, v5;
	v4 =	vadd.f32 v7, v4;
	v7 =	vmul.f32 v59, v11  }
0x784: {  	v0 =	vadd.f32 v1, v0;
	v60 =	vadd.f32 v8, v3  }
0x785: {  	v61 =	vadd.f32 v7, v6;
	v4 =	vadd.f32 v5, v4  }
0x786: {  	s17 =	sadd.s32 $0x1, s17  }
0x787: {  	p0 =	sne.s32 s17, $0x10;
	v62 =	vpop (erf);
	v0 =	vadd.f32 v4, v0;
	v1 =	vadd.f32 v61, v60  }
.Ltmp7:
0x788: {  	v2 =	vadd.f32 v62, v2;
	(pc) =	sbr.rel @p0 .LBB2_8-.Ltmp7, $4  }
0x789: {  	v63 =	vpop (erf);
	v0 =	vadd.f32 v1, v0  }
0x78a: {  	v1 =	vadd.f32 v63, v2  }
0x78b: {  	[tilespmem:s20+$0x1B980] =	vst v0  }
0x78c: {  	v45 =	vlaneseq.u32;
	[tilespmem:s20+$0x1BB80] =	vst v1  }
0x78d: {  	_ =	swait.ge [sflag:s22], $0x800  }
0x78e: {  	[sflag:s22] =	ssyncset.done $0x0  }
0x78f: {  	[sflag:s22] =	ssyncadd.s32 $0xFFFFF800  }
0x790: {  	_ =	swait.ge [sflag:s23], $0x800  }
0x791: {  	[sflag:s23] =	ssyncset.done $0x0  }
0x792: {  	[sflag:s23] =	ssyncadd.s32 $0xFFFFF800  }
0x793: {  	_ =	swait.ge [sflag:s24], $0xA000  }
0x794: {  	[sflag:s24] =	ssyncset.done $0x0  }
0x795: {  	s1 =	simm.s32 $0x1B980;
	s0 =	rddreg [dreg:$0x7];
	[sflag:s24] =	ssyncadd.s32 $0xFFFF6000  }
0x796: {  	[hbm4b:s0+s2] =	stream.linear.scatter [tilespmem:s1], [sflag:$0x7], $0x200, $0x38;
	[tilespmem:$0x1BD80] =	vst v63  }
0x797: {  	s12 =	sadd.s32 $0x1, s12;
	_ =	swait.ge [sflag:s11], $0x200  }
0x798: {  	p0 =	sne.s32 s12, s10;
	[sflag:s11] =	ssyncset.done $0x0  }
.Ltmp8:
0x799: {  	s20 =	simm.s32 $0x1BB80;
	[sflag:s11] =	ssyncadd.s32 $0xFFFFFE00;
	(pc) =	sbr.rel @p0 .LBB2_1-.Ltmp8, $4  }
0x79a: {  	[hbm4b:s9+s2] =	stream.linear.scatter [tilespmem:s20], [sflag:$0x7], $0x200, $0x38;
	[tilespmem:$0x1BD80] =	vst v63  }
0x79b: {  	_ =	swait.ge [sflag:s11], $0x200  }
0x79c: {  	[sflag:s11] =	ssyncset.done $0x0  }
0x79d: {  	[sflag:s11] =	ssyncadd.s32 $0xFFFFFE00  }
0x79e: {  	_ =	sfence.sel $0x180000  }
0x79f: {  	[bflag:$0x0] =	sbarrier.arrive $0xFFFF  }
0x7a0: {  	_ =	strace $0x90000047  }
0x7a1: {  	s0 =	stileid.u32;
	[bflag:$0x2] =	sbarrier.arrive $0xFFFF  }
0x7a2: {  	p0 =	sne.s32 s0, $0x0;
	s0 =	rddreg [dreg:$0x3]  }
0x7a3: {  	s0 =	sadd.s32 @!p0 $0x100000, s0  }
0x7a4: {  	[sflag:s0] =	ssyncadd.tile.s32 @!p0 $0x1;
	_ =	shalt  }
.Lfunc_end2:
_tile_overlayer_lowered:
.L_overlay_start_2:
0x7a5: {  	(tag) =	ssettag $0x2  }
0x7a6: {  	s0 =	rddreg [dreg:$0x0];
	s2 =	stileid.u32  }
0x7a7: {  	s1 =	rddreg [dreg:$0x1];
	p0 =	sne.s32 s2, $0x0  }
0x7a8: {  	s3 =	rddreg [dreg:$0x2];
	[bflag:$0x3] =	sbarrier.arrive $0xFFFF;
	s2 =	simm.s32 @!p0 $0x1C07  }
0x7a9: {  	[timem:s3], [sflag:s2] =	dma.local @!p0 [hbm:s0], s1  }
0x7aa: {  	s0 =	simm.s32 @!p0 $0x7  }
0x7ab: {  	_ =	swait.ge @!p0 [sflag:s0], s1  }
0x7ac: {  	s1 =	ssub.s32 @!p0 $0x0, s1;
	[sflag:s0] =	ssyncset.done @!p0 $0x0  }
0x7ad: {  	[sflag:s0] =	ssyncadd.s32 @!p0 s1  }
0x7ae: {  	[bflag:$0x3] =	sbarrier.arrive $0xFFFF  }
0x7af: {  	_ =	shalt  }

</sc_bundles>
